<compile_context>
chip_gen: v7x
topology: tpu7x:2x2x1
jax: 0.10.2.dev20260603
libtpu: 0.0.44.dev20260713+nightly
codegen_flags: <defaults>
</compile_context>

<pallas_src>
import functools

import jax
import jax.numpy as jnp
from jax import lax
from jax.experimental import pallas as pl
from jax.experimental.pallas import tpu as pltpu
from jax.experimental.pallas import tpu_sc as plsc

_N = 10000
_D = 128
_H = 64
_L = 16
_NC = 2
_NS = 16
_NW = _NC * _NS
_CHUNK = 128
_K0 = 112
_K1 = 48
_KT = _NS * (_K0 + _K1)
_EPAD = _KT * _CHUNK
_KSTAGE = 40
_NTAB = 10016
_W = 128
_NACC = 10240
_ZROWS = _NACC // _NS
_RBLK = 1000



def _enc1_body(x_ref, wl_ref, wr_ref, b1_ref, tab_ref, xr_ref):
    xb = x_ref[...]
    xl = jnp.dot(xb, wl_ref[...], preferred_element_type=jnp.float32)
    ones = jnp.ones((xb.shape[0], _L), dtype=jnp.float32)
    zpad = jnp.zeros((xb.shape[0], _W - _H - _L), dtype=jnp.float32)
    tab_ref[...] = jnp.concatenate([xl, ones, zpad], axis=1)
    xr_ref[...] = (
        jnp.dot(xb, wr_ref[...], preferred_element_type=jnp.float32)
        + b1_ref[...]
    )


def _enc1(x, w1l, w1r, b1):
    grid = (_N // _RBLK,)
    return pl.pallas_call(
        _enc1_body,
        grid=grid,
        in_specs=[
            pl.BlockSpec((_RBLK, _D), lambda i: (i, 0)),
            pl.BlockSpec((_D, _H), lambda i: (0, 0)),
            pl.BlockSpec((_D, _H), lambda i: (0, 0)),
            pl.BlockSpec((1, _H), lambda i: (0, 0)),
        ],
        out_specs=[
            pl.BlockSpec((_RBLK, _W), lambda i: (i, 0)),
            pl.BlockSpec((_RBLK, _H), lambda i: (i, 0)),
        ],
        out_shape=[
            jax.ShapeDtypeStruct((_N, _W), jnp.float32),
            jax.ShapeDtypeStruct((_N, _H), jnp.float32),
        ],
    )(x, w1l, w1r, b1.reshape(1, _H))


def _mid_body(a0_ref, a1_ref, xr_ref, wl_ref, wr_ref, b2_ref,
              tab_ref, hr_ref, inv_ref):
    s = a0_ref[...] + a1_ref[...]
    cnt = s[:, _H:_H + 1]
    inv = 1.0 / jnp.maximum(cnt, 1.0)
    h = jnp.maximum(s[:, :_H] * inv + xr_ref[...], 0.0)
    hl = jnp.dot(h, wl_ref[...], preferred_element_type=jnp.float32)
    zpad = jnp.zeros((h.shape[0], _W - _H), dtype=jnp.float32)
    tab_ref[...] = jnp.concatenate([hl, zpad], axis=1)
    hr_ref[...] = (
        jnp.dot(h, wr_ref[...], preferred_element_type=jnp.float32)
        + b2_ref[...]
    )
    inv_ref[...] = jnp.broadcast_to(inv, (inv.shape[0], _L))


def _mid(a0, a1, xr, w2l, w2r, b2):
    grid = (_N // _RBLK,)
    return pl.pallas_call(
        _mid_body,
        grid=grid,
        in_specs=[
            pl.BlockSpec((_RBLK, _W), lambda i: (i, 0)),
            pl.BlockSpec((_RBLK, _W), lambda i: (i, 0)),
            pl.BlockSpec((_RBLK, _H), lambda i: (i, 0)),
            pl.BlockSpec((_H, _H), lambda i: (0, 0)),
            pl.BlockSpec((_H, _H), lambda i: (0, 0)),
            pl.BlockSpec((1, _H), lambda i: (0, 0)),
        ],
        out_specs=[
            pl.BlockSpec((_RBLK, _W), lambda i: (i, 0)),
            pl.BlockSpec((_RBLK, _H), lambda i: (i, 0)),
            pl.BlockSpec((_RBLK, _L), lambda i: (i, 0)),
        ],
        out_shape=[
            jax.ShapeDtypeStruct((_N, _W), jnp.float32),
            jax.ShapeDtypeStruct((_N, _H), jnp.float32),
            jax.ShapeDtypeStruct((_N, _L), jnp.float32),
        ],
    )(a0, a1, xr, w2l, w2r, b2.reshape(1, _H))


def _dec_body(a0_ref, a1_ref, hr_ref, inv_ref, wd_ref, bd_ref,
              z_ref, xhat_ref):
    s = a0_ref[...] + a1_ref[...]
    inv = inv_ref[:, 0:1]
    z = s[:, :_H] * inv + hr_ref[...]
    z_ref[...] = z
    xhat_ref[...] = (
        jnp.dot(z, wd_ref[...], preferred_element_type=jnp.float32)
        + bd_ref[...]
    )


def _dec(a0, a1, hr, inv, wd, bd):
    grid = (_N // _RBLK,)
    return pl.pallas_call(
        _dec_body,
        grid=grid,
        in_specs=[
            pl.BlockSpec((_RBLK, _W), lambda i: (i, 0)),
            pl.BlockSpec((_RBLK, _W), lambda i: (i, 0)),
            pl.BlockSpec((_RBLK, _H), lambda i: (i, 0)),
            pl.BlockSpec((_RBLK, _L), lambda i: (i, 0)),
            pl.BlockSpec((_H, _D), lambda i: (0, 0)),
            pl.BlockSpec((1, _D), lambda i: (0, 0)),
        ],
        out_specs=[
            pl.BlockSpec((_RBLK, _H), lambda i: (i, 0)),
            pl.BlockSpec((_RBLK, _D), lambda i: (i, 0)),
        ],
        out_shape=[
            jax.ShapeDtypeStruct((_N, _H), jnp.float32),
            jax.ShapeDtypeStruct((_N, _D), jnp.float32),
        ],
    )(a0, a1, hr, inv, wd, bd.reshape(1, _D))



def _seg_sum(table, src2d, dst2d):
    width = _W
    """Returns (2, _NACC, width): per-SparseCore partial segment sums.

    table:  (_NTAB, width) f32 in HBM; row _N.._NTAB-1 are zero.
    src2d:  (_NW*_K, _CHUNK) i32 gather indices (padded edges -> _N).
    dst2d:  (_NW*_K, _CHUNK) i32 scatter indices (padded edges -> _N).
    """
    mesh = plsc.VectorSubcoreMesh(
        core_axis_name="c", subcore_axis_name="s",
        num_cores=_NC, num_subcores=_NS,
    )

    @functools.partial(
        pl.kernel,
        out_type=jax.ShapeDtypeStruct((_NC, _NACC, width), jnp.float32),
        mesh=mesh,
        scratch_types=[
            pltpu.VMEM((_KSTAGE, _CHUNK), jnp.int32),
            pltpu.VMEM((_KSTAGE, _CHUNK), jnp.int32),
            pltpu.VMEM((_CHUNK, width), jnp.float32),
            pltpu.VMEM((_CHUNK, width), jnp.float32),
            pltpu.VMEM_SHARED((_NACC, width), jnp.float32),
            pltpu.SemaphoreType.DMA,
            pltpu.SemaphoreType.DMA,
        ],
    )
    def k(tab_hbm, src_hbm, dst_hbm, out_hbm,
          src_v, dst_v, rows_v, rows_w, acc, sem, sem2):
        cid = lax.axis_index("c")
        sid = lax.axis_index("s")
        wid = sid * _NC + cid

        zero = jnp.zeros((_L,), dtype=jnp.float32)

        def zrow(i, _):
            for j in range(width // _L):
                rows_v[i, pl.ds(j * _L, _L)] = zero
            return 0

        lax.fori_loop(0, _CHUNK, zrow, 0)
        for t in range(_ZROWS // _CHUNK):
            pltpu.sync_copy(
                rows_v, acc.at[pl.ds(sid * _ZROWS + t * _CHUNK, _CHUNK)]
            )
        plsc.subcore_barrier()

        def drain_v():
            pltpu.make_async_copy(
                tab_hbm.at[pl.ds(0, _CHUNK)], rows_v, sem
            ).wait()

        def drain_w():
            pltpu.make_async_copy(
                tab_hbm.at[pl.ds(0, _CHUNK)], rows_w, sem2
            ).wait()

        def run_core(base, kc):
            done = 0
            while done < kc:
                kh = min(_KSTAGE, kc - done)
                off = base + done
                pltpu.sync_copy(
                    src_hbm.at[pl.ds(off, kh)], src_v.at[pl.ds(0, kh)]
                )
                pltpu.sync_copy(
                    dst_hbm.at[pl.ds(off, kh)], dst_v.at[pl.ds(0, kh)]
                )
                pltpu.async_copy(tab_hbm.at[src_v.at[0]], rows_v, sem)

                def step(p, _):
                    j = 2 * p
                    pltpu.async_copy(
                        tab_hbm.at[src_v.at[j + 1]], rows_w, sem2
                    )
                    drain_v()
                    pltpu.sync_copy(rows_v, acc.at[dst_v.at[j]], add=True)
                    pltpu.async_copy(
                        tab_hbm.at[src_v.at[j + 2]], rows_v, sem
                    )
                    drain_w()
                    pltpu.sync_copy(rows_w, acc.at[dst_v.at[j + 1]], add=True)
                    return 0

                lax.fori_loop(0, kh // 2 - 1, step, 0)
                pltpu.async_copy(tab_hbm.at[src_v.at[kh - 1]], rows_w, sem2)
                drain_v()
                pltpu.sync_copy(rows_v, acc.at[dst_v.at[kh - 2]], add=True)
                drain_w()
                pltpu.sync_copy(rows_w, acc.at[dst_v.at[kh - 1]], add=True)
                done += kh

        if _K0 > 0:
            @pl.when(cid == 0)
            def _():
                run_core(sid * _K0, _K0)
        if _K1 > 0:
            @pl.when(cid == 1)
            def _():
                run_core(_NS * _K0 + sid * _K1, _K1)
        plsc.subcore_barrier()

        pltpu.sync_copy(
            acc.at[pl.ds(sid * _ZROWS, _ZROWS)],
            out_hbm.at[cid].at[pl.ds(sid * _ZROWS, _ZROWS)],
        )

    return k(table, src2d, dst2d)



def kernel(x, edge_index, W1_l, b1, W1_r, W2_l, b2, W2_r, W_dec, b_dec):
    src = edge_index[0]
    dst = edge_index[1]
    pad = jnp.full((_EPAD - src.shape[0],), _N, dtype=jnp.int32)
    src2d = jnp.concatenate([src, pad]).reshape(_KT, _CHUNK)
    dst2d = jnp.concatenate([dst, pad]).reshape(_KT, _CHUNK)

    tab1, xr = _enc1(x, W1_l, W1_r, b1)
    tab1 = jnp.concatenate(
        [tab1, jnp.zeros((_NTAB - _N, _W), jnp.float32)]
    )
    agg1 = _seg_sum(tab1, src2d, dst2d)

    tab2, hr, inv = _mid(
        agg1[0, :_N, :], agg1[1, :_N, :], xr, W2_l, W2_r, b2
    )
    tab2 = jnp.concatenate([tab2, jnp.zeros((_NTAB - _N, _W), jnp.float32)])
    agg2 = _seg_sum(tab2, src2d, dst2d)

    z, x_hat = _dec(
        agg2[0, :_N, :], agg2[1, :_N, :], hr, inv, W_dec, b_dec
    )
    return (z, x_hat)

# --- scband reference (transcript-rebuilt; emitter-appended) ---
"""Pipeline reference for scband-graph-sageautoencoder-18081812316503 (READ-ONLY COPY).

The authoritative reference and input builder live on the scoring server;
editing this copy changes nothing except your own understanding.
"""

import jax, jax.numpy as jnp
import numpy as np

N = 10000
E = 320000
D = 128
H = 64
O = 64


def setup_inputs(seed: int = 0) -> dict:
    key = jax.random.key(seed)
    ks = jax.random.split(key, 8)
    x = jax.random.normal(ks[0], (N, D), dtype=jnp.float32)
    edge_index = jax.random.randint(ks[1], (2, E), 0, N, dtype=jnp.int32)

    def glorot(k, shape, fan_in):
        return jax.random.normal(k, shape, dtype=jnp.float32) * (1.0 / np.sqrt(fan_in))

    W1_l = glorot(ks[2], (D, H), D)
    b1 = jnp.zeros((H,), dtype=jnp.float32)
    W1_r = glorot(ks[3], (D, H), D)
    W2_l = glorot(ks[4], (H, O), H)
    b2 = jnp.zeros((O,), dtype=jnp.float32)
    W2_r = glorot(ks[5], (H, O), H)
    W_dec = glorot(ks[6], (O, D), O)
    b_dec = jnp.zeros((D,), dtype=jnp.float32)
    return {
        "x": x,
        "edge_index": edge_index,
        "W1_l": W1_l,
        "b1": b1,
        "W1_r": W1_r,
        "W2_l": W2_l,
        "b2": b2,
        "W2_r": W2_r,
        "W_dec": W_dec,
        "b_dec": b_dec,
    }


def sage_conv(x, edge_index, W_l, b, W_r):
    # PyG SAGEConv with mean aggregation:
    # out = lin_l(mean_{j in N(i)} x_j) + lin_r(x_i)
    src = edge_index[0]
    dst = edge_index[1]
    msgs = jnp.take(x, src, axis=0)
    agg = jax.ops.segment_sum(msgs, dst, num_segments=N)
    cnt = jax.ops.segment_sum(jnp.ones((msgs.shape[0],), dtype=x.dtype), dst, num_segments=N)
    agg = agg / jnp.maximum(cnt, 1.0)[:, None]
    return agg @ W_l + b + x @ W_r


def reference(x, edge_index, W1_l, b1, W1_r, W2_l, b2, W2_r, W_dec, b_dec):
    h = jax.nn.relu(sage_conv(x, edge_index, W1_l, b1, W1_r))
    z = sage_conv(h, edge_index, W2_l, b2, W2_r)
    # dropout is identity in eval mode
    x_hat = z @ W_dec + b_dec
    return (z, x_hat)

if __name__ == "__main__":
    import jax
    _d = setup_inputs()
    print(jax.jit(kernel)(*tuple(_d.values())))

</pallas_src>

<mosaic_0001>
#map = affine_map<(d0, d1) -> (0, 0)>
#map1 = affine_map<(d0, d1) -> (0, 0, 0)>
module attributes {stable_mosaic.version = 14 : i64} {
  func.func @k(%arg0: i32, %arg1: i32, %arg2: memref<10016x128xf32, #tpu.memory_space<hbm>>, %arg3: memref<2560x128xi32, #tpu.memory_space<hbm>>, %arg4: memref<2560x128xi32, #tpu.memory_space<hbm>>, %arg5: memref<2x10240x128xf32, #tpu.memory_space<hbm>>, %arg6: memref<40x128xi32, #tpu.memory_space<vmem>>, %arg7: memref<40x128xi32, #tpu.memory_space<vmem>>, %arg8: memref<128x128xf32, #tpu.memory_space<vmem>>, %arg9: memref<128x128xf32, #tpu.memory_space<vmem>>, %arg10: memref<10240x128xf32, #tpu.memory_space<vmem_shared>>, %arg11: memref<!tpu.dma_semaphore, #tpu.memory_space<semaphore_mem>>, %arg12: memref<!tpu.dma_semaphore, #tpu.memory_space<semaphore_mem>>) attributes {dimension_semantics = [#tpu.dimension_semantics<core_parallel>, #tpu.dimension_semantics<subcore_parallel>], iteration_bounds = array<i64: 2, 16>, scalar_prefetch = 0 : i64, scratch_operands = 7 : i64, tpu.core_type = #tpu.core_type<sc_vector_subcore>, window_params = [{transform_indices = #map}, {transform_indices = #map}, {transform_indices = #map}, {transform_indices = #map1}]} {
    %mul3A = arith.constant 2 : i32
    %mul3A_0 = arith.muli %arg1, %mul3A : i32
    %add3A = arith.addi %mul3A_0, %arg0 : i32
    %broadcast_in_dim3A = arith.constant 0.000000e+00 : f32
    %broadcast_in_dim3A_1 = vector.broadcast %broadcast_in_dim3A : f32 to vector<16xf32>
    %scan3A = arith.constant 0 : i32
    %scan3A_2 = arith.constant 0 : i32
    %scan3A_3 = arith.constant 128 : i32
    %scan3A_4 = arith.addi %scan3A_2, %scan3A_3 : i32
    %scan3A_5 = arith.constant 1 : i32
    %scan3A_6 = scf.for %scan3A_40 = %scan3A_2 to %scan3A_4 step %scan3A_5 iter_args(%scan3A_41 = %scan3A) -> (i32)  : i32 {
      %swap3A = arith.index_cast %scan3A_40 : i32 to index
      %swap3A_42 = arith.constant 0 : index
      %swap3A_43 = tpu.vector_load %arg8[%swap3A, %swap3A_42] {strides = array<i32>} : memref<128x128xf32, #tpu.memory_space<vmem>>, vector<1x16xf32>,
      %swap3A_44 = vector.shape_cast %swap3A_43 : vector<1x16xf32> to vector<16xf32>
      %swap3A_45 = vector.shape_cast %broadcast_in_dim3A_1 : vector<16xf32> to vector<1x16xf32>
      tpu.vector_store %arg8[%swap3A, %swap3A_42], %swap3A_45 {strides = array<i32>} : memref<128x128xf32, #tpu.memory_space<vmem>>, vector<1x16xf32>,
      %swap3A_46 = arith.index_cast %scan3A_40 : i32 to index
      %swap3A_47 = arith.constant 16 : index
      %swap3A_48 = tpu.vector_load %arg8[%swap3A_46, %swap3A_47] {strides = array<i32>} : memref<128x128xf32, #tpu.memory_space<vmem>>, vector<1x16xf32>,
      %swap3A_49 = vector.shape_cast %swap3A_48 : vector<1x16xf32> to vector<16xf32>
      %swap3A_50 = vector.shape_cast %broadcast_in_dim3A_1 : vector<16xf32> to vector<1x16xf32>
      tpu.vector_store %arg8[%swap3A_46, %swap3A_47], %swap3A_50 {strides = array<i32>} : memref<128x128xf32, #tpu.memory_space<vmem>>, vector<1x16xf32>,
      %swap3A_51 = arith.index_cast %scan3A_40 : i32 to index
      %swap3A_52 = arith.constant 32 : index
      %swap3A_53 = tpu.vector_load %arg8[%swap3A_51, %swap3A_52] {strides = array<i32>} : memref<128x128xf32, #tpu.memory_space<vmem>>, vector<1x16xf32>,
      %swap3A_54 = vector.shape_cast %swap3A_53 : vector<1x16xf32> to vector<16xf32>
      %swap3A_55 = vector.shape_cast %broadcast_in_dim3A_1 : vector<16xf32> to vector<1x16xf32>
      tpu.vector_store %arg8[%swap3A_51, %swap3A_52], %swap3A_55 {strides = array<i32>} : memref<128x128xf32, #tpu.memory_space<vmem>>, vector<1x16xf32>,
      %swap3A_56 = arith.index_cast %scan3A_40 : i32 to index
      %swap3A_57 = arith.constant 48 : index
      %swap3A_58 = tpu.vector_load %arg8[%swap3A_56, %swap3A_57] {strides = array<i32>} : memref<128x128xf32, #tpu.memory_space<vmem>>, vector<1x16xf32>,
      %swap3A_59 = vector.shape_cast %swap3A_58 : vector<1x16xf32> to vector<16xf32>
      %swap3A_60 = vector.shape_cast %broadcast_in_dim3A_1 : vector<16xf32> to vector<1x16xf32>
      tpu.vector_store %arg8[%swap3A_56, %swap3A_57], %swap3A_60 {strides = array<i32>} : memref<128x128xf32, #tpu.memory_space<vmem>>, vector<1x16xf32>,
      %swap3A_61 = arith.index_cast %scan3A_40 : i32 to index
      %swap3A_62 = arith.constant 64 : index
      %swap3A_63 = tpu.vector_load %arg8[%swap3A_61, %swap3A_62] {strides = array<i32>} : memref<128x128xf32, #tpu.memory_space<vmem>>, vector<1x16xf32>,
      %swap3A_64 = vector.shape_cast %swap3A_63 : vector<1x16xf32> to vector<16xf32>
      %swap3A_65 = vector.shape_cast %broadcast_in_dim3A_1 : vector<16xf32> to vector<1x16xf32>
      tpu.vector_store %arg8[%swap3A_61, %swap3A_62], %swap3A_65 {strides = array<i32>} : memref<128x128xf32, #tpu.memory_space<vmem>>, vector<1x16xf32>,
      %swap3A_66 = arith.index_cast %scan3A_40 : i32 to index
      %swap3A_67 = arith.constant 80 : index
      %swap3A_68 = tpu.vector_load %arg8[%swap3A_66, %swap3A_67] {strides = array<i32>} : memref<128x128xf32, #tpu.memory_space<vmem>>, vector<1x16xf32>,
      %swap3A_69 = vector.shape_cast %swap3A_68 : vector<1x16xf32> to vector<16xf32>
      %swap3A_70 = vector.shape_cast %broadcast_in_dim3A_1 : vector<16xf32> to vector<1x16xf32>
      tpu.vector_store %arg8[%swap3A_66, %swap3A_67], %swap3A_70 {strides = array<i32>} : memref<128x128xf32, #tpu.memory_space<vmem>>, vector<1x16xf32>,
      %swap3A_71 = arith.index_cast %scan3A_40 : i32 to index
      %swap3A_72 = arith.constant 96 : index
      %swap3A_73 = tpu.vector_load %arg8[%swap3A_71, %swap3A_72] {strides = array<i32>} : memref<128x128xf32, #tpu.memory_space<vmem>>, vector<1x16xf32>,
      %swap3A_74 = vector.shape_cast %swap3A_73 : vector<1x16xf32> to vector<16xf32>
      %swap3A_75 = vector.shape_cast %broadcast_in_dim3A_1 : vector<16xf32> to vector<1x16xf32>
      tpu.vector_store %arg8[%swap3A_71, %swap3A_72], %swap3A_75 {strides = array<i32>} : memref<128x128xf32, #tpu.memory_space<vmem>>, vector<1x16xf32>,
      %swap3A_76 = arith.index_cast %scan3A_40 : i32 to index
      %swap3A_77 = arith.constant 112 : index
      %swap3A_78 = tpu.vector_load %arg8[%swap3A_76, %swap3A_77] {strides = array<i32>} : memref<128x128xf32, #tpu.memory_space<vmem>>, vector<1x16xf32>,
      %swap3A_79 = vector.shape_cast %swap3A_78 : vector<1x16xf32> to vector<16xf32>
      %swap3A_80 = vector.shape_cast %broadcast_in_dim3A_1 : vector<16xf32> to vector<1x16xf32>
      tpu.vector_store %arg8[%swap3A_76, %swap3A_77], %swap3A_80 {strides = array<i32>} : memref<128x128xf32, #tpu.memory_space<vmem>>, vector<1x16xf32>,
      %scan3A_81 = arith.constant 0 : i32
      scf.yield %scan3A_81 : i32
    }
    %scan3A_7 = arith.constant 128 : i32
    %mul3A_8 = arith.constant 640 : i32
    %mul3A_9 = arith.muli %arg1, %mul3A_8 : i32
    %add3A_10 = arith.constant 0 : i32
    %add3A_11 = arith.addi %mul3A_9, %add3A_10 : i32
    "tpu.region"() ({
      %run_scoped3A = tpu.sem_alloc : memref<!tpu.dma_semaphore, #tpu.memory_space<semaphore_mem>>
      %dma_start3A = arith.constant 0 : i32
      %dma_start3A_40 = tpu.memref_slice %arg10[%add3A_11, %dma_start3A] : memref<10240x128xf32, #tpu.memory_space<vmem_shared>> -> memref<128x128xf32, #tpu.memory_space<vmem_shared>>
      %dma_start3A_41 = arith.constant 0 : i32
      %dma_start3A_42 = tpu.memref_slice %arg10[%add3A_11, %dma_start3A_41] : memref<10240x128xf32, #tpu.memory_space<vmem_shared>> -> memref<128x128xf32, #tpu.memory_space<vmem_shared>>
      tpu.enqueue_dma source(%arg8 : memref<128x128xf32, #tpu.memory_space<vmem>>) target(%dma_start3A_42 : memref<128x128xf32, #tpu.memory_space<vmem_shared>>) target_semaphore(%run_scoped3A : memref<!tpu.dma_semaphore, #tpu.memory_space<semaphore_mem>>)
      %dma_wait3A = arith.constant 0 : i32
      %dma_wait3A_43 = tpu.memref_slice %arg10[%add3A_11, %dma_wait3A] : memref<10240x128xf32, #tpu.memory_space<vmem_shared>> -> memref<128x128xf32, #tpu.memory_space<vmem_shared>>
      %dma_wait3A_44 = arith.constant 0 : i32
      %dma_wait3A_45 = tpu.memref_slice %arg10[%add3A_11, %dma_wait3A_44] : memref<10240x128xf32, #tpu.memory_space<vmem_shared>> -> memref<128x128xf32, #tpu.memory_space<vmem_shared>>
      tpu.wait_dma2 semaphore(%run_scoped3A : memref<!tpu.dma_semaphore, #tpu.memory_space<semaphore_mem>>) src(%arg8 : memref<128x128xf32, #tpu.memory_space<vmem>>) dst(%dma_wait3A_45 : memref<128x128xf32, #tpu.memory_space<vmem_shared>>)
      tpu.yield
    }) : () -> ()
    %mul3A_12 = arith.constant 640 : i32
    %mul3A_13 = arith.muli %arg1, %mul3A_12 : i32
    %add3A_14 = arith.constant 128 : i32
    %add3A_15 = arith.addi %mul3A_13, %add3A_14 : i32
    "tpu.region"() ({
      %run_scoped3A = tpu.sem_alloc : memref<!tpu.dma_semaphore, #tpu.memory_space<semaphore_mem>>
      %dma_start3A = arith.constant 0 : i32
      %dma_start3A_40 = tpu.memref_slice %arg10[%add3A_15, %dma_start3A] : memref<10240x128xf32, #tpu.memory_space<vmem_shared>> -> memref<128x128xf32, #tpu.memory_space<vmem_shared>>
      %dma_start3A_41 = arith.constant 0 : i32
      %dma_start3A_42 = tpu.memref_slice %arg10[%add3A_15, %dma_start3A_41] : memref<10240x128xf32, #tpu.memory_space<vmem_shared>> -> memref<128x128xf32, #tpu.memory_space<vmem_shared>>
      tpu.enqueue_dma source(%arg8 : memref<128x128xf32, #tpu.memory_space<vmem>>) target(%dma_start3A_42 : memref<128x128xf32, #tpu.memory_space<vmem_shared>>) target_semaphore(%run_scoped3A : memref<!tpu.dma_semaphore, #tpu.memory_space<semaphore_mem>>)
      %dma_wait3A = arith.constant 0 : i32
      %dma_wait3A_43 = tpu.memref_slice %arg10[%add3A_15, %dma_wait3A] : memref<10240x128xf32, #tpu.memory_space<vmem_shared>> -> memref<128x128xf32, #tpu.memory_space<vmem_shared>>
      %dma_wait3A_44 = arith.constant 0 : i32
      %dma_wait3A_45 = tpu.memref_slice %arg10[%add3A_15, %dma_wait3A_44] : memref<10240x128xf32, #tpu.memory_space<vmem_shared>> -> memref<128x128xf32, #tpu.memory_space<vmem_shared>>
      tpu.wait_dma2 semaphore(%run_scoped3A : memref<!tpu.dma_semaphore, #tpu.memory_space<semaphore_mem>>) src(%arg8 : memref<128x128xf32, #tpu.memory_space<vmem>>) dst(%dma_wait3A_45 : memref<128x128xf32, #tpu.memory_space<vmem_shared>>)
      tpu.yield
    }) : () -> ()
    %mul3A_16 = arith.constant 640 : i32
    %mul3A_17 = arith.muli %arg1, %mul3A_16 : i32
    %add3A_18 = arith.constant 256 : i32
    %add3A_19 = arith.addi %mul3A_17, %add3A_18 : i32
    "tpu.region"() ({
      %run_scoped3A = tpu.sem_alloc : memref<!tpu.dma_semaphore, #tpu.memory_space<semaphore_mem>>
      %dma_start3A = arith.constant 0 : i32
      %dma_start3A_40 = tpu.memref_slice %arg10[%add3A_19, %dma_start3A] : memref<10240x128xf32, #tpu.memory_space<vmem_shared>> -> memref<128x128xf32, #tpu.memory_space<vmem_shared>>
      %dma_start3A_41 = arith.constant 0 : i32
      %dma_start3A_42 = tpu.memref_slice %arg10[%add3A_19, %dma_start3A_41] : memref<10240x128xf32, #tpu.memory_space<vmem_shared>> -> memref<128x128xf32, #tpu.memory_space<vmem_shared>>
      tpu.enqueue_dma source(%arg8 : memref<128x128xf32, #tpu.memory_space<vmem>>) target(%dma_start3A_42 : memref<128x128xf32, #tpu.memory_space<vmem_shared>>) target_semaphore(%run_scoped3A : memref<!tpu.dma_semaphore, #tpu.memory_space<semaphore_mem>>)
      %dma_wait3A = arith.constant 0 : i32
      %dma_wait3A_43 = tpu.memref_slice %arg10[%add3A_19, %dma_wait3A] : memref<10240x128xf32, #tpu.memory_space<vmem_shared>> -> memref<128x128xf32, #tpu.memory_space<vmem_shared>>
      %dma_wait3A_44 = arith.constant 0 : i32
      %dma_wait3A_45 = tpu.memref_slice %arg10[%add3A_19, %dma_wait3A_44] : memref<10240x128xf32, #tpu.memory_space<vmem_shared>> -> memref<128x128xf32, #tpu.memory_space<vmem_shared>>
      tpu.wait_dma2 semaphore(%run_scoped3A : memref<!tpu.dma_semaphore, #tpu.memory_space<semaphore_mem>>) src(%arg8 : memref<128x128xf32, #tpu.memory_space<vmem>>) dst(%dma_wait3A_45 : memref<128x128xf32, #tpu.memory_space<vmem_shared>>)
      tpu.yield
    }) : () -> ()
    %mul3A_20 = arith.constant 640 : i32
    %mul3A_21 = arith.muli %arg1, %mul3A_20 : i32
    %add3A_22 = arith.constant 384 : i32
    %add3A_23 = arith.addi %mul3A_21, %add3A_22 : i32
    "tpu.region"() ({
      %run_scoped3A = tpu.sem_alloc : memref<!tpu.dma_semaphore, #tpu.memory_space<semaphore_mem>>
      %dma_start3A = arith.constant 0 : i32
      %dma_start3A_40 = tpu.memref_slice %arg10[%add3A_23, %dma_start3A] : memref<10240x128xf32, #tpu.memory_space<vmem_shared>> -> memref<128x128xf32, #tpu.memory_space<vmem_shared>>
      %dma_start3A_41 = arith.constant 0 : i32
      %dma_start3A_42 = tpu.memref_slice %arg10[%add3A_23, %dma_start3A_41] : memref<10240x128xf32, #tpu.memory_space<vmem_shared>> -> memref<128x128xf32, #tpu.memory_space<vmem_shared>>
      tpu.enqueue_dma source(%arg8 : memref<128x128xf32, #tpu.memory_space<vmem>>) target(%dma_start3A_42 : memref<128x128xf32, #tpu.memory_space<vmem_shared>>) target_semaphore(%run_scoped3A : memref<!tpu.dma_semaphore, #tpu.memory_space<semaphore_mem>>)
      %dma_wait3A = arith.constant 0 : i32
      %dma_wait3A_43 = tpu.memref_slice %arg10[%add3A_23, %dma_wait3A] : memref<10240x128xf32, #tpu.memory_space<vmem_shared>> -> memref<128x128xf32, #tpu.memory_space<vmem_shared>>
      %dma_wait3A_44 = arith.constant 0 : i32
      %dma_wait3A_45 = tpu.memref_slice %arg10[%add3A_23, %dma_wait3A_44] : memref<10240x128xf32, #tpu.memory_space<vmem_shared>> -> memref<128x128xf32, #tpu.memory_space<vmem_shared>>
      tpu.wait_dma2 semaphore(%run_scoped3A : memref<!tpu.dma_semaphore, #tpu.memory_space<semaphore_mem>>) src(%arg8 : memref<128x128xf32, #tpu.memory_space<vmem>>) dst(%dma_wait3A_45 : memref<128x128xf32, #tpu.memory_space<vmem_shared>>)
      tpu.yield
    }) : () -> ()
    %mul3A_24 = arith.constant 640 : i32
    %mul3A_25 = arith.muli %arg1, %mul3A_24 : i32
    %add3A_26 = arith.constant 512 : i32
    %add3A_27 = arith.addi %mul3A_25, %add3A_26 : i32
    "tpu.region"() ({
      %run_scoped3A = tpu.sem_alloc : memref<!tpu.dma_semaphore, #tpu.memory_space<semaphore_mem>>
      %dma_start3A = arith.constant 0 : i32
      %dma_start3A_40 = tpu.memref_slice %arg10[%add3A_27, %dma_start3A] : memref<10240x128xf32, #tpu.memory_space<vmem_shared>> -> memref<128x128xf32, #tpu.memory_space<vmem_shared>>
      %dma_start3A_41 = arith.constant 0 : i32
      %dma_start3A_42 = tpu.memref_slice %arg10[%add3A_27, %dma_start3A_41] : memref<10240x128xf32, #tpu.memory_space<vmem_shared>> -> memref<128x128xf32, #tpu.memory_space<vmem_shared>>
      tpu.enqueue_dma source(%arg8 : memref<128x128xf32, #tpu.memory_space<vmem>>) target(%dma_start3A_42 : memref<128x128xf32, #tpu.memory_space<vmem_shared>>) target_semaphore(%run_scoped3A : memref<!tpu.dma_semaphore, #tpu.memory_space<semaphore_mem>>)
      %dma_wait3A = arith.constant 0 : i32
      %dma_wait3A_43 = tpu.memref_slice %arg10[%add3A_27, %dma_wait3A] : memref<10240x128xf32, #tpu.memory_space<vmem_shared>> -> memref<128x128xf32, #tpu.memory_space<vmem_shared>>
      %dma_wait3A_44 = arith.constant 0 : i32
      %dma_wait3A_45 = tpu.memref_slice %arg10[%add3A_27, %dma_wait3A_44] : memref<10240x128xf32, #tpu.memory_space<vmem_shared>> -> memref<128x128xf32, #tpu.memory_space<vmem_shared>>
      tpu.wait_dma2 semaphore(%run_scoped3A : memref<!tpu.dma_semaphore, #tpu.memory_space<semaphore_mem>>) src(%arg8 : memref<128x128xf32, #tpu.memory_space<vmem>>) dst(%dma_wait3A_45 : memref<128x128xf32, #tpu.memory_space<vmem_shared>>)
      tpu.yield
    }) : () -> ()
    %barrier3A = arith.constant 0 : index
    tpu.barrier barrier_id(%barrier3A)
    %eq3A = arith.constant 0 : i32
    %eq3A_28 = arith.cmpi eq, %arg0, %eq3A : i32
    %convert_element_type3A = arith.extui %eq3A_28 : i1 to i32
    %cond3A = arith.constant 0 : i32
    %cond3A_29 = arith.cmpi ne, %convert_element_type3A, %cond3A : i32
    scf.if %cond3A_29 {
      %mul3A_40 = arith.constant 112 : i32
      %mul3A_41 = arith.muli %arg1, %mul3A_40 : i32
      %add3A_42 = arith.constant 0 : i32
      %add3A_43 = arith.addi %mul3A_41, %add3A_42 : i32
      "tpu.region"() ({
        %run_scoped3A_150 = tpu.sem_alloc : memref<!tpu.dma_semaphore, #tpu.memory_space<semaphore_mem>>
        %dma_start3A_151 = arith.constant 0 : i32
        %dma_start3A_152 = arith.constant 0 : i32
        %dma_start3A_153 = tpu.memref_slice %arg6[%dma_start3A_151, %dma_start3A_152] : memref<40x128xi32, #tpu.memory_space<vmem>> -> memref<40x128xi32, #tpu.memory_space<vmem>>
        %dma_start3A_154 = arith.constant 0 : i32
        %dma_start3A_155 = tpu.memref_slice %arg3[%add3A_43, %dma_start3A_154] : memref<2560x128xi32, #tpu.memory_space<hbm>> -> memref<40x128xi32, #tpu.memory_space<hbm>>
        %dma_start3A_156 = arith.constant 0 : i32
        %dma_start3A_157 = arith.constant 0 : i32
        %dma_start3A_158 = tpu.memref_slice %arg6[%dma_start3A_156, %dma_start3A_157] : memref<40x128xi32, #tpu.memory_space<vmem>> -> memref<40x128xi32, #tpu.memory_space<vmem>>
        %dma_start3A_159 = arith.constant 0 : i32
        %dma_start3A_160 = tpu.memref_slice %arg3[%add3A_43, %dma_start3A_159] : memref<2560x128xi32, #tpu.memory_space<hbm>> -> memref<40x128xi32, #tpu.memory_space<hbm>>
        tpu.enqueue_dma source(%dma_start3A_160 : memref<40x128xi32, #tpu.memory_space<hbm>>) target(%dma_start3A_158 : memref<40x128xi32, #tpu.memory_space<vmem>>) target_semaphore(%run_scoped3A_150 : memref<!tpu.dma_semaphore, #tpu.memory_space<semaphore_mem>>)
        %dma_wait3A_161 = arith.constant 0 : i32
        %dma_wait3A_162 = arith.constant 0 : i32
        %dma_wait3A_163 = tpu.memref_slice %arg6[%dma_wait3A_161, %dma_wait3A_162] : memref<40x128xi32, #tpu.memory_space<vmem>> -> memref<40x128xi32, #tpu.memory_space<vmem>>
        %dma_wait3A_164 = arith.constant 0 : i32
        %dma_wait3A_165 = tpu.memref_slice %arg3[%add3A_43, %dma_wait3A_164] : memref<2560x128xi32, #tpu.memory_space<hbm>> -> memref<40x128xi32, #tpu.memory_space<hbm>>
        %dma_wait3A_166 = arith.constant 0 : i32
        %dma_wait3A_167 = arith.constant 0 : i32
        %dma_wait3A_168 = tpu.memref_slice %arg6[%dma_wait3A_166, %dma_wait3A_167] : memref<40x128xi32, #tpu.memory_space<vmem>> -> memref<40x128xi32, #tpu.memory_space<vmem>>
        %dma_wait3A_169 = arith.constant 0 : i32
        %dma_wait3A_170 = tpu.memref_slice %arg3[%add3A_43, %dma_wait3A_169] : memref<2560x128xi32, #tpu.memory_space<hbm>> -> memref<40x128xi32, #tpu.memory_space<hbm>>
        tpu.wait_dma2 semaphore(%run_scoped3A_150 : memref<!tpu.dma_semaphore, #tpu.memory_space<semaphore_mem>>) src(%dma_wait3A_170 : memref<40x128xi32, #tpu.memory_space<hbm>>) dst(%dma_wait3A_168 : memref<40x128xi32, #tpu.memory_space<vmem>>)
        tpu.yield
      }) : () -> ()
      "tpu.region"() ({
        %run_scoped3A_150 = tpu.sem_alloc : memref<!tpu.dma_semaphore, #tpu.memory_space<semaphore_mem>>
        %dma_start3A_151 = arith.constant 0 : i32
        %dma_start3A_152 = arith.constant 0 : i32
        %dma_start3A_153 = tpu.memref_slice %arg7[%dma_start3A_151, %dma_start3A_152] : memref<40x128xi32, #tpu.memory_space<vmem>> -> memref<40x128xi32, #tpu.memory_space<vmem>>
        %dma_start3A_154 = arith.constant 0 : i32
        %dma_start3A_155 = tpu.memref_slice %arg4[%add3A_43, %dma_start3A_154] : memref<2560x128xi32, #tpu.memory_space<hbm>> -> memref<40x128xi32, #tpu.memory_space<hbm>>
        %dma_start3A_156 = arith.constant 0 : i32
        %dma_start3A_157 = arith.constant 0 : i32
        %dma_start3A_158 = tpu.memref_slice %arg7[%dma_start3A_156, %dma_start3A_157] : memref<40x128xi32, #tpu.memory_space<vmem>> -> memref<40x128xi32, #tpu.memory_space<vmem>>
        %dma_start3A_159 = arith.constant 0 : i32
        %dma_start3A_160 = tpu.memref_slice %arg4[%add3A_43, %dma_start3A_159] : memref<2560x128xi32, #tpu.memory_space<hbm>> -> memref<40x128xi32, #tpu.memory_space<hbm>>
        tpu.enqueue_dma source(%dma_start3A_160 : memref<40x128xi32, #tpu.memory_space<hbm>>) target(%dma_start3A_158 : memref<40x128xi32, #tpu.memory_space<vmem>>) target_semaphore(%run_scoped3A_150 : memref<!tpu.dma_semaphore, #tpu.memory_space<semaphore_mem>>)
        %dma_wait3A_161 = arith.constant 0 : i32
        %dma_wait3A_162 = arith.constant 0 : i32
        %dma_wait3A_163 = tpu.memref_slice %arg7[%dma_wait3A_161, %dma_wait3A_162] : memref<40x128xi32, #tpu.memory_space<vmem>> -> memref<40x128xi32, #tpu.memory_space<vmem>>
        %dma_wait3A_164 = arith.constant 0 : i32
        %dma_wait3A_165 = tpu.memref_slice %arg4[%add3A_43, %dma_wait3A_164] : memref<2560x128xi32, #tpu.memory_space<hbm>> -> memref<40x128xi32, #tpu.memory_space<hbm>>
        %dma_wait3A_166 = arith.constant 0 : i32
        %dma_wait3A_167 = arith.constant 0 : i32
        %dma_wait3A_168 = tpu.memref_slice %arg7[%dma_wait3A_166, %dma_wait3A_167] : memref<40x128xi32, #tpu.memory_space<vmem>> -> memref<40x128xi32, #tpu.memory_space<vmem>>
        %dma_wait3A_169 = arith.constant 0 : i32
        %dma_wait3A_170 = tpu.memref_slice %arg4[%add3A_43, %dma_wait3A_169] : memref<2560x128xi32, #tpu.memory_space<hbm>> -> memref<40x128xi32, #tpu.memory_space<hbm>>
        tpu.wait_dma2 semaphore(%run_scoped3A_150 : memref<!tpu.dma_semaphore, #tpu.memory_space<semaphore_mem>>) src(%dma_wait3A_170 : memref<40x128xi32, #tpu.memory_space<hbm>>) dst(%dma_wait3A_168 : memref<40x128xi32, #tpu.memory_space<vmem>>)
        tpu.yield
      }) : () -> ()
      %dma_start3A = arith.constant 0 : i32
      %dma_start3A_44 = arith.constant 0 : i32
      %dma_start3A_45 = tpu.memref_slice %arg6[%dma_start3A, %dma_start3A_44] : memref<40x128xi32, #tpu.memory_space<vmem>> -> memref<1x128xi32, #tpu.memory_space<vmem>>
      %dma_start3A_46 = tpu.memref_squeeze %dma_start3A_45 : memref<1x128xi32, #tpu.memory_space<vmem>> -> memref<128xi32, #tpu.memory_space<vmem>>
      %dma_start3A_47 = arith.constant 0 : i32
      %dma_start3A_48 = arith.constant 0 : i32
      %dma_start3A_49 = tpu.memref_slice %arg2[%dma_start3A_47, %dma_start3A_48] : memref<10016x128xf32, #tpu.memory_space<hbm>> -> memref<10016x128xf32, #tpu.memory_space<hbm>>
      tpu.enqueue_indirect_dma source(%dma_start3A_49 : memref<10016x128xf32, #tpu.memory_space<hbm>>) target(%arg8 : memref<128x128xf32, #tpu.memory_space<vmem>>) offsets(%dma_start3A_46 : memref<128xi32, #tpu.memory_space<vmem>>) semaphore(%arg11 : memref<!tpu.dma_semaphore, #tpu.memory_space<semaphore_mem>>)
      %scan3A_50 = arith.constant 0 : i32
      %scan3A_51 = arith.constant 0 : i32
      %scan3A_52 = arith.constant 19 : i32
      %scan3A_53 = arith.addi %scan3A_51, %scan3A_52 : i32
      %scan3A_54 = arith.constant 1 : i32
      %scan3A_55 = scf.for %scan3A_150 = %scan3A_51 to %scan3A_53 step %scan3A_54 iter_args(%scan3A_151 = %scan3A_50) -> (i32)  : i32 {
        %mul3A_152 = arith.constant 2 : i32
        %mul3A_153 = arith.muli %mul3A_152, %scan3A_150 : i32
        %add3A_154 = arith.constant 1 : i32
        %add3A_155 = arith.addi %mul3A_153, %add3A_154 : i32
        %dma_start3A_156 = arith.constant 0 : i32
        %dma_start3A_157 = tpu.memref_slice %arg6[%add3A_155, %dma_start3A_156] : memref<40x128xi32, #tpu.memory_space<vmem>> -> memref<1x128xi32, #tpu.memory_space<vmem>>
        %dma_start3A_158 = tpu.memref_squeeze %dma_start3A_157 : memref<1x128xi32, #tpu.memory_space<vmem>> -> memref<128xi32, #tpu.memory_space<vmem>>
        %dma_start3A_159 = arith.constant 0 : i32
        %dma_start3A_160 = arith.constant 0 : i32
        %dma_start3A_161 = tpu.memref_slice %arg2[%dma_start3A_159, %dma_start3A_160] : memref<10016x128xf32, #tpu.memory_space<hbm>> -> memref<10016x128xf32, #tpu.memory_space<hbm>>
        tpu.enqueue_indirect_dma source(%dma_start3A_161 : memref<10016x128xf32, #tpu.memory_space<hbm>>) target(%arg9 : memref<128x128xf32, #tpu.memory_space<vmem>>) offsets(%dma_start3A_158 : memref<128xi32, #tpu.memory_space<vmem>>) semaphore(%arg12 : memref<!tpu.dma_semaphore, #tpu.memory_space<semaphore_mem>>)
        %dma_wait3A_162 = arith.constant 0 : i32
        %dma_wait3A_163 = arith.constant 0 : i32
        %dma_wait3A_164 = tpu.memref_slice %arg2[%dma_wait3A_162, %dma_wait3A_163] : memref<10016x128xf32, #tpu.memory_space<hbm>> -> memref<128x128xf32, #tpu.memory_space<hbm>>
        %dma_wait3A_165 = arith.constant 0 : i32
        %dma_wait3A_166 = arith.constant 0 : i32
        %dma_wait3A_167 = tpu.memref_slice %arg2[%dma_wait3A_165, %dma_wait3A_166] : memref<10016x128xf32, #tpu.memory_space<hbm>> -> memref<128x128xf32, #tpu.memory_space<hbm>>
        tpu.wait_dma2 semaphore(%arg11 : memref<!tpu.dma_semaphore, #tpu.memory_space<semaphore_mem>>) src(%dma_wait3A_167 : memref<128x128xf32, #tpu.memory_space<hbm>>) dst(%arg8 : memref<128x128xf32, #tpu.memory_space<vmem>>)
        "tpu.region"() ({
          %run_scoped3A_185 = tpu.sem_alloc : memref<!tpu.dma_semaphore, #tpu.memory_space<semaphore_mem>>
          %dma_start3A_186 = arith.constant 0 : i32
          %dma_start3A_187 = tpu.memref_slice %arg7[%mul3A_153, %dma_start3A_186] : memref<40x128xi32, #tpu.memory_space<vmem>> -> memref<1x128xi32, #tpu.memory_space<vmem>>
          %dma_start3A_188 = tpu.memref_squeeze %dma_start3A_187 : memref<1x128xi32, #tpu.memory_space<vmem>> -> memref<128xi32, #tpu.memory_space<vmem>>
          %dma_start3A_189 = arith.constant 0 : i32
          %dma_start3A_190 = arith.constant 0 : i32
          %dma_start3A_191 = tpu.memref_slice %arg10[%dma_start3A_189, %dma_start3A_190] : memref<10240x128xf32, #tpu.memory_space<vmem_shared>> -> memref<10240x128xf32, #tpu.memory_space<vmem_shared>>
          tpu.enqueue_indirect_dma source(%arg8 : memref<128x128xf32, #tpu.memory_space<vmem>>) target(%dma_start3A_191 : memref<10240x128xf32, #tpu.memory_space<vmem_shared>>) offsets(%dma_start3A_188 : memref<128xi32, #tpu.memory_space<vmem>>) semaphore(%run_scoped3A_185 : memref<!tpu.dma_semaphore, #tpu.memory_space<semaphore_mem>>) {add = true}
          %dma_wait3A_192 = arith.constant 0 : i32
          %dma_wait3A_193 = tpu.memref_slice %arg7[%mul3A_153, %dma_wait3A_192] : memref<40x128xi32, #tpu.memory_space<vmem>> -> memref<1x128xi32, #tpu.memory_space<vmem>>
          %dma_wait3A_194 = tpu.memref_squeeze %dma_wait3A_193 : memref<1x128xi32, #tpu.memory_space<vmem>> -> memref<128xi32, #tpu.memory_space<vmem>>
          %dma_wait3A_195 = arith.constant 0 : i32
          %dma_wait3A_196 = arith.constant 0 : i32
          %dma_wait3A_197 = tpu.memref_slice %arg10[%dma_wait3A_195, %dma_wait3A_196] : memref<10240x128xf32, #tpu.memory_space<vmem_shared>> -> memref<10240x128xf32, #tpu.memory_space<vmem_shared>>
          tpu.wait_indirect_dma semaphore(%run_scoped3A_185 : memref<!tpu.dma_semaphore, #tpu.memory_space<semaphore_mem>>) src(%arg8 : memref<128x128xf32, #tpu.memory_space<vmem>>) dst(%dma_wait3A_197 : memref<10240x128xf32, #tpu.memory_space<vmem_shared>>)
          tpu.yield
        }) : () -> ()
        %add3A_168 = arith.constant 2 : i32
        %add3A_169 = arith.addi %mul3A_153, %add3A_168 : i32
        %dma_start3A_170 = arith.constant 0 : i32
        %dma_start3A_171 = tpu.memref_slice %arg6[%add3A_169, %dma_start3A_170] : memref<40x128xi32, #tpu.memory_space<vmem>> -> memref<1x128xi32, #tpu.memory_space<vmem>>
        %dma_start3A_172 = tpu.memref_squeeze %dma_start3A_171 : memref<1x128xi32, #tpu.memory_space<vmem>> -> memref<128xi32, #tpu.memory_space<vmem>>
        %dma_start3A_173 = arith.constant 0 : i32
        %dma_start3A_174 = arith.constant 0 : i32
        %dma_start3A_175 = tpu.memref_slice %arg2[%dma_start3A_173, %dma_start3A_174] : memref<10016x128xf32, #tpu.memory_space<hbm>> -> memref<10016x128xf32, #tpu.memory_space<hbm>>
        tpu.enqueue_indirect_dma source(%dma_start3A_175 : memref<10016x128xf32, #tpu.memory_space<hbm>>) target(%arg8 : memref<128x128xf32, #tpu.memory_space<vmem>>) offsets(%dma_start3A_172 : memref<128xi32, #tpu.memory_space<vmem>>) semaphore(%arg11 : memref<!tpu.dma_semaphore, #tpu.memory_space<semaphore_mem>>)
        %dma_wait3A_176 = arith.constant 0 : i32
        %dma_wait3A_177 = arith.constant 0 : i32
        %dma_wait3A_178 = tpu.memref_slice %arg2[%dma_wait3A_176, %dma_wait3A_177] : memref<10016x128xf32, #tpu.memory_space<hbm>> -> memref<128x128xf32, #tpu.memory_space<hbm>>
        %dma_wait3A_179 = arith.constant 0 : i32
        %dma_wait3A_180 = arith.constant 0 : i32
        %dma_wait3A_181 = tpu.memref_slice %arg2[%dma_wait3A_179, %dma_wait3A_180] : memref<10016x128xf32, #tpu.memory_space<hbm>> -> memref<128x128xf32, #tpu.memory_space<hbm>>
        tpu.wait_dma2 semaphore(%arg12 : memref<!tpu.dma_semaphore, #tpu.memory_space<semaphore_mem>>) src(%dma_wait3A_181 : memref<128x128xf32, #tpu.memory_space<hbm>>) dst(%arg9 : memref<128x128xf32, #tpu.memory_space<vmem>>)
        %add3A_182 = arith.constant 1 : i32
        %add3A_183 = arith.addi %mul3A_153, %add3A_182 : i32
        "tpu.region"() ({
          %run_scoped3A_185 = tpu.sem_alloc : memref<!tpu.dma_semaphore, #tpu.memory_space<semaphore_mem>>
          %dma_start3A_186 = arith.constant 0 : i32
          %dma_start3A_187 = tpu.memref_slice %arg7[%add3A_183, %dma_start3A_186] : memref<40x128xi32, #tpu.memory_space<vmem>> -> memref<1x128xi32, #tpu.memory_space<vmem>>
          %dma_start3A_188 = tpu.memref_squeeze %dma_start3A_187 : memref<1x128xi32, #tpu.memory_space<vmem>> -> memref<128xi32, #tpu.memory_space<vmem>>
          %dma_start3A_189 = arith.constant 0 : i32
          %dma_start3A_190 = arith.constant 0 : i32
          %dma_start3A_191 = tpu.memref_slice %arg10[%dma_start3A_189, %dma_start3A_190] : memref<10240x128xf32, #tpu.memory_space<vmem_shared>> -> memref<10240x128xf32, #tpu.memory_space<vmem_shared>>
          tpu.enqueue_indirect_dma source(%arg9 : memref<128x128xf32, #tpu.memory_space<vmem>>) target(%dma_start3A_191 : memref<10240x128xf32, #tpu.memory_space<vmem_shared>>) offsets(%dma_start3A_188 : memref<128xi32, #tpu.memory_space<vmem>>) semaphore(%run_scoped3A_185 : memref<!tpu.dma_semaphore, #tpu.memory_space<semaphore_mem>>) {add = true}
          %dma_wait3A_192 = arith.constant 0 : i32
          %dma_wait3A_193 = tpu.memref_slice %arg7[%add3A_183, %dma_wait3A_192] : memref<40x128xi32, #tpu.memory_space<vmem>> -> memref<1x128xi32, #tpu.memory_space<vmem>>
          %dma_wait3A_194 = tpu.memref_squeeze %dma_wait3A_193 : memref<1x128xi32, #tpu.memory_space<vmem>> -> memref<128xi32, #tpu.memory_space<vmem>>
          %dma_wait3A_195 = arith.constant 0 : i32
          %dma_wait3A_196 = arith.constant 0 : i32
          %dma_wait3A_197 = tpu.memref_slice %arg10[%dma_wait3A_195, %dma_wait3A_196] : memref<10240x128xf32, #tpu.memory_space<vmem_shared>> -> memref<10240x128xf32, #tpu.memory_space<vmem_shared>>
          tpu.wait_indirect_dma semaphore(%run_scoped3A_185 : memref<!tpu.dma_semaphore, #tpu.memory_space<semaphore_mem>>) src(%arg9 : memref<128x128xf32, #tpu.memory_space<vmem>>) dst(%dma_wait3A_197 : memref<10240x128xf32, #tpu.memory_space<vmem_shared>>)
          tpu.yield
        }) : () -> ()
        %scan3A_184 = arith.constant 0 : i32
        scf.yield %scan3A_184 : i32
      }
      %scan3A_56 = arith.constant 19 : i32
      %dma_start3A_57 = arith.constant 39 : i32
      %dma_start3A_58 = arith.constant 0 : i32
      %dma_start3A_59 = tpu.memref_slice %arg6[%dma_start3A_57, %dma_start3A_58] : memref<40x128xi32, #tpu.memory_space<vmem>> -> memref<1x128xi32, #tpu.memory_space<vmem>>
      %dma_start3A_60 = tpu.memref_squeeze %dma_start3A_59 : memref<1x128xi32, #tpu.memory_space<vmem>> -> memref<128xi32, #tpu.memory_space<vmem>>
      %dma_start3A_61 = arith.constant 0 : i32
      %dma_start3A_62 = arith.constant 0 : i32
      %dma_start3A_63 = tpu.memref_slice %arg2[%dma_start3A_61, %dma_start3A_62] : memref<10016x128xf32, #tpu.memory_space<hbm>> -> memref<10016x128xf32, #tpu.memory_space<hbm>>
      tpu.enqueue_indirect_dma source(%dma_start3A_63 : memref<10016x128xf32, #tpu.memory_space<hbm>>) target(%arg9 : memref<128x128xf32, #tpu.memory_space<vmem>>) offsets(%dma_start3A_60 : memref<128xi32, #tpu.memory_space<vmem>>) semaphore(%arg12 : memref<!tpu.dma_semaphore, #tpu.memory_space<semaphore_mem>>)
      %dma_wait3A = arith.constant 0 : i32
      %dma_wait3A_64 = arith.constant 0 : i32
      %dma_wait3A_65 = tpu.memref_slice %arg2[%dma_wait3A, %dma_wait3A_64] : memref<10016x128xf32, #tpu.memory_space<hbm>> -> memref<128x128xf32, #tpu.memory_space<hbm>>
      %dma_wait3A_66 = arith.constant 0 : i32
      %dma_wait3A_67 = arith.constant 0 : i32
      %dma_wait3A_68 = tpu.memref_slice %arg2[%dma_wait3A_66, %dma_wait3A_67] : memref<10016x128xf32, #tpu.memory_space<hbm>> -> memref<128x128xf32, #tpu.memory_space<hbm>>
      tpu.wait_dma2 semaphore(%arg11 : memref<!tpu.dma_semaphore, #tpu.memory_space<semaphore_mem>>) src(%dma_wait3A_68 : memref<128x128xf32, #tpu.memory_space<hbm>>) dst(%arg8 : memref<128x128xf32, #tpu.memory_space<vmem>>)
      %run_scoped3A = arith.constant 38 : i32
      "tpu.region"() ({
        %run_scoped3A_150 = tpu.sem_alloc : memref<!tpu.dma_semaphore, #tpu.memory_space<semaphore_mem>>
        %dma_start3A_151 = arith.constant 0 : i32
        %dma_start3A_152 = tpu.memref_slice %arg7[%run_scoped3A, %dma_start3A_151] : memref<40x128xi32, #tpu.memory_space<vmem>> -> memref<1x128xi32, #tpu.memory_space<vmem>>
        %dma_start3A_153 = tpu.memref_squeeze %dma_start3A_152 : memref<1x128xi32, #tpu.memory_space<vmem>> -> memref<128xi32, #tpu.memory_space<vmem>>
        %dma_start3A_154 = arith.constant 0 : i32
        %dma_start3A_155 = arith.constant 0 : i32
        %dma_start3A_156 = tpu.memref_slice %arg10[%dma_start3A_154, %dma_start3A_155] : memref<10240x128xf32, #tpu.memory_space<vmem_shared>> -> memref<10240x128xf32, #tpu.memory_space<vmem_shared>>
        tpu.enqueue_indirect_dma source(%arg8 : memref<128x128xf32, #tpu.memory_space<vmem>>) target(%dma_start3A_156 : memref<10240x128xf32, #tpu.memory_space<vmem_shared>>) offsets(%dma_start3A_153 : memref<128xi32, #tpu.memory_space<vmem>>) semaphore(%run_scoped3A_150 : memref<!tpu.dma_semaphore, #tpu.memory_space<semaphore_mem>>) {add = true}
        %dma_wait3A_157 = arith.constant 0 : i32
        %dma_wait3A_158 = tpu.memref_slice %arg7[%run_scoped3A, %dma_wait3A_157] : memref<40x128xi32, #tpu.memory_space<vmem>> -> memref<1x128xi32, #tpu.memory_space<vmem>>
        %dma_wait3A_159 = tpu.memref_squeeze %dma_wait3A_158 : memref<1x128xi32, #tpu.memory_space<vmem>> -> memref<128xi32, #tpu.memory_space<vmem>>
        %dma_wait3A_160 = arith.constant 0 : i32
        %dma_wait3A_161 = arith.constant 0 : i32
        %dma_wait3A_162 = tpu.memref_slice %arg10[%dma_wait3A_160, %dma_wait3A_161] : memref<10240x128xf32, #tpu.memory_space<vmem_shared>> -> memref<10240x128xf32, #tpu.memory_space<vmem_shared>>
        tpu.wait_indirect_dma semaphore(%run_scoped3A_150 : memref<!tpu.dma_semaphore, #tpu.memory_space<semaphore_mem>>) src(%arg8 : memref<128x128xf32, #tpu.memory_space<vmem>>) dst(%dma_wait3A_162 : memref<10240x128xf32, #tpu.memory_space<vmem_shared>>)
        tpu.yield
      }) : () -> ()
      %dma_wait3A_69 = arith.constant 0 : i32
      %dma_wait3A_70 = arith.constant 0 : i32
      %dma_wait3A_71 = tpu.memref_slice %arg2[%dma_wait3A_69, %dma_wait3A_70] : memref<10016x128xf32, #tpu.memory_space<hbm>> -> memref<128x128xf32, #tpu.memory_space<hbm>>
      %dma_wait3A_72 = arith.constant 0 : i32
      %dma_wait3A_73 = arith.constant 0 : i32
      %dma_wait3A_74 = tpu.memref_slice %arg2[%dma_wait3A_72, %dma_wait3A_73] : memref<10016x128xf32, #tpu.memory_space<hbm>> -> memref<128x128xf32, #tpu.memory_space<hbm>>
      tpu.wait_dma2 semaphore(%arg12 : memref<!tpu.dma_semaphore, #tpu.memory_space<semaphore_mem>>) src(%dma_wait3A_74 : memref<128x128xf32, #tpu.memory_space<hbm>>) dst(%arg9 : memref<128x128xf32, #tpu.memory_space<vmem>>)
      %run_scoped3A_75 = arith.constant 39 : i32
      "tpu.region"() ({
        %run_scoped3A_150 = tpu.sem_alloc : memref<!tpu.dma_semaphore, #tpu.memory_space<semaphore_mem>>
        %dma_start3A_151 = arith.constant 0 : i32
        %dma_start3A_152 = tpu.memref_slice %arg7[%run_scoped3A_75, %dma_start3A_151] : memref<40x128xi32, #tpu.memory_space<vmem>> -> memref<1x128xi32, #tpu.memory_space<vmem>>
        %dma_start3A_153 = tpu.memref_squeeze %dma_start3A_152 : memref<1x128xi32, #tpu.memory_space<vmem>> -> memref<128xi32, #tpu.memory_space<vmem>>
        %dma_start3A_154 = arith.constant 0 : i32
        %dma_start3A_155 = arith.constant 0 : i32
        %dma_start3A_156 = tpu.memref_slice %arg10[%dma_start3A_154, %dma_start3A_155] : memref<10240x128xf32, #tpu.memory_space<vmem_shared>> -> memref<10240x128xf32, #tpu.memory_space<vmem_shared>>
        tpu.enqueue_indirect_dma source(%arg9 : memref<128x128xf32, #tpu.memory_space<vmem>>) target(%dma_start3A_156 : memref<10240x128xf32, #tpu.memory_space<vmem_shared>>) offsets(%dma_start3A_153 : memref<128xi32, #tpu.memory_space<vmem>>) semaphore(%run_scoped3A_150 : memref<!tpu.dma_semaphore, #tpu.memory_space<semaphore_mem>>) {add = true}
        %dma_wait3A_157 = arith.constant 0 : i32
        %dma_wait3A_158 = tpu.memref_slice %arg7[%run_scoped3A_75, %dma_wait3A_157] : memref<40x128xi32, #tpu.memory_space<vmem>> -> memref<1x128xi32, #tpu.memory_space<vmem>>
        %dma_wait3A_159 = tpu.memref_squeeze %dma_wait3A_158 : memref<1x128xi32, #tpu.memory_space<vmem>> -> memref<128xi32, #tpu.memory_space<vmem>>
        %dma_wait3A_160 = arith.constant 0 : i32
        %dma_wait3A_161 = arith.constant 0 : i32
        %dma_wait3A_162 = tpu.memref_slice %arg10[%dma_wait3A_160, %dma_wait3A_161] : memref<10240x128xf32, #tpu.memory_space<vmem_shared>> -> memref<10240x128xf32, #tpu.memory_space<vmem_shared>>
        tpu.wait_indirect_dma semaphore(%run_scoped3A_150 : memref<!tpu.dma_semaphore, #tpu.memory_space<semaphore_mem>>) src(%arg9 : memref<128x128xf32, #tpu.memory_space<vmem>>) dst(%dma_wait3A_162 : memref<10240x128xf32, #tpu.memory_space<vmem_shared>>)
        tpu.yield
      }) : () -> ()
      %add3A_76 = arith.constant 40 : i32
      %add3A_77 = arith.addi %mul3A_41, %add3A_76 : i32
      "tpu.region"() ({
        %run_scoped3A_150 = tpu.sem_alloc : memref<!tpu.dma_semaphore, #tpu.memory_space<semaphore_mem>>
        %dma_start3A_151 = arith.constant 0 : i32
        %dma_start3A_152 = arith.constant 0 : i32
        %dma_start3A_153 = tpu.memref_slice %arg6[%dma_start3A_151, %dma_start3A_152] : memref<40x128xi32, #tpu.memory_space<vmem>> -> memref<40x128xi32, #tpu.memory_space<vmem>>
        %dma_start3A_154 = arith.constant 0 : i32
        %dma_start3A_155 = tpu.memref_slice %arg3[%add3A_77, %dma_start3A_154] : memref<2560x128xi32, #tpu.memory_space<hbm>> -> memref<40x128xi32, #tpu.memory_space<hbm>>
        %dma_start3A_156 = arith.constant 0 : i32
        %dma_start3A_157 = arith.constant 0 : i32
        %dma_start3A_158 = tpu.memref_slice %arg6[%dma_start3A_156, %dma_start3A_157] : memref<40x128xi32, #tpu.memory_space<vmem>> -> memref<40x128xi32, #tpu.memory_space<vmem>>
        %dma_start3A_159 = arith.constant 0 : i32
        %dma_start3A_160 = tpu.memref_slice %arg3[%add3A_77, %dma_start3A_159] : memref<2560x128xi32, #tpu.memory_space<hbm>> -> memref<40x128xi32, #tpu.memory_space<hbm>>
        tpu.enqueue_dma source(%dma_start3A_160 : memref<40x128xi32, #tpu.memory_space<hbm>>) target(%dma_start3A_158 : memref<40x128xi32, #tpu.memory_space<vmem>>) target_semaphore(%run_scoped3A_150 : memref<!tpu.dma_semaphore, #tpu.memory_space<semaphore_mem>>)
        %dma_wait3A_161 = arith.constant 0 : i32
        %dma_wait3A_162 = arith.constant 0 : i32
        %dma_wait3A_163 = tpu.memref_slice %arg6[%dma_wait3A_161, %dma_wait3A_162] : memref<40x128xi32, #tpu.memory_space<vmem>> -> memref<40x128xi32, #tpu.memory_space<vmem>>
        %dma_wait3A_164 = arith.constant 0 : i32
        %dma_wait3A_165 = tpu.memref_slice %arg3[%add3A_77, %dma_wait3A_164] : memref<2560x128xi32, #tpu.memory_space<hbm>> -> memref<40x128xi32, #tpu.memory_space<hbm>>
        %dma_wait3A_166 = arith.constant 0 : i32
        %dma_wait3A_167 = arith.constant 0 : i32
        %dma_wait3A_168 = tpu.memref_slice %arg6[%dma_wait3A_166, %dma_wait3A_167] : memref<40x128xi32, #tpu.memory_space<vmem>> -> memref<40x128xi32, #tpu.memory_space<vmem>>
        %dma_wait3A_169 = arith.constant 0 : i32
        %dma_wait3A_170 = tpu.memref_slice %arg3[%add3A_77, %dma_wait3A_169] : memref<2560x128xi32, #tpu.memory_space<hbm>> -> memref<40x128xi32, #tpu.memory_space<hbm>>
        tpu.wait_dma2 semaphore(%run_scoped3A_150 : memref<!tpu.dma_semaphore, #tpu.memory_space<semaphore_mem>>) src(%dma_wait3A_170 : memref<40x128xi32, #tpu.memory_space<hbm>>) dst(%dma_wait3A_168 : memref<40x128xi32, #tpu.memory_space<vmem>>)
        tpu.yield
      }) : () -> ()
      "tpu.region"() ({
        %run_scoped3A_150 = tpu.sem_alloc : memref<!tpu.dma_semaphore, #tpu.memory_space<semaphore_mem>>
        %dma_start3A_151 = arith.constant 0 : i32
        %dma_start3A_152 = arith.constant 0 : i32
        %dma_start3A_153 = tpu.memref_slice %arg7[%dma_start3A_151, %dma_start3A_152] : memref<40x128xi32, #tpu.memory_space<vmem>> -> memref<40x128xi32, #tpu.memory_space<vmem>>
        %dma_start3A_154 = arith.constant 0 : i32
        %dma_start3A_155 = tpu.memref_slice %arg4[%add3A_77, %dma_start3A_154] : memref<2560x128xi32, #tpu.memory_space<hbm>> -> memref<40x128xi32, #tpu.memory_space<hbm>>
        %dma_start3A_156 = arith.constant 0 : i32
        %dma_start3A_157 = arith.constant 0 : i32
        %dma_start3A_158 = tpu.memref_slice %arg7[%dma_start3A_156, %dma_start3A_157] : memref<40x128xi32, #tpu.memory_space<vmem>> -> memref<40x128xi32, #tpu.memory_space<vmem>>
        %dma_start3A_159 = arith.constant 0 : i32
        %dma_start3A_160 = tpu.memref_slice %arg4[%add3A_77, %dma_start3A_159] : memref<2560x128xi32, #tpu.memory_space<hbm>> -> memref<40x128xi32, #tpu.memory_space<hbm>>
        tpu.enqueue_dma source(%dma_start3A_160 : memref<40x128xi32, #tpu.memory_space<hbm>>) target(%dma_start3A_158 : memref<40x128xi32, #tpu.memory_space<vmem>>) target_semaphore(%run_scoped3A_150 : memref<!tpu.dma_semaphore, #tpu.memory_space<semaphore_mem>>)
        %dma_wait3A_161 = arith.constant 0 : i32
        %dma_wait3A_162 = arith.constant 0 : i32
        %dma_wait3A_163 = tpu.memref_slice %arg7[%dma_wait3A_161, %dma_wait3A_162] : memref<40x128xi32, #tpu.memory_space<vmem>> -> memref<40x128xi32, #tpu.memory_space<vmem>>
        %dma_wait3A_164 = arith.constant 0 : i32
        %dma_wait3A_165 = tpu.memref_slice %arg4[%add3A_77, %dma_wait3A_164] : memref<2560x128xi32, #tpu.memory_space<hbm>> -> memref<40x128xi32, #tpu.memory_space<hbm>>
        %dma_wait3A_166 = arith.constant 0 : i32
        %dma_wait3A_167 = arith.constant 0 : i32
        %dma_wait3A_168 = tpu.memref_slice %arg7[%dma_wait3A_166, %dma_wait3A_167] : memref<40x128xi32, #tpu.memory_space<vmem>> -> memref<40x128xi32, #tpu.memory_space<vmem>>
        %dma_wait3A_169 = arith.constant 0 : i32
        %dma_wait3A_170 = tpu.memref_slice %arg4[%add3A_77, %dma_wait3A_169] : memref<2560x128xi32, #tpu.memory_space<hbm>> -> memref<40x128xi32, #tpu.memory_space<hbm>>
        tpu.wait_dma2 semaphore(%run_scoped3A_150 : memref<!tpu.dma_semaphore, #tpu.memory_space<semaphore_mem>>) src(%dma_wait3A_170 : memref<40x128xi32, #tpu.memory_space<hbm>>) dst(%dma_wait3A_168 : memref<40x128xi32, #tpu.memory_space<vmem>>)
        tpu.yield
      }) : () -> ()
      %dma_start3A_78 = arith.constant 0 : i32
      %dma_start3A_79 = arith.constant 0 : i32
      %dma_start3A_80 = tpu.memref_slice %arg6[%dma_start3A_78, %dma_start3A_79] : memref<40x128xi32, #tpu.memory_space<vmem>> -> memref<1x128xi32, #tpu.memory_space<vmem>>
      %dma_start3A_81 = tpu.memref_squeeze %dma_start3A_80 : memref<1x128xi32, #tpu.memory_space<vmem>> -> memref<128xi32, #tpu.memory_space<vmem>>
      %dma_start3A_82 = arith.constant 0 : i32
      %dma_start3A_83 = arith.constant 0 : i32
      %dma_start3A_84 = tpu.memref_slice %arg2[%dma_start3A_82, %dma_start3A_83] : memref<10016x128xf32, #tpu.memory_space<hbm>> -> memref<10016x128xf32, #tpu.memory_space<hbm>>
      tpu.enqueue_indirect_dma source(%dma_start3A_84 : memref<10016x128xf32, #tpu.memory_space<hbm>>) target(%arg8 : memref<128x128xf32, #tpu.memory_space<vmem>>) offsets(%dma_start3A_81 : memref<128xi32, #tpu.memory_space<vmem>>) semaphore(%arg11 : memref<!tpu.dma_semaphore, #tpu.memory_space<semaphore_mem>>)
      %scan3A_85 = arith.constant 0 : i32
      %scan3A_86 = arith.constant 0 : i32
      %scan3A_87 = arith.constant 19 : i32
      %scan3A_88 = arith.addi %scan3A_86, %scan3A_87 : i32
      %scan3A_89 = arith.constant 1 : i32
      %scan3A_90 = scf.for %scan3A_150 = %scan3A_86 to %scan3A_88 step %scan3A_89 iter_args(%scan3A_151 = %scan3A_85) -> (i32)  : i32 {
        %mul3A_152 = arith.constant 2 : i32
        %mul3A_153 = arith.muli %mul3A_152, %scan3A_150 : i32
        %add3A_154 = arith.constant 1 : i32
        %add3A_155 = arith.addi %mul3A_153, %add3A_154 : i32
        %dma_start3A_156 = arith.constant 0 : i32
        %dma_start3A_157 = tpu.memref_slice %arg6[%add3A_155, %dma_start3A_156] : memref<40x128xi32, #tpu.memory_space<vmem>> -> memref<1x128xi32, #tpu.memory_space<vmem>>
        %dma_start3A_158 = tpu.memref_squeeze %dma_start3A_157 : memref<1x128xi32, #tpu.memory_space<vmem>> -> memref<128xi32, #tpu.memory_space<vmem>>
        %dma_start3A_159 = arith.constant 0 : i32
        %dma_start3A_160 = arith.constant 0 : i32
        %dma_start3A_161 = tpu.memref_slice %arg2[%dma_start3A_159, %dma_start3A_160] : memref<10016x128xf32, #tpu.memory_space<hbm>> -> memref<10016x128xf32, #tpu.memory_space<hbm>>
        tpu.enqueue_indirect_dma source(%dma_start3A_161 : memref<10016x128xf32, #tpu.memory_space<hbm>>) target(%arg9 : memref<128x128xf32, #tpu.memory_space<vmem>>) offsets(%dma_start3A_158 : memref<128xi32, #tpu.memory_space<vmem>>) semaphore(%arg12 : memref<!tpu.dma_semaphore, #tpu.memory_space<semaphore_mem>>)
        %dma_wait3A_162 = arith.constant 0 : i32
        %dma_wait3A_163 = arith.constant 0 : i32
        %dma_wait3A_164 = tpu.memref_slice %arg2[%dma_wait3A_162, %dma_wait3A_163] : memref<10016x128xf32, #tpu.memory_space<hbm>> -> memref<128x128xf32, #tpu.memory_space<hbm>>
        %dma_wait3A_165 = arith.constant 0 : i32
        %dma_wait3A_166 = arith.constant 0 : i32
        %dma_wait3A_167 = tpu.memref_slice %arg2[%dma_wait3A_165, %dma_wait3A_166] : memref<10016x128xf32, #tpu.memory_space<hbm>> -> memref<128x128xf32, #tpu.memory_space<hbm>>
        tpu.wait_dma2 semaphore(%arg11 : memref<!tpu.dma_semaphore, #tpu.memory_space<semaphore_mem>>) src(%dma_wait3A_167 : memref<128x128xf32, #tpu.memory_space<hbm>>) dst(%arg8 : memref<128x128xf32, #tpu.memory_space<vmem>>)
        "tpu.region"() ({
          %run_scoped3A_185 = tpu.sem_alloc : memref<!tpu.dma_semaphore, #tpu.memory_space<semaphore_mem>>
          %dma_start3A_186 = arith.constant 0 : i32
          %dma_start3A_187 = tpu.memref_slice %arg7[%mul3A_153, %dma_start3A_186] : memref<40x128xi32, #tpu.memory_space<vmem>> -> memref<1x128xi32, #tpu.memory_space<vmem>>
          %dma_start3A_188 = tpu.memref_squeeze %dma_start3A_187 : memref<1x128xi32, #tpu.memory_space<vmem>> -> memref<128xi32, #tpu.memory_space<vmem>>
          %dma_start3A_189 = arith.constant 0 : i32
          %dma_start3A_190 = arith.constant 0 : i32
          %dma_start3A_191 = tpu.memref_slice %arg10[%dma_start3A_189, %dma_start3A_190] : memref<10240x128xf32, #tpu.memory_space<vmem_shared>> -> memref<10240x128xf32, #tpu.memory_space<vmem_shared>>
          tpu.enqueue_indirect_dma source(%arg8 : memref<128x128xf32, #tpu.memory_space<vmem>>) target(%dma_start3A_191 : memref<10240x128xf32, #tpu.memory_space<vmem_shared>>) offsets(%dma_start3A_188 : memref<128xi32, #tpu.memory_space<vmem>>) semaphore(%run_scoped3A_185 : memref<!tpu.dma_semaphore, #tpu.memory_space<semaphore_mem>>) {add = true}
          %dma_wait3A_192 = arith.constant 0 : i32
          %dma_wait3A_193 = tpu.memref_slice %arg7[%mul3A_153, %dma_wait3A_192] : memref<40x128xi32, #tpu.memory_space<vmem>> -> memref<1x128xi32, #tpu.memory_space<vmem>>
          %dma_wait3A_194 = tpu.memref_squeeze %dma_wait3A_193 : memref<1x128xi32, #tpu.memory_space<vmem>> -> memref<128xi32, #tpu.memory_space<vmem>>
          %dma_wait3A_195 = arith.constant 0 : i32
          %dma_wait3A_196 = arith.constant 0 : i32
          %dma_wait3A_197 = tpu.memref_slice %arg10[%dma_wait3A_195, %dma_wait3A_196] : memref<10240x128xf32, #tpu.memory_space<vmem_shared>> -> memref<10240x128xf32, #tpu.memory_space<vmem_shared>>
          tpu.wait_indirect_dma semaphore(%run_scoped3A_185 : memref<!tpu.dma_semaphore, #tpu.memory_space<semaphore_mem>>) src(%arg8 : memref<128x128xf32, #tpu.memory_space<vmem>>) dst(%dma_wait3A_197 : memref<10240x128xf32, #tpu.memory_space<vmem_shared>>)
          tpu.yield
        }) : () -> ()
        %add3A_168 = arith.constant 2 : i32
        %add3A_169 = arith.addi %mul3A_153, %add3A_168 : i32
        %dma_start3A_170 = arith.constant 0 : i32
        %dma_start3A_171 = tpu.memref_slice %arg6[%add3A_169, %dma_start3A_170] : memref<40x128xi32, #tpu.memory_space<vmem>> -> memref<1x128xi32, #tpu.memory_space<vmem>>
        %dma_start3A_172 = tpu.memref_squeeze %dma_start3A_171 : memref<1x128xi32, #tpu.memory_space<vmem>> -> memref<128xi32, #tpu.memory_space<vmem>>
        %dma_start3A_173 = arith.constant 0 : i32
        %dma_start3A_174 = arith.constant 0 : i32
        %dma_start3A_175 = tpu.memref_slice %arg2[%dma_start3A_173, %dma_start3A_174] : memref<10016x128xf32, #tpu.memory_space<hbm>> -> memref<10016x128xf32, #tpu.memory_space<hbm>>
        tpu.enqueue_indirect_dma source(%dma_start3A_175 : memref<10016x128xf32, #tpu.memory_space<hbm>>) target(%arg8 : memref<128x128xf32, #tpu.memory_space<vmem>>) offsets(%dma_start3A_172 : memref<128xi32, #tpu.memory_space<vmem>>) semaphore(%arg11 : memref<!tpu.dma_semaphore, #tpu.memory_space<semaphore_mem>>)
        %dma_wait3A_176 = arith.constant 0 : i32
        %dma_wait3A_177 = arith.constant 0 : i32
        %dma_wait3A_178 = tpu.memref_slice %arg2[%dma_wait3A_176, %dma_wait3A_177] : memref<10016x128xf32, #tpu.memory_space<hbm>> -> memref<128x128xf32, #tpu.memory_space<hbm>>
        %dma_wait3A_179 = arith.constant 0 : i32
        %dma_wait3A_180 = arith.constant 0 : i32
        %dma_wait3A_181 = tpu.memref_slice %arg2[%dma_wait3A_179, %dma_wait3A_180] : memref<10016x128xf32, #tpu.memory_space<hbm>> -> memref<128x128xf32, #tpu.memory_space<hbm>>
        tpu.wait_dma2 semaphore(%arg12 : memref<!tpu.dma_semaphore, #tpu.memory_space<semaphore_mem>>) src(%dma_wait3A_181 : memref<128x128xf32, #tpu.memory_space<hbm>>) dst(%arg9 : memref<128x128xf32, #tpu.memory_space<vmem>>)
        %add3A_182 = arith.constant 1 : i32
        %add3A_183 = arith.addi %mul3A_153, %add3A_182 : i32
        "tpu.region"() ({
          %run_scoped3A_185 = tpu.sem_alloc : memref<!tpu.dma_semaphore, #tpu.memory_space<semaphore_mem>>
          %dma_start3A_186 = arith.constant 0 : i32
          %dma_start3A_187 = tpu.memref_slice %arg7[%add3A_183, %dma_start3A_186] : memref<40x128xi32, #tpu.memory_space<vmem>> -> memref<1x128xi32, #tpu.memory_space<vmem>>
          %dma_start3A_188 = tpu.memref_squeeze %dma_start3A_187 : memref<1x128xi32, #tpu.memory_space<vmem>> -> memref<128xi32, #tpu.memory_space<vmem>>
          %dma_start3A_189 = arith.constant 0 : i32
          %dma_start3A_190 = arith.constant 0 : i32
          %dma_start3A_191 = tpu.memref_slice %arg10[%dma_start3A_189, %dma_start3A_190] : memref<10240x128xf32, #tpu.memory_space<vmem_shared>> -> memref<10240x128xf32, #tpu.memory_space<vmem_shared>>
          tpu.enqueue_indirect_dma source(%arg9 : memref<128x128xf32, #tpu.memory_space<vmem>>) target(%dma_start3A_191 : memref<10240x128xf32, #tpu.memory_space<vmem_shared>>) offsets(%dma_start3A_188 : memref<128xi32, #tpu.memory_space<vmem>>) semaphore(%run_scoped3A_185 : memref<!tpu.dma_semaphore, #tpu.memory_space<semaphore_mem>>) {add = true}
          %dma_wait3A_192 = arith.constant 0 : i32
          %dma_wait3A_193 = tpu.memref_slice %arg7[%add3A_183, %dma_wait3A_192] : memref<40x128xi32, #tpu.memory_space<vmem>> -> memref<1x128xi32, #tpu.memory_space<vmem>>
          %dma_wait3A_194 = tpu.memref_squeeze %dma_wait3A_193 : memref<1x128xi32, #tpu.memory_space<vmem>> -> memref<128xi32, #tpu.memory_space<vmem>>
          %dma_wait3A_195 = arith.constant 0 : i32
          %dma_wait3A_196 = arith.constant 0 : i32
          %dma_wait3A_197 = tpu.memref_slice %arg10[%dma_wait3A_195, %dma_wait3A_196] : memref<10240x128xf32, #tpu.memory_space<vmem_shared>> -> memref<10240x128xf32, #tpu.memory_space<vmem_shared>>
          tpu.wait_indirect_dma semaphore(%run_scoped3A_185 : memref<!tpu.dma_semaphore, #tpu.memory_space<semaphore_mem>>) src(%arg9 : memref<128x128xf32, #tpu.memory_space<vmem>>) dst(%dma_wait3A_197 : memref<10240x128xf32, #tpu.memory_space<vmem_shared>>)
          tpu.yield
        }) : () -> ()
        %scan3A_184 = arith.constant 0 : i32
        scf.yield %scan3A_184 : i32
      }
      %scan3A_91 = arith.constant 19 : i32
      %dma_start3A_92 = arith.constant 39 : i32
      %dma_start3A_93 = arith.constant 0 : i32
      %dma_start3A_94 = tpu.memref_slice %arg6[%dma_start3A_92, %dma_start3A_93] : memref<40x128xi32, #tpu.memory_space<vmem>> -> memref<1x128xi32, #tpu.memory_space<vmem>>
      %dma_start3A_95 = tpu.memref_squeeze %dma_start3A_94 : memref<1x128xi32, #tpu.memory_space<vmem>> -> memref<128xi32, #tpu.memory_space<vmem>>
      %dma_start3A_96 = arith.constant 0 : i32
      %dma_start3A_97 = arith.constant 0 : i32
      %dma_start3A_98 = tpu.memref_slice %arg2[%dma_start3A_96, %dma_start3A_97] : memref<10016x128xf32, #tpu.memory_space<hbm>> -> memref<10016x128xf32, #tpu.memory_space<hbm>>
      tpu.enqueue_indirect_dma source(%dma_start3A_98 : memref<10016x128xf32, #tpu.memory_space<hbm>>) target(%arg9 : memref<128x128xf32, #tpu.memory_space<vmem>>) offsets(%dma_start3A_95 : memref<128xi32, #tpu.memory_space<vmem>>) semaphore(%arg12 : memref<!tpu.dma_semaphore, #tpu.memory_space<semaphore_mem>>)
      %dma_wait3A_99 = arith.constant 0 : i32
      %dma_wait3A_100 = arith.constant 0 : i32
      %dma_wait3A_101 = tpu.memref_slice %arg2[%dma_wait3A_99, %dma_wait3A_100] : memref<10016x128xf32, #tpu.memory_space<hbm>> -> memref<128x128xf32, #tpu.memory_space<hbm>>
      %dma_wait3A_102 = arith.constant 0 : i32
      %dma_wait3A_103 = arith.constant 0 : i32
      %dma_wait3A_104 = tpu.memref_slice %arg2[%dma_wait3A_102, %dma_wait3A_103] : memref<10016x128xf32, #tpu.memory_space<hbm>> -> memref<128x128xf32, #tpu.memory_space<hbm>>
      tpu.wait_dma2 semaphore(%arg11 : memref<!tpu.dma_semaphore, #tpu.memory_space<semaphore_mem>>) src(%dma_wait3A_104 : memref<128x128xf32, #tpu.memory_space<hbm>>) dst(%arg8 : memref<128x128xf32, #tpu.memory_space<vmem>>)
      %run_scoped3A_105 = arith.constant 38 : i32
      "tpu.region"() ({
        %run_scoped3A_150 = tpu.sem_alloc : memref<!tpu.dma_semaphore, #tpu.memory_space<semaphore_mem>>
        %dma_start3A_151 = arith.constant 0 : i32
        %dma_start3A_152 = tpu.memref_slice %arg7[%run_scoped3A_105, %dma_start3A_151] : memref<40x128xi32, #tpu.memory_space<vmem>> -> memref<1x128xi32, #tpu.memory_space<vmem>>
        %dma_start3A_153 = tpu.memref_squeeze %dma_start3A_152 : memref<1x128xi32, #tpu.memory_space<vmem>> -> memref<128xi32, #tpu.memory_space<vmem>>
        %dma_start3A_154 = arith.constant 0 : i32
        %dma_start3A_155 = arith.constant 0 : i32
        %dma_start3A_156 = tpu.memref_slice %arg10[%dma_start3A_154, %dma_start3A_155] : memref<10240x128xf32, #tpu.memory_space<vmem_shared>> -> memref<10240x128xf32, #tpu.memory_space<vmem_shared>>
        tpu.enqueue_indirect_dma source(%arg8 : memref<128x128xf32, #tpu.memory_space<vmem>>) target(%dma_start3A_156 : memref<10240x128xf32, #tpu.memory_space<vmem_shared>>) offsets(%dma_start3A_153 : memref<128xi32, #tpu.memory_space<vmem>>) semaphore(%run_scoped3A_150 : memref<!tpu.dma_semaphore, #tpu.memory_space<semaphore_mem>>) {add = true}
        %dma_wait3A_157 = arith.constant 0 : i32
        %dma_wait3A_158 = tpu.memref_slice %arg7[%run_scoped3A_105, %dma_wait3A_157] : memref<40x128xi32, #tpu.memory_space<vmem>> -> memref<1x128xi32, #tpu.memory_space<vmem>>
        %dma_wait3A_159 = tpu.memref_squeeze %dma_wait3A_158 : memref<1x128xi32, #tpu.memory_space<vmem>> -> memref<128xi32, #tpu.memory_space<vmem>>
        %dma_wait3A_160 = arith.constant 0 : i32
        %dma_wait3A_161 = arith.constant 0 : i32
        %dma_wait3A_162 = tpu.memref_slice %arg10[%dma_wait3A_160, %dma_wait3A_161] : memref<10240x128xf32, #tpu.memory_space<vmem_shared>> -> memref<10240x128xf32, #tpu.memory_space<vmem_shared>>
        tpu.wait_indirect_dma semaphore(%run_scoped3A_150 : memref<!tpu.dma_semaphore, #tpu.memory_space<semaphore_mem>>) src(%arg8 : memref<128x128xf32, #tpu.memory_space<vmem>>) dst(%dma_wait3A_162 : memref<10240x128xf32, #tpu.memory_space<vmem_shared>>)
        tpu.yield
      }) : () -> ()
      %dma_wait3A_106 = arith.constant 0 : i32
      %dma_wait3A_107 = arith.constant 0 : i32
      %dma_wait3A_108 = tpu.memref_slice %arg2[%dma_wait3A_106, %dma_wait3A_107] : memref<10016x128xf32, #tpu.memory_space<hbm>> -> memref<128x128xf32, #tpu.memory_space<hbm>>
      %dma_wait3A_109 = arith.constant 0 : i32
      %dma_wait3A_110 = arith.constant 0 : i32
      %dma_wait3A_111 = tpu.memref_slice %arg2[%dma_wait3A_109, %dma_wait3A_110] : memref<10016x128xf32, #tpu.memory_space<hbm>> -> memref<128x128xf32, #tpu.memory_space<hbm>>
      tpu.wait_dma2 semaphore(%arg12 : memref<!tpu.dma_semaphore, #tpu.memory_space<semaphore_mem>>) src(%dma_wait3A_111 : memref<128x128xf32, #tpu.memory_space<hbm>>) dst(%arg9 : memref<128x128xf32, #tpu.memory_space<vmem>>)
      %run_scoped3A_112 = arith.constant 39 : i32
      "tpu.region"() ({
        %run_scoped3A_150 = tpu.sem_alloc : memref<!tpu.dma_semaphore, #tpu.memory_space<semaphore_mem>>
        %dma_start3A_151 = arith.constant 0 : i32
        %dma_start3A_152 = tpu.memref_slice %arg7[%run_scoped3A_112, %dma_start3A_151] : memref<40x128xi32, #tpu.memory_space<vmem>> -> memref<1x128xi32, #tpu.memory_space<vmem>>
        %dma_start3A_153 = tpu.memref_squeeze %dma_start3A_152 : memref<1x128xi32, #tpu.memory_space<vmem>> -> memref<128xi32, #tpu.memory_space<vmem>>
        %dma_start3A_154 = arith.constant 0 : i32
        %dma_start3A_155 = arith.constant 0 : i32
        %dma_start3A_156 = tpu.memref_slice %arg10[%dma_start3A_154, %dma_start3A_155] : memref<10240x128xf32, #tpu.memory_space<vmem_shared>> -> memref<10240x128xf32, #tpu.memory_space<vmem_shared>>
        tpu.enqueue_indirect_dma source(%arg9 : memref<128x128xf32, #tpu.memory_space<vmem>>) target(%dma_start3A_156 : memref<10240x128xf32, #tpu.memory_space<vmem_shared>>) offsets(%dma_start3A_153 : memref<128xi32, #tpu.memory_space<vmem>>) semaphore(%run_scoped3A_150 : memref<!tpu.dma_semaphore, #tpu.memory_space<semaphore_mem>>) {add = true}
        %dma_wait3A_157 = arith.constant 0 : i32
        %dma_wait3A_158 = tpu.memref_slice %arg7[%run_scoped3A_112, %dma_wait3A_157] : memref<40x128xi32, #tpu.memory_space<vmem>> -> memref<1x128xi32, #tpu.memory_space<vmem>>
        %dma_wait3A_159 = tpu.memref_squeeze %dma_wait3A_158 : memref<1x128xi32, #tpu.memory_space<vmem>> -> memref<128xi32, #tpu.memory_space<vmem>>
        %dma_wait3A_160 = arith.constant 0 : i32
        %dma_wait3A_161 = arith.constant 0 : i32
        %dma_wait3A_162 = tpu.memref_slice %arg10[%dma_wait3A_160, %dma_wait3A_161] : memref<10240x128xf32, #tpu.memory_space<vmem_shared>> -> memref<10240x128xf32, #tpu.memory_space<vmem_shared>>
        tpu.wait_indirect_dma semaphore(%run_scoped3A_150 : memref<!tpu.dma_semaphore, #tpu.memory_space<semaphore_mem>>) src(%arg9 : memref<128x128xf32, #tpu.memory_space<vmem>>) dst(%dma_wait3A_162 : memref<10240x128xf32, #tpu.memory_space<vmem_shared>>)
        tpu.yield
      }) : () -> ()
      %add3A_113 = arith.constant 80 : i32
      %add3A_114 = arith.addi %mul3A_41, %add3A_113 : i32
      "tpu.region"() ({
        %run_scoped3A_150 = tpu.sem_alloc : memref<!tpu.dma_semaphore, #tpu.memory_space<semaphore_mem>>
        %dma_start3A_151 = arith.constant 0 : i32
        %dma_start3A_152 = arith.constant 0 : i32
        %dma_start3A_153 = tpu.memref_slice %arg6[%dma_start3A_151, %dma_start3A_152] : memref<40x128xi32, #tpu.memory_space<vmem>> -> memref<32x128xi32, #tpu.memory_space<vmem>>
        %dma_start3A_154 = arith.constant 0 : i32
        %dma_start3A_155 = tpu.memref_slice %arg3[%add3A_114, %dma_start3A_154] : memref<2560x128xi32, #tpu.memory_space<hbm>> -> memref<32x128xi32, #tpu.memory_space<hbm>>
        %dma_start3A_156 = arith.constant 0 : i32
        %dma_start3A_157 = arith.constant 0 : i32
        %dma_start3A_158 = tpu.memref_slice %arg6[%dma_start3A_156, %dma_start3A_157] : memref<40x128xi32, #tpu.memory_space<vmem>> -> memref<32x128xi32, #tpu.memory_space<vmem>>
        %dma_start3A_159 = arith.constant 0 : i32
        %dma_start3A_160 = tpu.memref_slice %arg3[%add3A_114, %dma_start3A_159] : memref<2560x128xi32, #tpu.memory_space<hbm>> -> memref<32x128xi32, #tpu.memory_space<hbm>>
        tpu.enqueue_dma source(%dma_start3A_160 : memref<32x128xi32, #tpu.memory_space<hbm>>) target(%dma_start3A_158 : memref<32x128xi32, #tpu.memory_space<vmem>>) target_semaphore(%run_scoped3A_150 : memref<!tpu.dma_semaphore, #tpu.memory_space<semaphore_mem>>)
        %dma_wait3A_161 = arith.constant 0 : i32
        %dma_wait3A_162 = arith.constant 0 : i32
        %dma_wait3A_163 = tpu.memref_slice %arg6[%dma_wait3A_161, %dma_wait3A_162] : memref<40x128xi32, #tpu.memory_space<vmem>> -> memref<32x128xi32, #tpu.memory_space<vmem>>
        %dma_wait3A_164 = arith.constant 0 : i32
        %dma_wait3A_165 = tpu.memref_slice %arg3[%add3A_114, %dma_wait3A_164] : memref<2560x128xi32, #tpu.memory_space<hbm>> -> memref<32x128xi32, #tpu.memory_space<hbm>>
        %dma_wait3A_166 = arith.constant 0 : i32
        %dma_wait3A_167 = arith.constant 0 : i32
        %dma_wait3A_168 = tpu.memref_slice %arg6[%dma_wait3A_166, %dma_wait3A_167] : memref<40x128xi32, #tpu.memory_space<vmem>> -> memref<32x128xi32, #tpu.memory_space<vmem>>
        %dma_wait3A_169 = arith.constant 0 : i32
        %dma_wait3A_170 = tpu.memref_slice %arg3[%add3A_114, %dma_wait3A_169] : memref<2560x128xi32, #tpu.memory_space<hbm>> -> memref<32x128xi32, #tpu.memory_space<hbm>>
        tpu.wait_dma2 semaphore(%run_scoped3A_150 : memref<!tpu.dma_semaphore, #tpu.memory_space<semaphore_mem>>) src(%dma_wait3A_170 : memref<32x128xi32, #tpu.memory_space<hbm>>) dst(%dma_wait3A_168 : memref<32x128xi32, #tpu.memory_space<vmem>>)
        tpu.yield
      }) : () -> ()
      "tpu.region"() ({
        %run_scoped3A_150 = tpu.sem_alloc : memref<!tpu.dma_semaphore, #tpu.memory_space<semaphore_mem>>
        %dma_start3A_151 = arith.constant 0 : i32
        %dma_start3A_152 = arith.constant 0 : i32
        %dma_start3A_153 = tpu.memref_slice %arg7[%dma_start3A_151, %dma_start3A_152] : memref<40x128xi32, #tpu.memory_space<vmem>> -> memref<32x128xi32, #tpu.memory_space<vmem>>
        %dma_start3A_154 = arith.constant 0 : i32
        %dma_start3A_155 = tpu.memref_slice %arg4[%add3A_114, %dma_start3A_154] : memref<2560x128xi32, #tpu.memory_space<hbm>> -> memref<32x128xi32, #tpu.memory_space<hbm>>
        %dma_start3A_156 = arith.constant 0 : i32
        %dma_start3A_157 = arith.constant 0 : i32
        %dma_start3A_158 = tpu.memref_slice %arg7[%dma_start3A_156, %dma_start3A_157] : memref<40x128xi32, #tpu.memory_space<vmem>> -> memref<32x128xi32, #tpu.memory_space<vmem>>
        %dma_start3A_159 = arith.constant 0 : i32
        %dma_start3A_160 = tpu.memref_slice %arg4[%add3A_114, %dma_start3A_159] : memref<2560x128xi32, #tpu.memory_space<hbm>> -> memref<32x128xi32, #tpu.memory_space<hbm>>
        tpu.enqueue_dma source(%dma_start3A_160 : memref<32x128xi32, #tpu.memory_space<hbm>>) target(%dma_start3A_158 : memref<32x128xi32, #tpu.memory_space<vmem>>) target_semaphore(%run_scoped3A_150 : memref<!tpu.dma_semaphore, #tpu.memory_space<semaphore_mem>>)
        %dma_wait3A_161 = arith.constant 0 : i32
        %dma_wait3A_162 = arith.constant 0 : i32
        %dma_wait3A_163 = tpu.memref_slice %arg7[%dma_wait3A_161, %dma_wait3A_162] : memref<40x128xi32, #tpu.memory_space<vmem>> -> memref<32x128xi32, #tpu.memory_space<vmem>>
        %dma_wait3A_164 = arith.constant 0 : i32
        %dma_wait3A_165 = tpu.memref_slice %arg4[%add3A_114, %dma_wait3A_164] : memref<2560x128xi32, #tpu.memory_space<hbm>> -> memref<32x128xi32, #tpu.memory_space<hbm>>
        %dma_wait3A_166 = arith.constant 0 : i32
        %dma_wait3A_167 = arith.constant 0 : i32
        %dma_wait3A_168 = tpu.memref_slice %arg7[%dma_wait3A_166, %dma_wait3A_167] : memref<40x128xi32, #tpu.memory_space<vmem>> -> memref<32x128xi32, #tpu.memory_space<vmem>>
        %dma_wait3A_169 = arith.constant 0 : i32
        %dma_wait3A_170 = tpu.memref_slice %arg4[%add3A_114, %dma_wait3A_169] : memref<2560x128xi32, #tpu.memory_space<hbm>> -> memref<32x128xi32, #tpu.memory_space<hbm>>
        tpu.wait_dma2 semaphore(%run_scoped3A_150 : memref<!tpu.dma_semaphore, #tpu.memory_space<semaphore_mem>>) src(%dma_wait3A_170 : memref<32x128xi32, #tpu.memory_space<hbm>>) dst(%dma_wait3A_168 : memref<32x128xi32, #tpu.memory_space<vmem>>)
        tpu.yield
      }) : () -> ()
      %dma_start3A_115 = arith.constant 0 : i32
      %dma_start3A_116 = arith.constant 0 : i32
      %dma_start3A_117 = tpu.memref_slice %arg6[%dma_start3A_115, %dma_start3A_116] : memref<40x128xi32, #tpu.memory_space<vmem>> -> memref<1x128xi32, #tpu.memory_space<vmem>>
      %dma_start3A_118 = tpu.memref_squeeze %dma_start3A_117 : memref<1x128xi32, #tpu.memory_space<vmem>> -> memref<128xi32, #tpu.memory_space<vmem>>
      %dma_start3A_119 = arith.constant 0 : i32
      %dma_start3A_120 = arith.constant 0 : i32
      %dma_start3A_121 = tpu.memref_slice %arg2[%dma_start3A_119, %dma_start3A_120] : memref<10016x128xf32, #tpu.memory_space<hbm>> -> memref<10016x128xf32, #tpu.memory_space<hbm>>
      tpu.enqueue_indirect_dma source(%dma_start3A_121 : memref<10016x128xf32, #tpu.memory_space<hbm>>) target(%arg8 : memref<128x128xf32, #tpu.memory_space<vmem>>) offsets(%dma_start3A_118 : memref<128xi32, #tpu.memory_space<vmem>>) semaphore(%arg11 : memref<!tpu.dma_semaphore, #tpu.memory_space<semaphore_mem>>)
      %scan3A_122 = arith.constant 0 : i32
      %scan3A_123 = arith.constant 0 : i32
      %scan3A_124 = arith.constant 15 : i32
      %scan3A_125 = arith.addi %scan3A_123, %scan3A_124 : i32
      %scan3A_126 = arith.constant 1 : i32
      %scan3A_127 = scf.for %scan3A_150 = %scan3A_123 to %scan3A_125 step %scan3A_126 iter_args(%scan3A_151 = %scan3A_122) -> (i32)  : i32 {
        %mul3A_152 = arith.constant 2 : i32
        %mul3A_153 = arith.muli %mul3A_152, %scan3A_150 : i32
        %add3A_154 = arith.constant 1 : i32
        %add3A_155 = arith.addi %mul3A_153, %add3A_154 : i32
        %dma_start3A_156 = arith.constant 0 : i32
        %dma_start3A_157 = tpu.memref_slice %arg6[%add3A_155, %dma_start3A_156] : memref<40x128xi32, #tpu.memory_space<vmem>> -> memref<1x128xi32, #tpu.memory_space<vmem>>
        %dma_start3A_158 = tpu.memref_squeeze %dma_start3A_157 : memref<1x128xi32, #tpu.memory_space<vmem>> -> memref<128xi32, #tpu.memory_space<vmem>>
        %dma_start3A_159 = arith.constant 0 : i32
        %dma_start3A_160 = arith.constant 0 : i32
        %dma_start3A_161 = tpu.memref_slice %arg2[%dma_start3A_159, %dma_start3A_160] : memref<10016x128xf32, #tpu.memory_space<hbm>> -> memref<10016x128xf32, #tpu.memory_space<hbm>>
        tpu.enqueue_indirect_dma source(%dma_start3A_161 : memref<10016x128xf32, #tpu.memory_space<hbm>>) target(%arg9 : memref<128x128xf32, #tpu.memory_space<vmem>>) offsets(%dma_start3A_158 : memref<128xi32, #tpu.memory_space<vmem>>) semaphore(%arg12 : memref<!tpu.dma_semaphore, #tpu.memory_space<semaphore_mem>>)
        %dma_wait3A_162 = arith.constant 0 : i32
        %dma_wait3A_163 = arith.constant 0 : i32
        %dma_wait3A_164 = tpu.memref_slice %arg2[%dma_wait3A_162, %dma_wait3A_163] : memref<10016x128xf32, #tpu.memory_space<hbm>> -> memref<128x128xf32, #tpu.memory_space<hbm>>
        %dma_wait3A_165 = arith.constant 0 : i32
        %dma_wait3A_166 = arith.constant 0 : i32
        %dma_wait3A_167 = tpu.memref_slice %arg2[%dma_wait3A_165, %dma_wait3A_166] : memref<10016x128xf32, #tpu.memory_space<hbm>> -> memref<128x128xf32, #tpu.memory_space<hbm>>
        tpu.wait_dma2 semaphore(%arg11 : memref<!tpu.dma_semaphore, #tpu.memory_space<semaphore_mem>>) src(%dma_wait3A_167 : memref<128x128xf32, #tpu.memory_space<hbm>>) dst(%arg8 : memref<128x128xf32, #tpu.memory_space<vmem>>)
        "tpu.region"() ({
          %run_scoped3A_185 = tpu.sem_alloc : memref<!tpu.dma_semaphore, #tpu.memory_space<semaphore_mem>>
          %dma_start3A_186 = arith.constant 0 : i32
          %dma_start3A_187 = tpu.memref_slice %arg7[%mul3A_153, %dma_start3A_186] : memref<40x128xi32, #tpu.memory_space<vmem>> -> memref<1x128xi32, #tpu.memory_space<vmem>>
          %dma_start3A_188 = tpu.memref_squeeze %dma_start3A_187 : memref<1x128xi32, #tpu.memory_space<vmem>> -> memref<128xi32, #tpu.memory_space<vmem>>
          %dma_start3A_189 = arith.constant 0 : i32
          %dma_start3A_190 = arith.constant 0 : i32
          %dma_start3A_191 = tpu.memref_slice %arg10[%dma_start3A_189, %dma_start3A_190] : memref<10240x128xf32, #tpu.memory_space<vmem_shared>> -> memref<10240x128xf32, #tpu.memory_space<vmem_shared>>
          tpu.enqueue_indirect_dma source(%arg8 : memref<128x128xf32, #tpu.memory_space<vmem>>) target(%dma_start3A_191 : memref<10240x128xf32, #tpu.memory_space<vmem_shared>>) offsets(%dma_start3A_188 : memref<128xi32, #tpu.memory_space<vmem>>) semaphore(%run_scoped3A_185 : memref<!tpu.dma_semaphore, #tpu.memory_space<semaphore_mem>>) {add = true}
          %dma_wait3A_192 = arith.constant 0 : i32
          %dma_wait3A_193 = tpu.memref_slice %arg7[%mul3A_153, %dma_wait3A_192] : memref<40x128xi32, #tpu.memory_space<vmem>> -> memref<1x128xi32, #tpu.memory_space<vmem>>
          %dma_wait3A_194 = tpu.memref_squeeze %dma_wait3A_193 : memref<1x128xi32, #tpu.memory_space<vmem>> -> memref<128xi32, #tpu.memory_space<vmem>>
          %dma_wait3A_195 = arith.constant 0 : i32
          %dma_wait3A_196 = arith.constant 0 : i32
          %dma_wait3A_197 = tpu.memref_slice %arg10[%dma_wait3A_195, %dma_wait3A_196] : memref<10240x128xf32, #tpu.memory_space<vmem_shared>> -> memref<10240x128xf32, #tpu.memory_space<vmem_shared>>
          tpu.wait_indirect_dma semaphore(%run_scoped3A_185 : memref<!tpu.dma_semaphore, #tpu.memory_space<semaphore_mem>>) src(%arg8 : memref<128x128xf32, #tpu.memory_space<vmem>>) dst(%dma_wait3A_197 : memref<10240x128xf32, #tpu.memory_space<vmem_shared>>)
          tpu.yield
        }) : () -> ()
        %add3A_168 = arith.constant 2 : i32
        %add3A_169 = arith.addi %mul3A_153, %add3A_168 : i32
        %dma_start3A_170 = arith.constant 0 : i32
        %dma_start3A_171 = tpu.memref_slice %arg6[%add3A_169, %dma_start3A_170] : memref<40x128xi32, #tpu.memory_space<vmem>> -> memref<1x128xi32, #tpu.memory_space<vmem>>
        %dma_start3A_172 = tpu.memref_squeeze %dma_start3A_171 : memref<1x128xi32, #tpu.memory_space<vmem>> -> memref<128xi32, #tpu.memory_space<vmem>>
        %dma_start3A_173 = arith.constant 0 : i32
        %dma_start3A_174 = arith.constant 0 : i32
        %dma_start3A_175 = tpu.memref_slice %arg2[%dma_start3A_173, %dma_start3A_174] : memref<10016x128xf32, #tpu.memory_space<hbm>> -> memref<10016x128xf32, #tpu.memory_space<hbm>>
        tpu.enqueue_indirect_dma source(%dma_start3A_175 : memref<10016x128xf32, #tpu.memory_space<hbm>>) target(%arg8 : memref<128x128xf32, #tpu.memory_space<vmem>>) offsets(%dma_start3A_172 : memref<128xi32, #tpu.memory_space<vmem>>) semaphore(%arg11 : memref<!tpu.dma_semaphore, #tpu.memory_space<semaphore_mem>>)
        %dma_wait3A_176 = arith.constant 0 : i32
        %dma_wait3A_177 = arith.constant 0 : i32
        %dma_wait3A_178 = tpu.memref_slice %arg2[%dma_wait3A_176, %dma_wait3A_177] : memref<10016x128xf32, #tpu.memory_space<hbm>> -> memref<128x128xf32, #tpu.memory_space<hbm>>
        %dma_wait3A_179 = arith.constant 0 : i32
        %dma_wait3A_180 = arith.constant 0 : i32
        %dma_wait3A_181 = tpu.memref_slice %arg2[%dma_wait3A_179, %dma_wait3A_180] : memref<10016x128xf32, #tpu.memory_space<hbm>> -> memref<128x128xf32, #tpu.memory_space<hbm>>
        tpu.wait_dma2 semaphore(%arg12 : memref<!tpu.dma_semaphore, #tpu.memory_space<semaphore_mem>>) src(%dma_wait3A_181 : memref<128x128xf32, #tpu.memory_space<hbm>>) dst(%arg9 : memref<128x128xf32, #tpu.memory_space<vmem>>)
        %add3A_182 = arith.constant 1 : i32
        %add3A_183 = arith.addi %mul3A_153, %add3A_182 : i32
        "tpu.region"() ({
          %run_scoped3A_185 = tpu.sem_alloc : memref<!tpu.dma_semaphore, #tpu.memory_space<semaphore_mem>>
          %dma_start3A_186 = arith.constant 0 : i32
          %dma_start3A_187 = tpu.memref_slice %arg7[%add3A_183, %dma_start3A_186] : memref<40x128xi32, #tpu.memory_space<vmem>> -> memref<1x128xi32, #tpu.memory_space<vmem>>
          %dma_start3A_188 = tpu.memref_squeeze %dma_start3A_187 : memref<1x128xi32, #tpu.memory_space<vmem>> -> memref<128xi32, #tpu.memory_space<vmem>>
          %dma_start3A_189 = arith.constant 0 : i32
          %dma_start3A_190 = arith.constant 0 : i32
          %dma_start3A_191 = tpu.memref_slice %arg10[%dma_start3A_189, %dma_start3A_190] : memref<10240x128xf32, #tpu.memory_space<vmem_shared>> -> memref<10240x128xf32, #tpu.memory_space<vmem_shared>>
          tpu.enqueue_indirect_dma source(%arg9 : memref<128x128xf32, #tpu.memory_space<vmem>>) target(%dma_start3A_191 : memref<10240x128xf32, #tpu.memory_space<vmem_shared>>) offsets(%dma_start3A_188 : memref<128xi32, #tpu.memory_space<vmem>>) semaphore(%run_scoped3A_185 : memref<!tpu.dma_semaphore, #tpu.memory_space<semaphore_mem>>) {add = true}
          %dma_wait3A_192 = arith.constant 0 : i32
          %dma_wait3A_193 = tpu.memref_slice %arg7[%add3A_183, %dma_wait3A_192] : memref<40x128xi32, #tpu.memory_space<vmem>> -> memref<1x128xi32, #tpu.memory_space<vmem>>
          %dma_wait3A_194 = tpu.memref_squeeze %dma_wait3A_193 : memref<1x128xi32, #tpu.memory_space<vmem>> -> memref<128xi32, #tpu.memory_space<vmem>>
          %dma_wait3A_195 = arith.constant 0 : i32
          %dma_wait3A_196 = arith.constant 0 : i32
          %dma_wait3A_197 = tpu.memref_slice %arg10[%dma_wait3A_195, %dma_wait3A_196] : memref<10240x128xf32, #tpu.memory_space<vmem_shared>> -> memref<10240x128xf32, #tpu.memory_space<vmem_shared>>
          tpu.wait_indirect_dma semaphore(%run_scoped3A_185 : memref<!tpu.dma_semaphore, #tpu.memory_space<semaphore_mem>>) src(%arg9 : memref<128x128xf32, #tpu.memory_space<vmem>>) dst(%dma_wait3A_197 : memref<10240x128xf32, #tpu.memory_space<vmem_shared>>)
          tpu.yield
        }) : () -> ()
        %scan3A_184 = arith.constant 0 : i32
        scf.yield %scan3A_184 : i32
      }
      %scan3A_128 = arith.constant 15 : i32
      %dma_start3A_129 = arith.constant 31 : i32
      %dma_start3A_130 = arith.constant 0 : i32
      %dma_start3A_131 = tpu.memref_slice %arg6[%dma_start3A_129, %dma_start3A_130] : memref<40x128xi32, #tpu.memory_space<vmem>> -> memref<1x128xi32, #tpu.memory_space<vmem>>
      %dma_start3A_132 = tpu.memref_squeeze %dma_start3A_131 : memref<1x128xi32, #tpu.memory_space<vmem>> -> memref<128xi32, #tpu.memory_space<vmem>>
      %dma_start3A_133 = arith.constant 0 : i32
      %dma_start3A_134 = arith.constant 0 : i32
      %dma_start3A_135 = tpu.memref_slice %arg2[%dma_start3A_133, %dma_start3A_134] : memref<10016x128xf32, #tpu.memory_space<hbm>> -> memref<10016x128xf32, #tpu.memory_space<hbm>>
      tpu.enqueue_indirect_dma source(%dma_start3A_135 : memref<10016x128xf32, #tpu.memory_space<hbm>>) target(%arg9 : memref<128x128xf32, #tpu.memory_space<vmem>>) offsets(%dma_start3A_132 : memref<128xi32, #tpu.memory_space<vmem>>) semaphore(%arg12 : memref<!tpu.dma_semaphore, #tpu.memory_space<semaphore_mem>>)
      %dma_wait3A_136 = arith.constant 0 : i32
      %dma_wait3A_137 = arith.constant 0 : i32
      %dma_wait3A_138 = tpu.memref_slice %arg2[%dma_wait3A_136, %dma_wait3A_137] : memref<10016x128xf32, #tpu.memory_space<hbm>> -> memref<128x128xf32, #tpu.memory_space<hbm>>
      %dma_wait3A_139 = arith.constant 0 : i32
      %dma_wait3A_140 = arith.constant 0 : i32
      %dma_wait3A_141 = tpu.memref_slice %arg2[%dma_wait3A_139, %dma_wait3A_140] : memref<10016x128xf32, #tpu.memory_space<hbm>> -> memref<128x128xf32, #tpu.memory_space<hbm>>
      tpu.wait_dma2 semaphore(%arg11 : memref<!tpu.dma_semaphore, #tpu.memory_space<semaphore_mem>>) src(%dma_wait3A_141 : memref<128x128xf32, #tpu.memory_space<hbm>>) dst(%arg8 : memref<128x128xf32, #tpu.memory_space<vmem>>)
      %run_scoped3A_142 = arith.constant 30 : i32
      "tpu.region"() ({
        %run_scoped3A_150 = tpu.sem_alloc : memref<!tpu.dma_semaphore, #tpu.memory_space<semaphore_mem>>
        %dma_start3A_151 = arith.constant 0 : i32
        %dma_start3A_152 = tpu.memref_slice %arg7[%run_scoped3A_142, %dma_start3A_151] : memref<40x128xi32, #tpu.memory_space<vmem>> -> memref<1x128xi32, #tpu.memory_space<vmem>>
        %dma_start3A_153 = tpu.memref_squeeze %dma_start3A_152 : memref<1x128xi32, #tpu.memory_space<vmem>> -> memref<128xi32, #tpu.memory_space<vmem>>
        %dma_start3A_154 = arith.constant 0 : i32
        %dma_start3A_155 = arith.constant 0 : i32
        %dma_start3A_156 = tpu.memref_slice %arg10[%dma_start3A_154, %dma_start3A_155] : memref<10240x128xf32, #tpu.memory_space<vmem_shared>> -> memref<10240x128xf32, #tpu.memory_space<vmem_shared>>
        tpu.enqueue_indirect_dma source(%arg8 : memref<128x128xf32, #tpu.memory_space<vmem>>) target(%dma_start3A_156 : memref<10240x128xf32, #tpu.memory_space<vmem_shared>>) offsets(%dma_start3A_153 : memref<128xi32, #tpu.memory_space<vmem>>) semaphore(%run_scoped3A_150 : memref<!tpu.dma_semaphore, #tpu.memory_space<semaphore_mem>>) {add = true}
        %dma_wait3A_157 = arith.constant 0 : i32
        %dma_wait3A_158 = tpu.memref_slice %arg7[%run_scoped3A_142, %dma_wait3A_157] : memref<40x128xi32, #tpu.memory_space<vmem>> -> memref<1x128xi32, #tpu.memory_space<vmem>>
        %dma_wait3A_159 = tpu.memref_squeeze %dma_wait3A_158 : memref<1x128xi32, #tpu.memory_space<vmem>> -> memref<128xi32, #tpu.memory_space<vmem>>
        %dma_wait3A_160 = arith.constant 0 : i32
        %dma_wait3A_161 = arith.constant 0 : i32
        %dma_wait3A_162 = tpu.memref_slice %arg10[%dma_wait3A_160, %dma_wait3A_161] : memref<10240x128xf32, #tpu.memory_space<vmem_shared>> -> memref<10240x128xf32, #tpu.memory_space<vmem_shared>>
        tpu.wait_indirect_dma semaphore(%run_scoped3A_150 : memref<!tpu.dma_semaphore, #tpu.memory_space<semaphore_mem>>) src(%arg8 : memref<128x128xf32, #tpu.memory_space<vmem>>) dst(%dma_wait3A_162 : memref<10240x128xf32, #tpu.memory_space<vmem_shared>>)
        tpu.yield
      }) : () -> ()
      %dma_wait3A_143 = arith.constant 0 : i32
      %dma_wait3A_144 = arith.constant 0 : i32
      %dma_wait3A_145 = tpu.memref_slice %arg2[%dma_wait3A_143, %dma_wait3A_144] : memref<10016x128xf32, #tpu.memory_space<hbm>> -> memref<128x128xf32, #tpu.memory_space<hbm>>
      %dma_wait3A_146 = arith.constant 0 : i32
      %dma_wait3A_147 = arith.constant 0 : i32
      %dma_wait3A_148 = tpu.memref_slice %arg2[%dma_wait3A_146, %dma_wait3A_147] : memref<10016x128xf32, #tpu.memory_space<hbm>> -> memref<128x128xf32, #tpu.memory_space<hbm>>
      tpu.wait_dma2 semaphore(%arg12 : memref<!tpu.dma_semaphore, #tpu.memory_space<semaphore_mem>>) src(%dma_wait3A_148 : memref<128x128xf32, #tpu.memory_space<hbm>>) dst(%arg9 : memref<128x128xf32, #tpu.memory_space<vmem>>)
      %run_scoped3A_149 = arith.constant 31 : i32
      "tpu.region"() ({
        %run_scoped3A_150 = tpu.sem_alloc : memref<!tpu.dma_semaphore, #tpu.memory_space<semaphore_mem>>
        %dma_start3A_151 = arith.constant 0 : i32
        %dma_start3A_152 = tpu.memref_slice %arg7[%run_scoped3A_149, %dma_start3A_151] : memref<40x128xi32, #tpu.memory_space<vmem>> -> memref<1x128xi32, #tpu.memory_space<vmem>>
        %dma_start3A_153 = tpu.memref_squeeze %dma_start3A_152 : memref<1x128xi32, #tpu.memory_space<vmem>> -> memref<128xi32, #tpu.memory_space<vmem>>
        %dma_start3A_154 = arith.constant 0 : i32
        %dma_start3A_155 = arith.constant 0 : i32
        %dma_start3A_156 = tpu.memref_slice %arg10[%dma_start3A_154, %dma_start3A_155] : memref<10240x128xf32, #tpu.memory_space<vmem_shared>> -> memref<10240x128xf32, #tpu.memory_space<vmem_shared>>
        tpu.enqueue_indirect_dma source(%arg9 : memref<128x128xf32, #tpu.memory_space<vmem>>) target(%dma_start3A_156 : memref<10240x128xf32, #tpu.memory_space<vmem_shared>>) offsets(%dma_start3A_153 : memref<128xi32, #tpu.memory_space<vmem>>) semaphore(%run_scoped3A_150 : memref<!tpu.dma_semaphore, #tpu.memory_space<semaphore_mem>>) {add = true}
        %dma_wait3A_157 = arith.constant 0 : i32
        %dma_wait3A_158 = tpu.memref_slice %arg7[%run_scoped3A_149, %dma_wait3A_157] : memref<40x128xi32, #tpu.memory_space<vmem>> -> memref<1x128xi32, #tpu.memory_space<vmem>>
        %dma_wait3A_159 = tpu.memref_squeeze %dma_wait3A_158 : memref<1x128xi32, #tpu.memory_space<vmem>> -> memref<128xi32, #tpu.memory_space<vmem>>
        %dma_wait3A_160 = arith.constant 0 : i32
        %dma_wait3A_161 = arith.constant 0 : i32
        %dma_wait3A_162 = tpu.memref_slice %arg10[%dma_wait3A_160, %dma_wait3A_161] : memref<10240x128xf32, #tpu.memory_space<vmem_shared>> -> memref<10240x128xf32, #tpu.memory_space<vmem_shared>>
        tpu.wait_indirect_dma semaphore(%run_scoped3A_150 : memref<!tpu.dma_semaphore, #tpu.memory_space<semaphore_mem>>) src(%arg9 : memref<128x128xf32, #tpu.memory_space<vmem>>) dst(%dma_wait3A_162 : memref<10240x128xf32, #tpu.memory_space<vmem_shared>>)
        tpu.yield
      }) : () -> ()
    } else {
    }
    %eq3A_30 = arith.constant 1 : i32
    %eq3A_31 = arith.cmpi eq, %arg0, %eq3A_30 : i32
    %convert_element_type3A_32 = arith.extui %eq3A_31 : i1 to i32
    %cond3A_33 = arith.constant 0 : i32
    %cond3A_34 = arith.cmpi ne, %convert_element_type3A_32, %cond3A_33 : i32
    scf.if %cond3A_34 {
      %mul3A_40 = arith.constant 48 : i32
      %mul3A_41 = arith.muli %arg1, %mul3A_40 : i32
      %add3A_42 = arith.constant 1792 : i32
      %add3A_43 = arith.addi %add3A_42, %mul3A_41 : i32
      %add3A_44 = arith.constant 0 : i32
      %add3A_45 = arith.addi %add3A_43, %add3A_44 : i32
      "tpu.region"() ({
        %run_scoped3A_115 = tpu.sem_alloc : memref<!tpu.dma_semaphore, #tpu.memory_space<semaphore_mem>>
        %dma_start3A_116 = arith.constant 0 : i32
        %dma_start3A_117 = arith.constant 0 : i32
        %dma_start3A_118 = tpu.memref_slice %arg6[%dma_start3A_116, %dma_start3A_117] : memref<40x128xi32, #tpu.memory_space<vmem>> -> memref<40x128xi32, #tpu.memory_space<vmem>>
        %dma_start3A_119 = arith.constant 0 : i32
        %dma_start3A_120 = tpu.memref_slice %arg3[%add3A_45, %dma_start3A_119] : memref<2560x128xi32, #tpu.memory_space<hbm>> -> memref<40x128xi32, #tpu.memory_space<hbm>>
        %dma_start3A_121 = arith.constant 0 : i32
        %dma_start3A_122 = arith.constant 0 : i32
        %dma_start3A_123 = tpu.memref_slice %arg6[%dma_start3A_121, %dma_start3A_122] : memref<40x128xi32, #tpu.memory_space<vmem>> -> memref<40x128xi32, #tpu.memory_space<vmem>>
        %dma_start3A_124 = arith.constant 0 : i32
        %dma_start3A_125 = tpu.memref_slice %arg3[%add3A_45, %dma_start3A_124] : memref<2560x128xi32, #tpu.memory_space<hbm>> -> memref<40x128xi32, #tpu.memory_space<hbm>>
        tpu.enqueue_dma source(%dma_start3A_125 : memref<40x128xi32, #tpu.memory_space<hbm>>) target(%dma_start3A_123 : memref<40x128xi32, #tpu.memory_space<vmem>>) target_semaphore(%run_scoped3A_115 : memref<!tpu.dma_semaphore, #tpu.memory_space<semaphore_mem>>)
        %dma_wait3A_126 = arith.constant 0 : i32
        %dma_wait3A_127 = arith.constant 0 : i32
        %dma_wait3A_128 = tpu.memref_slice %arg6[%dma_wait3A_126, %dma_wait3A_127] : memref<40x128xi32, #tpu.memory_space<vmem>> -> memref<40x128xi32, #tpu.memory_space<vmem>>
        %dma_wait3A_129 = arith.constant 0 : i32
        %dma_wait3A_130 = tpu.memref_slice %arg3[%add3A_45, %dma_wait3A_129] : memref<2560x128xi32, #tpu.memory_space<hbm>> -> memref<40x128xi32, #tpu.memory_space<hbm>>
        %dma_wait3A_131 = arith.constant 0 : i32
        %dma_wait3A_132 = arith.constant 0 : i32
        %dma_wait3A_133 = tpu.memref_slice %arg6[%dma_wait3A_131, %dma_wait3A_132] : memref<40x128xi32, #tpu.memory_space<vmem>> -> memref<40x128xi32, #tpu.memory_space<vmem>>
        %dma_wait3A_134 = arith.constant 0 : i32
        %dma_wait3A_135 = tpu.memref_slice %arg3[%add3A_45, %dma_wait3A_134] : memref<2560x128xi32, #tpu.memory_space<hbm>> -> memref<40x128xi32, #tpu.memory_space<hbm>>
        tpu.wait_dma2 semaphore(%run_scoped3A_115 : memref<!tpu.dma_semaphore, #tpu.memory_space<semaphore_mem>>) src(%dma_wait3A_135 : memref<40x128xi32, #tpu.memory_space<hbm>>) dst(%dma_wait3A_133 : memref<40x128xi32, #tpu.memory_space<vmem>>)
        tpu.yield
      }) : () -> ()
      "tpu.region"() ({
        %run_scoped3A_115 = tpu.sem_alloc : memref<!tpu.dma_semaphore, #tpu.memory_space<semaphore_mem>>
        %dma_start3A_116 = arith.constant 0 : i32
        %dma_start3A_117 = arith.constant 0 : i32
        %dma_start3A_118 = tpu.memref_slice %arg7[%dma_start3A_116, %dma_start3A_117] : memref<40x128xi32, #tpu.memory_space<vmem>> -> memref<40x128xi32, #tpu.memory_space<vmem>>
        %dma_start3A_119 = arith.constant 0 : i32
        %dma_start3A_120 = tpu.memref_slice %arg4[%add3A_45, %dma_start3A_119] : memref<2560x128xi32, #tpu.memory_space<hbm>> -> memref<40x128xi32, #tpu.memory_space<hbm>>
        %dma_start3A_121 = arith.constant 0 : i32
        %dma_start3A_122 = arith.constant 0 : i32
        %dma_start3A_123 = tpu.memref_slice %arg7[%dma_start3A_121, %dma_start3A_122] : memref<40x128xi32, #tpu.memory_space<vmem>> -> memref<40x128xi32, #tpu.memory_space<vmem>>
        %dma_start3A_124 = arith.constant 0 : i32
        %dma_start3A_125 = tpu.memref_slice %arg4[%add3A_45, %dma_start3A_124] : memref<2560x128xi32, #tpu.memory_space<hbm>> -> memref<40x128xi32, #tpu.memory_space<hbm>>
        tpu.enqueue_dma source(%dma_start3A_125 : memref<40x128xi32, #tpu.memory_space<hbm>>) target(%dma_start3A_123 : memref<40x128xi32, #tpu.memory_space<vmem>>) target_semaphore(%run_scoped3A_115 : memref<!tpu.dma_semaphore, #tpu.memory_space<semaphore_mem>>)
        %dma_wait3A_126 = arith.constant 0 : i32
        %dma_wait3A_127 = arith.constant 0 : i32
        %dma_wait3A_128 = tpu.memref_slice %arg7[%dma_wait3A_126, %dma_wait3A_127] : memref<40x128xi32, #tpu.memory_space<vmem>> -> memref<40x128xi32, #tpu.memory_space<vmem>>
        %dma_wait3A_129 = arith.constant 0 : i32
        %dma_wait3A_130 = tpu.memref_slice %arg4[%add3A_45, %dma_wait3A_129] : memref<2560x128xi32, #tpu.memory_space<hbm>> -> memref<40x128xi32, #tpu.memory_space<hbm>>
        %dma_wait3A_131 = arith.constant 0 : i32
        %dma_wait3A_132 = arith.constant 0 : i32
        %dma_wait3A_133 = tpu.memref_slice %arg7[%dma_wait3A_131, %dma_wait3A_132] : memref<40x128xi32, #tpu.memory_space<vmem>> -> memref<40x128xi32, #tpu.memory_space<vmem>>
        %dma_wait3A_134 = arith.constant 0 : i32
        %dma_wait3A_135 = tpu.memref_slice %arg4[%add3A_45, %dma_wait3A_134] : memref<2560x128xi32, #tpu.memory_space<hbm>> -> memref<40x128xi32, #tpu.memory_space<hbm>>
        tpu.wait_dma2 semaphore(%run_scoped3A_115 : memref<!tpu.dma_semaphore, #tpu.memory_space<semaphore_mem>>) src(%dma_wait3A_135 : memref<40x128xi32, #tpu.memory_space<hbm>>) dst(%dma_wait3A_133 : memref<40x128xi32, #tpu.memory_space<vmem>>)
        tpu.yield
      }) : () -> ()
      %dma_start3A = arith.constant 0 : i32
      %dma_start3A_46 = arith.constant 0 : i32
      %dma_start3A_47 = tpu.memref_slice %arg6[%dma_start3A, %dma_start3A_46] : memref<40x128xi32, #tpu.memory_space<vmem>> -> memref<1x128xi32, #tpu.memory_space<vmem>>
      %dma_start3A_48 = tpu.memref_squeeze %dma_start3A_47 : memref<1x128xi32, #tpu.memory_space<vmem>> -> memref<128xi32, #tpu.memory_space<vmem>>
      %dma_start3A_49 = arith.constant 0 : i32
      %dma_start3A_50 = arith.constant 0 : i32
      %dma_start3A_51 = tpu.memref_slice %arg2[%dma_start3A_49, %dma_start3A_50] : memref<10016x128xf32, #tpu.memory_space<hbm>> -> memref<10016x128xf32, #tpu.memory_space<hbm>>
      tpu.enqueue_indirect_dma source(%dma_start3A_51 : memref<10016x128xf32, #tpu.memory_space<hbm>>) target(%arg8 : memref<128x128xf32, #tpu.memory_space<vmem>>) offsets(%dma_start3A_48 : memref<128xi32, #tpu.memory_space<vmem>>) semaphore(%arg11 : memref<!tpu.dma_semaphore, #tpu.memory_space<semaphore_mem>>)
      %scan3A_52 = arith.constant 0 : i32
      %scan3A_53 = arith.constant 0 : i32
      %scan3A_54 = arith.constant 19 : i32
      %scan3A_55 = arith.addi %scan3A_53, %scan3A_54 : i32
      %scan3A_56 = arith.constant 1 : i32
      %scan3A_57 = scf.for %scan3A_115 = %scan3A_53 to %scan3A_55 step %scan3A_56 iter_args(%scan3A_116 = %scan3A_52) -> (i32)  : i32 {
        %mul3A_117 = arith.constant 2 : i32
        %mul3A_118 = arith.muli %mul3A_117, %scan3A_115 : i32
        %add3A_119 = arith.constant 1 : i32
        %add3A_120 = arith.addi %mul3A_118, %add3A_119 : i32
        %dma_start3A_121 = arith.constant 0 : i32
        %dma_start3A_122 = tpu.memref_slice %arg6[%add3A_120, %dma_start3A_121] : memref<40x128xi32, #tpu.memory_space<vmem>> -> memref<1x128xi32, #tpu.memory_space<vmem>>
        %dma_start3A_123 = tpu.memref_squeeze %dma_start3A_122 : memref<1x128xi32, #tpu.memory_space<vmem>> -> memref<128xi32, #tpu.memory_space<vmem>>
        %dma_start3A_124 = arith.constant 0 : i32
        %dma_start3A_125 = arith.constant 0 : i32
        %dma_start3A_126 = tpu.memref_slice %arg2[%dma_start3A_124, %dma_start3A_125] : memref<10016x128xf32, #tpu.memory_space<hbm>> -> memref<10016x128xf32, #tpu.memory_space<hbm>>
        tpu.enqueue_indirect_dma source(%dma_start3A_126 : memref<10016x128xf32, #tpu.memory_space<hbm>>) target(%arg9 : memref<128x128xf32, #tpu.memory_space<vmem>>) offsets(%dma_start3A_123 : memref<128xi32, #tpu.memory_space<vmem>>) semaphore(%arg12 : memref<!tpu.dma_semaphore, #tpu.memory_space<semaphore_mem>>)
        %dma_wait3A_127 = arith.constant 0 : i32
        %dma_wait3A_128 = arith.constant 0 : i32
        %dma_wait3A_129 = tpu.memref_slice %arg2[%dma_wait3A_127, %dma_wait3A_128] : memref<10016x128xf32, #tpu.memory_space<hbm>> -> memref<128x128xf32, #tpu.memory_space<hbm>>
        %dma_wait3A_130 = arith.constant 0 : i32
        %dma_wait3A_131 = arith.constant 0 : i32
        %dma_wait3A_132 = tpu.memref_slice %arg2[%dma_wait3A_130, %dma_wait3A_131] : memref<10016x128xf32, #tpu.memory_space<hbm>> -> memref<128x128xf32, #tpu.memory_space<hbm>>
        tpu.wait_dma2 semaphore(%arg11 : memref<!tpu.dma_semaphore, #tpu.memory_space<semaphore_mem>>) src(%dma_wait3A_132 : memref<128x128xf32, #tpu.memory_space<hbm>>) dst(%arg8 : memref<128x128xf32, #tpu.memory_space<vmem>>)
        "tpu.region"() ({
          %run_scoped3A_150 = tpu.sem_alloc : memref<!tpu.dma_semaphore, #tpu.memory_space<semaphore_mem>>
          %dma_start3A_151 = arith.constant 0 : i32
          %dma_start3A_152 = tpu.memref_slice %arg7[%mul3A_118, %dma_start3A_151] : memref<40x128xi32, #tpu.memory_space<vmem>> -> memref<1x128xi32, #tpu.memory_space<vmem>>
          %dma_start3A_153 = tpu.memref_squeeze %dma_start3A_152 : memref<1x128xi32, #tpu.memory_space<vmem>> -> memref<128xi32, #tpu.memory_space<vmem>>
          %dma_start3A_154 = arith.constant 0 : i32
          %dma_start3A_155 = arith.constant 0 : i32
          %dma_start3A_156 = tpu.memref_slice %arg10[%dma_start3A_154, %dma_start3A_155] : memref<10240x128xf32, #tpu.memory_space<vmem_shared>> -> memref<10240x128xf32, #tpu.memory_space<vmem_shared>>
          tpu.enqueue_indirect_dma source(%arg8 : memref<128x128xf32, #tpu.memory_space<vmem>>) target(%dma_start3A_156 : memref<10240x128xf32, #tpu.memory_space<vmem_shared>>) offsets(%dma_start3A_153 : memref<128xi32, #tpu.memory_space<vmem>>) semaphore(%run_scoped3A_150 : memref<!tpu.dma_semaphore, #tpu.memory_space<semaphore_mem>>) {add = true}
          %dma_wait3A_157 = arith.constant 0 : i32
          %dma_wait3A_158 = tpu.memref_slice %arg7[%mul3A_118, %dma_wait3A_157] : memref<40x128xi32, #tpu.memory_space<vmem>> -> memref<1x128xi32, #tpu.memory_space<vmem>>
          %dma_wait3A_159 = tpu.memref_squeeze %dma_wait3A_158 : memref<1x128xi32, #tpu.memory_space<vmem>> -> memref<128xi32, #tpu.memory_space<vmem>>
          %dma_wait3A_160 = arith.constant 0 : i32
          %dma_wait3A_161 = arith.constant 0 : i32
          %dma_wait3A_162 = tpu.memref_slice %arg10[%dma_wait3A_160, %dma_wait3A_161] : memref<10240x128xf32, #tpu.memory_space<vmem_shared>> -> memref<10240x128xf32, #tpu.memory_space<vmem_shared>>
          tpu.wait_indirect_dma semaphore(%run_scoped3A_150 : memref<!tpu.dma_semaphore, #tpu.memory_space<semaphore_mem>>) src(%arg8 : memref<128x128xf32, #tpu.memory_space<vmem>>) dst(%dma_wait3A_162 : memref<10240x128xf32, #tpu.memory_space<vmem_shared>>)
          tpu.yield
        }) : () -> ()
        %add3A_133 = arith.constant 2 : i32
        %add3A_134 = arith.addi %mul3A_118, %add3A_133 : i32
        %dma_start3A_135 = arith.constant 0 : i32
        %dma_start3A_136 = tpu.memref_slice %arg6[%add3A_134, %dma_start3A_135] : memref<40x128xi32, #tpu.memory_space<vmem>> -> memref<1x128xi32, #tpu.memory_space<vmem>>
        %dma_start3A_137 = tpu.memref_squeeze %dma_start3A_136 : memref<1x128xi32, #tpu.memory_space<vmem>> -> memref<128xi32, #tpu.memory_space<vmem>>
        %dma_start3A_138 = arith.constant 0 : i32
        %dma_start3A_139 = arith.constant 0 : i32
        %dma_start3A_140 = tpu.memref_slice %arg2[%dma_start3A_138, %dma_start3A_139] : memref<10016x128xf32, #tpu.memory_space<hbm>> -> memref<10016x128xf32, #tpu.memory_space<hbm>>
        tpu.enqueue_indirect_dma source(%dma_start3A_140 : memref<10016x128xf32, #tpu.memory_space<hbm>>) target(%arg8 : memref<128x128xf32, #tpu.memory_space<vmem>>) offsets(%dma_start3A_137 : memref<128xi32, #tpu.memory_space<vmem>>) semaphore(%arg11 : memref<!tpu.dma_semaphore, #tpu.memory_space<semaphore_mem>>)
        %dma_wait3A_141 = arith.constant 0 : i32
        %dma_wait3A_142 = arith.constant 0 : i32
        %dma_wait3A_143 = tpu.memref_slice %arg2[%dma_wait3A_141, %dma_wait3A_142] : memref<10016x128xf32, #tpu.memory_space<hbm>> -> memref<128x128xf32, #tpu.memory_space<hbm>>
        %dma_wait3A_144 = arith.constant 0 : i32
        %dma_wait3A_145 = arith.constant 0 : i32
        %dma_wait3A_146 = tpu.memref_slice %arg2[%dma_wait3A_144, %dma_wait3A_145] : memref<10016x128xf32, #tpu.memory_space<hbm>> -> memref<128x128xf32, #tpu.memory_space<hbm>>
        tpu.wait_dma2 semaphore(%arg12 : memref<!tpu.dma_semaphore, #tpu.memory_space<semaphore_mem>>) src(%dma_wait3A_146 : memref<128x128xf32, #tpu.memory_space<hbm>>) dst(%arg9 : memref<128x128xf32, #tpu.memory_space<vmem>>)
        %add3A_147 = arith.constant 1 : i32
        %add3A_148 = arith.addi %mul3A_118, %add3A_147 : i32
        "tpu.region"() ({
          %run_scoped3A_150 = tpu.sem_alloc : memref<!tpu.dma_semaphore, #tpu.memory_space<semaphore_mem>>
          %dma_start3A_151 = arith.constant 0 : i32
          %dma_start3A_152 = tpu.memref_slice %arg7[%add3A_148, %dma_start3A_151] : memref<40x128xi32, #tpu.memory_space<vmem>> -> memref<1x128xi32, #tpu.memory_space<vmem>>
          %dma_start3A_153 = tpu.memref_squeeze %dma_start3A_152 : memref<1x128xi32, #tpu.memory_space<vmem>> -> memref<128xi32, #tpu.memory_space<vmem>>
          %dma_start3A_154 = arith.constant 0 : i32
          %dma_start3A_155 = arith.constant 0 : i32
          %dma_start3A_156 = tpu.memref_slice %arg10[%dma_start3A_154, %dma_start3A_155] : memref<10240x128xf32, #tpu.memory_space<vmem_shared>> -> memref<10240x128xf32, #tpu.memory_space<vmem_shared>>
          tpu.enqueue_indirect_dma source(%arg9 : memref<128x128xf32, #tpu.memory_space<vmem>>) target(%dma_start3A_156 : memref<10240x128xf32, #tpu.memory_space<vmem_shared>>) offsets(%dma_start3A_153 : memref<128xi32, #tpu.memory_space<vmem>>) semaphore(%run_scoped3A_150 : memref<!tpu.dma_semaphore, #tpu.memory_space<semaphore_mem>>) {add = true}
          %dma_wait3A_157 = arith.constant 0 : i32
          %dma_wait3A_158 = tpu.memref_slice %arg7[%add3A_148, %dma_wait3A_157] : memref<40x128xi32, #tpu.memory_space<vmem>> -> memref<1x128xi32, #tpu.memory_space<vmem>>
          %dma_wait3A_159 = tpu.memref_squeeze %dma_wait3A_158 : memref<1x128xi32, #tpu.memory_space<vmem>> -> memref<128xi32, #tpu.memory_space<vmem>>
          %dma_wait3A_160 = arith.constant 0 : i32
          %dma_wait3A_161 = arith.constant 0 : i32
          %dma_wait3A_162 = tpu.memref_slice %arg10[%dma_wait3A_160, %dma_wait3A_161] : memref<10240x128xf32, #tpu.memory_space<vmem_shared>> -> memref<10240x128xf32, #tpu.memory_space<vmem_shared>>
          tpu.wait_indirect_dma semaphore(%run_scoped3A_150 : memref<!tpu.dma_semaphore, #tpu.memory_space<semaphore_mem>>) src(%arg9 : memref<128x128xf32, #tpu.memory_space<vmem>>) dst(%dma_wait3A_162 : memref<10240x128xf32, #tpu.memory_space<vmem_shared>>)
          tpu.yield
        }) : () -> ()
        %scan3A_149 = arith.constant 0 : i32
        scf.yield %scan3A_149 : i32
      }
      %scan3A_58 = arith.constant 19 : i32
      %dma_start3A_59 = arith.constant 39 : i32
      %dma_start3A_60 = arith.constant 0 : i32
      %dma_start3A_61 = tpu.memref_slice %arg6[%dma_start3A_59, %dma_start3A_60] : memref<40x128xi32, #tpu.memory_space<vmem>> -> memref<1x128xi32, #tpu.memory_space<vmem>>
      %dma_start3A_62 = tpu.memref_squeeze %dma_start3A_61 : memref<1x128xi32, #tpu.memory_space<vmem>> -> memref<128xi32, #tpu.memory_space<vmem>>
      %dma_start3A_63 = arith.constant 0 : i32
      %dma_start3A_64 = arith.constant 0 : i32
      %dma_start3A_65 = tpu.memref_slice %arg2[%dma_start3A_63, %dma_start3A_64] : memref<10016x128xf32, #tpu.memory_space<hbm>> -> memref<10016x128xf32, #tpu.memory_space<hbm>>
      tpu.enqueue_indirect_dma source(%dma_start3A_65 : memref<10016x128xf32, #tpu.memory_space<hbm>>) target(%arg9 : memref<128x128xf32, #tpu.memory_space<vmem>>) offsets(%dma_start3A_62 : memref<128xi32, #tpu.memory_space<vmem>>) semaphore(%arg12 : memref<!tpu.dma_semaphore, #tpu.memory_space<semaphore_mem>>)
      %dma_wait3A = arith.constant 0 : i32
      %dma_wait3A_66 = arith.constant 0 : i32
      %dma_wait3A_67 = tpu.memref_slice %arg2[%dma_wait3A, %dma_wait3A_66] : memref<10016x128xf32, #tpu.memory_space<hbm>> -> memref<128x128xf32, #tpu.memory_space<hbm>>
      %dma_wait3A_68 = arith.constant 0 : i32
      %dma_wait3A_69 = arith.constant 0 : i32
      %dma_wait3A_70 = tpu.memref_slice %arg2[%dma_wait3A_68, %dma_wait3A_69] : memref<10016x128xf32, #tpu.memory_space<hbm>> -> memref<128x128xf32, #tpu.memory_space<hbm>>
      tpu.wait_dma2 semaphore(%arg11 : memref<!tpu.dma_semaphore, #tpu.memory_space<semaphore_mem>>) src(%dma_wait3A_70 : memref<128x128xf32, #tpu.memory_space<hbm>>) dst(%arg8 : memref<128x128xf32, #tpu.memory_space<vmem>>)
      %run_scoped3A = arith.constant 38 : i32
      "tpu.region"() ({
        %run_scoped3A_115 = tpu.sem_alloc : memref<!tpu.dma_semaphore, #tpu.memory_space<semaphore_mem>>
        %dma_start3A_116 = arith.constant 0 : i32
        %dma_start3A_117 = tpu.memref_slice %arg7[%run_scoped3A, %dma_start3A_116] : memref<40x128xi32, #tpu.memory_space<vmem>> -> memref<1x128xi32, #tpu.memory_space<vmem>>
        %dma_start3A_118 = tpu.memref_squeeze %dma_start3A_117 : memref<1x128xi32, #tpu.memory_space<vmem>> -> memref<128xi32, #tpu.memory_space<vmem>>
        %dma_start3A_119 = arith.constant 0 : i32
        %dma_start3A_120 = arith.constant 0 : i32
        %dma_start3A_121 = tpu.memref_slice %arg10[%dma_start3A_119, %dma_start3A_120] : memref<10240x128xf32, #tpu.memory_space<vmem_shared>> -> memref<10240x128xf32, #tpu.memory_space<vmem_shared>>
        tpu.enqueue_indirect_dma source(%arg8 : memref<128x128xf32, #tpu.memory_space<vmem>>) target(%dma_start3A_121 : memref<10240x128xf32, #tpu.memory_space<vmem_shared>>) offsets(%dma_start3A_118 : memref<128xi32, #tpu.memory_space<vmem>>) semaphore(%run_scoped3A_115 : memref<!tpu.dma_semaphore, #tpu.memory_space<semaphore_mem>>) {add = true}
        %dma_wait3A_122 = arith.constant 0 : i32
        %dma_wait3A_123 = tpu.memref_slice %arg7[%run_scoped3A, %dma_wait3A_122] : memref<40x128xi32, #tpu.memory_space<vmem>> -> memref<1x128xi32, #tpu.memory_space<vmem>>
        %dma_wait3A_124 = tpu.memref_squeeze %dma_wait3A_123 : memref<1x128xi32, #tpu.memory_space<vmem>> -> memref<128xi32, #tpu.memory_space<vmem>>
        %dma_wait3A_125 = arith.constant 0 : i32
        %dma_wait3A_126 = arith.constant 0 : i32
        %dma_wait3A_127 = tpu.memref_slice %arg10[%dma_wait3A_125, %dma_wait3A_126] : memref<10240x128xf32, #tpu.memory_space<vmem_shared>> -> memref<10240x128xf32, #tpu.memory_space<vmem_shared>>
        tpu.wait_indirect_dma semaphore(%run_scoped3A_115 : memref<!tpu.dma_semaphore, #tpu.memory_space<semaphore_mem>>) src(%arg8 : memref<128x128xf32, #tpu.memory_space<vmem>>) dst(%dma_wait3A_127 : memref<10240x128xf32, #tpu.memory_space<vmem_shared>>)
        tpu.yield
      }) : () -> ()
      %dma_wait3A_71 = arith.constant 0 : i32
      %dma_wait3A_72 = arith.constant 0 : i32
      %dma_wait3A_73 = tpu.memref_slice %arg2[%dma_wait3A_71, %dma_wait3A_72] : memref<10016x128xf32, #tpu.memory_space<hbm>> -> memref<128x128xf32, #tpu.memory_space<hbm>>
      %dma_wait3A_74 = arith.constant 0 : i32
      %dma_wait3A_75 = arith.constant 0 : i32
      %dma_wait3A_76 = tpu.memref_slice %arg2[%dma_wait3A_74, %dma_wait3A_75] : memref<10016x128xf32, #tpu.memory_space<hbm>> -> memref<128x128xf32, #tpu.memory_space<hbm>>
      tpu.wait_dma2 semaphore(%arg12 : memref<!tpu.dma_semaphore, #tpu.memory_space<semaphore_mem>>) src(%dma_wait3A_76 : memref<128x128xf32, #tpu.memory_space<hbm>>) dst(%arg9 : memref<128x128xf32, #tpu.memory_space<vmem>>)
      %run_scoped3A_77 = arith.constant 39 : i32
      "tpu.region"() ({
        %run_scoped3A_115 = tpu.sem_alloc : memref<!tpu.dma_semaphore, #tpu.memory_space<semaphore_mem>>
        %dma_start3A_116 = arith.constant 0 : i32
        %dma_start3A_117 = tpu.memref_slice %arg7[%run_scoped3A_77, %dma_start3A_116] : memref<40x128xi32, #tpu.memory_space<vmem>> -> memref<1x128xi32, #tpu.memory_space<vmem>>
        %dma_start3A_118 = tpu.memref_squeeze %dma_start3A_117 : memref<1x128xi32, #tpu.memory_space<vmem>> -> memref<128xi32, #tpu.memory_space<vmem>>
        %dma_start3A_119 = arith.constant 0 : i32
        %dma_start3A_120 = arith.constant 0 : i32
        %dma_start3A_121 = tpu.memref_slice %arg10[%dma_start3A_119, %dma_start3A_120] : memref<10240x128xf32, #tpu.memory_space<vmem_shared>> -> memref<10240x128xf32, #tpu.memory_space<vmem_shared>>
        tpu.enqueue_indirect_dma source(%arg9 : memref<128x128xf32, #tpu.memory_space<vmem>>) target(%dma_start3A_121 : memref<10240x128xf32, #tpu.memory_space<vmem_shared>>) offsets(%dma_start3A_118 : memref<128xi32, #tpu.memory_space<vmem>>) semaphore(%run_scoped3A_115 : memref<!tpu.dma_semaphore, #tpu.memory_space<semaphore_mem>>) {add = true}
        %dma_wait3A_122 = arith.constant 0 : i32
        %dma_wait3A_123 = tpu.memref_slice %arg7[%run_scoped3A_77, %dma_wait3A_122] : memref<40x128xi32, #tpu.memory_space<vmem>> -> memref<1x128xi32, #tpu.memory_space<vmem>>
        %dma_wait3A_124 = tpu.memref_squeeze %dma_wait3A_123 : memref<1x128xi32, #tpu.memory_space<vmem>> -> memref<128xi32, #tpu.memory_space<vmem>>
        %dma_wait3A_125 = arith.constant 0 : i32
        %dma_wait3A_126 = arith.constant 0 : i32
        %dma_wait3A_127 = tpu.memref_slice %arg10[%dma_wait3A_125, %dma_wait3A_126] : memref<10240x128xf32, #tpu.memory_space<vmem_shared>> -> memref<10240x128xf32, #tpu.memory_space<vmem_shared>>
        tpu.wait_indirect_dma semaphore(%run_scoped3A_115 : memref<!tpu.dma_semaphore, #tpu.memory_space<semaphore_mem>>) src(%arg9 : memref<128x128xf32, #tpu.memory_space<vmem>>) dst(%dma_wait3A_127 : memref<10240x128xf32, #tpu.memory_space<vmem_shared>>)
        tpu.yield
      }) : () -> ()
      %add3A_78 = arith.constant 40 : i32
      %add3A_79 = arith.addi %add3A_43, %add3A_78 : i32
      "tpu.region"() ({
        %run_scoped3A_115 = tpu.sem_alloc : memref<!tpu.dma_semaphore, #tpu.memory_space<semaphore_mem>>
        %dma_start3A_116 = arith.constant 0 : i32
        %dma_start3A_117 = arith.constant 0 : i32
        %dma_start3A_118 = tpu.memref_slice %arg6[%dma_start3A_116, %dma_start3A_117] : memref<40x128xi32, #tpu.memory_space<vmem>> -> memref<8x128xi32, #tpu.memory_space<vmem>>
        %dma_start3A_119 = arith.constant 0 : i32
        %dma_start3A_120 = tpu.memref_slice %arg3[%add3A_79, %dma_start3A_119] : memref<2560x128xi32, #tpu.memory_space<hbm>> -> memref<8x128xi32, #tpu.memory_space<hbm>>
        %dma_start3A_121 = arith.constant 0 : i32
        %dma_start3A_122 = arith.constant 0 : i32
        %dma_start3A_123 = tpu.memref_slice %arg6[%dma_start3A_121, %dma_start3A_122] : memref<40x128xi32, #tpu.memory_space<vmem>> -> memref<8x128xi32, #tpu.memory_space<vmem>>
        %dma_start3A_124 = arith.constant 0 : i32
        %dma_start3A_125 = tpu.memref_slice %arg3[%add3A_79, %dma_start3A_124] : memref<2560x128xi32, #tpu.memory_space<hbm>> -> memref<8x128xi32, #tpu.memory_space<hbm>>
        tpu.enqueue_dma source(%dma_start3A_125 : memref<8x128xi32, #tpu.memory_space<hbm>>) target(%dma_start3A_123 : memref<8x128xi32, #tpu.memory_space<vmem>>) target_semaphore(%run_scoped3A_115 : memref<!tpu.dma_semaphore, #tpu.memory_space<semaphore_mem>>)
        %dma_wait3A_126 = arith.constant 0 : i32
        %dma_wait3A_127 = arith.constant 0 : i32
        %dma_wait3A_128 = tpu.memref_slice %arg6[%dma_wait3A_126, %dma_wait3A_127] : memref<40x128xi32, #tpu.memory_space<vmem>> -> memref<8x128xi32, #tpu.memory_space<vmem>>
        %dma_wait3A_129 = arith.constant 0 : i32
        %dma_wait3A_130 = tpu.memref_slice %arg3[%add3A_79, %dma_wait3A_129] : memref<2560x128xi32, #tpu.memory_space<hbm>> -> memref<8x128xi32, #tpu.memory_space<hbm>>
        %dma_wait3A_131 = arith.constant 0 : i32
        %dma_wait3A_132 = arith.constant 0 : i32
        %dma_wait3A_133 = tpu.memref_slice %arg6[%dma_wait3A_131, %dma_wait3A_132] : memref<40x128xi32, #tpu.memory_space<vmem>> -> memref<8x128xi32, #tpu.memory_space<vmem>>
        %dma_wait3A_134 = arith.constant 0 : i32
        %dma_wait3A_135 = tpu.memref_slice %arg3[%add3A_79, %dma_wait3A_134] : memref<2560x128xi32, #tpu.memory_space<hbm>> -> memref<8x128xi32, #tpu.memory_space<hbm>>
        tpu.wait_dma2 semaphore(%run_scoped3A_115 : memref<!tpu.dma_semaphore, #tpu.memory_space<semaphore_mem>>) src(%dma_wait3A_135 : memref<8x128xi32, #tpu.memory_space<hbm>>) dst(%dma_wait3A_133 : memref<8x128xi32, #tpu.memory_space<vmem>>)
        tpu.yield
      }) : () -> ()
      "tpu.region"() ({
        %run_scoped3A_115 = tpu.sem_alloc : memref<!tpu.dma_semaphore, #tpu.memory_space<semaphore_mem>>
        %dma_start3A_116 = arith.constant 0 : i32
        %dma_start3A_117 = arith.constant 0 : i32
        %dma_start3A_118 = tpu.memref_slice %arg7[%dma_start3A_116, %dma_start3A_117] : memref<40x128xi32, #tpu.memory_space<vmem>> -> memref<8x128xi32, #tpu.memory_space<vmem>>
        %dma_start3A_119 = arith.constant 0 : i32
        %dma_start3A_120 = tpu.memref_slice %arg4[%add3A_79, %dma_start3A_119] : memref<2560x128xi32, #tpu.memory_space<hbm>> -> memref<8x128xi32, #tpu.memory_space<hbm>>
        %dma_start3A_121 = arith.constant 0 : i32
        %dma_start3A_122 = arith.constant 0 : i32
        %dma_start3A_123 = tpu.memref_slice %arg7[%dma_start3A_121, %dma_start3A_122] : memref<40x128xi32, #tpu.memory_space<vmem>> -> memref<8x128xi32, #tpu.memory_space<vmem>>
        %dma_start3A_124 = arith.constant 0 : i32
        %dma_start3A_125 = tpu.memref_slice %arg4[%add3A_79, %dma_start3A_124] : memref<2560x128xi32, #tpu.memory_space<hbm>> -> memref<8x128xi32, #tpu.memory_space<hbm>>
        tpu.enqueue_dma source(%dma_start3A_125 : memref<8x128xi32, #tpu.memory_space<hbm>>) target(%dma_start3A_123 : memref<8x128xi32, #tpu.memory_space<vmem>>) target_semaphore(%run_scoped3A_115 : memref<!tpu.dma_semaphore, #tpu.memory_space<semaphore_mem>>)
        %dma_wait3A_126 = arith.constant 0 : i32
        %dma_wait3A_127 = arith.constant 0 : i32
        %dma_wait3A_128 = tpu.memref_slice %arg7[%dma_wait3A_126, %dma_wait3A_127] : memref<40x128xi32, #tpu.memory_space<vmem>> -> memref<8x128xi32, #tpu.memory_space<vmem>>
        %dma_wait3A_129 = arith.constant 0 : i32
        %dma_wait3A_130 = tpu.memref_slice %arg4[%add3A_79, %dma_wait3A_129] : memref<2560x128xi32, #tpu.memory_space<hbm>> -> memref<8x128xi32, #tpu.memory_space<hbm>>
        %dma_wait3A_131 = arith.constant 0 : i32
        %dma_wait3A_132 = arith.constant 0 : i32
        %dma_wait3A_133 = tpu.memref_slice %arg7[%dma_wait3A_131, %dma_wait3A_132] : memref<40x128xi32, #tpu.memory_space<vmem>> -> memref<8x128xi32, #tpu.memory_space<vmem>>
        %dma_wait3A_134 = arith.constant 0 : i32
        %dma_wait3A_135 = tpu.memref_slice %arg4[%add3A_79, %dma_wait3A_134] : memref<2560x128xi32, #tpu.memory_space<hbm>> -> memref<8x128xi32, #tpu.memory_space<hbm>>
        tpu.wait_dma2 semaphore(%run_scoped3A_115 : memref<!tpu.dma_semaphore, #tpu.memory_space<semaphore_mem>>) src(%dma_wait3A_135 : memref<8x128xi32, #tpu.memory_space<hbm>>) dst(%dma_wait3A_133 : memref<8x128xi32, #tpu.memory_space<vmem>>)
        tpu.yield
      }) : () -> ()
      %dma_start3A_80 = arith.constant 0 : i32
      %dma_start3A_81 = arith.constant 0 : i32
      %dma_start3A_82 = tpu.memref_slice %arg6[%dma_start3A_80, %dma_start3A_81] : memref<40x128xi32, #tpu.memory_space<vmem>> -> memref<1x128xi32, #tpu.memory_space<vmem>>
      %dma_start3A_83 = tpu.memref_squeeze %dma_start3A_82 : memref<1x128xi32, #tpu.memory_space<vmem>> -> memref<128xi32, #tpu.memory_space<vmem>>
      %dma_start3A_84 = arith.constant 0 : i32
      %dma_start3A_85 = arith.constant 0 : i32
      %dma_start3A_86 = tpu.memref_slice %arg2[%dma_start3A_84, %dma_start3A_85] : memref<10016x128xf32, #tpu.memory_space<hbm>> -> memref<10016x128xf32, #tpu.memory_space<hbm>>
      tpu.enqueue_indirect_dma source(%dma_start3A_86 : memref<10016x128xf32, #tpu.memory_space<hbm>>) target(%arg8 : memref<128x128xf32, #tpu.memory_space<vmem>>) offsets(%dma_start3A_83 : memref<128xi32, #tpu.memory_space<vmem>>) semaphore(%arg11 : memref<!tpu.dma_semaphore, #tpu.memory_space<semaphore_mem>>)
      %scan3A_87 = arith.constant 0 : i32
      %scan3A_88 = arith.constant 0 : i32
      %scan3A_89 = arith.constant 3 : i32
      %scan3A_90 = arith.addi %scan3A_88, %scan3A_89 : i32
      %scan3A_91 = arith.constant 1 : i32
      %scan3A_92 = scf.for %scan3A_115 = %scan3A_88 to %scan3A_90 step %scan3A_91 iter_args(%scan3A_116 = %scan3A_87) -> (i32)  : i32 {
        %mul3A_117 = arith.constant 2 : i32
        %mul3A_118 = arith.muli %mul3A_117, %scan3A_115 : i32
        %add3A_119 = arith.constant 1 : i32
        %add3A_120 = arith.addi %mul3A_118, %add3A_119 : i32
        %dma_start3A_121 = arith.constant 0 : i32
        %dma_start3A_122 = tpu.memref_slice %arg6[%add3A_120, %dma_start3A_121] : memref<40x128xi32, #tpu.memory_space<vmem>> -> memref<1x128xi32, #tpu.memory_space<vmem>>
        %dma_start3A_123 = tpu.memref_squeeze %dma_start3A_122 : memref<1x128xi32, #tpu.memory_space<vmem>> -> memref<128xi32, #tpu.memory_space<vmem>>
        %dma_start3A_124 = arith.constant 0 : i32
        %dma_start3A_125 = arith.constant 0 : i32
        %dma_start3A_126 = tpu.memref_slice %arg2[%dma_start3A_124, %dma_start3A_125] : memref<10016x128xf32, #tpu.memory_space<hbm>> -> memref<10016x128xf32, #tpu.memory_space<hbm>>
        tpu.enqueue_indirect_dma source(%dma_start3A_126 : memref<10016x128xf32, #tpu.memory_space<hbm>>) target(%arg9 : memref<128x128xf32, #tpu.memory_space<vmem>>) offsets(%dma_start3A_123 : memref<128xi32, #tpu.memory_space<vmem>>) semaphore(%arg12 : memref<!tpu.dma_semaphore, #tpu.memory_space<semaphore_mem>>)
        %dma_wait3A_127 = arith.constant 0 : i32
        %dma_wait3A_128 = arith.constant 0 : i32
        %dma_wait3A_129 = tpu.memref_slice %arg2[%dma_wait3A_127, %dma_wait3A_128] : memref<10016x128xf32, #tpu.memory_space<hbm>> -> memref<128x128xf32, #tpu.memory_space<hbm>>
        %dma_wait3A_130 = arith.constant 0 : i32
        %dma_wait3A_131 = arith.constant 0 : i32
        %dma_wait3A_132 = tpu.memref_slice %arg2[%dma_wait3A_130, %dma_wait3A_131] : memref<10016x128xf32, #tpu.memory_space<hbm>> -> memref<128x128xf32, #tpu.memory_space<hbm>>
        tpu.wait_dma2 semaphore(%arg11 : memref<!tpu.dma_semaphore, #tpu.memory_space<semaphore_mem>>) src(%dma_wait3A_132 : memref<128x128xf32, #tpu.memory_space<hbm>>) dst(%arg8 : memref<128x128xf32, #tpu.memory_space<vmem>>)
        "tpu.region"() ({
          %run_scoped3A_150 = tpu.sem_alloc : memref<!tpu.dma_semaphore, #tpu.memory_space<semaphore_mem>>
          %dma_start3A_151 = arith.constant 0 : i32
          %dma_start3A_152 = tpu.memref_slice %arg7[%mul3A_118, %dma_start3A_151] : memref<40x128xi32, #tpu.memory_space<vmem>> -> memref<1x128xi32, #tpu.memory_space<vmem>>
          %dma_start3A_153 = tpu.memref_squeeze %dma_start3A_152 : memref<1x128xi32, #tpu.memory_space<vmem>> -> memref<128xi32, #tpu.memory_space<vmem>>
          %dma_start3A_154 = arith.constant 0 : i32
          %dma_start3A_155 = arith.constant 0 : i32
          %dma_start3A_156 = tpu.memref_slice %arg10[%dma_start3A_154, %dma_start3A_155] : memref<10240x128xf32, #tpu.memory_space<vmem_shared>> -> memref<10240x128xf32, #tpu.memory_space<vmem_shared>>
          tpu.enqueue_indirect_dma source(%arg8 : memref<128x128xf32, #tpu.memory_space<vmem>>) target(%dma_start3A_156 : memref<10240x128xf32, #tpu.memory_space<vmem_shared>>) offsets(%dma_start3A_153 : memref<128xi32, #tpu.memory_space<vmem>>) semaphore(%run_scoped3A_150 : memref<!tpu.dma_semaphore, #tpu.memory_space<semaphore_mem>>) {add = true}
          %dma_wait3A_157 = arith.constant 0 : i32
          %dma_wait3A_158 = tpu.memref_slice %arg7[%mul3A_118, %dma_wait3A_157] : memref<40x128xi32, #tpu.memory_space<vmem>> -> memref<1x128xi32, #tpu.memory_space<vmem>>
          %dma_wait3A_159 = tpu.memref_squeeze %dma_wait3A_158 : memref<1x128xi32, #tpu.memory_space<vmem>> -> memref<128xi32, #tpu.memory_space<vmem>>
          %dma_wait3A_160 = arith.constant 0 : i32
          %dma_wait3A_161 = arith.constant 0 : i32
          %dma_wait3A_162 = tpu.memref_slice %arg10[%dma_wait3A_160, %dma_wait3A_161] : memref<10240x128xf32, #tpu.memory_space<vmem_shared>> -> memref<10240x128xf32, #tpu.memory_space<vmem_shared>>
          tpu.wait_indirect_dma semaphore(%run_scoped3A_150 : memref<!tpu.dma_semaphore, #tpu.memory_space<semaphore_mem>>) src(%arg8 : memref<128x128xf32, #tpu.memory_space<vmem>>) dst(%dma_wait3A_162 : memref<10240x128xf32, #tpu.memory_space<vmem_shared>>)
          tpu.yield
        }) : () -> ()
        %add3A_133 = arith.constant 2 : i32
        %add3A_134 = arith.addi %mul3A_118, %add3A_133 : i32
        %dma_start3A_135 = arith.constant 0 : i32
        %dma_start3A_136 = tpu.memref_slice %arg6[%add3A_134, %dma_start3A_135] : memref<40x128xi32, #tpu.memory_space<vmem>> -> memref<1x128xi32, #tpu.memory_space<vmem>>
        %dma_start3A_137 = tpu.memref_squeeze %dma_start3A_136 : memref<1x128xi32, #tpu.memory_space<vmem>> -> memref<128xi32, #tpu.memory_space<vmem>>
        %dma_start3A_138 = arith.constant 0 : i32
        %dma_start3A_139 = arith.constant 0 : i32
        %dma_start3A_140 = tpu.memref_slice %arg2[%dma_start3A_138, %dma_start3A_139] : memref<10016x128xf32, #tpu.memory_space<hbm>> -> memref<10016x128xf32, #tpu.memory_space<hbm>>
        tpu.enqueue_indirect_dma source(%dma_start3A_140 : memref<10016x128xf32, #tpu.memory_space<hbm>>) target(%arg8 : memref<128x128xf32, #tpu.memory_space<vmem>>) offsets(%dma_start3A_137 : memref<128xi32, #tpu.memory_space<vmem>>) semaphore(%arg11 : memref<!tpu.dma_semaphore, #tpu.memory_space<semaphore_mem>>)
        %dma_wait3A_141 = arith.constant 0 : i32
        %dma_wait3A_142 = arith.constant 0 : i32
        %dma_wait3A_143 = tpu.memref_slice %arg2[%dma_wait3A_141, %dma_wait3A_142] : memref<10016x128xf32, #tpu.memory_space<hbm>> -> memref<128x128xf32, #tpu.memory_space<hbm>>
        %dma_wait3A_144 = arith.constant 0 : i32
        %dma_wait3A_145 = arith.constant 0 : i32
        %dma_wait3A_146 = tpu.memref_slice %arg2[%dma_wait3A_144, %dma_wait3A_145] : memref<10016x128xf32, #tpu.memory_space<hbm>> -> memref<128x128xf32, #tpu.memory_space<hbm>>
        tpu.wait_dma2 semaphore(%arg12 : memref<!tpu.dma_semaphore, #tpu.memory_space<semaphore_mem>>) src(%dma_wait3A_146 : memref<128x128xf32, #tpu.memory_space<hbm>>) dst(%arg9 : memref<128x128xf32, #tpu.memory_space<vmem>>)
        %add3A_147 = arith.constant 1 : i32
        %add3A_148 = arith.addi %mul3A_118, %add3A_147 : i32
        "tpu.region"() ({
          %run_scoped3A_150 = tpu.sem_alloc : memref<!tpu.dma_semaphore, #tpu.memory_space<semaphore_mem>>
          %dma_start3A_151 = arith.constant 0 : i32
          %dma_start3A_152 = tpu.memref_slice %arg7[%add3A_148, %dma_start3A_151] : memref<40x128xi32, #tpu.memory_space<vmem>> -> memref<1x128xi32, #tpu.memory_space<vmem>>
          %dma_start3A_153 = tpu.memref_squeeze %dma_start3A_152 : memref<1x128xi32, #tpu.memory_space<vmem>> -> memref<128xi32, #tpu.memory_space<vmem>>
          %dma_start3A_154 = arith.constant 0 : i32
          %dma_start3A_155 = arith.constant 0 : i32
          %dma_start3A_156 = tpu.memref_slice %arg10[%dma_start3A_154, %dma_start3A_155] : memref<10240x128xf32, #tpu.memory_space<vmem_shared>> -> memref<10240x128xf32, #tpu.memory_space<vmem_shared>>
          tpu.enqueue_indirect_dma source(%arg9 : memref<128x128xf32, #tpu.memory_space<vmem>>) target(%dma_start3A_156 : memref<10240x128xf32, #tpu.memory_space<vmem_shared>>) offsets(%dma_start3A_153 : memref<128xi32, #tpu.memory_space<vmem>>) semaphore(%run_scoped3A_150 : memref<!tpu.dma_semaphore, #tpu.memory_space<semaphore_mem>>) {add = true}
          %dma_wait3A_157 = arith.constant 0 : i32
          %dma_wait3A_158 = tpu.memref_slice %arg7[%add3A_148, %dma_wait3A_157] : memref<40x128xi32, #tpu.memory_space<vmem>> -> memref<1x128xi32, #tpu.memory_space<vmem>>
          %dma_wait3A_159 = tpu.memref_squeeze %dma_wait3A_158 : memref<1x128xi32, #tpu.memory_space<vmem>> -> memref<128xi32, #tpu.memory_space<vmem>>
          %dma_wait3A_160 = arith.constant 0 : i32
          %dma_wait3A_161 = arith.constant 0 : i32
          %dma_wait3A_162 = tpu.memref_slice %arg10[%dma_wait3A_160, %dma_wait3A_161] : memref<10240x128xf32, #tpu.memory_space<vmem_shared>> -> memref<10240x128xf32, #tpu.memory_space<vmem_shared>>
          tpu.wait_indirect_dma semaphore(%run_scoped3A_150 : memref<!tpu.dma_semaphore, #tpu.memory_space<semaphore_mem>>) src(%arg9 : memref<128x128xf32, #tpu.memory_space<vmem>>) dst(%dma_wait3A_162 : memref<10240x128xf32, #tpu.memory_space<vmem_shared>>)
          tpu.yield
        }) : () -> ()
        %scan3A_149 = arith.constant 0 : i32
        scf.yield %scan3A_149 : i32
      }
      %scan3A_93 = arith.constant 3 : i32
      %dma_start3A_94 = arith.constant 7 : i32
      %dma_start3A_95 = arith.constant 0 : i32
      %dma_start3A_96 = tpu.memref_slice %arg6[%dma_start3A_94, %dma_start3A_95] : memref<40x128xi32, #tpu.memory_space<vmem>> -> memref<1x128xi32, #tpu.memory_space<vmem>>
      %dma_start3A_97 = tpu.memref_squeeze %dma_start3A_96 : memref<1x128xi32, #tpu.memory_space<vmem>> -> memref<128xi32, #tpu.memory_space<vmem>>
      %dma_start3A_98 = arith.constant 0 : i32
      %dma_start3A_99 = arith.constant 0 : i32
      %dma_start3A_100 = tpu.memref_slice %arg2[%dma_start3A_98, %dma_start3A_99] : memref<10016x128xf32, #tpu.memory_space<hbm>> -> memref<10016x128xf32, #tpu.memory_space<hbm>>
      tpu.enqueue_indirect_dma source(%dma_start3A_100 : memref<10016x128xf32, #tpu.memory_space<hbm>>) target(%arg9 : memref<128x128xf32, #tpu.memory_space<vmem>>) offsets(%dma_start3A_97 : memref<128xi32, #tpu.memory_space<vmem>>) semaphore(%arg12 : memref<!tpu.dma_semaphore, #tpu.memory_space<semaphore_mem>>)
      %dma_wait3A_101 = arith.constant 0 : i32
      %dma_wait3A_102 = arith.constant 0 : i32
      %dma_wait3A_103 = tpu.memref_slice %arg2[%dma_wait3A_101, %dma_wait3A_102] : memref<10016x128xf32, #tpu.memory_space<hbm>> -> memref<128x128xf32, #tpu.memory_space<hbm>>
      %dma_wait3A_104 = arith.constant 0 : i32
      %dma_wait3A_105 = arith.constant 0 : i32
      %dma_wait3A_106 = tpu.memref_slice %arg2[%dma_wait3A_104, %dma_wait3A_105] : memref<10016x128xf32, #tpu.memory_space<hbm>> -> memref<128x128xf32, #tpu.memory_space<hbm>>
      tpu.wait_dma2 semaphore(%arg11 : memref<!tpu.dma_semaphore, #tpu.memory_space<semaphore_mem>>) src(%dma_wait3A_106 : memref<128x128xf32, #tpu.memory_space<hbm>>) dst(%arg8 : memref<128x128xf32, #tpu.memory_space<vmem>>)
      %run_scoped3A_107 = arith.constant 6 : i32
      "tpu.region"() ({
        %run_scoped3A_115 = tpu.sem_alloc : memref<!tpu.dma_semaphore, #tpu.memory_space<semaphore_mem>>
        %dma_start3A_116 = arith.constant 0 : i32
        %dma_start3A_117 = tpu.memref_slice %arg7[%run_scoped3A_107, %dma_start3A_116] : memref<40x128xi32, #tpu.memory_space<vmem>> -> memref<1x128xi32, #tpu.memory_space<vmem>>
        %dma_start3A_118 = tpu.memref_squeeze %dma_start3A_117 : memref<1x128xi32, #tpu.memory_space<vmem>> -> memref<128xi32, #tpu.memory_space<vmem>>
        %dma_start3A_119 = arith.constant 0 : i32
        %dma_start3A_120 = arith.constant 0 : i32
        %dma_start3A_121 = tpu.memref_slice %arg10[%dma_start3A_119, %dma_start3A_120] : memref<10240x128xf32, #tpu.memory_space<vmem_shared>> -> memref<10240x128xf32, #tpu.memory_space<vmem_shared>>
        tpu.enqueue_indirect_dma source(%arg8 : memref<128x128xf32, #tpu.memory_space<vmem>>) target(%dma_start3A_121 : memref<10240x128xf32, #tpu.memory_space<vmem_shared>>) offsets(%dma_start3A_118 : memref<128xi32, #tpu.memory_space<vmem>>) semaphore(%run_scoped3A_115 : memref<!tpu.dma_semaphore, #tpu.memory_space<semaphore_mem>>) {add = true}
        %dma_wait3A_122 = arith.constant 0 : i32
        %dma_wait3A_123 = tpu.memref_slice %arg7[%run_scoped3A_107, %dma_wait3A_122] : memref<40x128xi32, #tpu.memory_space<vmem>> -> memref<1x128xi32, #tpu.memory_space<vmem>>
        %dma_wait3A_124 = tpu.memref_squeeze %dma_wait3A_123 : memref<1x128xi32, #tpu.memory_space<vmem>> -> memref<128xi32, #tpu.memory_space<vmem>>
        %dma_wait3A_125 = arith.constant 0 : i32
        %dma_wait3A_126 = arith.constant 0 : i32
        %dma_wait3A_127 = tpu.memref_slice %arg10[%dma_wait3A_125, %dma_wait3A_126] : memref<10240x128xf32, #tpu.memory_space<vmem_shared>> -> memref<10240x128xf32, #tpu.memory_space<vmem_shared>>
        tpu.wait_indirect_dma semaphore(%run_scoped3A_115 : memref<!tpu.dma_semaphore, #tpu.memory_space<semaphore_mem>>) src(%arg8 : memref<128x128xf32, #tpu.memory_space<vmem>>) dst(%dma_wait3A_127 : memref<10240x128xf32, #tpu.memory_space<vmem_shared>>)
        tpu.yield
      }) : () -> ()
      %dma_wait3A_108 = arith.constant 0 : i32
      %dma_wait3A_109 = arith.constant 0 : i32
      %dma_wait3A_110 = tpu.memref_slice %arg2[%dma_wait3A_108, %dma_wait3A_109] : memref<10016x128xf32, #tpu.memory_space<hbm>> -> memref<128x128xf32, #tpu.memory_space<hbm>>
      %dma_wait3A_111 = arith.constant 0 : i32
      %dma_wait3A_112 = arith.constant 0 : i32
      %dma_wait3A_113 = tpu.memref_slice %arg2[%dma_wait3A_111, %dma_wait3A_112] : memref<10016x128xf32, #tpu.memory_space<hbm>> -> memref<128x128xf32, #tpu.memory_space<hbm>>
      tpu.wait_dma2 semaphore(%arg12 : memref<!tpu.dma_semaphore, #tpu.memory_space<semaphore_mem>>) src(%dma_wait3A_113 : memref<128x128xf32, #tpu.memory_space<hbm>>) dst(%arg9 : memref<128x128xf32, #tpu.memory_space<vmem>>)
      %run_scoped3A_114 = arith.constant 7 : i32
      "tpu.region"() ({
        %run_scoped3A_115 = tpu.sem_alloc : memref<!tpu.dma_semaphore, #tpu.memory_space<semaphore_mem>>
        %dma_start3A_116 = arith.constant 0 : i32
        %dma_start3A_117 = tpu.memref_slice %arg7[%run_scoped3A_114, %dma_start3A_116] : memref<40x128xi32, #tpu.memory_space<vmem>> -> memref<1x128xi32, #tpu.memory_space<vmem>>
        %dma_start3A_118 = tpu.memref_squeeze %dma_start3A_117 : memref<1x128xi32, #tpu.memory_space<vmem>> -> memref<128xi32, #tpu.memory_space<vmem>>
        %dma_start3A_119 = arith.constant 0 : i32
        %dma_start3A_120 = arith.constant 0 : i32
        %dma_start3A_121 = tpu.memref_slice %arg10[%dma_start3A_119, %dma_start3A_120] : memref<10240x128xf32, #tpu.memory_space<vmem_shared>> -> memref<10240x128xf32, #tpu.memory_space<vmem_shared>>
        tpu.enqueue_indirect_dma source(%arg9 : memref<128x128xf32, #tpu.memory_space<vmem>>) target(%dma_start3A_121 : memref<10240x128xf32, #tpu.memory_space<vmem_shared>>) offsets(%dma_start3A_118 : memref<128xi32, #tpu.memory_space<vmem>>) semaphore(%run_scoped3A_115 : memref<!tpu.dma_semaphore, #tpu.memory_space<semaphore_mem>>) {add = true}
        %dma_wait3A_122 = arith.constant 0 : i32
        %dma_wait3A_123 = tpu.memref_slice %arg7[%run_scoped3A_114, %dma_wait3A_122] : memref<40x128xi32, #tpu.memory_space<vmem>> -> memref<1x128xi32, #tpu.memory_space<vmem>>
        %dma_wait3A_124 = tpu.memref_squeeze %dma_wait3A_123 : memref<1x128xi32, #tpu.memory_space<vmem>> -> memref<128xi32, #tpu.memory_space<vmem>>
        %dma_wait3A_125 = arith.constant 0 : i32
        %dma_wait3A_126 = arith.constant 0 : i32
        %dma_wait3A_127 = tpu.memref_slice %arg10[%dma_wait3A_125, %dma_wait3A_126] : memref<10240x128xf32, #tpu.memory_space<vmem_shared>> -> memref<10240x128xf32, #tpu.memory_space<vmem_shared>>
        tpu.wait_indirect_dma semaphore(%run_scoped3A_115 : memref<!tpu.dma_semaphore, #tpu.memory_space<semaphore_mem>>) src(%arg9 : memref<128x128xf32, #tpu.memory_space<vmem>>) dst(%dma_wait3A_127 : memref<10240x128xf32, #tpu.memory_space<vmem_shared>>)
        tpu.yield
      }) : () -> ()
    } else {
    }
    %barrier3A_35 = arith.constant 0 : index
    tpu.barrier barrier_id(%barrier3A_35)
    %mul3A_36 = arith.constant 640 : i32
    %mul3A_37 = arith.muli %arg1, %mul3A_36 : i32
    %mul3A_38 = arith.constant 640 : i32
    %mul3A_39 = arith.muli %arg1, %mul3A_38 : i32
    "tpu.region"() ({
      %run_scoped3A = tpu.sem_alloc : memref<!tpu.dma_semaphore, #tpu.memory_space<semaphore_mem>>
      %dma_start3A = arith.constant 0 : i32
      %dma_start3A_40 = arith.constant 0 : i32
      %dma_start3A_41 = tpu.memref_slice %arg5[%arg0, %dma_start3A, %dma_start3A_40] : memref<2x10240x128xf32, #tpu.memory_space<hbm>> -> memref<1x10240x128xf32, #tpu.memory_space<hbm>>
      %dma_start3A_42 = tpu.memref_squeeze %dma_start3A_41 : memref<1x10240x128xf32, #tpu.memory_space<hbm>> -> memref<10240x128xf32, #tpu.memory_space<hbm>>
      %dma_start3A_43 = arith.constant 0 : i32
      %dma_start3A_44 = tpu.memref_slice %dma_start3A_42[%mul3A_39, %dma_start3A_43] : memref<10240x128xf32, #tpu.memory_space<hbm>> -> memref<640x128xf32, #tpu.memory_space<hbm>>
      %dma_start3A_45 = arith.constant 0 : i32
      %dma_start3A_46 = tpu.memref_slice %arg10[%mul3A_37, %dma_start3A_45] : memref<10240x128xf32, #tpu.memory_space<vmem_shared>> -> memref<640x128xf32, #tpu.memory_space<vmem_shared>>
      tpu.enqueue_dma source(%dma_start3A_46 : memref<640x128xf32, #tpu.memory_space<vmem_shared>>) target(%dma_start3A_44 : memref<640x128xf32, #tpu.memory_space<hbm>>) target_semaphore(%run_scoped3A : memref<!tpu.dma_semaphore, #tpu.memory_space<semaphore_mem>>)
      %dma_wait3A = arith.constant 0 : i32
      %dma_wait3A_47 = arith.constant 0 : i32
      %dma_wait3A_48 = tpu.memref_slice %arg5[%arg0, %dma_wait3A, %dma_wait3A_47] : memref<2x10240x128xf32, #tpu.memory_space<hbm>> -> memref<1x10240x128xf32, #tpu.memory_space<hbm>>
      %dma_wait3A_49 = tpu.memref_squeeze %dma_wait3A_48 : memref<1x10240x128xf32, #tpu.memory_space<hbm>> -> memref<10240x128xf32, #tpu.memory_space<hbm>>
      %dma_wait3A_50 = arith.constant 0 : i32
      %dma_wait3A_51 = tpu.memref_slice %dma_wait3A_49[%mul3A_39, %dma_wait3A_50] : memref<10240x128xf32, #tpu.memory_space<hbm>> -> memref<640x128xf32, #tpu.memory_space<hbm>>
      %dma_wait3A_52 = arith.constant 0 : i32
      %dma_wait3A_53 = tpu.memref_slice %arg10[%mul3A_37, %dma_wait3A_52] : memref<10240x128xf32, #tpu.memory_space<vmem_shared>> -> memref<640x128xf32, #tpu.memory_space<vmem_shared>>
      tpu.wait_dma2 semaphore(%run_scoped3A : memref<!tpu.dma_semaphore, #tpu.memory_space<semaphore_mem>>) src(%dma_wait3A_53 : memref<640x128xf32, #tpu.memory_space<vmem_shared>>) dst(%dma_wait3A_51 : memref<640x128xf32, #tpu.memory_space<hbm>>)
      tpu.yield
    }) : () -> ()
    return
  }
}

#map = affine_map<(d0, d1) -> (0, 0)>
#map1 = affine_map<(d0, d1) -> (0, 0, 0)>
module attributes {stable_mosaic.version = 14 : i64} {
  func.func @k(%arg0: i32, %arg1: i32, %arg2: memref<10016x128xf32, #tpu.memory_space<hbm>>, %arg3: memref<2560x128xi32, #tpu.memory_space<hbm>>, %arg4: memref<2560x128xi32, #tpu.memory_space<hbm>>, %arg5: memref<2x10240x128xf32, #tpu.memory_space<hbm>>, %arg6: memref<40x128xi32, #tpu.memory_space<vmem>>, %arg7: memref<40x128xi32, #tpu.memory_space<vmem>>, %arg8: memref<128x128xf32, #tpu.memory_space<vmem>>, %arg9: memref<128x128xf32, #tpu.memory_space<vmem>>, %arg10: memref<10240x128xf32, #tpu.memory_space<vmem_shared>>, %arg11: memref<!tpu.dma_semaphore, #tpu.memory_space<semaphore_mem>>, %arg12: memref<!tpu.dma_semaphore, #tpu.memory_space<semaphore_mem>>) attributes {dimension_semantics = [#tpu.dimension_semantics<core_parallel>, #tpu.dimension_semantics<subcore_parallel>], iteration_bounds = array<i64: 2, 16>, scalar_prefetch = 0 : i64, scratch_operands = 7 : i64, tpu.core_type = #tpu.core_type<sc_vector_subcore>, window_params = [{transform_indices = #map}, {transform_indices = #map}, {transform_indices = #map}, {transform_indices = #map1}]} {
    %mul3A = arith.constant 2 : i32
    %mul3A_0 = arith.muli %arg1, %mul3A : i32
    %add3A = arith.addi %mul3A_0, %arg0 : i32
    %broadcast_in_dim3A = arith.constant 0.000000e+00 : f32
    %broadcast_in_dim3A_1 = vector.broadcast %broadcast_in_dim3A : f32 to vector<16xf32>
    %scan3A = arith.constant 0 : i32
    %scan3A_2 = arith.constant 0 : i32
    %scan3A_3 = arith.constant 128 : i32
    %scan3A_4 = arith.addi %scan3A_2, %scan3A_3 : i32
    %scan3A_5 = arith.constant 1 : i32
    %scan3A_6 = scf.for %scan3A_40 = %scan3A_2 to %scan3A_4 step %scan3A_5 iter_args(%scan3A_41 = %scan3A) -> (i32)  : i32 {
      %swap3A = arith.index_cast %scan3A_40 : i32 to index
      %swap3A_42 = arith.constant 0 : index
      %swap3A_43 = tpu.vector_load %arg8[%swap3A, %swap3A_42] {strides = array<i32>} : memref<128x128xf32, #tpu.memory_space<vmem>>, vector<1x16xf32>,
      %swap3A_44 = vector.shape_cast %swap3A_43 : vector<1x16xf32> to vector<16xf32>
      %swap3A_45 = vector.shape_cast %broadcast_in_dim3A_1 : vector<16xf32> to vector<1x16xf32>
      tpu.vector_store %arg8[%swap3A, %swap3A_42], %swap3A_45 {strides = array<i32>} : memref<128x128xf32, #tpu.memory_space<vmem>>, vector<1x16xf32>,
      %swap3A_46 = arith.index_cast %scan3A_40 : i32 to index
      %swap3A_47 = arith.constant 16 : index
      %swap3A_48 = tpu.vector_load %arg8[%swap3A_46, %swap3A_47] {strides = array<i32>} : memref<128x128xf32, #tpu.memory_space<vmem>>, vector<1x16xf32>,
      %swap3A_49 = vector.shape_cast %swap3A_48 : vector<1x16xf32> to vector<16xf32>
      %swap3A_50 = vector.shape_cast %broadcast_in_dim3A_1 : vector<16xf32> to vector<1x16xf32>
      tpu.vector_store %arg8[%swap3A_46, %swap3A_47], %swap3A_50 {strides = array<i32>} : memref<128x128xf32, #tpu.memory_space<vmem>>, vector<1x16xf32>,
      %swap3A_51 = arith.index_cast %scan3A_40 : i32 to index
      %swap3A_52 = arith.constant 32 : index
      %swap3A_53 = tpu.vector_load %arg8[%swap3A_51, %swap3A_52] {strides = array<i32>} : memref<128x128xf32, #tpu.memory_space<vmem>>, vector<1x16xf32>,
      %swap3A_54 = vector.shape_cast %swap3A_53 : vector<1x16xf32> to vector<16xf32>
      %swap3A_55 = vector.shape_cast %broadcast_in_dim3A_1 : vector<16xf32> to vector<1x16xf32>
      tpu.vector_store %arg8[%swap3A_51, %swap3A_52], %swap3A_55 {strides = array<i32>} : memref<128x128xf32, #tpu.memory_space<vmem>>, vector<1x16xf32>,
      %swap3A_56 = arith.index_cast %scan3A_40 : i32 to index
      %swap3A_57 = arith.constant 48 : index
      %swap3A_58 = tpu.vector_load %arg8[%swap3A_56, %swap3A_57] {strides = array<i32>} : memref<128x128xf32, #tpu.memory_space<vmem>>, vector<1x16xf32>,
      %swap3A_59 = vector.shape_cast %swap3A_58 : vector<1x16xf32> to vector<16xf32>
      %swap3A_60 = vector.shape_cast %broadcast_in_dim3A_1 : vector<16xf32> to vector<1x16xf32>
      tpu.vector_store %arg8[%swap3A_56, %swap3A_57], %swap3A_60 {strides = array<i32>} : memref<128x128xf32, #tpu.memory_space<vmem>>, vector<1x16xf32>,
      %swap3A_61 = arith.index_cast %scan3A_40 : i32 to index
      %swap3A_62 = arith.constant 64 : index
      %swap3A_63 = tpu.vector_load %arg8[%swap3A_61, %swap3A_62] {strides = array<i32>} : memref<128x128xf32, #tpu.memory_space<vmem>>, vector<1x16xf32>,
      %swap3A_64 = vector.shape_cast %swap3A_63 : vector<1x16xf32> to vector<16xf32>
      %swap3A_65 = vector.shape_cast %broadcast_in_dim3A_1 : vector<16xf32> to vector<1x16xf32>
      tpu.vector_store %arg8[%swap3A_61, %swap3A_62], %swap3A_65 {strides = array<i32>} : memref<128x128xf32, #tpu.memory_space<vmem>>, vector<1x16xf32>,
      %swap3A_66 = arith.index_cast %scan3A_40 : i32 to index
      %swap3A_67 = arith.constant 80 : index
      %swap3A_68 = tpu.vector_load %arg8[%swap3A_66, %swap3A_67] {strides = array<i32>} : memref<128x128xf32, #tpu.memory_space<vmem>>, vector<1x16xf32>,
      %swap3A_69 = vector.shape_cast %swap3A_68 : vector<1x16xf32> to vector<16xf32>
      %swap3A_70 = vector.shape_cast %broadcast_in_dim3A_1 : vector<16xf32> to vector<1x16xf32>
      tpu.vector_store %arg8[%swap3A_66, %swap3A_67], %swap3A_70 {strides = array<i32>} : memref<128x128xf32, #tpu.memory_space<vmem>>, vector<1x16xf32>,
      %swap3A_71 = arith.index_cast %scan3A_40 : i32 to index
      %swap3A_72 = arith.constant 96 : index
      %swap3A_73 = tpu.vector_load %arg8[%swap3A_71, %swap3A_72] {strides = array<i32>} : memref<128x128xf32, #tpu.memory_space<vmem>>, vector<1x16xf32>,
      %swap3A_74 = vector.shape_cast %swap3A_73 : vector<1x16xf32> to vector<16xf32>
      %swap3A_75 = vector.shape_cast %broadcast_in_dim3A_1 : vector<16xf32> to vector<1x16xf32>
      tpu.vector_store %arg8[%swap3A_71, %swap3A_72], %swap3A_75 {strides = array<i32>} : memref<128x128xf32, #tpu.memory_space<vmem>>, vector<1x16xf32>,
      %swap3A_76 = arith.index_cast %scan3A_40 : i32 to index
      %swap3A_77 = arith.constant 112 : index
      %swap3A_78 = tpu.vector_load %arg8[%swap3A_76, %swap3A_77] {strides = array<i32>} : memref<128x128xf32, #tpu.memory_space<vmem>>, vector<1x16xf32>,
      %swap3A_79 = vector.shape_cast %swap3A_78 : vector<1x16xf32> to vector<16xf32>
      %swap3A_80 = vector.shape_cast %broadcast_in_dim3A_1 : vector<16xf32> to vector<1x16xf32>
      tpu.vector_store %arg8[%swap3A_76, %swap3A_77], %swap3A_80 {strides = array<i32>} : memref<128x128xf32, #tpu.memory_space<vmem>>, vector<1x16xf32>,
      %scan3A_81 = arith.constant 0 : i32
      scf.yield %scan3A_81 : i32
    }
    %scan3A_7 = arith.constant 128 : i32
    %mul3A_8 = arith.constant 640 : i32
    %mul3A_9 = arith.muli %arg1, %mul3A_8 : i32
    %add3A_10 = arith.constant 0 : i32
    %add3A_11 = arith.addi %mul3A_9, %add3A_10 : i32
    "tpu.region"() ({
      %run_scoped3A = tpu.sem_alloc : memref<!tpu.dma_semaphore, #tpu.memory_space<semaphore_mem>>
      %dma_start3A = arith.constant 0 : i32
      %dma_start3A_40 = tpu.memref_slice %arg10[%add3A_11, %dma_start3A] : memref<10240x128xf32, #tpu.memory_space<vmem_shared>> -> memref<128x128xf32, #tpu.memory_space<vmem_shared>>
      %dma_start3A_41 = arith.constant 0 : i32
      %dma_start3A_42 = tpu.memref_slice %arg10[%add3A_11, %dma_start3A_41] : memref<10240x128xf32, #tpu.memory_space<vmem_shared>> -> memref<128x128xf32, #tpu.memory_space<vmem_shared>>
      tpu.enqueue_dma source(%arg8 : memref<128x128xf32, #tpu.memory_space<vmem>>) target(%dma_start3A_42 : memref<128x128xf32, #tpu.memory_space<vmem_shared>>) target_semaphore(%run_scoped3A : memref<!tpu.dma_semaphore, #tpu.memory_space<semaphore_mem>>)
      %dma_wait3A = arith.constant 0 : i32
      %dma_wait3A_43 = tpu.memref_slice %arg10[%add3A_11, %dma_wait3A] : memref<10240x128xf32, #tpu.memory_space<vmem_shared>> -> memref<128x128xf32, #tpu.memory_space<vmem_shared>>
      %dma_wait3A_44 = arith.constant 0 : i32
      %dma_wait3A_45 = tpu.memref_slice %arg10[%add3A_11, %dma_wait3A_44] : memref<10240x128xf32, #tpu.memory_space<vmem_shared>> -> memref<128x128xf32, #tpu.memory_space<vmem_shared>>
      tpu.wait_dma2 semaphore(%run_scoped3A : memref<!tpu.dma_semaphore, #tpu.memory_space<semaphore_mem>>) src(%arg8 : memref<128x128xf32, #tpu.memory_space<vmem>>) dst(%dma_wait3A_45 : memref<128x128xf32, #tpu.memory_space<vmem_shared>>)
      tpu.yield
    }) : () -> ()
    %mul3A_12 = arith.constant 640 : i32
    %mul3A_13 = arith.muli %arg1, %mul3A_12 : i32
    %add3A_14 = arith.constant 128 : i32
    %add3A_15 = arith.addi %mul3A_13, %add3A_14 : i32
    "tpu.region"() ({
      %run_scoped3A = tpu.sem_alloc : memref<!tpu.dma_semaphore, #tpu.memory_space<semaphore_mem>>
      %dma_start3A = arith.constant 0 : i32
      %dma_start3A_40 = tpu.memref_slice %arg10[%add3A_15, %dma_start3A] : memref<10240x128xf32, #tpu.memory_space<vmem_shared>> -> memref<128x128xf32, #tpu.memory_space<vmem_shared>>
      %dma_start3A_41 = arith.constant 0 : i32
      %dma_start3A_42 = tpu.memref_slice %arg10[%add3A_15, %dma_start3A_41] : memref<10240x128xf32, #tpu.memory_space<vmem_shared>> -> memref<128x128xf32, #tpu.memory_space<vmem_shared>>
      tpu.enqueue_dma source(%arg8 : memref<128x128xf32, #tpu.memory_space<vmem>>) target(%dma_start3A_42 : memref<128x128xf32, #tpu.memory_space<vmem_shared>>) target_semaphore(%run_scoped3A : memref<!tpu.dma_semaphore, #tpu.memory_space<semaphore_mem>>)
      %dma_wait3A = arith.constant 0 : i32
      %dma_wait3A_43 = tpu.memref_slice %arg10[%add3A_15, %dma_wait3A] : memref<10240x128xf32, #tpu.memory_space<vmem_shared>> -> memref<128x128xf32, #tpu.memory_space<vmem_shared>>
      %dma_wait3A_44 = arith.constant 0 : i32
      %dma_wait3A_45 = tpu.memref_slice %arg10[%add3A_15, %dma_wait3A_44] : memref<10240x128xf32, #tpu.memory_space<vmem_shared>> -> memref<128x128xf32, #tpu.memory_space<vmem_shared>>
      tpu.wait_dma2 semaphore(%run_scoped3A : memref<!tpu.dma_semaphore, #tpu.memory_space<semaphore_mem>>) src(%arg8 : memref<128x128xf32, #tpu.memory_space<vmem>>) dst(%dma_wait3A_45 : memref<128x128xf32, #tpu.memory_space<vmem_shared>>)
      tpu.yield
    }) : () -> ()
    %mul3A_16 = arith.constant 640 : i32
    %mul3A_17 = arith.muli %arg1, %mul3A_16 : i32
    %add3A_18 = arith.constant 256 : i32
    %add3A_19 = arith.addi %mul3A_17, %add3A_18 : i32
    "tpu.region"() ({
      %run_scoped3A = tpu.sem_alloc : memref<!tpu.dma_semaphore, #tpu.memory_space<semaphore_mem>>
      %dma_start3A = arith.constant 0 : i32
      %dma_start3A_40 = tpu.memref_slice %arg10[%add3A_19, %dma_start3A] : memref<10240x128xf32, #tpu.memory_space<vmem_shared>> -> memref<128x128xf32, #tpu.memory_space<vmem_shared>>
      %dma_start3A_41 = arith.constant 0 : i32
      %dma_start3A_42 = tpu.memref_slice %arg10[%add3A_19, %dma_start3A_41] : memref<10240x128xf32, #tpu.memory_space<vmem_shared>> -> memref<128x128xf32, #tpu.memory_space<vmem_shared>>
      tpu.enqueue_dma source(%arg8 : memref<128x128xf32, #tpu.memory_space<vmem>>) target(%dma_start3A_42 : memref<128x128xf32, #tpu.memory_space<vmem_shared>>) target_semaphore(%run_scoped3A : memref<!tpu.dma_semaphore, #tpu.memory_space<semaphore_mem>>)
      %dma_wait3A = arith.constant 0 : i32
      %dma_wait3A_43 = tpu.memref_slice %arg10[%add3A_19, %dma_wait3A] : memref<10240x128xf32, #tpu.memory_space<vmem_shared>> -> memref<128x128xf32, #tpu.memory_space<vmem_shared>>
      %dma_wait3A_44 = arith.constant 0 : i32
      %dma_wait3A_45 = tpu.memref_slice %arg10[%add3A_19, %dma_wait3A_44] : memref<10240x128xf32, #tpu.memory_space<vmem_shared>> -> memref<128x128xf32, #tpu.memory_space<vmem_shared>>
      tpu.wait_dma2 semaphore(%run_scoped3A : memref<!tpu.dma_semaphore, #tpu.memory_space<semaphore_mem>>) src(%arg8 : memref<128x128xf32, #tpu.memory_space<vmem>>) dst(%dma_wait3A_45 : memref<128x128xf32, #tpu.memory_space<vmem_shared>>)
      tpu.yield
    }) : () -> ()
    %mul3A_20 = arith.constant 640 : i32
    %mul3A_21 = arith.muli %arg1, %mul3A_20 : i32
    %add3A_22 = arith.constant 384 : i32
    %add3A_23 = arith.addi %mul3A_21, %add3A_22 : i32
    "tpu.region"() ({
      %run_scoped3A = tpu.sem_alloc : memref<!tpu.dma_semaphore, #tpu.memory_space<semaphore_mem>>
      %dma_start3A = arith.constant 0 : i32
      %dma_start3A_40 = tpu.memref_slice %arg10[%add3A_23, %dma_start3A] : memref<10240x128xf32, #tpu.memory_space<vmem_shared>> -> memref<128x128xf32, #tpu.memory_space<vmem_shared>>
      %dma_start3A_41 = arith.constant 0 : i32
      %dma_start3A_42 = tpu.memref_slice %arg10[%add3A_23, %dma_start3A_41] : memref<10240x128xf32, #tpu.memory_space<vmem_shared>> -> memref<128x128xf32, #tpu.memory_space<vmem_shared>>
      tpu.enqueue_dma source(%arg8 : memref<128x128xf32, #tpu.memory_space<vmem>>) target(%dma_start3A_42 : memref<128x128xf32, #tpu.memory_space<vmem_shared>>) target_semaphore(%run_scoped3A : memref<!tpu.dma_semaphore, #tpu.memory_space<semaphore_mem>>)
      %dma_wait3A = arith.constant 0 : i32
      %dma_wait3A_43 = tpu.memref_slice %arg10[%add3A_23, %dma_wait3A] : memref<10240x128xf32, #tpu.memory_space<vmem_shared>> -> memref<128x128xf32, #tpu.memory_space<vmem_shared>>
      %dma_wait3A_44 = arith.constant 0 : i32
      %dma_wait3A_45 = tpu.memref_slice %arg10[%add3A_23, %dma_wait3A_44] : memref<10240x128xf32, #tpu.memory_space<vmem_shared>> -> memref<128x128xf32, #tpu.memory_space<vmem_shared>>
      tpu.wait_dma2 semaphore(%run_scoped3A : memref<!tpu.dma_semaphore, #tpu.memory_space<semaphore_mem>>) src(%arg8 : memref<128x128xf32, #tpu.memory_space<vmem>>) dst(%dma_wait3A_45 : memref<128x128xf32, #tpu.memory_space<vmem_shared>>)
      tpu.yield
    }) : () -> ()
    %mul3A_24 = arith.constant 640 : i32
    %mul3A_25 = arith.muli %arg1, %mul3A_24 : i32
    %add3A_26 = arith.constant 512 : i32
    %add3A_27 = arith.addi %mul3A_25, %add3A_26 : i32
    "tpu.region"() ({
      %run_scoped3A = tpu.sem_alloc : memref<!tpu.dma_semaphore, #tpu.memory_space<semaphore_mem>>
      %dma_start3A = arith.constant 0 : i32
      %dma_start3A_40 = tpu.memref_slice %arg10[%add3A_27, %dma_start3A] : memref<10240x128xf32, #tpu.memory_space<vmem_shared>> -> memref<128x128xf32, #tpu.memory_space<vmem_shared>>
      %dma_start3A_41 = arith.constant 0 : i32
      %dma_start3A_42 = tpu.memref_slice %arg10[%add3A_27, %dma_start3A_41] : memref<10240x128xf32, #tpu.memory_space<vmem_shared>> -> memref<128x128xf32, #tpu.memory_space<vmem_shared>>
      tpu.enqueue_dma source(%arg8 : memref<128x128xf32, #tpu.memory_space<vmem>>) target(%dma_start3A_42 : memref<128x128xf32, #tpu.memory_space<vmem_shared>>) target_semaphore(%run_scoped3A : memref<!tpu.dma_semaphore, #tpu.memory_space<semaphore_mem>>)
      %dma_wait3A = arith.constant 0 : i32
      %dma_wait3A_43 = tpu.memref_slice %arg10[%add3A_27, %dma_wait3A] : memref<10240x128xf32, #tpu.memory_space<vmem_shared>> -> memref<128x128xf32, #tpu.memory_space<vmem_shared>>
      %dma_wait3A_44 = arith.constant 0 : i32
      %dma_wait3A_45 = tpu.memref_slice %arg10[%add3A_27, %dma_wait3A_44] : memref<10240x128xf32, #tpu.memory_space<vmem_shared>> -> memref<128x128xf32, #tpu.memory_space<vmem_shared>>
      tpu.wait_dma2 semaphore(%run_scoped3A : memref<!tpu.dma_semaphore, #tpu.memory_space<semaphore_mem>>) src(%arg8 : memref<128x128xf32, #tpu.memory_space<vmem>>) dst(%dma_wait3A_45 : memref<128x128xf32, #tpu.memory_space<vmem_shared>>)
      tpu.yield
    }) : () -> ()
    %barrier3A = arith.constant 0 : index
    tpu.barrier barrier_id(%barrier3A)
    %eq3A = arith.constant 0 : i32
    %eq3A_28 = arith.cmpi eq, %arg0, %eq3A : i32
    %convert_element_type3A = arith.extui %eq3A_28 : i1 to i32
    %cond3A = arith.constant 0 : i32
    %cond3A_29 = arith.cmpi ne, %convert_element_type3A, %cond3A : i32
    scf.if %cond3A_29 {
      %mul3A_40 = arith.constant 112 : i32
      %mul3A_41 = arith.muli %arg1, %mul3A_40 : i32
      %add3A_42 = arith.constant 0 : i32
      %add3A_43 = arith.addi %mul3A_41, %add3A_42 : i32
      "tpu.region"() ({
        %run_scoped3A_150 = tpu.sem_alloc : memref<!tpu.dma_semaphore, #tpu.memory_space<semaphore_mem>>
        %dma_start3A_151 = arith.constant 0 : i32
        %dma_start3A_152 = arith.constant 0 : i32
        %dma_start3A_153 = tpu.memref_slice %arg6[%dma_start3A_151, %dma_start3A_152] : memref<40x128xi32, #tpu.memory_space<vmem>> -> memref<40x128xi32, #tpu.memory_space<vmem>>
        %dma_start3A_154 = arith.constant 0 : i32
        %dma_start3A_155 = tpu.memref_slice %arg3[%add3A_43, %dma_start3A_154] : memref<2560x128xi32, #tpu.memory_space<hbm>> -> memref<40x128xi32, #tpu.memory_space<hbm>>
        %dma_start3A_156 = arith.constant 0 : i32
        %dma_start3A_157 = arith.constant 0 : i32
        %dma_start3A_158 = tpu.memref_slice %arg6[%dma_start3A_156, %dma_start3A_157] : memref<40x128xi32, #tpu.memory_space<vmem>> -> memref<40x128xi32, #tpu.memory_space<vmem>>
        %dma_start3A_159 = arith.constant 0 : i32
        %dma_start3A_160 = tpu.memref_slice %arg3[%add3A_43, %dma_start3A_159] : memref<2560x128xi32, #tpu.memory_space<hbm>> -> memref<40x128xi32, #tpu.memory_space<hbm>>
        tpu.enqueue_dma source(%dma_start3A_160 : memref<40x128xi32, #tpu.memory_space<hbm>>) target(%dma_start3A_158 : memref<40x128xi32, #tpu.memory_space<vmem>>) target_semaphore(%run_scoped3A_150 : memref<!tpu.dma_semaphore, #tpu.memory_space<semaphore_mem>>)
        %dma_wait3A_161 = arith.constant 0 : i32
        %dma_wait3A_162 = arith.constant 0 : i32
        %dma_wait3A_163 = tpu.memref_slice %arg6[%dma_wait3A_161, %dma_wait3A_162] : memref<40x128xi32, #tpu.memory_space<vmem>> -> memref<40x128xi32, #tpu.memory_space<vmem>>
        %dma_wait3A_164 = arith.constant 0 : i32
        %dma_wait3A_165 = tpu.memref_slice %arg3[%add3A_43, %dma_wait3A_164] : memref<2560x128xi32, #tpu.memory_space<hbm>> -> memref<40x128xi32, #tpu.memory_space<hbm>>
        %dma_wait3A_166 = arith.constant 0 : i32
        %dma_wait3A_167 = arith.constant 0 : i32
        %dma_wait3A_168 = tpu.memref_slice %arg6[%dma_wait3A_166, %dma_wait3A_167] : memref<40x128xi32, #tpu.memory_space<vmem>> -> memref<40x128xi32, #tpu.memory_space<vmem>>
        %dma_wait3A_169 = arith.constant 0 : i32
        %dma_wait3A_170 = tpu.memref_slice %arg3[%add3A_43, %dma_wait3A_169] : memref<2560x128xi32, #tpu.memory_space<hbm>> -> memref<40x128xi32, #tpu.memory_space<hbm>>
        tpu.wait_dma2 semaphore(%run_scoped3A_150 : memref<!tpu.dma_semaphore, #tpu.memory_space<semaphore_mem>>) src(%dma_wait3A_170 : memref<40x128xi32, #tpu.memory_space<hbm>>) dst(%dma_wait3A_168 : memref<40x128xi32, #tpu.memory_space<vmem>>)
        tpu.yield
      }) : () -> ()
      "tpu.region"() ({
        %run_scoped3A_150 = tpu.sem_alloc : memref<!tpu.dma_semaphore, #tpu.memory_space<semaphore_mem>>
        %dma_start3A_151 = arith.constant 0 : i32
        %dma_start3A_152 = arith.constant 0 : i32
        %dma_start3A_153 = tpu.memref_slice %arg7[%dma_start3A_151, %dma_start3A_152] : memref<40x128xi32, #tpu.memory_space<vmem>> -> memref<40x128xi32, #tpu.memory_space<vmem>>
        %dma_start3A_154 = arith.constant 0 : i32
        %dma_start3A_155 = tpu.memref_slice %arg4[%add3A_43, %dma_start3A_154] : memref<2560x128xi32, #tpu.memory_space<hbm>> -> memref<40x128xi32, #tpu.memory_space<hbm>>
        %dma_start3A_156 = arith.constant 0 : i32
        %dma_start3A_157 = arith.constant 0 : i32
        %dma_start3A_158 = tpu.memref_slice %arg7[%dma_start3A_156, %dma_start3A_157] : memref<40x128xi32, #tpu.memory_space<vmem>> -> memref<40x128xi32, #tpu.memory_space<vmem>>
        %dma_start3A_159 = arith.constant 0 : i32
        %dma_start3A_160 = tpu.memref_slice %arg4[%add3A_43, %dma_start3A_159] : memref<2560x128xi32, #tpu.memory_space<hbm>> -> memref<40x128xi32, #tpu.memory_space<hbm>>
        tpu.enqueue_dma source(%dma_start3A_160 : memref<40x128xi32, #tpu.memory_space<hbm>>) target(%dma_start3A_158 : memref<40x128xi32, #tpu.memory_space<vmem>>) target_semaphore(%run_scoped3A_150 : memref<!tpu.dma_semaphore, #tpu.memory_space<semaphore_mem>>)
        %dma_wait3A_161 = arith.constant 0 : i32
        %dma_wait3A_162 = arith.constant 0 : i32
        %dma_wait3A_163 = tpu.memref_slice %arg7[%dma_wait3A_161, %dma_wait3A_162] : memref<40x128xi32, #tpu.memory_space<vmem>> -> memref<40x128xi32, #tpu.memory_space<vmem>>
        %dma_wait3A_164 = arith.constant 0 : i32
        %dma_wait3A_165 = tpu.memref_slice %arg4[%add3A_43, %dma_wait3A_164] : memref<2560x128xi32, #tpu.memory_space<hbm>> -> memref<40x128xi32, #tpu.memory_space<hbm>>
        %dma_wait3A_166 = arith.constant 0 : i32
        %dma_wait3A_167 = arith.constant 0 : i32
        %dma_wait3A_168 = tpu.memref_slice %arg7[%dma_wait3A_166, %dma_wait3A_167] : memref<40x128xi32, #tpu.memory_space<vmem>> -> memref<40x128xi32, #tpu.memory_space<vmem>>
        %dma_wait3A_169 = arith.constant 0 : i32
        %dma_wait3A_170 = tpu.memref_slice %arg4[%add3A_43, %dma_wait3A_169] : memref<2560x128xi32, #tpu.memory_space<hbm>> -> memref<40x128xi32, #tpu.memory_space<hbm>>
        tpu.wait_dma2 semaphore(%run_scoped3A_150 : memref<!tpu.dma_semaphore, #tpu.memory_space<semaphore_mem>>) src(%dma_wait3A_170 : memref<40x128xi32, #tpu.memory_space<hbm>>) dst(%dma_wait3A_168 : memref<40x128xi32, #tpu.memory_space<vmem>>)
        tpu.yield
      }) : () -> ()
      %dma_start3A = arith.constant 0 : i32
      %dma_start3A_44 = arith.constant 0 : i32
      %dma_start3A_45 = tpu.memref_slice %arg6[%dma_start3A, %dma_start3A_44] : memref<40x128xi32, #tpu.memory_space<vmem>> -> memref<1x128xi32, #tpu.memory_space<vmem>>
      %dma_start3A_46 = tpu.memref_squeeze %dma_start3A_45 : memref<1x128xi32, #tpu.memory_space<vmem>> -> memref<128xi32, #tpu.memory_space<vmem>>
      %dma_start3A_47 = arith.constant 0 : i32
      %dma_start3A_48 = arith.constant 0 : i32
      %dma_start3A_49 = tpu.memref_slice %arg2[%dma_start3A_47, %dma_start3A_48] : memref<10016x128xf32, #tpu.memory_space<hbm>> -> memref<10016x128xf32, #tpu.memory_space<hbm>>
      tpu.enqueue_indirect_dma source(%dma_start3A_49 : memref<10016x128xf32, #tpu.memory_space<hbm>>) target(%arg8 : memref<128x128xf32, #tpu.memory_space<vmem>>) offsets(%dma_start3A_46 : memref<128xi32, #tpu.memory_space<vmem>>) semaphore(%arg11 : memref<!tpu.dma_semaphore, #tpu.memory_space<semaphore_mem>>)
      %scan3A_50 = arith.constant 0 : i32
      %scan3A_51 = arith.constant 0 : i32
      %scan3A_52 = arith.constant 19 : i32
      %scan3A_53 = arith.addi %scan3A_51, %scan3A_52 : i32
      %scan3A_54 = arith.constant 1 : i32
      %scan3A_55 = scf.for %scan3A_150 = %scan3A_51 to %scan3A_53 step %scan3A_54 iter_args(%scan3A_151 = %scan3A_50) -> (i32)  : i32 {
        %mul3A_152 = arith.constant 2 : i32
        %mul3A_153 = arith.muli %mul3A_152, %scan3A_150 : i32
        %add3A_154 = arith.constant 1 : i32
        %add3A_155 = arith.addi %mul3A_153, %add3A_154 : i32
        %dma_start3A_156 = arith.constant 0 : i32
        %dma_start3A_157 = tpu.memref_slice %arg6[%add3A_155, %dma_start3A_156] : memref<40x128xi32, #tpu.memory_space<vmem>> -> memref<1x128xi32, #tpu.memory_space<vmem>>
        %dma_start3A_158 = tpu.memref_squeeze %dma_start3A_157 : memref<1x128xi32, #tpu.memory_space<vmem>> -> memref<128xi32, #tpu.memory_space<vmem>>
        %dma_start3A_159 = arith.constant 0 : i32
        %dma_start3A_160 = arith.constant 0 : i32
        %dma_start3A_161 = tpu.memref_slice %arg2[%dma_start3A_159, %dma_start3A_160] : memref<10016x128xf32, #tpu.memory_space<hbm>> -> memref<10016x128xf32, #tpu.memory_space<hbm>>
        tpu.enqueue_indirect_dma source(%dma_start3A_161 : memref<10016x128xf32, #tpu.memory_space<hbm>>) target(%arg9 : memref<128x128xf32, #tpu.memory_space<vmem>>) offsets(%dma_start3A_158 : memref<128xi32, #tpu.memory_space<vmem>>) semaphore(%arg12 : memref<!tpu.dma_semaphore, #tpu.memory_space<semaphore_mem>>)
        %dma_wait3A_162 = arith.constant 0 : i32
        %dma_wait3A_163 = arith.constant 0 : i32
        %dma_wait3A_164 = tpu.memref_slice %arg2[%dma_wait3A_162, %dma_wait3A_163] : memref<10016x128xf32, #tpu.memory_space<hbm>> -> memref<128x128xf32, #tpu.memory_space<hbm>>
        %dma_wait3A_165 = arith.constant 0 : i32
        %dma_wait3A_166 = arith.constant 0 : i32
        %dma_wait3A_167 = tpu.memref_slice %arg2[%dma_wait3A_165, %dma_wait3A_166] : memref<10016x128xf32, #tpu.memory_space<hbm>> -> memref<128x128xf32, #tpu.memory_space<hbm>>
        tpu.wait_dma2 semaphore(%arg11 : memref<!tpu.dma_semaphore, #tpu.memory_space<semaphore_mem>>) src(%dma_wait3A_167 : memref<128x128xf32, #tpu.memory_space<hbm>>) dst(%arg8 : memref<128x128xf32, #tpu.memory_space<vmem>>)
        "tpu.region"() ({
          %run_scoped3A_185 = tpu.sem_alloc : memref<!tpu.dma_semaphore, #tpu.memory_space<semaphore_mem>>
          %dma_start3A_186 = arith.constant 0 : i32
          %dma_start3A_187 = tpu.memref_slice %arg7[%mul3A_153, %dma_start3A_186] : memref<40x128xi32, #tpu.memory_space<vmem>> -> memref<1x128xi32, #tpu.memory_space<vmem>>
          %dma_start3A_188 = tpu.memref_squeeze %dma_start3A_187 : memref<1x128xi32, #tpu.memory_space<vmem>> -> memref<128xi32, #tpu.memory_space<vmem>>
          %dma_start3A_189 = arith.constant 0 : i32
          %dma_start3A_190 = arith.constant 0 : i32
          %dma_start3A_191 = tpu.memref_slice %arg10[%dma_start3A_189, %dma_start3A_190] : memref<10240x128xf32, #tpu.memory_space<vmem_shared>> -> memref<10240x128xf32, #tpu.memory_space<vmem_shared>>
          tpu.enqueue_indirect_dma source(%arg8 : memref<128x128xf32, #tpu.memory_space<vmem>>) target(%dma_start3A_191 : memref<10240x128xf32, #tpu.memory_space<vmem_shared>>) offsets(%dma_start3A_188 : memref<128xi32, #tpu.memory_space<vmem>>) semaphore(%run_scoped3A_185 : memref<!tpu.dma_semaphore, #tpu.memory_space<semaphore_mem>>) {add = true}
          %dma_wait3A_192 = arith.constant 0 : i32
          %dma_wait3A_193 = tpu.memref_slice %arg7[%mul3A_153, %dma_wait3A_192] : memref<40x128xi32, #tpu.memory_space<vmem>> -> memref<1x128xi32, #tpu.memory_space<vmem>>
          %dma_wait3A_194 = tpu.memref_squeeze %dma_wait3A_193 : memref<1x128xi32, #tpu.memory_space<vmem>> -> memref<128xi32, #tpu.memory_space<vmem>>
          %dma_wait3A_195 = arith.constant 0 : i32
          %dma_wait3A_196 = arith.constant 0 : i32
          %dma_wait3A_197 = tpu.memref_slice %arg10[%dma_wait3A_195, %dma_wait3A_196] : memref<10240x128xf32, #tpu.memory_space<vmem_shared>> -> memref<10240x128xf32, #tpu.memory_space<vmem_shared>>
          tpu.wait_indirect_dma semaphore(%run_scoped3A_185 : memref<!tpu.dma_semaphore, #tpu.memory_space<semaphore_mem>>) src(%arg8 : memref<128x128xf32, #tpu.memory_space<vmem>>) dst(%dma_wait3A_197 : memref<10240x128xf32, #tpu.memory_space<vmem_shared>>)
          tpu.yield
        }) : () -> ()
        %add3A_168 = arith.constant 2 : i32
        %add3A_169 = arith.addi %mul3A_153, %add3A_168 : i32
        %dma_start3A_170 = arith.constant 0 : i32
        %dma_start3A_171 = tpu.memref_slice %arg6[%add3A_169, %dma_start3A_170] : memref<40x128xi32, #tpu.memory_space<vmem>> -> memref<1x128xi32, #tpu.memory_space<vmem>>
        %dma_start3A_172 = tpu.memref_squeeze %dma_start3A_171 : memref<1x128xi32, #tpu.memory_space<vmem>> -> memref<128xi32, #tpu.memory_space<vmem>>
        %dma_start3A_173 = arith.constant 0 : i32
        %dma_start3A_174 = arith.constant 0 : i32
        %dma_start3A_175 = tpu.memref_slice %arg2[%dma_start3A_173, %dma_start3A_174] : memref<10016x128xf32, #tpu.memory_space<hbm>> -> memref<10016x128xf32, #tpu.memory_space<hbm>>
        tpu.enqueue_indirect_dma source(%dma_start3A_175 : memref<10016x128xf32, #tpu.memory_space<hbm>>) target(%arg8 : memref<128x128xf32, #tpu.memory_space<vmem>>) offsets(%dma_start3A_172 : memref<128xi32, #tpu.memory_space<vmem>>) semaphore(%arg11 : memref<!tpu.dma_semaphore, #tpu.memory_space<semaphore_mem>>)
        %dma_wait3A_176 = arith.constant 0 : i32
        %dma_wait3A_177 = arith.constant 0 : i32
        %dma_wait3A_178 = tpu.memref_slice %arg2[%dma_wait3A_176, %dma_wait3A_177] : memref<10016x128xf32, #tpu.memory_space<hbm>> -> memref<128x128xf32, #tpu.memory_space<hbm>>
        %dma_wait3A_179 = arith.constant 0 : i32
        %dma_wait3A_180 = arith.constant 0 : i32
        %dma_wait3A_181 = tpu.memref_slice %arg2[%dma_wait3A_179, %dma_wait3A_180] : memref<10016x128xf32, #tpu.memory_space<hbm>> -> memref<128x128xf32, #tpu.memory_space<hbm>>
        tpu.wait_dma2 semaphore(%arg12 : memref<!tpu.dma_semaphore, #tpu.memory_space<semaphore_mem>>) src(%dma_wait3A_181 : memref<128x128xf32, #tpu.memory_space<hbm>>) dst(%arg9 : memref<128x128xf32, #tpu.memory_space<vmem>>)
        %add3A_182 = arith.constant 1 : i32
        %add3A_183 = arith.addi %mul3A_153, %add3A_182 : i32
        "tpu.region"() ({
          %run_scoped3A_185 = tpu.sem_alloc : memref<!tpu.dma_semaphore, #tpu.memory_space<semaphore_mem>>
          %dma_start3A_186 = arith.constant 0 : i32
          %dma_start3A_187 = tpu.memref_slice %arg7[%add3A_183, %dma_start3A_186] : memref<40x128xi32, #tpu.memory_space<vmem>> -> memref<1x128xi32, #tpu.memory_space<vmem>>
          %dma_start3A_188 = tpu.memref_squeeze %dma_start3A_187 : memref<1x128xi32, #tpu.memory_space<vmem>> -> memref<128xi32, #tpu.memory_space<vmem>>
          %dma_start3A_189 = arith.constant 0 : i32
          %dma_start3A_190 = arith.constant 0 : i32
          %dma_start3A_191 = tpu.memref_slice %arg10[%dma_start3A_189, %dma_start3A_190] : memref<10240x128xf32, #tpu.memory_space<vmem_shared>> -> memref<10240x128xf32, #tpu.memory_space<vmem_shared>>
          tpu.enqueue_indirect_dma source(%arg9 : memref<128x128xf32, #tpu.memory_space<vmem>>) target(%dma_start3A_191 : memref<10240x128xf32, #tpu.memory_space<vmem_shared>>) offsets(%dma_start3A_188 : memref<128xi32, #tpu.memory_space<vmem>>) semaphore(%run_scoped3A_185 : memref<!tpu.dma_semaphore, #tpu.memory_space<semaphore_mem>>) {add = true}
          %dma_wait3A_192 = arith.constant 0 : i32
          %dma_wait3A_193 = tpu.memref_slice %arg7[%add3A_183, %dma_wait3A_192] : memref<40x128xi32, #tpu.memory_space<vmem>> -> memref<1x128xi32, #tpu.memory_space<vmem>>
          %dma_wait3A_194 = tpu.memref_squeeze %dma_wait3A_193 : memref<1x128xi32, #tpu.memory_space<vmem>> -> memref<128xi32, #tpu.memory_space<vmem>>
          %dma_wait3A_195 = arith.constant 0 : i32
          %dma_wait3A_196 = arith.constant 0 : i32
          %dma_wait3A_197 = tpu.memref_slice %arg10[%dma_wait3A_195, %dma_wait3A_196] : memref<10240x128xf32, #tpu.memory_space<vmem_shared>> -> memref<10240x128xf32, #tpu.memory_space<vmem_shared>>
          tpu.wait_indirect_dma semaphore(%run_scoped3A_185 : memref<!tpu.dma_semaphore, #tpu.memory_space<semaphore_mem>>) src(%arg9 : memref<128x128xf32, #tpu.memory_space<vmem>>) dst(%dma_wait3A_197 : memref<10240x128xf32, #tpu.memory_space<vmem_shared>>)
          tpu.yield
        }) : () -> ()
        %scan3A_184 = arith.constant 0 : i32
        scf.yield %scan3A_184 : i32
      }
      %scan3A_56 = arith.constant 19 : i32
      %dma_start3A_57 = arith.constant 39 : i32
      %dma_start3A_58 = arith.constant 0 : i32
      %dma_start3A_59 = tpu.memref_slice %arg6[%dma_start3A_57, %dma_start3A_58] : memref<40x128xi32, #tpu.memory_space<vmem>> -> memref<1x128xi32, #tpu.memory_space<vmem>>
      %dma_start3A_60 = tpu.memref_squeeze %dma_start3A_59 : memref<1x128xi32, #tpu.memory_space<vmem>> -> memref<128xi32, #tpu.memory_space<vmem>>
      %dma_start3A_61 = arith.constant 0 : i32
      %dma_start3A_62 = arith.constant 0 : i32
      %dma_start3A_63 = tpu.memref_slice %arg2[%dma_start3A_61, %dma_start3A_62] : memref<10016x128xf32, #tpu.memory_space<hbm>> -> memref<10016x128xf32, #tpu.memory_space<hbm>>
      tpu.enqueue_indirect_dma source(%dma_start3A_63 : memref<10016x128xf32, #tpu.memory_space<hbm>>) target(%arg9 : memref<128x128xf32, #tpu.memory_space<vmem>>) offsets(%dma_start3A_60 : memref<128xi32, #tpu.memory_space<vmem>>) semaphore(%arg12 : memref<!tpu.dma_semaphore, #tpu.memory_space<semaphore_mem>>)
      %dma_wait3A = arith.constant 0 : i32
      %dma_wait3A_64 = arith.constant 0 : i32
      %dma_wait3A_65 = tpu.memref_slice %arg2[%dma_wait3A, %dma_wait3A_64] : memref<10016x128xf32, #tpu.memory_space<hbm>> -> memref<128x128xf32, #tpu.memory_space<hbm>>
      %dma_wait3A_66 = arith.constant 0 : i32
      %dma_wait3A_67 = arith.constant 0 : i32
      %dma_wait3A_68 = tpu.memref_slice %arg2[%dma_wait3A_66, %dma_wait3A_67] : memref<10016x128xf32, #tpu.memory_space<hbm>> -> memref<128x128xf32, #tpu.memory_space<hbm>>
      tpu.wait_dma2 semaphore(%arg11 : memref<!tpu.dma_semaphore, #tpu.memory_space<semaphore_mem>>) src(%dma_wait3A_68 : memref<128x128xf32, #tpu.memory_space<hbm>>) dst(%arg8 : memref<128x128xf32, #tpu.memory_space<vmem>>)
      %run_scoped3A = arith.constant 38 : i32
      "tpu.region"() ({
        %run_scoped3A_150 = tpu.sem_alloc : memref<!tpu.dma_semaphore, #tpu.memory_space<semaphore_mem>>
        %dma_start3A_151 = arith.constant 0 : i32
        %dma_start3A_152 = tpu.memref_slice %arg7[%run_scoped3A, %dma_start3A_151] : memref<40x128xi32, #tpu.memory_space<vmem>> -> memref<1x128xi32, #tpu.memory_space<vmem>>
        %dma_start3A_153 = tpu.memref_squeeze %dma_start3A_152 : memref<1x128xi32, #tpu.memory_space<vmem>> -> memref<128xi32, #tpu.memory_space<vmem>>
        %dma_start3A_154 = arith.constant 0 : i32
        %dma_start3A_155 = arith.constant 0 : i32
        %dma_start3A_156 = tpu.memref_slice %arg10[%dma_start3A_154, %dma_start3A_155] : memref<10240x128xf32, #tpu.memory_space<vmem_shared>> -> memref<10240x128xf32, #tpu.memory_space<vmem_shared>>
        tpu.enqueue_indirect_dma source(%arg8 : memref<128x128xf32, #tpu.memory_space<vmem>>) target(%dma_start3A_156 : memref<10240x128xf32, #tpu.memory_space<vmem_shared>>) offsets(%dma_start3A_153 : memref<128xi32, #tpu.memory_space<vmem>>) semaphore(%run_scoped3A_150 : memref<!tpu.dma_semaphore, #tpu.memory_space<semaphore_mem>>) {add = true}
        %dma_wait3A_157 = arith.constant 0 : i32
        %dma_wait3A_158 = tpu.memref_slice %arg7[%run_scoped3A, %dma_wait3A_157] : memref<40x128xi32, #tpu.memory_space<vmem>> -> memref<1x128xi32, #tpu.memory_space<vmem>>
        %dma_wait3A_159 = tpu.memref_squeeze %dma_wait3A_158 : memref<1x128xi32, #tpu.memory_space<vmem>> -> memref<128xi32, #tpu.memory_space<vmem>>
        %dma_wait3A_160 = arith.constant 0 : i32
        %dma_wait3A_161 = arith.constant 0 : i32
        %dma_wait3A_162 = tpu.memref_slice %arg10[%dma_wait3A_160, %dma_wait3A_161] : memref<10240x128xf32, #tpu.memory_space<vmem_shared>> -> memref<10240x128xf32, #tpu.memory_space<vmem_shared>>
        tpu.wait_indirect_dma semaphore(%run_scoped3A_150 : memref<!tpu.dma_semaphore, #tpu.memory_space<semaphore_mem>>) src(%arg8 : memref<128x128xf32, #tpu.memory_space<vmem>>) dst(%dma_wait3A_162 : memref<10240x128xf32, #tpu.memory_space<vmem_shared>>)
        tpu.yield
      }) : () -> ()
      %dma_wait3A_69 = arith.constant 0 : i32
      %dma_wait3A_70 = arith.constant 0 : i32
      %dma_wait3A_71 = tpu.memref_slice %arg2[%dma_wait3A_69, %dma_wait3A_70] : memref<10016x128xf32, #tpu.memory_space<hbm>> -> memref<128x128xf32, #tpu.memory_space<hbm>>
      %dma_wait3A_72 = arith.constant 0 : i32
      %dma_wait3A_73 = arith.constant 0 : i32
      %dma_wait3A_74 = tpu.memref_slice %arg2[%dma_wait3A_72, %dma_wait3A_73] : memref<10016x128xf32, #tpu.memory_space<hbm>> -> memref<128x128xf32, #tpu.memory_space<hbm>>
      tpu.wait_dma2 semaphore(%arg12 : memref<!tpu.dma_semaphore, #tpu.memory_space<semaphore_mem>>) src(%dma_wait3A_74 : memref<128x128xf32, #tpu.memory_space<hbm>>) dst(%arg9 : memref<128x128xf32, #tpu.memory_space<vmem>>)
      %run_scoped3A_75 = arith.constant 39 : i32
      "tpu.region"() ({
        %run_scoped3A_150 = tpu.sem_alloc : memref<!tpu.dma_semaphore, #tpu.memory_space<semaphore_mem>>
        %dma_start3A_151 = arith.constant 0 : i32
        %dma_start3A_152 = tpu.memref_slice %arg7[%run_scoped3A_75, %dma_start3A_151] : memref<40x128xi32, #tpu.memory_space<vmem>> -> memref<1x128xi32, #tpu.memory_space<vmem>>
        %dma_start3A_153 = tpu.memref_squeeze %dma_start3A_152 : memref<1x128xi32, #tpu.memory_space<vmem>> -> memref<128xi32, #tpu.memory_space<vmem>>
        %dma_start3A_154 = arith.constant 0 : i32
        %dma_start3A_155 = arith.constant 0 : i32
        %dma_start3A_156 = tpu.memref_slice %arg10[%dma_start3A_154, %dma_start3A_155] : memref<10240x128xf32, #tpu.memory_space<vmem_shared>> -> memref<10240x128xf32, #tpu.memory_space<vmem_shared>>
        tpu.enqueue_indirect_dma source(%arg9 : memref<128x128xf32, #tpu.memory_space<vmem>>) target(%dma_start3A_156 : memref<10240x128xf32, #tpu.memory_space<vmem_shared>>) offsets(%dma_start3A_153 : memref<128xi32, #tpu.memory_space<vmem>>) semaphore(%run_scoped3A_150 : memref<!tpu.dma_semaphore, #tpu.memory_space<semaphore_mem>>) {add = true}
        %dma_wait3A_157 = arith.constant 0 : i32
        %dma_wait3A_158 = tpu.memref_slice %arg7[%run_scoped3A_75, %dma_wait3A_157] : memref<40x128xi32, #tpu.memory_space<vmem>> -> memref<1x128xi32, #tpu.memory_space<vmem>>
        %dma_wait3A_159 = tpu.memref_squeeze %dma_wait3A_158 : memref<1x128xi32, #tpu.memory_space<vmem>> -> memref<128xi32, #tpu.memory_space<vmem>>
        %dma_wait3A_160 = arith.constant 0 : i32
        %dma_wait3A_161 = arith.constant 0 : i32
        %dma_wait3A_162 = tpu.memref_slice %arg10[%dma_wait3A_160, %dma_wait3A_161] : memref<10240x128xf32, #tpu.memory_space<vmem_shared>> -> memref<10240x128xf32, #tpu.memory_space<vmem_shared>>
        tpu.wait_indirect_dma semaphore(%run_scoped3A_150 : memref<!tpu.dma_semaphore, #tpu.memory_space<semaphore_mem>>) src(%arg9 : memref<128x128xf32, #tpu.memory_space<vmem>>) dst(%dma_wait3A_162 : memref<10240x128xf32, #tpu.memory_space<vmem_shared>>)
        tpu.yield
      }) : () -> ()
      %add3A_76 = arith.constant 40 : i32
      %add3A_77 = arith.addi %mul3A_41, %add3A_76 : i32
      "tpu.region"() ({
        %run_scoped3A_150 = tpu.sem_alloc : memref<!tpu.dma_semaphore, #tpu.memory_space<semaphore_mem>>
        %dma_start3A_151 = arith.constant 0 : i32
        %dma_start3A_152 = arith.constant 0 : i32
        %dma_start3A_153 = tpu.memref_slice %arg6[%dma_start3A_151, %dma_start3A_152] : memref<40x128xi32, #tpu.memory_space<vmem>> -> memref<40x128xi32, #tpu.memory_space<vmem>>
        %dma_start3A_154 = arith.constant 0 : i32
        %dma_start3A_155 = tpu.memref_slice %arg3[%add3A_77, %dma_start3A_154] : memref<2560x128xi32, #tpu.memory_space<hbm>> -> memref<40x128xi32, #tpu.memory_space<hbm>>
        %dma_start3A_156 = arith.constant 0 : i32
        %dma_start3A_157 = arith.constant 0 : i32
        %dma_start3A_158 = tpu.memref_slice %arg6[%dma_start3A_156, %dma_start3A_157] : memref<40x128xi32, #tpu.memory_space<vmem>> -> memref<40x128xi32, #tpu.memory_space<vmem>>
        %dma_start3A_159 = arith.constant 0 : i32
        %dma_start3A_160 = tpu.memref_slice %arg3[%add3A_77, %dma_start3A_159] : memref<2560x128xi32, #tpu.memory_space<hbm>> -> memref<40x128xi32, #tpu.memory_space<hbm>>
        tpu.enqueue_dma source(%dma_start3A_160 : memref<40x128xi32, #tpu.memory_space<hbm>>) target(%dma_start3A_158 : memref<40x128xi32, #tpu.memory_space<vmem>>) target_semaphore(%run_scoped3A_150 : memref<!tpu.dma_semaphore, #tpu.memory_space<semaphore_mem>>)
        %dma_wait3A_161 = arith.constant 0 : i32
        %dma_wait3A_162 = arith.constant 0 : i32
        %dma_wait3A_163 = tpu.memref_slice %arg6[%dma_wait3A_161, %dma_wait3A_162] : memref<40x128xi32, #tpu.memory_space<vmem>> -> memref<40x128xi32, #tpu.memory_space<vmem>>
        %dma_wait3A_164 = arith.constant 0 : i32
        %dma_wait3A_165 = tpu.memref_slice %arg3[%add3A_77, %dma_wait3A_164] : memref<2560x128xi32, #tpu.memory_space<hbm>> -> memref<40x128xi32, #tpu.memory_space<hbm>>
        %dma_wait3A_166 = arith.constant 0 : i32
        %dma_wait3A_167 = arith.constant 0 : i32
        %dma_wait3A_168 = tpu.memref_slice %arg6[%dma_wait3A_166, %dma_wait3A_167] : memref<40x128xi32, #tpu.memory_space<vmem>> -> memref<40x128xi32, #tpu.memory_space<vmem>>
        %dma_wait3A_169 = arith.constant 0 : i32
        %dma_wait3A_170 = tpu.memref_slice %arg3[%add3A_77, %dma_wait3A_169] : memref<2560x128xi32, #tpu.memory_space<hbm>> -> memref<40x128xi32, #tpu.memory_space<hbm>>
        tpu.wait_dma2 semaphore(%run_scoped3A_150 : memref<!tpu.dma_semaphore, #tpu.memory_space<semaphore_mem>>) src(%dma_wait3A_170 : memref<40x128xi32, #tpu.memory_space<hbm>>) dst(%dma_wait3A_168 : memref<40x128xi32, #tpu.memory_space<vmem>>)
        tpu.yield
      }) : () -> ()
      "tpu.region"() ({
        %run_scoped3A_150 = tpu.sem_alloc : memref<!tpu.dma_semaphore, #tpu.memory_space<semaphore_mem>>
        %dma_start3A_151 = arith.constant 0 : i32
        %dma_start3A_152 = arith.constant 0 : i32
        %dma_start3A_153 = tpu.memref_slice %arg7[%dma_start3A_151, %dma_start3A_152] : memref<40x128xi32, #tpu.memory_space<vmem>> -> memref<40x128xi32, #tpu.memory_space<vmem>>
        %dma_start3A_154 = arith.constant 0 : i32
        %dma_start3A_155 = tpu.memref_slice %arg4[%add3A_77, %dma_start3A_154] : memref<2560x128xi32, #tpu.memory_space<hbm>> -> memref<40x128xi32, #tpu.memory_space<hbm>>
        %dma_start3A_156 = arith.constant 0 : i32
        %dma_start3A_157 = arith.constant 0 : i32
        %dma_start3A_158 = tpu.memref_slice %arg7[%dma_start3A_156, %dma_start3A_157] : memref<40x128xi32, #tpu.memory_space<vmem>> -> memref<40x128xi32, #tpu.memory_space<vmem>>
        %dma_start3A_159 = arith.constant 0 : i32
        %dma_start3A_160 = tpu.memref_slice %arg4[%add3A_77, %dma_start3A_159] : memref<2560x128xi32, #tpu.memory_space<hbm>> -> memref<40x128xi32, #tpu.memory_space<hbm>>
        tpu.enqueue_dma source(%dma_start3A_160 : memref<40x128xi32, #tpu.memory_space<hbm>>) target(%dma_start3A_158 : memref<40x128xi32, #tpu.memory_space<vmem>>) target_semaphore(%run_scoped3A_150 : memref<!tpu.dma_semaphore, #tpu.memory_space<semaphore_mem>>)
        %dma_wait3A_161 = arith.constant 0 : i32
        %dma_wait3A_162 = arith.constant 0 : i32
        %dma_wait3A_163 = tpu.memref_slice %arg7[%dma_wait3A_161, %dma_wait3A_162] : memref<40x128xi32, #tpu.memory_space<vmem>> -> memref<40x128xi32, #tpu.memory_space<vmem>>
        %dma_wait3A_164 = arith.constant 0 : i32
        %dma_wait3A_165 = tpu.memref_slice %arg4[%add3A_77, %dma_wait3A_164] : memref<2560x128xi32, #tpu.memory_space<hbm>> -> memref<40x128xi32, #tpu.memory_space<hbm>>
        %dma_wait3A_166 = arith.constant 0 : i32
        %dma_wait3A_167 = arith.constant 0 : i32
        %dma_wait3A_168 = tpu.memref_slice %arg7[%dma_wait3A_166, %dma_wait3A_167] : memref<40x128xi32, #tpu.memory_space<vmem>> -> memref<40x128xi32, #tpu.memory_space<vmem>>
        %dma_wait3A_169 = arith.constant 0 : i32
        %dma_wait3A_170 = tpu.memref_slice %arg4[%add3A_77, %dma_wait3A_169] : memref<2560x128xi32, #tpu.memory_space<hbm>> -> memref<40x128xi32, #tpu.memory_space<hbm>>
        tpu.wait_dma2 semaphore(%run_scoped3A_150 : memref<!tpu.dma_semaphore, #tpu.memory_space<semaphore_mem>>) src(%dma_wait3A_170 : memref<40x128xi32, #tpu.memory_space<hbm>>) dst(%dma_wait3A_168 : memref<40x128xi32, #tpu.memory_space<vmem>>)
        tpu.yield
      }) : () -> ()
      %dma_start3A_78 = arith.constant 0 : i32
      %dma_start3A_79 = arith.constant 0 : i32
      %dma_start3A_80 = tpu.memref_slice %arg6[%dma_start3A_78, %dma_start3A_79] : memref<40x128xi32, #tpu.memory_space<vmem>> -> memref<1x128xi32, #tpu.memory_space<vmem>>
      %dma_start3A_81 = tpu.memref_squeeze %dma_start3A_80 : memref<1x128xi32, #tpu.memory_space<vmem>> -> memref<128xi32, #tpu.memory_space<vmem>>
      %dma_start3A_82 = arith.constant 0 : i32
      %dma_start3A_83 = arith.constant 0 : i32
      %dma_start3A_84 = tpu.memref_slice %arg2[%dma_start3A_82, %dma_start3A_83] : memref<10016x128xf32, #tpu.memory_space<hbm>> -> memref<10016x128xf32, #tpu.memory_space<hbm>>
      tpu.enqueue_indirect_dma source(%dma_start3A_84 : memref<10016x128xf32, #tpu.memory_space<hbm>>) target(%arg8 : memref<128x128xf32, #tpu.memory_space<vmem>>) offsets(%dma_start3A_81 : memref<128xi32, #tpu.memory_space<vmem>>) semaphore(%arg11 : memref<!tpu.dma_semaphore, #tpu.memory_space<semaphore_mem>>)
      %scan3A_85 = arith.constant 0 : i32
      %scan3A_86 = arith.constant 0 : i32
      %scan3A_87 = arith.constant 19 : i32
      %scan3A_88 = arith.addi %scan3A_86, %scan3A_87 : i32
      %scan3A_89 = arith.constant 1 : i32
      %scan3A_90 = scf.for %scan3A_150 = %scan3A_86 to %scan3A_88 step %scan3A_89 iter_args(%scan3A_151 = %scan3A_85) -> (i32)  : i32 {
        %mul3A_152 = arith.constant 2 : i32
        %mul3A_153 = arith.muli %mul3A_152, %scan3A_150 : i32
        %add3A_154 = arith.constant 1 : i32
        %add3A_155 = arith.addi %mul3A_153, %add3A_154 : i32
        %dma_start3A_156 = arith.constant 0 : i32
        %dma_start3A_157 = tpu.memref_slice %arg6[%add3A_155, %dma_start3A_156] : memref<40x128xi32, #tpu.memory_space<vmem>> -> memref<1x128xi32, #tpu.memory_space<vmem>>
        %dma_start3A_158 = tpu.memref_squeeze %dma_start3A_157 : memref<1x128xi32, #tpu.memory_space<vmem>> -> memref<128xi32, #tpu.memory_space<vmem>>
        %dma_start3A_159 = arith.constant 0 : i32
        %dma_start3A_160 = arith.constant 0 : i32
        %dma_start3A_161 = tpu.memref_slice %arg2[%dma_start3A_159, %dma_start3A_160] : memref<10016x128xf32, #tpu.memory_space<hbm>> -> memref<10016x128xf32, #tpu.memory_space<hbm>>
        tpu.enqueue_indirect_dma source(%dma_start3A_161 : memref<10016x128xf32, #tpu.memory_space<hbm>>) target(%arg9 : memref<128x128xf32, #tpu.memory_space<vmem>>) offsets(%dma_start3A_158 : memref<128xi32, #tpu.memory_space<vmem>>) semaphore(%arg12 : memref<!tpu.dma_semaphore, #tpu.memory_space<semaphore_mem>>)
        %dma_wait3A_162 = arith.constant 0 : i32
        %dma_wait3A_163 = arith.constant 0 : i32
        %dma_wait3A_164 = tpu.memref_slice %arg2[%dma_wait3A_162, %dma_wait3A_163] : memref<10016x128xf32, #tpu.memory_space<hbm>> -> memref<128x128xf32, #tpu.memory_space<hbm>>
        %dma_wait3A_165 = arith.constant 0 : i32
        %dma_wait3A_166 = arith.constant 0 : i32
        %dma_wait3A_167 = tpu.memref_slice %arg2[%dma_wait3A_165, %dma_wait3A_166] : memref<10016x128xf32, #tpu.memory_space<hbm>> -> memref<128x128xf32, #tpu.memory_space<hbm>>
        tpu.wait_dma2 semaphore(%arg11 : memref<!tpu.dma_semaphore, #tpu.memory_space<semaphore_mem>>) src(%dma_wait3A_167 : memref<128x128xf32, #tpu.memory_space<hbm>>) dst(%arg8 : memref<128x128xf32, #tpu.memory_space<vmem>>)
        "tpu.region"() ({
          %run_scoped3A_185 = tpu.sem_alloc : memref<!tpu.dma_semaphore, #tpu.memory_space<semaphore_mem>>
          %dma_start3A_186 = arith.constant 0 : i32
          %dma_start3A_187 = tpu.memref_slice %arg7[%mul3A_153, %dma_start3A_186] : memref<40x128xi32, #tpu.memory_space<vmem>> -> memref<1x128xi32, #tpu.memory_space<vmem>>
          %dma_start3A_188 = tpu.memref_squeeze %dma_start3A_187 : memref<1x128xi32, #tpu.memory_space<vmem>> -> memref<128xi32, #tpu.memory_space<vmem>>
          %dma_start3A_189 = arith.constant 0 : i32
          %dma_start3A_190 = arith.constant 0 : i32
          %dma_start3A_191 = tpu.memref_slice %arg10[%dma_start3A_189, %dma_start3A_190] : memref<10240x128xf32, #tpu.memory_space<vmem_shared>> -> memref<10240x128xf32, #tpu.memory_space<vmem_shared>>
          tpu.enqueue_indirect_dma source(%arg8 : memref<128x128xf32, #tpu.memory_space<vmem>>) target(%dma_start3A_191 : memref<10240x128xf32, #tpu.memory_space<vmem_shared>>) offsets(%dma_start3A_188 : memref<128xi32, #tpu.memory_space<vmem>>) semaphore(%run_scoped3A_185 : memref<!tpu.dma_semaphore, #tpu.memory_space<semaphore_mem>>) {add = true}
          %dma_wait3A_192 = arith.constant 0 : i32
          %dma_wait3A_193 = tpu.memref_slice %arg7[%mul3A_153, %dma_wait3A_192] : memref<40x128xi32, #tpu.memory_space<vmem>> -> memref<1x128xi32, #tpu.memory_space<vmem>>
          %dma_wait3A_194 = tpu.memref_squeeze %dma_wait3A_193 : memref<1x128xi32, #tpu.memory_space<vmem>> -> memref<128xi32, #tpu.memory_space<vmem>>
          %dma_wait3A_195 = arith.constant 0 : i32
          %dma_wait3A_196 = arith.constant 0 : i32
          %dma_wait3A_197 = tpu.memref_slice %arg10[%dma_wait3A_195, %dma_wait3A_196] : memref<10240x128xf32, #tpu.memory_space<vmem_shared>> -> memref<10240x128xf32, #tpu.memory_space<vmem_shared>>
          tpu.wait_indirect_dma semaphore(%run_scoped3A_185 : memref<!tpu.dma_semaphore, #tpu.memory_space<semaphore_mem>>) src(%arg8 : memref<128x128xf32, #tpu.memory_space<vmem>>) dst(%dma_wait3A_197 : memref<10240x128xf32, #tpu.memory_space<vmem_shared>>)
          tpu.yield
        }) : () -> ()
        %add3A_168 = arith.constant 2 : i32
        %add3A_169 = arith.addi %mul3A_153, %add3A_168 : i32
        %dma_start3A_170 = arith.constant 0 : i32
        %dma_start3A_171 = tpu.memref_slice %arg6[%add3A_169, %dma_start3A_170] : memref<40x128xi32, #tpu.memory_space<vmem>> -> memref<1x128xi32, #tpu.memory_space<vmem>>
        %dma_start3A_172 = tpu.memref_squeeze %dma_start3A_171 : memref<1x128xi32, #tpu.memory_space<vmem>> -> memref<128xi32, #tpu.memory_space<vmem>>
        %dma_start3A_173 = arith.constant 0 : i32
        %dma_start3A_174 = arith.constant 0 : i32
        %dma_start3A_175 = tpu.memref_slice %arg2[%dma_start3A_173, %dma_start3A_174] : memref<10016x128xf32, #tpu.memory_space<hbm>> -> memref<10016x128xf32, #tpu.memory_space<hbm>>
        tpu.enqueue_indirect_dma source(%dma_start3A_175 : memref<10016x128xf32, #tpu.memory_space<hbm>>) target(%arg8 : memref<128x128xf32, #tpu.memory_space<vmem>>) offsets(%dma_start3A_172 : memref<128xi32, #tpu.memory_space<vmem>>) semaphore(%arg11 : memref<!tpu.dma_semaphore, #tpu.memory_space<semaphore_mem>>)
        %dma_wait3A_176 = arith.constant 0 : i32
        %dma_wait3A_177 = arith.constant 0 : i32
        %dma_wait3A_178 = tpu.memref_slice %arg2[%dma_wait3A_176, %dma_wait3A_177] : memref<10016x128xf32, #tpu.memory_space<hbm>> -> memref<128x128xf32, #tpu.memory_space<hbm>>
        %dma_wait3A_179 = arith.constant 0 : i32
        %dma_wait3A_180 = arith.constant 0 : i32
        %dma_wait3A_181 = tpu.memref_slice %arg2[%dma_wait3A_179, %dma_wait3A_180] : memref<10016x128xf32, #tpu.memory_space<hbm>> -> memref<128x128xf32, #tpu.memory_space<hbm>>
        tpu.wait_dma2 semaphore(%arg12 : memref<!tpu.dma_semaphore, #tpu.memory_space<semaphore_mem>>) src(%dma_wait3A_181 : memref<128x128xf32, #tpu.memory_space<hbm>>) dst(%arg9 : memref<128x128xf32, #tpu.memory_space<vmem>>)
        %add3A_182 = arith.constant 1 : i32
        %add3A_183 = arith.addi %mul3A_153, %add3A_182 : i32
        "tpu.region"() ({
          %run_scoped3A_185 = tpu.sem_alloc : memref<!tpu.dma_semaphore, #tpu.memory_space<semaphore_mem>>
          %dma_start3A_186 = arith.constant 0 : i32
          %dma_start3A_187 = tpu.memref_slice %arg7[%add3A_183, %dma_start3A_186] : memref<40x128xi32, #tpu.memory_space<vmem>> -> memref<1x128xi32, #tpu.memory_space<vmem>>
          %dma_start3A_188 = tpu.memref_squeeze %dma_start3A_187 : memref<1x128xi32, #tpu.memory_space<vmem>> -> memref<128xi32, #tpu.memory_space<vmem>>
          %dma_start3A_189 = arith.constant 0 : i32
          %dma_start3A_190 = arith.constant 0 : i32
          %dma_start3A_191 = tpu.memref_slice %arg10[%dma_start3A_189, %dma_start3A_190] : memref<10240x128xf32, #tpu.memory_space<vmem_shared>> -> memref<10240x128xf32, #tpu.memory_space<vmem_shared>>
          tpu.enqueue_indirect_dma source(%arg9 : memref<128x128xf32, #tpu.memory_space<vmem>>) target(%dma_start3A_191 : memref<10240x128xf32, #tpu.memory_space<vmem_shared>>) offsets(%dma_start3A_188 : memref<128xi32, #tpu.memory_space<vmem>>) semaphore(%run_scoped3A_185 : memref<!tpu.dma_semaphore, #tpu.memory_space<semaphore_mem>>) {add = true}
          %dma_wait3A_192 = arith.constant 0 : i32
          %dma_wait3A_193 = tpu.memref_slice %arg7[%add3A_183, %dma_wait3A_192] : memref<40x128xi32, #tpu.memory_space<vmem>> -> memref<1x128xi32, #tpu.memory_space<vmem>>
          %dma_wait3A_194 = tpu.memref_squeeze %dma_wait3A_193 : memref<1x128xi32, #tpu.memory_space<vmem>> -> memref<128xi32, #tpu.memory_space<vmem>>
          %dma_wait3A_195 = arith.constant 0 : i32
          %dma_wait3A_196 = arith.constant 0 : i32
          %dma_wait3A_197 = tpu.memref_slice %arg10[%dma_wait3A_195, %dma_wait3A_196] : memref<10240x128xf32, #tpu.memory_space<vmem_shared>> -> memref<10240x128xf32, #tpu.memory_space<vmem_shared>>
          tpu.wait_indirect_dma semaphore(%run_scoped3A_185 : memref<!tpu.dma_semaphore, #tpu.memory_space<semaphore_mem>>) src(%arg9 : memref<128x128xf32, #tpu.memory_space<vmem>>) dst(%dma_wait3A_197 : memref<10240x128xf32, #tpu.memory_space<vmem_shared>>)
          tpu.yield
        }) : () -> ()
        %scan3A_184 = arith.constant 0 : i32
        scf.yield %scan3A_184 : i32
      }
      %scan3A_91 = arith.constant 19 : i32
      %dma_start3A_92 = arith.constant 39 : i32
      %dma_start3A_93 = arith.constant 0 : i32
      %dma_start3A_94 = tpu.memref_slice %arg6[%dma_start3A_92, %dma_start3A_93] : memref<40x128xi32, #tpu.memory_space<vmem>> -> memref<1x128xi32, #tpu.memory_space<vmem>>
      %dma_start3A_95 = tpu.memref_squeeze %dma_start3A_94 : memref<1x128xi32, #tpu.memory_space<vmem>> -> memref<128xi32, #tpu.memory_space<vmem>>
      %dma_start3A_96 = arith.constant 0 : i32
      %dma_start3A_97 = arith.constant 0 : i32
      %dma_start3A_98 = tpu.memref_slice %arg2[%dma_start3A_96, %dma_start3A_97] : memref<10016x128xf32, #tpu.memory_space<hbm>> -> memref<10016x128xf32, #tpu.memory_space<hbm>>
      tpu.enqueue_indirect_dma source(%dma_start3A_98 : memref<10016x128xf32, #tpu.memory_space<hbm>>) target(%arg9 : memref<128x128xf32, #tpu.memory_space<vmem>>) offsets(%dma_start3A_95 : memref<128xi32, #tpu.memory_space<vmem>>) semaphore(%arg12 : memref<!tpu.dma_semaphore, #tpu.memory_space<semaphore_mem>>)
      %dma_wait3A_99 = arith.constant 0 : i32
      %dma_wait3A_100 = arith.constant 0 : i32
      %dma_wait3A_101 = tpu.memref_slice %arg2[%dma_wait3A_99, %dma_wait3A_100] : memref<10016x128xf32, #tpu.memory_space<hbm>> -> memref<128x128xf32, #tpu.memory_space<hbm>>
      %dma_wait3A_102 = arith.constant 0 : i32
      %dma_wait3A_103 = arith.constant 0 : i32
      %dma_wait3A_104 = tpu.memref_slice %arg2[%dma_wait3A_102, %dma_wait3A_103] : memref<10016x128xf32, #tpu.memory_space<hbm>> -> memref<128x128xf32, #tpu.memory_space<hbm>>
      tpu.wait_dma2 semaphore(%arg11 : memref<!tpu.dma_semaphore, #tpu.memory_space<semaphore_mem>>) src(%dma_wait3A_104 : memref<128x128xf32, #tpu.memory_space<hbm>>) dst(%arg8 : memref<128x128xf32, #tpu.memory_space<vmem>>)
      %run_scoped3A_105 = arith.constant 38 : i32
      "tpu.region"() ({
        %run_scoped3A_150 = tpu.sem_alloc : memref<!tpu.dma_semaphore, #tpu.memory_space<semaphore_mem>>
        %dma_start3A_151 = arith.constant 0 : i32
        %dma_start3A_152 = tpu.memref_slice %arg7[%run_scoped3A_105, %dma_start3A_151] : memref<40x128xi32, #tpu.memory_space<vmem>> -> memref<1x128xi32, #tpu.memory_space<vmem>>
        %dma_start3A_153 = tpu.memref_squeeze %dma_start3A_152 : memref<1x128xi32, #tpu.memory_space<vmem>> -> memref<128xi32, #tpu.memory_space<vmem>>
        %dma_start3A_154 = arith.constant 0 : i32
        %dma_start3A_155 = arith.constant 0 : i32
        %dma_start3A_156 = tpu.memref_slice %arg10[%dma_start3A_154, %dma_start3A_155] : memref<10240x128xf32, #tpu.memory_space<vmem_shared>> -> memref<10240x128xf32, #tpu.memory_space<vmem_shared>>
        tpu.enqueue_indirect_dma source(%arg8 : memref<128x128xf32, #tpu.memory_space<vmem>>) target(%dma_start3A_156 : memref<10240x128xf32, #tpu.memory_space<vmem_shared>>) offsets(%dma_start3A_153 : memref<128xi32, #tpu.memory_space<vmem>>) semaphore(%run_scoped3A_150 : memref<!tpu.dma_semaphore, #tpu.memory_space<semaphore_mem>>) {add = true}
        %dma_wait3A_157 = arith.constant 0 : i32
        %dma_wait3A_158 = tpu.memref_slice %arg7[%run_scoped3A_105, %dma_wait3A_157] : memref<40x128xi32, #tpu.memory_space<vmem>> -> memref<1x128xi32, #tpu.memory_space<vmem>>
        %dma_wait3A_159 = tpu.memref_squeeze %dma_wait3A_158 : memref<1x128xi32, #tpu.memory_space<vmem>> -> memref<128xi32, #tpu.memory_space<vmem>>
        %dma_wait3A_160 = arith.constant 0 : i32
        %dma_wait3A_161 = arith.constant 0 : i32
        %dma_wait3A_162 = tpu.memref_slice %arg10[%dma_wait3A_160, %dma_wait3A_161] : memref<10240x128xf32, #tpu.memory_space<vmem_shared>> -> memref<10240x128xf32, #tpu.memory_space<vmem_shared>>
        tpu.wait_indirect_dma semaphore(%run_scoped3A_150 : memref<!tpu.dma_semaphore, #tpu.memory_space<semaphore_mem>>) src(%arg8 : memref<128x128xf32, #tpu.memory_space<vmem>>) dst(%dma_wait3A_162 : memref<10240x128xf32, #tpu.memory_space<vmem_shared>>)
        tpu.yield
      }) : () -> ()
      %dma_wait3A_106 = arith.constant 0 : i32
      %dma_wait3A_107 = arith.constant 0 : i32
      %dma_wait3A_108 = tpu.memref_slice %arg2[%dma_wait3A_106, %dma_wait3A_107] : memref<10016x128xf32, #tpu.memory_space<hbm>> -> memref<128x128xf32, #tpu.memory_space<hbm>>
      %dma_wait3A_109 = arith.constant 0 : i32
      %dma_wait3A_110 = arith.constant 0 : i32
      %dma_wait3A_111 = tpu.memref_slice %arg2[%dma_wait3A_109, %dma_wait3A_110] : memref<10016x128xf32, #tpu.memory_space<hbm>> -> memref<128x128xf32, #tpu.memory_space<hbm>>
      tpu.wait_dma2 semaphore(%arg12 : memref<!tpu.dma_semaphore, #tpu.memory_space<semaphore_mem>>) src(%dma_wait3A_111 : memref<128x128xf32, #tpu.memory_space<hbm>>) dst(%arg9 : memref<128x128xf32, #tpu.memory_space<vmem>>)
      %run_scoped3A_112 = arith.constant 39 : i32
      "tpu.region"() ({
        %run_scoped3A_150 = tpu.sem_alloc : memref<!tpu.dma_semaphore, #tpu.memory_space<semaphore_mem>>
        %dma_start3A_151 = arith.constant 0 : i32
        %dma_start3A_152 = tpu.memref_slice %arg7[%run_scoped3A_112, %dma_start3A_151] : memref<40x128xi32, #tpu.memory_space<vmem>> -> memref<1x128xi32, #tpu.memory_space<vmem>>
        %dma_start3A_153 = tpu.memref_squeeze %dma_start3A_152 : memref<1x128xi32, #tpu.memory_space<vmem>> -> memref<128xi32, #tpu.memory_space<vmem>>
        %dma_start3A_154 = arith.constant 0 : i32
        %dma_start3A_155 = arith.constant 0 : i32
        %dma_start3A_156 = tpu.memref_slice %arg10[%dma_start3A_154, %dma_start3A_155] : memref<10240x128xf32, #tpu.memory_space<vmem_shared>> -> memref<10240x128xf32, #tpu.memory_space<vmem_shared>>
        tpu.enqueue_indirect_dma source(%arg9 : memref<128x128xf32, #tpu.memory_space<vmem>>) target(%dma_start3A_156 : memref<10240x128xf32, #tpu.memory_space<vmem_shared>>) offsets(%dma_start3A_153 : memref<128xi32, #tpu.memory_space<vmem>>) semaphore(%run_scoped3A_150 : memref<!tpu.dma_semaphore, #tpu.memory_space<semaphore_mem>>) {add = true}
        %dma_wait3A_157 = arith.constant 0 : i32
        %dma_wait3A_158 = tpu.memref_slice %arg7[%run_scoped3A_112, %dma_wait3A_157] : memref<40x128xi32, #tpu.memory_space<vmem>> -> memref<1x128xi32, #tpu.memory_space<vmem>>
        %dma_wait3A_159 = tpu.memref_squeeze %dma_wait3A_158 : memref<1x128xi32, #tpu.memory_space<vmem>> -> memref<128xi32, #tpu.memory_space<vmem>>
        %dma_wait3A_160 = arith.constant 0 : i32
        %dma_wait3A_161 = arith.constant 0 : i32
        %dma_wait3A_162 = tpu.memref_slice %arg10[%dma_wait3A_160, %dma_wait3A_161] : memref<10240x128xf32, #tpu.memory_space<vmem_shared>> -> memref<10240x128xf32, #tpu.memory_space<vmem_shared>>
        tpu.wait_indirect_dma semaphore(%run_scoped3A_150 : memref<!tpu.dma_semaphore, #tpu.memory_space<semaphore_mem>>) src(%arg9 : memref<128x128xf32, #tpu.memory_space<vmem>>) dst(%dma_wait3A_162 : memref<10240x128xf32, #tpu.memory_space<vmem_shared>>)
        tpu.yield
      }) : () -> ()
      %add3A_113 = arith.constant 80 : i32
      %add3A_114 = arith.addi %mul3A_41, %add3A_113 : i32
      "tpu.region"() ({
        %run_scoped3A_150 = tpu.sem_alloc : memref<!tpu.dma_semaphore, #tpu.memory_space<semaphore_mem>>
        %dma_start3A_151 = arith.constant 0 : i32
        %dma_start3A_152 = arith.constant 0 : i32
        %dma_start3A_153 = tpu.memref_slice %arg6[%dma_start3A_151, %dma_start3A_152] : memref<40x128xi32, #tpu.memory_space<vmem>> -> memref<32x128xi32, #tpu.memory_space<vmem>>
        %dma_start3A_154 = arith.constant 0 : i32
        %dma_start3A_155 = tpu.memref_slice %arg3[%add3A_114, %dma_start3A_154] : memref<2560x128xi32, #tpu.memory_space<hbm>> -> memref<32x128xi32, #tpu.memory_space<hbm>>
        %dma_start3A_156 = arith.constant 0 : i32
        %dma_start3A_157 = arith.constant 0 : i32
        %dma_start3A_158 = tpu.memref_slice %arg6[%dma_start3A_156, %dma_start3A_157] : memref<40x128xi32, #tpu.memory_space<vmem>> -> memref<32x128xi32, #tpu.memory_space<vmem>>
        %dma_start3A_159 = arith.constant 0 : i32
        %dma_start3A_160 = tpu.memref_slice %arg3[%add3A_114, %dma_start3A_159] : memref<2560x128xi32, #tpu.memory_space<hbm>> -> memref<32x128xi32, #tpu.memory_space<hbm>>
        tpu.enqueue_dma source(%dma_start3A_160 : memref<32x128xi32, #tpu.memory_space<hbm>>) target(%dma_start3A_158 : memref<32x128xi32, #tpu.memory_space<vmem>>) target_semaphore(%run_scoped3A_150 : memref<!tpu.dma_semaphore, #tpu.memory_space<semaphore_mem>>)
        %dma_wait3A_161 = arith.constant 0 : i32
        %dma_wait3A_162 = arith.constant 0 : i32
        %dma_wait3A_163 = tpu.memref_slice %arg6[%dma_wait3A_161, %dma_wait3A_162] : memref<40x128xi32, #tpu.memory_space<vmem>> -> memref<32x128xi32, #tpu.memory_space<vmem>>
        %dma_wait3A_164 = arith.constant 0 : i32
        %dma_wait3A_165 = tpu.memref_slice %arg3[%add3A_114, %dma_wait3A_164] : memref<2560x128xi32, #tpu.memory_space<hbm>> -> memref<32x128xi32, #tpu.memory_space<hbm>>
        %dma_wait3A_166 = arith.constant 0 : i32
        %dma_wait3A_167 = arith.constant 0 : i32
        %dma_wait3A_168 = tpu.memref_slice %arg6[%dma_wait3A_166, %dma_wait3A_167] : memref<40x128xi32, #tpu.memory_space<vmem>> -> memref<32x128xi32, #tpu.memory_space<vmem>>
        %dma_wait3A_169 = arith.constant 0 : i32
        %dma_wait3A_170 = tpu.memref_slice %arg3[%add3A_114, %dma_wait3A_169] : memref<2560x128xi32, #tpu.memory_space<hbm>> -> memref<32x128xi32, #tpu.memory_space<hbm>>
        tpu.wait_dma2 semaphore(%run_scoped3A_150 : memref<!tpu.dma_semaphore, #tpu.memory_space<semaphore_mem>>) src(%dma_wait3A_170 : memref<32x128xi32, #tpu.memory_space<hbm>>) dst(%dma_wait3A_168 : memref<32x128xi32, #tpu.memory_space<vmem>>)
        tpu.yield
      }) : () -> ()
      "tpu.region"() ({
        %run_scoped3A_150 = tpu.sem_alloc : memref<!tpu.dma_semaphore, #tpu.memory_space<semaphore_mem>>
        %dma_start3A_151 = arith.constant 0 : i32
        %dma_start3A_152 = arith.constant 0 : i32
        %dma_start3A_153 = tpu.memref_slice %arg7[%dma_start3A_151, %dma_start3A_152] : memref<40x128xi32, #tpu.memory_space<vmem>> -> memref<32x128xi32, #tpu.memory_space<vmem>>
        %dma_start3A_154 = arith.constant 0 : i32
        %dma_start3A_155 = tpu.memref_slice %arg4[%add3A_114, %dma_start3A_154] : memref<2560x128xi32, #tpu.memory_space<hbm>> -> memref<32x128xi32, #tpu.memory_space<hbm>>
        %dma_start3A_156 = arith.constant 0 : i32
        %dma_start3A_157 = arith.constant 0 : i32
        %dma_start3A_158 = tpu.memref_slice %arg7[%dma_start3A_156, %dma_start3A_157] : memref<40x128xi32, #tpu.memory_space<vmem>> -> memref<32x128xi32, #tpu.memory_space<vmem>>
        %dma_start3A_159 = arith.constant 0 : i32
        %dma_start3A_160 = tpu.memref_slice %arg4[%add3A_114, %dma_start3A_159] : memref<2560x128xi32, #tpu.memory_space<hbm>> -> memref<32x128xi32, #tpu.memory_space<hbm>>
        tpu.enqueue_dma source(%dma_start3A_160 : memref<32x128xi32, #tpu.memory_space<hbm>>) target(%dma_start3A_158 : memref<32x128xi32, #tpu.memory_space<vmem>>) target_semaphore(%run_scoped3A_150 : memref<!tpu.dma_semaphore, #tpu.memory_space<semaphore_mem>>)
        %dma_wait3A_161 = arith.constant 0 : i32
        %dma_wait3A_162 = arith.constant 0 : i32
        %dma_wait3A_163 = tpu.memref_slice %arg7[%dma_wait3A_161, %dma_wait3A_162] : memref<40x128xi32, #tpu.memory_space<vmem>> -> memref<32x128xi32, #tpu.memory_space<vmem>>
        %dma_wait3A_164 = arith.constant 0 : i32
        %dma_wait3A_165 = tpu.memref_slice %arg4[%add3A_114, %dma_wait3A_164] : memref<2560x128xi32, #tpu.memory_space<hbm>> -> memref<32x128xi32, #tpu.memory_space<hbm>>
        %dma_wait3A_166 = arith.constant 0 : i32
        %dma_wait3A_167 = arith.constant 0 : i32
        %dma_wait3A_168 = tpu.memref_slice %arg7[%dma_wait3A_166, %dma_wait3A_167] : memref<40x128xi32, #tpu.memory_space<vmem>> -> memref<32x128xi32, #tpu.memory_space<vmem>>
        %dma_wait3A_169 = arith.constant 0 : i32
        %dma_wait3A_170 = tpu.memref_slice %arg4[%add3A_114, %dma_wait3A_169] : memref<2560x128xi32, #tpu.memory_space<hbm>> -> memref<32x128xi32, #tpu.memory_space<hbm>>
        tpu.wait_dma2 semaphore(%run_scoped3A_150 : memref<!tpu.dma_semaphore, #tpu.memory_space<semaphore_mem>>) src(%dma_wait3A_170 : memref<32x128xi32, #tpu.memory_space<hbm>>) dst(%dma_wait3A_168 : memref<32x128xi32, #tpu.memory_space<vmem>>)
        tpu.yield
      }) : () -> ()
      %dma_start3A_115 = arith.constant 0 : i32
      %dma_start3A_116 = arith.constant 0 : i32
      %dma_start3A_117 = tpu.memref_slice %arg6[%dma_start3A_115, %dma_start3A_116] : memref<40x128xi32, #tpu.memory_space<vmem>> -> memref<1x128xi32, #tpu.memory_space<vmem>>
      %dma_start3A_118 = tpu.memref_squeeze %dma_start3A_117 : memref<1x128xi32, #tpu.memory_space<vmem>> -> memref<128xi32, #tpu.memory_space<vmem>>
      %dma_start3A_119 = arith.constant 0 : i32
      %dma_start3A_120 = arith.constant 0 : i32
      %dma_start3A_121 = tpu.memref_slice %arg2[%dma_start3A_119, %dma_start3A_120] : memref<10016x128xf32, #tpu.memory_space<hbm>> -> memref<10016x128xf32, #tpu.memory_space<hbm>>
      tpu.enqueue_indirect_dma source(%dma_start3A_121 : memref<10016x128xf32, #tpu.memory_space<hbm>>) target(%arg8 : memref<128x128xf32, #tpu.memory_space<vmem>>) offsets(%dma_start3A_118 : memref<128xi32, #tpu.memory_space<vmem>>) semaphore(%arg11 : memref<!tpu.dma_semaphore, #tpu.memory_space<semaphore_mem>>)
      %scan3A_122 = arith.constant 0 : i32
      %scan3A_123 = arith.constant 0 : i32
      %scan3A_124 = arith.constant 15 : i32
      %scan3A_125 = arith.addi %scan3A_123, %scan3A_124 : i32
      %scan3A_126 = arith.constant 1 : i32
      %scan3A_127 = scf.for %scan3A_150 = %scan3A_123 to %scan3A_125 step %scan3A_126 iter_args(%scan3A_151 = %scan3A_122) -> (i32)  : i32 {
        %mul3A_152 = arith.constant 2 : i32
        %mul3A_153 = arith.muli %mul3A_152, %scan3A_150 : i32
        %add3A_154 = arith.constant 1 : i32
        %add3A_155 = arith.addi %mul3A_153, %add3A_154 : i32
        %dma_start3A_156 = arith.constant 0 : i32
        %dma_start3A_157 = tpu.memref_slice %arg6[%add3A_155, %dma_start3A_156] : memref<40x128xi32, #tpu.memory_space<vmem>> -> memref<1x128xi32, #tpu.memory_space<vmem>>
        %dma_start3A_158 = tpu.memref_squeeze %dma_start3A_157 : memref<1x128xi32, #tpu.memory_space<vmem>> -> memref<128xi32, #tpu.memory_space<vmem>>
        %dma_start3A_159 = arith.constant 0 : i32
        %dma_start3A_160 = arith.constant 0 : i32
        %dma_start3A_161 = tpu.memref_slice %arg2[%dma_start3A_159, %dma_start3A_160] : memref<10016x128xf32, #tpu.memory_space<hbm>> -> memref<10016x128xf32, #tpu.memory_space<hbm>>
        tpu.enqueue_indirect_dma source(%dma_start3A_161 : memref<10016x128xf32, #tpu.memory_space<hbm>>) target(%arg9 : memref<128x128xf32, #tpu.memory_space<vmem>>) offsets(%dma_start3A_158 : memref<128xi32, #tpu.memory_space<vmem>>) semaphore(%arg12 : memref<!tpu.dma_semaphore, #tpu.memory_space<semaphore_mem>>)
        %dma_wait3A_162 = arith.constant 0 : i32
        %dma_wait3A_163 = arith.constant 0 : i32
        %dma_wait3A_164 = tpu.memref_slice %arg2[%dma_wait3A_162, %dma_wait3A_163] : memref<10016x128xf32, #tpu.memory_space<hbm>> -> memref<128x128xf32, #tpu.memory_space<hbm>>
        %dma_wait3A_165 = arith.constant 0 : i32
        %dma_wait3A_166 = arith.constant 0 : i32
        %dma_wait3A_167 = tpu.memref_slice %arg2[%dma_wait3A_165, %dma_wait3A_166] : memref<10016x128xf32, #tpu.memory_space<hbm>> -> memref<128x128xf32, #tpu.memory_space<hbm>>
        tpu.wait_dma2 semaphore(%arg11 : memref<!tpu.dma_semaphore, #tpu.memory_space<semaphore_mem>>) src(%dma_wait3A_167 : memref<128x128xf32, #tpu.memory_space<hbm>>) dst(%arg8 : memref<128x128xf32, #tpu.memory_space<vmem>>)
        "tpu.region"() ({
          %run_scoped3A_185 = tpu.sem_alloc : memref<!tpu.dma_semaphore, #tpu.memory_space<semaphore_mem>>
          %dma_start3A_186 = arith.constant 0 : i32
          %dma_start3A_187 = tpu.memref_slice %arg7[%mul3A_153, %dma_start3A_186] : memref<40x128xi32, #tpu.memory_space<vmem>> -> memref<1x128xi32, #tpu.memory_space<vmem>>
          %dma_start3A_188 = tpu.memref_squeeze %dma_start3A_187 : memref<1x128xi32, #tpu.memory_space<vmem>> -> memref<128xi32, #tpu.memory_space<vmem>>
          %dma_start3A_189 = arith.constant 0 : i32
          %dma_start3A_190 = arith.constant 0 : i32
          %dma_start3A_191 = tpu.memref_slice %arg10[%dma_start3A_189, %dma_start3A_190] : memref<10240x128xf32, #tpu.memory_space<vmem_shared>> -> memref<10240x128xf32, #tpu.memory_space<vmem_shared>>
          tpu.enqueue_indirect_dma source(%arg8 : memref<128x128xf32, #tpu.memory_space<vmem>>) target(%dma_start3A_191 : memref<10240x128xf32, #tpu.memory_space<vmem_shared>>) offsets(%dma_start3A_188 : memref<128xi32, #tpu.memory_space<vmem>>) semaphore(%run_scoped3A_185 : memref<!tpu.dma_semaphore, #tpu.memory_space<semaphore_mem>>) {add = true}
          %dma_wait3A_192 = arith.constant 0 : i32
          %dma_wait3A_193 = tpu.memref_slice %arg7[%mul3A_153, %dma_wait3A_192] : memref<40x128xi32, #tpu.memory_space<vmem>> -> memref<1x128xi32, #tpu.memory_space<vmem>>
          %dma_wait3A_194 = tpu.memref_squeeze %dma_wait3A_193 : memref<1x128xi32, #tpu.memory_space<vmem>> -> memref<128xi32, #tpu.memory_space<vmem>>
          %dma_wait3A_195 = arith.constant 0 : i32
          %dma_wait3A_196 = arith.constant 0 : i32
          %dma_wait3A_197 = tpu.memref_slice %arg10[%dma_wait3A_195, %dma_wait3A_196] : memref<10240x128xf32, #tpu.memory_space<vmem_shared>> -> memref<10240x128xf32, #tpu.memory_space<vmem_shared>>
          tpu.wait_indirect_dma semaphore(%run_scoped3A_185 : memref<!tpu.dma_semaphore, #tpu.memory_space<semaphore_mem>>) src(%arg8 : memref<128x128xf32, #tpu.memory_space<vmem>>) dst(%dma_wait3A_197 : memref<10240x128xf32, #tpu.memory_space<vmem_shared>>)
          tpu.yield
        }) : () -> ()
        %add3A_168 = arith.constant 2 : i32
        %add3A_169 = arith.addi %mul3A_153, %add3A_168 : i32
        %dma_start3A_170 = arith.constant 0 : i32
        %dma_start3A_171 = tpu.memref_slice %arg6[%add3A_169, %dma_start3A_170] : memref<40x128xi32, #tpu.memory_space<vmem>> -> memref<1x128xi32, #tpu.memory_space<vmem>>
        %dma_start3A_172 = tpu.memref_squeeze %dma_start3A_171 : memref<1x128xi32, #tpu.memory_space<vmem>> -> memref<128xi32, #tpu.memory_space<vmem>>
        %dma_start3A_173 = arith.constant 0 : i32
        %dma_start3A_174 = arith.constant 0 : i32
        %dma_start3A_175 = tpu.memref_slice %arg2[%dma_start3A_173, %dma_start3A_174] : memref<10016x128xf32, #tpu.memory_space<hbm>> -> memref<10016x128xf32, #tpu.memory_space<hbm>>
        tpu.enqueue_indirect_dma source(%dma_start3A_175 : memref<10016x128xf32, #tpu.memory_space<hbm>>) target(%arg8 : memref<128x128xf32, #tpu.memory_space<vmem>>) offsets(%dma_start3A_172 : memref<128xi32, #tpu.memory_space<vmem>>) semaphore(%arg11 : memref<!tpu.dma_semaphore, #tpu.memory_space<semaphore_mem>>)
        %dma_wait3A_176 = arith.constant 0 : i32
        %dma_wait3A_177 = arith.constant 0 : i32
        %dma_wait3A_178 = tpu.memref_slice %arg2[%dma_wait3A_176, %dma_wait3A_177] : memref<10016x128xf32, #tpu.memory_space<hbm>> -> memref<128x128xf32, #tpu.memory_space<hbm>>
        %dma_wait3A_179 = arith.constant 0 : i32
        %dma_wait3A_180 = arith.constant 0 : i32
        %dma_wait3A_181 = tpu.memref_slice %arg2[%dma_wait3A_179, %dma_wait3A_180] : memref<10016x128xf32, #tpu.memory_space<hbm>> -> memref<128x128xf32, #tpu.memory_space<hbm>>
        tpu.wait_dma2 semaphore(%arg12 : memref<!tpu.dma_semaphore, #tpu.memory_space<semaphore_mem>>) src(%dma_wait3A_181 : memref<128x128xf32, #tpu.memory_space<hbm>>) dst(%arg9 : memref<128x128xf32, #tpu.memory_space<vmem>>)
        %add3A_182 = arith.constant 1 : i32
        %add3A_183 = arith.addi %mul3A_153, %add3A_182 : i32
        "tpu.region"() ({
          %run_scoped3A_185 = tpu.sem_alloc : memref<!tpu.dma_semaphore, #tpu.memory_space<semaphore_mem>>
          %dma_start3A_186 = arith.constant 0 : i32
          %dma_start3A_187 = tpu.memref_slice %arg7[%add3A_183, %dma_start3A_186] : memref<40x128xi32, #tpu.memory_space<vmem>> -> memref<1x128xi32, #tpu.memory_space<vmem>>
          %dma_start3A_188 = tpu.memref_squeeze %dma_start3A_187 : memref<1x128xi32, #tpu.memory_space<vmem>> -> memref<128xi32, #tpu.memory_space<vmem>>
          %dma_start3A_189 = arith.constant 0 : i32
          %dma_start3A_190 = arith.constant 0 : i32
          %dma_start3A_191 = tpu.memref_slice %arg10[%dma_start3A_189, %dma_start3A_190] : memref<10240x128xf32, #tpu.memory_space<vmem_shared>> -> memref<10240x128xf32, #tpu.memory_space<vmem_shared>>
          tpu.enqueue_indirect_dma source(%arg9 : memref<128x128xf32, #tpu.memory_space<vmem>>) target(%dma_start3A_191 : memref<10240x128xf32, #tpu.memory_space<vmem_shared>>) offsets(%dma_start3A_188 : memref<128xi32, #tpu.memory_space<vmem>>) semaphore(%run_scoped3A_185 : memref<!tpu.dma_semaphore, #tpu.memory_space<semaphore_mem>>) {add = true}
          %dma_wait3A_192 = arith.constant 0 : i32
          %dma_wait3A_193 = tpu.memref_slice %arg7[%add3A_183, %dma_wait3A_192] : memref<40x128xi32, #tpu.memory_space<vmem>> -> memref<1x128xi32, #tpu.memory_space<vmem>>
          %dma_wait3A_194 = tpu.memref_squeeze %dma_wait3A_193 : memref<1x128xi32, #tpu.memory_space<vmem>> -> memref<128xi32, #tpu.memory_space<vmem>>
          %dma_wait3A_195 = arith.constant 0 : i32
          %dma_wait3A_196 = arith.constant 0 : i32
          %dma_wait3A_197 = tpu.memref_slice %arg10[%dma_wait3A_195, %dma_wait3A_196] : memref<10240x128xf32, #tpu.memory_space<vmem_shared>> -> memref<10240x128xf32, #tpu.memory_space<vmem_shared>>
          tpu.wait_indirect_dma semaphore(%run_scoped3A_185 : memref<!tpu.dma_semaphore, #tpu.memory_space<semaphore_mem>>) src(%arg9 : memref<128x128xf32, #tpu.memory_space<vmem>>) dst(%dma_wait3A_197 : memref<10240x128xf32, #tpu.memory_space<vmem_shared>>)
          tpu.yield
        }) : () -> ()
        %scan3A_184 = arith.constant 0 : i32
        scf.yield %scan3A_184 : i32
      }
      %scan3A_128 = arith.constant 15 : i32
      %dma_start3A_129 = arith.constant 31 : i32
      %dma_start3A_130 = arith.constant 0 : i32
      %dma_start3A_131 = tpu.memref_slice %arg6[%dma_start3A_129, %dma_start3A_130] : memref<40x128xi32, #tpu.memory_space<vmem>> -> memref<1x128xi32, #tpu.memory_space<vmem>>
      %dma_start3A_132 = tpu.memref_squeeze %dma_start3A_131 : memref<1x128xi32, #tpu.memory_space<vmem>> -> memref<128xi32, #tpu.memory_space<vmem>>
      %dma_start3A_133 = arith.constant 0 : i32
      %dma_start3A_134 = arith.constant 0 : i32
      %dma_start3A_135 = tpu.memref_slice %arg2[%dma_start3A_133, %dma_start3A_134] : memref<10016x128xf32, #tpu.memory_space<hbm>> -> memref<10016x128xf32, #tpu.memory_space<hbm>>
      tpu.enqueue_indirect_dma source(%dma_start3A_135 : memref<10016x128xf32, #tpu.memory_space<hbm>>) target(%arg9 : memref<128x128xf32, #tpu.memory_space<vmem>>) offsets(%dma_start3A_132 : memref<128xi32, #tpu.memory_space<vmem>>) semaphore(%arg12 : memref<!tpu.dma_semaphore, #tpu.memory_space<semaphore_mem>>)
      %dma_wait3A_136 = arith.constant 0 : i32
      %dma_wait3A_137 = arith.constant 0 : i32
      %dma_wait3A_138 = tpu.memref_slice %arg2[%dma_wait3A_136, %dma_wait3A_137] : memref<10016x128xf32, #tpu.memory_space<hbm>> -> memref<128x128xf32, #tpu.memory_space<hbm>>
      %dma_wait3A_139 = arith.constant 0 : i32
      %dma_wait3A_140 = arith.constant 0 : i32
      %dma_wait3A_141 = tpu.memref_slice %arg2[%dma_wait3A_139, %dma_wait3A_140] : memref<10016x128xf32, #tpu.memory_space<hbm>> -> memref<128x128xf32, #tpu.memory_space<hbm>>
      tpu.wait_dma2 semaphore(%arg11 : memref<!tpu.dma_semaphore, #tpu.memory_space<semaphore_mem>>) src(%dma_wait3A_141 : memref<128x128xf32, #tpu.memory_space<hbm>>) dst(%arg8 : memref<128x128xf32, #tpu.memory_space<vmem>>)
      %run_scoped3A_142 = arith.constant 30 : i32
      "tpu.region"() ({
        %run_scoped3A_150 = tpu.sem_alloc : memref<!tpu.dma_semaphore, #tpu.memory_space<semaphore_mem>>
        %dma_start3A_151 = arith.constant 0 : i32
        %dma_start3A_152 = tpu.memref_slice %arg7[%run_scoped3A_142, %dma_start3A_151] : memref<40x128xi32, #tpu.memory_space<vmem>> -> memref<1x128xi32, #tpu.memory_space<vmem>>
        %dma_start3A_153 = tpu.memref_squeeze %dma_start3A_152 : memref<1x128xi32, #tpu.memory_space<vmem>> -> memref<128xi32, #tpu.memory_space<vmem>>
        %dma_start3A_154 = arith.constant 0 : i32
        %dma_start3A_155 = arith.constant 0 : i32
        %dma_start3A_156 = tpu.memref_slice %arg10[%dma_start3A_154, %dma_start3A_155] : memref<10240x128xf32, #tpu.memory_space<vmem_shared>> -> memref<10240x128xf32, #tpu.memory_space<vmem_shared>>
        tpu.enqueue_indirect_dma source(%arg8 : memref<128x128xf32, #tpu.memory_space<vmem>>) target(%dma_start3A_156 : memref<10240x128xf32, #tpu.memory_space<vmem_shared>>) offsets(%dma_start3A_153 : memref<128xi32, #tpu.memory_space<vmem>>) semaphore(%run_scoped3A_150 : memref<!tpu.dma_semaphore, #tpu.memory_space<semaphore_mem>>) {add = true}
        %dma_wait3A_157 = arith.constant 0 : i32
        %dma_wait3A_158 = tpu.memref_slice %arg7[%run_scoped3A_142, %dma_wait3A_157] : memref<40x128xi32, #tpu.memory_space<vmem>> -> memref<1x128xi32, #tpu.memory_space<vmem>>
        %dma_wait3A_159 = tpu.memref_squeeze %dma_wait3A_158 : memref<1x128xi32, #tpu.memory_space<vmem>> -> memref<128xi32, #tpu.memory_space<vmem>>
        %dma_wait3A_160 = arith.constant 0 : i32
        %dma_wait3A_161 = arith.constant 0 : i32
        %dma_wait3A_162 = tpu.memref_slice %arg10[%dma_wait3A_160, %dma_wait3A_161] : memref<10240x128xf32, #tpu.memory_space<vmem_shared>> -> memref<10240x128xf32, #tpu.memory_space<vmem_shared>>
        tpu.wait_indirect_dma semaphore(%run_scoped3A_150 : memref<!tpu.dma_semaphore, #tpu.memory_space<semaphore_mem>>) src(%arg8 : memref<128x128xf32, #tpu.memory_space<vmem>>) dst(%dma_wait3A_162 : memref<10240x128xf32, #tpu.memory_space<vmem_shared>>)
        tpu.yield
      }) : () -> ()
      %dma_wait3A_143 = arith.constant 0 : i32
      %dma_wait3A_144 = arith.constant 0 : i32
      %dma_wait3A_145 = tpu.memref_slice %arg2[%dma_wait3A_143, %dma_wait3A_144] : memref<10016x128xf32, #tpu.memory_space<hbm>> -> memref<128x128xf32, #tpu.memory_space<hbm>>
      %dma_wait3A_146 = arith.constant 0 : i32
      %dma_wait3A_147 = arith.constant 0 : i32
      %dma_wait3A_148 = tpu.memref_slice %arg2[%dma_wait3A_146, %dma_wait3A_147] : memref<10016x128xf32, #tpu.memory_space<hbm>> -> memref<128x128xf32, #tpu.memory_space<hbm>>
      tpu.wait_dma2 semaphore(%arg12 : memref<!tpu.dma_semaphore, #tpu.memory_space<semaphore_mem>>) src(%dma_wait3A_148 : memref<128x128xf32, #tpu.memory_space<hbm>>) dst(%arg9 : memref<128x128xf32, #tpu.memory_space<vmem>>)
      %run_scoped3A_149 = arith.constant 31 : i32
      "tpu.region"() ({
        %run_scoped3A_150 = tpu.sem_alloc : memref<!tpu.dma_semaphore, #tpu.memory_space<semaphore_mem>>
        %dma_start3A_151 = arith.constant 0 : i32
        %dma_start3A_152 = tpu.memref_slice %arg7[%run_scoped3A_149, %dma_start3A_151] : memref<40x128xi32, #tpu.memory_space<vmem>> -> memref<1x128xi32, #tpu.memory_space<vmem>>
        %dma_start3A_153 = tpu.memref_squeeze %dma_start3A_152 : memref<1x128xi32, #tpu.memory_space<vmem>> -> memref<128xi32, #tpu.memory_space<vmem>>
        %dma_start3A_154 = arith.constant 0 : i32
        %dma_start3A_155 = arith.constant 0 : i32
        %dma_start3A_156 = tpu.memref_slice %arg10[%dma_start3A_154, %dma_start3A_155] : memref<10240x128xf32, #tpu.memory_space<vmem_shared>> -> memref<10240x128xf32, #tpu.memory_space<vmem_shared>>
        tpu.enqueue_indirect_dma source(%arg9 : memref<128x128xf32, #tpu.memory_space<vmem>>) target(%dma_start3A_156 : memref<10240x128xf32, #tpu.memory_space<vmem_shared>>) offsets(%dma_start3A_153 : memref<128xi32, #tpu.memory_space<vmem>>) semaphore(%run_scoped3A_150 : memref<!tpu.dma_semaphore, #tpu.memory_space<semaphore_mem>>) {add = true}
        %dma_wait3A_157 = arith.constant 0 : i32
        %dma_wait3A_158 = tpu.memref_slice %arg7[%run_scoped3A_149, %dma_wait3A_157] : memref<40x128xi32, #tpu.memory_space<vmem>> -> memref<1x128xi32, #tpu.memory_space<vmem>>
        %dma_wait3A_159 = tpu.memref_squeeze %dma_wait3A_158 : memref<1x128xi32, #tpu.memory_space<vmem>> -> memref<128xi32, #tpu.memory_space<vmem>>
        %dma_wait3A_160 = arith.constant 0 : i32
        %dma_wait3A_161 = arith.constant 0 : i32
        %dma_wait3A_162 = tpu.memref_slice %arg10[%dma_wait3A_160, %dma_wait3A_161] : memref<10240x128xf32, #tpu.memory_space<vmem_shared>> -> memref<10240x128xf32, #tpu.memory_space<vmem_shared>>
        tpu.wait_indirect_dma semaphore(%run_scoped3A_150 : memref<!tpu.dma_semaphore, #tpu.memory_space<semaphore_mem>>) src(%arg9 : memref<128x128xf32, #tpu.memory_space<vmem>>) dst(%dma_wait3A_162 : memref<10240x128xf32, #tpu.memory_space<vmem_shared>>)
        tpu.yield
      }) : () -> ()
    } else {
    }
    %eq3A_30 = arith.constant 1 : i32
    %eq3A_31 = arith.cmpi eq, %arg0, %eq3A_30 : i32
    %convert_element_type3A_32 = arith.extui %eq3A_31 : i1 to i32
    %cond3A_33 = arith.constant 0 : i32
    %cond3A_34 = arith.cmpi ne, %convert_element_type3A_32, %cond3A_33 : i32
    scf.if %cond3A_34 {
      %mul3A_40 = arith.constant 48 : i32
      %mul3A_41 = arith.muli %arg1, %mul3A_40 : i32
      %add3A_42 = arith.constant 1792 : i32
      %add3A_43 = arith.addi %add3A_42, %mul3A_41 : i32
      %add3A_44 = arith.constant 0 : i32
      %add3A_45 = arith.addi %add3A_43, %add3A_44 : i32
      "tpu.region"() ({
        %run_scoped3A_115 = tpu.sem_alloc : memref<!tpu.dma_semaphore, #tpu.memory_space<semaphore_mem>>
        %dma_start3A_116 = arith.constant 0 : i32
        %dma_start3A_117 = arith.constant 0 : i32
        %dma_start3A_118 = tpu.memref_slice %arg6[%dma_start3A_116, %dma_start3A_117] : memref<40x128xi32, #tpu.memory_space<vmem>> -> memref<40x128xi32, #tpu.memory_space<vmem>>
        %dma_start3A_119 = arith.constant 0 : i32
        %dma_start3A_120 = tpu.memref_slice %arg3[%add3A_45, %dma_start3A_119] : memref<2560x128xi32, #tpu.memory_space<hbm>> -> memref<40x128xi32, #tpu.memory_space<hbm>>
        %dma_start3A_121 = arith.constant 0 : i32
        %dma_start3A_122 = arith.constant 0 : i32
        %dma_start3A_123 = tpu.memref_slice %arg6[%dma_start3A_121, %dma_start3A_122] : memref<40x128xi32, #tpu.memory_space<vmem>> -> memref<40x128xi32, #tpu.memory_space<vmem>>
        %dma_start3A_124 = arith.constant 0 : i32
        %dma_start3A_125 = tpu.memref_slice %arg3[%add3A_45, %dma_start3A_124] : memref<2560x128xi32, #tpu.memory_space<hbm>> -> memref<40x128xi32, #tpu.memory_space<hbm>>
        tpu.enqueue_dma source(%dma_start3A_125 : memref<40x128xi32, #tpu.memory_space<hbm>>) target(%dma_start3A_123 : memref<40x128xi32, #tpu.memory_space<vmem>>) target_semaphore(%run_scoped3A_115 : memref<!tpu.dma_semaphore, #tpu.memory_space<semaphore_mem>>)
        %dma_wait3A_126 = arith.constant 0 : i32
        %dma_wait3A_127 = arith.constant 0 : i32
        %dma_wait3A_128 = tpu.memref_slice %arg6[%dma_wait3A_126, %dma_wait3A_127] : memref<40x128xi32, #tpu.memory_space<vmem>> -> memref<40x128xi32, #tpu.memory_space<vmem>>
        %dma_wait3A_129 = arith.constant 0 : i32
        %dma_wait3A_130 = tpu.memref_slice %arg3[%add3A_45, %dma_wait3A_129] : memref<2560x128xi32, #tpu.memory_space<hbm>> -> memref<40x128xi32, #tpu.memory_space<hbm>>
        %dma_wait3A_131 = arith.constant 0 : i32
        %dma_wait3A_132 = arith.constant 0 : i32
        %dma_wait3A_133 = tpu.memref_slice %arg6[%dma_wait3A_131, %dma_wait3A_132] : memref<40x128xi32, #tpu.memory_space<vmem>> -> memref<40x128xi32, #tpu.memory_space<vmem>>
        %dma_wait3A_134 = arith.constant 0 : i32
        %dma_wait3A_135 = tpu.memref_slice %arg3[%add3A_45, %dma_wait3A_134] : memref<2560x128xi32, #tpu.memory_space<hbm>> -> memref<40x128xi32, #tpu.memory_space<hbm>>
        tpu.wait_dma2 semaphore(%run_scoped3A_115 : memref<!tpu.dma_semaphore, #tpu.memory_space<semaphore_mem>>) src(%dma_wait3A_135 : memref<40x128xi32, #tpu.memory_space<hbm>>) dst(%dma_wait3A_133 : memref<40x128xi32, #tpu.memory_space<vmem>>)
        tpu.yield
      }) : () -> ()
      "tpu.region"() ({
        %run_scoped3A_115 = tpu.sem_alloc : memref<!tpu.dma_semaphore, #tpu.memory_space<semaphore_mem>>
        %dma_start3A_116 = arith.constant 0 : i32
        %dma_start3A_117 = arith.constant 0 : i32
        %dma_start3A_118 = tpu.memref_slice %arg7[%dma_start3A_116, %dma_start3A_117] : memref<40x128xi32, #tpu.memory_space<vmem>> -> memref<40x128xi32, #tpu.memory_space<vmem>>
        %dma_start3A_119 = arith.constant 0 : i32
        %dma_start3A_120 = tpu.memref_slice %arg4[%add3A_45, %dma_start3A_119] : memref<2560x128xi32, #tpu.memory_space<hbm>> -> memref<40x128xi32, #tpu.memory_space<hbm>>
        %dma_start3A_121 = arith.constant 0 : i32
        %dma_start3A_122 = arith.constant 0 : i32
        %dma_start3A_123 = tpu.memref_slice %arg7[%dma_start3A_121, %dma_start3A_122] : memref<40x128xi32, #tpu.memory_space<vmem>> -> memref<40x128xi32, #tpu.memory_space<vmem>>
        %dma_start3A_124 = arith.constant 0 : i32
        %dma_start3A_125 = tpu.memref_slice %arg4[%add3A_45, %dma_start3A_124] : memref<2560x128xi32, #tpu.memory_space<hbm>> -> memref<40x128xi32, #tpu.memory_space<hbm>>
        tpu.enqueue_dma source(%dma_start3A_125 : memref<40x128xi32, #tpu.memory_space<hbm>>) target(%dma_start3A_123 : memref<40x128xi32, #tpu.memory_space<vmem>>) target_semaphore(%run_scoped3A_115 : memref<!tpu.dma_semaphore, #tpu.memory_space<semaphore_mem>>)
        %dma_wait3A_126 = arith.constant 0 : i32
        %dma_wait3A_127 = arith.constant 0 : i32
        %dma_wait3A_128 = tpu.memref_slice %arg7[%dma_wait3A_126, %dma_wait3A_127] : memref<40x128xi32, #tpu.memory_space<vmem>> -> memref<40x128xi32, #tpu.memory_space<vmem>>
        %dma_wait3A_129 = arith.constant 0 : i32
        %dma_wait3A_130 = tpu.memref_slice %arg4[%add3A_45, %dma_wait3A_129] : memref<2560x128xi32, #tpu.memory_space<hbm>> -> memref<40x128xi32, #tpu.memory_space<hbm>>
        %dma_wait3A_131 = arith.constant 0 : i32
        %dma_wait3A_132 = arith.constant 0 : i32
        %dma_wait3A_133 = tpu.memref_slice %arg7[%dma_wait3A_131, %dma_wait3A_132] : memref<40x128xi32, #tpu.memory_space<vmem>> -> memref<40x128xi32, #tpu.memory_space<vmem>>
        %dma_wait3A_134 = arith.constant 0 : i32
        %dma_wait3A_135 = tpu.memref_slice %arg4[%add3A_45, %dma_wait3A_134] : memref<2560x128xi32, #tpu.memory_space<hbm>> -> memref<40x128xi32, #tpu.memory_space<hbm>>
        tpu.wait_dma2 semaphore(%run_scoped3A_115 : memref<!tpu.dma_semaphore, #tpu.memory_space<semaphore_mem>>) src(%dma_wait3A_135 : memref<40x128xi32, #tpu.memory_space<hbm>>) dst(%dma_wait3A_133 : memref<40x128xi32, #tpu.memory_space<vmem>>)
        tpu.yield
      }) : () -> ()
      %dma_start3A = arith.constant 0 : i32
      %dma_start3A_46 = arith.constant 0 : i32
      %dma_start3A_47 = tpu.memref_slice %arg6[%dma_start3A, %dma_start3A_46] : memref<40x128xi32, #tpu.memory_space<vmem>> -> memref<1x128xi32, #tpu.memory_space<vmem>>
      %dma_start3A_48 = tpu.memref_squeeze %dma_start3A_47 : memref<1x128xi32, #tpu.memory_space<vmem>> -> memref<128xi32, #tpu.memory_space<vmem>>
      %dma_start3A_49 = arith.constant 0 : i32
      %dma_start3A_50 = arith.constant 0 : i32
      %dma_start3A_51 = tpu.memref_slice %arg2[%dma_start3A_49, %dma_start3A_50] : memref<10016x128xf32, #tpu.memory_space<hbm>> -> memref<10016x128xf32, #tpu.memory_space<hbm>>
      tpu.enqueue_indirect_dma source(%dma_start3A_51 : memref<10016x128xf32, #tpu.memory_space<hbm>>) target(%arg8 : memref<128x128xf32, #tpu.memory_space<vmem>>) offsets(%dma_start3A_48 : memref<128xi32, #tpu.memory_space<vmem>>) semaphore(%arg11 : memref<!tpu.dma_semaphore, #tpu.memory_space<semaphore_mem>>)
      %scan3A_52 = arith.constant 0 : i32
      %scan3A_53 = arith.constant 0 : i32
      %scan3A_54 = arith.constant 19 : i32
      %scan3A_55 = arith.addi %scan3A_53, %scan3A_54 : i32
      %scan3A_56 = arith.constant 1 : i32
      %scan3A_57 = scf.for %scan3A_115 = %scan3A_53 to %scan3A_55 step %scan3A_56 iter_args(%scan3A_116 = %scan3A_52) -> (i32)  : i32 {
        %mul3A_117 = arith.constant 2 : i32
        %mul3A_118 = arith.muli %mul3A_117, %scan3A_115 : i32
        %add3A_119 = arith.constant 1 : i32
        %add3A_120 = arith.addi %mul3A_118, %add3A_119 : i32
        %dma_start3A_121 = arith.constant 0 : i32
        %dma_start3A_122 = tpu.memref_slice %arg6[%add3A_120, %dma_start3A_121] : memref<40x128xi32, #tpu.memory_space<vmem>> -> memref<1x128xi32, #tpu.memory_space<vmem>>
        %dma_start3A_123 = tpu.memref_squeeze %dma_start3A_122 : memref<1x128xi32, #tpu.memory_space<vmem>> -> memref<128xi32, #tpu.memory_space<vmem>>
        %dma_start3A_124 = arith.constant 0 : i32
        %dma_start3A_125 = arith.constant 0 : i32
        %dma_start3A_126 = tpu.memref_slice %arg2[%dma_start3A_124, %dma_start3A_125] : memref<10016x128xf32, #tpu.memory_space<hbm>> -> memref<10016x128xf32, #tpu.memory_space<hbm>>
        tpu.enqueue_indirect_dma source(%dma_start3A_126 : memref<10016x128xf32, #tpu.memory_space<hbm>>) target(%arg9 : memref<128x128xf32, #tpu.memory_space<vmem>>) offsets(%dma_start3A_123 : memref<128xi32, #tpu.memory_space<vmem>>) semaphore(%arg12 : memref<!tpu.dma_semaphore, #tpu.memory_space<semaphore_mem>>)
        %dma_wait3A_127 = arith.constant 0 : i32
        %dma_wait3A_128 = arith.constant 0 : i32
        %dma_wait3A_129 = tpu.memref_slice %arg2[%dma_wait3A_127, %dma_wait3A_128] : memref<10016x128xf32, #tpu.memory_space<hbm>> -> memref<128x128xf32, #tpu.memory_space<hbm>>
        %dma_wait3A_130 = arith.constant 0 : i32
        %dma_wait3A_131 = arith.constant 0 : i32
        %dma_wait3A_132 = tpu.memref_slice %arg2[%dma_wait3A_130, %dma_wait3A_131] : memref<10016x128xf32, #tpu.memory_space<hbm>> -> memref<128x128xf32, #tpu.memory_space<hbm>>
        tpu.wait_dma2 semaphore(%arg11 : memref<!tpu.dma_semaphore, #tpu.memory_space<semaphore_mem>>) src(%dma_wait3A_132 : memref<128x128xf32, #tpu.memory_space<hbm>>) dst(%arg8 : memref<128x128xf32, #tpu.memory_space<vmem>>)
        "tpu.region"() ({
          %run_scoped3A_150 = tpu.sem_alloc : memref<!tpu.dma_semaphore, #tpu.memory_space<semaphore_mem>>
          %dma_start3A_151 = arith.constant 0 : i32
          %dma_start3A_152 = tpu.memref_slice %arg7[%mul3A_118, %dma_start3A_151] : memref<40x128xi32, #tpu.memory_space<vmem>> -> memref<1x128xi32, #tpu.memory_space<vmem>>
          %dma_start3A_153 = tpu.memref_squeeze %dma_start3A_152 : memref<1x128xi32, #tpu.memory_space<vmem>> -> memref<128xi32, #tpu.memory_space<vmem>>
          %dma_start3A_154 = arith.constant 0 : i32
          %dma_start3A_155 = arith.constant 0 : i32
          %dma_start3A_156 = tpu.memref_slice %arg10[%dma_start3A_154, %dma_start3A_155] : memref<10240x128xf32, #tpu.memory_space<vmem_shared>> -> memref<10240x128xf32, #tpu.memory_space<vmem_shared>>
          tpu.enqueue_indirect_dma source(%arg8 : memref<128x128xf32, #tpu.memory_space<vmem>>) target(%dma_start3A_156 : memref<10240x128xf32, #tpu.memory_space<vmem_shared>>) offsets(%dma_start3A_153 : memref<128xi32, #tpu.memory_space<vmem>>) semaphore(%run_scoped3A_150 : memref<!tpu.dma_semaphore, #tpu.memory_space<semaphore_mem>>) {add = true}
          %dma_wait3A_157 = arith.constant 0 : i32
          %dma_wait3A_158 = tpu.memref_slice %arg7[%mul3A_118, %dma_wait3A_157] : memref<40x128xi32, #tpu.memory_space<vmem>> -> memref<1x128xi32, #tpu.memory_space<vmem>>
          %dma_wait3A_159 = tpu.memref_squeeze %dma_wait3A_158 : memref<1x128xi32, #tpu.memory_space<vmem>> -> memref<128xi32, #tpu.memory_space<vmem>>
          %dma_wait3A_160 = arith.constant 0 : i32
          %dma_wait3A_161 = arith.constant 0 : i32
          %dma_wait3A_162 = tpu.memref_slice %arg10[%dma_wait3A_160, %dma_wait3A_161] : memref<10240x128xf32, #tpu.memory_space<vmem_shared>> -> memref<10240x128xf32, #tpu.memory_space<vmem_shared>>
          tpu.wait_indirect_dma semaphore(%run_scoped3A_150 : memref<!tpu.dma_semaphore, #tpu.memory_space<semaphore_mem>>) src(%arg8 : memref<128x128xf32, #tpu.memory_space<vmem>>) dst(%dma_wait3A_162 : memref<10240x128xf32, #tpu.memory_space<vmem_shared>>)
          tpu.yield
        }) : () -> ()
        %add3A_133 = arith.constant 2 : i32
        %add3A_134 = arith.addi %mul3A_118, %add3A_133 : i32
        %dma_start3A_135 = arith.constant 0 : i32
        %dma_start3A_136 = tpu.memref_slice %arg6[%add3A_134, %dma_start3A_135] : memref<40x128xi32, #tpu.memory_space<vmem>> -> memref<1x128xi32, #tpu.memory_space<vmem>>
        %dma_start3A_137 = tpu.memref_squeeze %dma_start3A_136 : memref<1x128xi32, #tpu.memory_space<vmem>> -> memref<128xi32, #tpu.memory_space<vmem>>
        %dma_start3A_138 = arith.constant 0 : i32
        %dma_start3A_139 = arith.constant 0 : i32
        %dma_start3A_140 = tpu.memref_slice %arg2[%dma_start3A_138, %dma_start3A_139] : memref<10016x128xf32, #tpu.memory_space<hbm>> -> memref<10016x128xf32, #tpu.memory_space<hbm>>
        tpu.enqueue_indirect_dma source(%dma_start3A_140 : memref<10016x128xf32, #tpu.memory_space<hbm>>) target(%arg8 : memref<128x128xf32, #tpu.memory_space<vmem>>) offsets(%dma_start3A_137 : memref<128xi32, #tpu.memory_space<vmem>>) semaphore(%arg11 : memref<!tpu.dma_semaphore, #tpu.memory_space<semaphore_mem>>)
        %dma_wait3A_141 = arith.constant 0 : i32
        %dma_wait3A_142 = arith.constant 0 : i32
        %dma_wait3A_143 = tpu.memref_slice %arg2[%dma_wait3A_141, %dma_wait3A_142] : memref<10016x128xf32, #tpu.memory_space<hbm>> -> memref<128x128xf32, #tpu.memory_space<hbm>>
        %dma_wait3A_144 = arith.constant 0 : i32
        %dma_wait3A_145 = arith.constant 0 : i32
        %dma_wait3A_146 = tpu.memref_slice %arg2[%dma_wait3A_144, %dma_wait3A_145] : memref<10016x128xf32, #tpu.memory_space<hbm>> -> memref<128x128xf32, #tpu.memory_space<hbm>>
        tpu.wait_dma2 semaphore(%arg12 : memref<!tpu.dma_semaphore, #tpu.memory_space<semaphore_mem>>) src(%dma_wait3A_146 : memref<128x128xf32, #tpu.memory_space<hbm>>) dst(%arg9 : memref<128x128xf32, #tpu.memory_space<vmem>>)
        %add3A_147 = arith.constant 1 : i32
        %add3A_148 = arith.addi %mul3A_118, %add3A_147 : i32
        "tpu.region"() ({
          %run_scoped3A_150 = tpu.sem_alloc : memref<!tpu.dma_semaphore, #tpu.memory_space<semaphore_mem>>
          %dma_start3A_151 = arith.constant 0 : i32
          %dma_start3A_152 = tpu.memref_slice %arg7[%add3A_148, %dma_start3A_151] : memref<40x128xi32, #tpu.memory_space<vmem>> -> memref<1x128xi32, #tpu.memory_space<vmem>>
          %dma_start3A_153 = tpu.memref_squeeze %dma_start3A_152 : memref<1x128xi32, #tpu.memory_space<vmem>> -> memref<128xi32, #tpu.memory_space<vmem>>
          %dma_start3A_154 = arith.constant 0 : i32
          %dma_start3A_155 = arith.constant 0 : i32
          %dma_start3A_156 = tpu.memref_slice %arg10[%dma_start3A_154, %dma_start3A_155] : memref<10240x128xf32, #tpu.memory_space<vmem_shared>> -> memref<10240x128xf32, #tpu.memory_space<vmem_shared>>
          tpu.enqueue_indirect_dma source(%arg9 : memref<128x128xf32, #tpu.memory_space<vmem>>) target(%dma_start3A_156 : memref<10240x128xf32, #tpu.memory_space<vmem_shared>>) offsets(%dma_start3A_153 : memref<128xi32, #tpu.memory_space<vmem>>) semaphore(%run_scoped3A_150 : memref<!tpu.dma_semaphore, #tpu.memory_space<semaphore_mem>>) {add = true}
          %dma_wait3A_157 = arith.constant 0 : i32
          %dma_wait3A_158 = tpu.memref_slice %arg7[%add3A_148, %dma_wait3A_157] : memref<40x128xi32, #tpu.memory_space<vmem>> -> memref<1x128xi32, #tpu.memory_space<vmem>>
          %dma_wait3A_159 = tpu.memref_squeeze %dma_wait3A_158 : memref<1x128xi32, #tpu.memory_space<vmem>> -> memref<128xi32, #tpu.memory_space<vmem>>
          %dma_wait3A_160 = arith.constant 0 : i32
          %dma_wait3A_161 = arith.constant 0 : i32
          %dma_wait3A_162 = tpu.memref_slice %arg10[%dma_wait3A_160, %dma_wait3A_161] : memref<10240x128xf32, #tpu.memory_space<vmem_shared>> -> memref<10240x128xf32, #tpu.memory_space<vmem_shared>>
          tpu.wait_indirect_dma semaphore(%run_scoped3A_150 : memref<!tpu.dma_semaphore, #tpu.memory_space<semaphore_mem>>) src(%arg9 : memref<128x128xf32, #tpu.memory_space<vmem>>) dst(%dma_wait3A_162 : memref<10240x128xf32, #tpu.memory_space<vmem_shared>>)
          tpu.yield
        }) : () -> ()
        %scan3A_149 = arith.constant 0 : i32
        scf.yield %scan3A_149 : i32
      }
      %scan3A_58 = arith.constant 19 : i32
      %dma_start3A_59 = arith.constant 39 : i32
      %dma_start3A_60 = arith.constant 0 : i32
      %dma_start3A_61 = tpu.memref_slice %arg6[%dma_start3A_59, %dma_start3A_60] : memref<40x128xi32, #tpu.memory_space<vmem>> -> memref<1x128xi32, #tpu.memory_space<vmem>>
      %dma_start3A_62 = tpu.memref_squeeze %dma_start3A_61 : memref<1x128xi32, #tpu.memory_space<vmem>> -> memref<128xi32, #tpu.memory_space<vmem>>
      %dma_start3A_63 = arith.constant 0 : i32
      %dma_start3A_64 = arith.constant 0 : i32
      %dma_start3A_65 = tpu.memref_slice %arg2[%dma_start3A_63, %dma_start3A_64] : memref<10016x128xf32, #tpu.memory_space<hbm>> -> memref<10016x128xf32, #tpu.memory_space<hbm>>
      tpu.enqueue_indirect_dma source(%dma_start3A_65 : memref<10016x128xf32, #tpu.memory_space<hbm>>) target(%arg9 : memref<128x128xf32, #tpu.memory_space<vmem>>) offsets(%dma_start3A_62 : memref<128xi32, #tpu.memory_space<vmem>>) semaphore(%arg12 : memref<!tpu.dma_semaphore, #tpu.memory_space<semaphore_mem>>)
      %dma_wait3A = arith.constant 0 : i32
      %dma_wait3A_66 = arith.constant 0 : i32
      %dma_wait3A_67 = tpu.memref_slice %arg2[%dma_wait3A, %dma_wait3A_66] : memref<10016x128xf32, #tpu.memory_space<hbm>> -> memref<128x128xf32, #tpu.memory_space<hbm>>
      %dma_wait3A_68 = arith.constant 0 : i32
      %dma_wait3A_69 = arith.constant 0 : i32
      %dma_wait3A_70 = tpu.memref_slice %arg2[%dma_wait3A_68, %dma_wait3A_69] : memref<10016x128xf32, #tpu.memory_space<hbm>> -> memref<128x128xf32, #tpu.memory_space<hbm>>
      tpu.wait_dma2 semaphore(%arg11 : memref<!tpu.dma_semaphore, #tpu.memory_space<semaphore_mem>>) src(%dma_wait3A_70 : memref<128x128xf32, #tpu.memory_space<hbm>>) dst(%arg8 : memref<128x128xf32, #tpu.memory_space<vmem>>)
      %run_scoped3A = arith.constant 38 : i32
      "tpu.region"() ({
        %run_scoped3A_115 = tpu.sem_alloc : memref<!tpu.dma_semaphore, #tpu.memory_space<semaphore_mem>>
        %dma_start3A_116 = arith.constant 0 : i32
        %dma_start3A_117 = tpu.memref_slice %arg7[%run_scoped3A, %dma_start3A_116] : memref<40x128xi32, #tpu.memory_space<vmem>> -> memref<1x128xi32, #tpu.memory_space<vmem>>
        %dma_start3A_118 = tpu.memref_squeeze %dma_start3A_117 : memref<1x128xi32, #tpu.memory_space<vmem>> -> memref<128xi32, #tpu.memory_space<vmem>>
        %dma_start3A_119 = arith.constant 0 : i32
        %dma_start3A_120 = arith.constant 0 : i32
        %dma_start3A_121 = tpu.memref_slice %arg10[%dma_start3A_119, %dma_start3A_120] : memref<10240x128xf32, #tpu.memory_space<vmem_shared>> -> memref<10240x128xf32, #tpu.memory_space<vmem_shared>>
        tpu.enqueue_indirect_dma source(%arg8 : memref<128x128xf32, #tpu.memory_space<vmem>>) target(%dma_start3A_121 : memref<10240x128xf32, #tpu.memory_space<vmem_shared>>) offsets(%dma_start3A_118 : memref<128xi32, #tpu.memory_space<vmem>>) semaphore(%run_scoped3A_115 : memref<!tpu.dma_semaphore, #tpu.memory_space<semaphore_mem>>) {add = true}
        %dma_wait3A_122 = arith.constant 0 : i32
        %dma_wait3A_123 = tpu.memref_slice %arg7[%run_scoped3A, %dma_wait3A_122] : memref<40x128xi32, #tpu.memory_space<vmem>> -> memref<1x128xi32, #tpu.memory_space<vmem>>
        %dma_wait3A_124 = tpu.memref_squeeze %dma_wait3A_123 : memref<1x128xi32, #tpu.memory_space<vmem>> -> memref<128xi32, #tpu.memory_space<vmem>>
        %dma_wait3A_125 = arith.constant 0 : i32
        %dma_wait3A_126 = arith.constant 0 : i32
        %dma_wait3A_127 = tpu.memref_slice %arg10[%dma_wait3A_125, %dma_wait3A_126] : memref<10240x128xf32, #tpu.memory_space<vmem_shared>> -> memref<10240x128xf32, #tpu.memory_space<vmem_shared>>
        tpu.wait_indirect_dma semaphore(%run_scoped3A_115 : memref<!tpu.dma_semaphore, #tpu.memory_space<semaphore_mem>>) src(%arg8 : memref<128x128xf32, #tpu.memory_space<vmem>>) dst(%dma_wait3A_127 : memref<10240x128xf32, #tpu.memory_space<vmem_shared>>)
        tpu.yield
      }) : () -> ()
      %dma_wait3A_71 = arith.constant 0 : i32
      %dma_wait3A_72 = arith.constant 0 : i32
      %dma_wait3A_73 = tpu.memref_slice %arg2[%dma_wait3A_71, %dma_wait3A_72] : memref<10016x128xf32, #tpu.memory_space<hbm>> -> memref<128x128xf32, #tpu.memory_space<hbm>>
      %dma_wait3A_74 = arith.constant 0 : i32
      %dma_wait3A_75 = arith.constant 0 : i32
      %dma_wait3A_76 = tpu.memref_slice %arg2[%dma_wait3A_74, %dma_wait3A_75] : memref<10016x128xf32, #tpu.memory_space<hbm>> -> memref<128x128xf32, #tpu.memory_space<hbm>>
      tpu.wait_dma2 semaphore(%arg12 : memref<!tpu.dma_semaphore, #tpu.memory_space<semaphore_mem>>) src(%dma_wait3A_76 : memref<128x128xf32, #tpu.memory_space<hbm>>) dst(%arg9 : memref<128x128xf32, #tpu.memory_space<vmem>>)
      %run_scoped3A_77 = arith.constant 39 : i32
      "tpu.region"() ({
        %run_scoped3A_115 = tpu.sem_alloc : memref<!tpu.dma_semaphore, #tpu.memory_space<semaphore_mem>>
        %dma_start3A_116 = arith.constant 0 : i32
        %dma_start3A_117 = tpu.memref_slice %arg7[%run_scoped3A_77, %dma_start3A_116] : memref<40x128xi32, #tpu.memory_space<vmem>> -> memref<1x128xi32, #tpu.memory_space<vmem>>
        %dma_start3A_118 = tpu.memref_squeeze %dma_start3A_117 : memref<1x128xi32, #tpu.memory_space<vmem>> -> memref<128xi32, #tpu.memory_space<vmem>>
        %dma_start3A_119 = arith.constant 0 : i32
        %dma_start3A_120 = arith.constant 0 : i32
        %dma_start3A_121 = tpu.memref_slice %arg10[%dma_start3A_119, %dma_start3A_120] : memref<10240x128xf32, #tpu.memory_space<vmem_shared>> -> memref<10240x128xf32, #tpu.memory_space<vmem_shared>>
        tpu.enqueue_indirect_dma source(%arg9 : memref<128x128xf32, #tpu.memory_space<vmem>>) target(%dma_start3A_121 : memref<10240x128xf32, #tpu.memory_space<vmem_shared>>) offsets(%dma_start3A_118 : memref<128xi32, #tpu.memory_space<vmem>>) semaphore(%run_scoped3A_115 : memref<!tpu.dma_semaphore, #tpu.memory_space<semaphore_mem>>) {add = true}
        %dma_wait3A_122 = arith.constant 0 : i32
        %dma_wait3A_123 = tpu.memref_slice %arg7[%run_scoped3A_77, %dma_wait3A_122] : memref<40x128xi32, #tpu.memory_space<vmem>> -> memref<1x128xi32, #tpu.memory_space<vmem>>
        %dma_wait3A_124 = tpu.memref_squeeze %dma_wait3A_123 : memref<1x128xi32, #tpu.memory_space<vmem>> -> memref<128xi32, #tpu.memory_space<vmem>>
        %dma_wait3A_125 = arith.constant 0 : i32
        %dma_wait3A_126 = arith.constant 0 : i32
        %dma_wait3A_127 = tpu.memref_slice %arg10[%dma_wait3A_125, %dma_wait3A_126] : memref<10240x128xf32, #tpu.memory_space<vmem_shared>> -> memref<10240x128xf32, #tpu.memory_space<vmem_shared>>
        tpu.wait_indirect_dma semaphore(%run_scoped3A_115 : memref<!tpu.dma_semaphore, #tpu.memory_space<semaphore_mem>>) src(%arg9 : memref<128x128xf32, #tpu.memory_space<vmem>>) dst(%dma_wait3A_127 : memref<10240x128xf32, #tpu.memory_space<vmem_shared>>)
        tpu.yield
      }) : () -> ()
      %add3A_78 = arith.constant 40 : i32
      %add3A_79 = arith.addi %add3A_43, %add3A_78 : i32
      "tpu.region"() ({
        %run_scoped3A_115 = tpu.sem_alloc : memref<!tpu.dma_semaphore, #tpu.memory_space<semaphore_mem>>
        %dma_start3A_116 = arith.constant 0 : i32
        %dma_start3A_117 = arith.constant 0 : i32
        %dma_start3A_118 = tpu.memref_slice %arg6[%dma_start3A_116, %dma_start3A_117] : memref<40x128xi32, #tpu.memory_space<vmem>> -> memref<8x128xi32, #tpu.memory_space<vmem>>
        %dma_start3A_119 = arith.constant 0 : i32
        %dma_start3A_120 = tpu.memref_slice %arg3[%add3A_79, %dma_start3A_119] : memref<2560x128xi32, #tpu.memory_space<hbm>> -> memref<8x128xi32, #tpu.memory_space<hbm>>
        %dma_start3A_121 = arith.constant 0 : i32
        %dma_start3A_122 = arith.constant 0 : i32
        %dma_start3A_123 = tpu.memref_slice %arg6[%dma_start3A_121, %dma_start3A_122] : memref<40x128xi32, #tpu.memory_space<vmem>> -> memref<8x128xi32, #tpu.memory_space<vmem>>
        %dma_start3A_124 = arith.constant 0 : i32
        %dma_start3A_125 = tpu.memref_slice %arg3[%add3A_79, %dma_start3A_124] : memref<2560x128xi32, #tpu.memory_space<hbm>> -> memref<8x128xi32, #tpu.memory_space<hbm>>
        tpu.enqueue_dma source(%dma_start3A_125 : memref<8x128xi32, #tpu.memory_space<hbm>>) target(%dma_start3A_123 : memref<8x128xi32, #tpu.memory_space<vmem>>) target_semaphore(%run_scoped3A_115 : memref<!tpu.dma_semaphore, #tpu.memory_space<semaphore_mem>>)
        %dma_wait3A_126 = arith.constant 0 : i32
        %dma_wait3A_127 = arith.constant 0 : i32
        %dma_wait3A_128 = tpu.memref_slice %arg6[%dma_wait3A_126, %dma_wait3A_127] : memref<40x128xi32, #tpu.memory_space<vmem>> -> memref<8x128xi32, #tpu.memory_space<vmem>>
        %dma_wait3A_129 = arith.constant 0 : i32
        %dma_wait3A_130 = tpu.memref_slice %arg3[%add3A_79, %dma_wait3A_129] : memref<2560x128xi32, #tpu.memory_space<hbm>> -> memref<8x128xi32, #tpu.memory_space<hbm>>
        %dma_wait3A_131 = arith.constant 0 : i32
        %dma_wait3A_132 = arith.constant 0 : i32
        %dma_wait3A_133 = tpu.memref_slice %arg6[%dma_wait3A_131, %dma_wait3A_132] : memref<40x128xi32, #tpu.memory_space<vmem>> -> memref<8x128xi32, #tpu.memory_space<vmem>>
        %dma_wait3A_134 = arith.constant 0 : i32
        %dma_wait3A_135 = tpu.memref_slice %arg3[%add3A_79, %dma_wait3A_134] : memref<2560x128xi32, #tpu.memory_space<hbm>> -> memref<8x128xi32, #tpu.memory_space<hbm>>
        tpu.wait_dma2 semaphore(%run_scoped3A_115 : memref<!tpu.dma_semaphore, #tpu.memory_space<semaphore_mem>>) src(%dma_wait3A_135 : memref<8x128xi32, #tpu.memory_space<hbm>>) dst(%dma_wait3A_133 : memref<8x128xi32, #tpu.memory_space<vmem>>)
        tpu.yield
      }) : () -> ()
      "tpu.region"() ({
        %run_scoped3A_115 = tpu.sem_alloc : memref<!tpu.dma_semaphore, #tpu.memory_space<semaphore_mem>>
        %dma_start3A_116 = arith.constant 0 : i32
        %dma_start3A_117 = arith.constant 0 : i32
        %dma_start3A_118 = tpu.memref_slice %arg7[%dma_start3A_116, %dma_start3A_117] : memref<40x128xi32, #tpu.memory_space<vmem>> -> memref<8x128xi32, #tpu.memory_space<vmem>>
        %dma_start3A_119 = arith.constant 0 : i32
        %dma_start3A_120 = tpu.memref_slice %arg4[%add3A_79, %dma_start3A_119] : memref<2560x128xi32, #tpu.memory_space<hbm>> -> memref<8x128xi32, #tpu.memory_space<hbm>>
        %dma_start3A_121 = arith.constant 0 : i32
        %dma_start3A_122 = arith.constant 0 : i32
        %dma_start3A_123 = tpu.memref_slice %arg7[%dma_start3A_121, %dma_start3A_122] : memref<40x128xi32, #tpu.memory_space<vmem>> -> memref<8x128xi32, #tpu.memory_space<vmem>>
        %dma_start3A_124 = arith.constant 0 : i32
        %dma_start3A_125 = tpu.memref_slice %arg4[%add3A_79, %dma_start3A_124] : memref<2560x128xi32, #tpu.memory_space<hbm>> -> memref<8x128xi32, #tpu.memory_space<hbm>>
        tpu.enqueue_dma source(%dma_start3A_125 : memref<8x128xi32, #tpu.memory_space<hbm>>) target(%dma_start3A_123 : memref<8x128xi32, #tpu.memory_space<vmem>>) target_semaphore(%run_scoped3A_115 : memref<!tpu.dma_semaphore, #tpu.memory_space<semaphore_mem>>)
        %dma_wait3A_126 = arith.constant 0 : i32
        %dma_wait3A_127 = arith.constant 0 : i32
        %dma_wait3A_128 = tpu.memref_slice %arg7[%dma_wait3A_126, %dma_wait3A_127] : memref<40x128xi32, #tpu.memory_space<vmem>> -> memref<8x128xi32, #tpu.memory_space<vmem>>
        %dma_wait3A_129 = arith.constant 0 : i32
        %dma_wait3A_130 = tpu.memref_slice %arg4[%add3A_79, %dma_wait3A_129] : memref<2560x128xi32, #tpu.memory_space<hbm>> -> memref<8x128xi32, #tpu.memory_space<hbm>>
        %dma_wait3A_131 = arith.constant 0 : i32
        %dma_wait3A_132 = arith.constant 0 : i32
        %dma_wait3A_133 = tpu.memref_slice %arg7[%dma_wait3A_131, %dma_wait3A_132] : memref<40x128xi32, #tpu.memory_space<vmem>> -> memref<8x128xi32, #tpu.memory_space<vmem>>
        %dma_wait3A_134 = arith.constant 0 : i32
        %dma_wait3A_135 = tpu.memref_slice %arg4[%add3A_79, %dma_wait3A_134] : memref<2560x128xi32, #tpu.memory_space<hbm>> -> memref<8x128xi32, #tpu.memory_space<hbm>>
        tpu.wait_dma2 semaphore(%run_scoped3A_115 : memref<!tpu.dma_semaphore, #tpu.memory_space<semaphore_mem>>) src(%dma_wait3A_135 : memref<8x128xi32, #tpu.memory_space<hbm>>) dst(%dma_wait3A_133 : memref<8x128xi32, #tpu.memory_space<vmem>>)
        tpu.yield
      }) : () -> ()
      %dma_start3A_80 = arith.constant 0 : i32
      %dma_start3A_81 = arith.constant 0 : i32
      %dma_start3A_82 = tpu.memref_slice %arg6[%dma_start3A_80, %dma_start3A_81] : memref<40x128xi32, #tpu.memory_space<vmem>> -> memref<1x128xi32, #tpu.memory_space<vmem>>
      %dma_start3A_83 = tpu.memref_squeeze %dma_start3A_82 : memref<1x128xi32, #tpu.memory_space<vmem>> -> memref<128xi32, #tpu.memory_space<vmem>>
      %dma_start3A_84 = arith.constant 0 : i32
      %dma_start3A_85 = arith.constant 0 : i32
      %dma_start3A_86 = tpu.memref_slice %arg2[%dma_start3A_84, %dma_start3A_85] : memref<10016x128xf32, #tpu.memory_space<hbm>> -> memref<10016x128xf32, #tpu.memory_space<hbm>>
      tpu.enqueue_indirect_dma source(%dma_start3A_86 : memref<10016x128xf32, #tpu.memory_space<hbm>>) target(%arg8 : memref<128x128xf32, #tpu.memory_space<vmem>>) offsets(%dma_start3A_83 : memref<128xi32, #tpu.memory_space<vmem>>) semaphore(%arg11 : memref<!tpu.dma_semaphore, #tpu.memory_space<semaphore_mem>>)
      %scan3A_87 = arith.constant 0 : i32
      %scan3A_88 = arith.constant 0 : i32
      %scan3A_89 = arith.constant 3 : i32
      %scan3A_90 = arith.addi %scan3A_88, %scan3A_89 : i32
      %scan3A_91 = arith.constant 1 : i32
      %scan3A_92 = scf.for %scan3A_115 = %scan3A_88 to %scan3A_90 step %scan3A_91 iter_args(%scan3A_116 = %scan3A_87) -> (i32)  : i32 {
        %mul3A_117 = arith.constant 2 : i32
        %mul3A_118 = arith.muli %mul3A_117, %scan3A_115 : i32
        %add3A_119 = arith.constant 1 : i32
        %add3A_120 = arith.addi %mul3A_118, %add3A_119 : i32
        %dma_start3A_121 = arith.constant 0 : i32
        %dma_start3A_122 = tpu.memref_slice %arg6[%add3A_120, %dma_start3A_121] : memref<40x128xi32, #tpu.memory_space<vmem>> -> memref<1x128xi32, #tpu.memory_space<vmem>>
        %dma_start3A_123 = tpu.memref_squeeze %dma_start3A_122 : memref<1x128xi32, #tpu.memory_space<vmem>> -> memref<128xi32, #tpu.memory_space<vmem>>
        %dma_start3A_124 = arith.constant 0 : i32
        %dma_start3A_125 = arith.constant 0 : i32
        %dma_start3A_126 = tpu.memref_slice %arg2[%dma_start3A_124, %dma_start3A_125] : memref<10016x128xf32, #tpu.memory_space<hbm>> -> memref<10016x128xf32, #tpu.memory_space<hbm>>
        tpu.enqueue_indirect_dma source(%dma_start3A_126 : memref<10016x128xf32, #tpu.memory_space<hbm>>) target(%arg9 : memref<128x128xf32, #tpu.memory_space<vmem>>) offsets(%dma_start3A_123 : memref<128xi32, #tpu.memory_space<vmem>>) semaphore(%arg12 : memref<!tpu.dma_semaphore, #tpu.memory_space<semaphore_mem>>)
        %dma_wait3A_127 = arith.constant 0 : i32
        %dma_wait3A_128 = arith.constant 0 : i32
        %dma_wait3A_129 = tpu.memref_slice %arg2[%dma_wait3A_127, %dma_wait3A_128] : memref<10016x128xf32, #tpu.memory_space<hbm>> -> memref<128x128xf32, #tpu.memory_space<hbm>>
        %dma_wait3A_130 = arith.constant 0 : i32
        %dma_wait3A_131 = arith.constant 0 : i32
        %dma_wait3A_132 = tpu.memref_slice %arg2[%dma_wait3A_130, %dma_wait3A_131] : memref<10016x128xf32, #tpu.memory_space<hbm>> -> memref<128x128xf32, #tpu.memory_space<hbm>>
        tpu.wait_dma2 semaphore(%arg11 : memref<!tpu.dma_semaphore, #tpu.memory_space<semaphore_mem>>) src(%dma_wait3A_132 : memref<128x128xf32, #tpu.memory_space<hbm>>) dst(%arg8 : memref<128x128xf32, #tpu.memory_space<vmem>>)
        "tpu.region"() ({
          %run_scoped3A_150 = tpu.sem_alloc : memref<!tpu.dma_semaphore, #tpu.memory_space<semaphore_mem>>
          %dma_start3A_151 = arith.constant 0 : i32
          %dma_start3A_152 = tpu.memref_slice %arg7[%mul3A_118, %dma_start3A_151] : memref<40x128xi32, #tpu.memory_space<vmem>> -> memref<1x128xi32, #tpu.memory_space<vmem>>
          %dma_start3A_153 = tpu.memref_squeeze %dma_start3A_152 : memref<1x128xi32, #tpu.memory_space<vmem>> -> memref<128xi32, #tpu.memory_space<vmem>>
          %dma_start3A_154 = arith.constant 0 : i32
          %dma_start3A_155 = arith.constant 0 : i32
          %dma_start3A_156 = tpu.memref_slice %arg10[%dma_start3A_154, %dma_start3A_155] : memref<10240x128xf32, #tpu.memory_space<vmem_shared>> -> memref<10240x128xf32, #tpu.memory_space<vmem_shared>>
          tpu.enqueue_indirect_dma source(%arg8 : memref<128x128xf32, #tpu.memory_space<vmem>>) target(%dma_start3A_156 : memref<10240x128xf32, #tpu.memory_space<vmem_shared>>) offsets(%dma_start3A_153 : memref<128xi32, #tpu.memory_space<vmem>>) semaphore(%run_scoped3A_150 : memref<!tpu.dma_semaphore, #tpu.memory_space<semaphore_mem>>) {add = true}
          %dma_wait3A_157 = arith.constant 0 : i32
          %dma_wait3A_158 = tpu.memref_slice %arg7[%mul3A_118, %dma_wait3A_157] : memref<40x128xi32, #tpu.memory_space<vmem>> -> memref<1x128xi32, #tpu.memory_space<vmem>>
          %dma_wait3A_159 = tpu.memref_squeeze %dma_wait3A_158 : memref<1x128xi32, #tpu.memory_space<vmem>> -> memref<128xi32, #tpu.memory_space<vmem>>
          %dma_wait3A_160 = arith.constant 0 : i32
          %dma_wait3A_161 = arith.constant 0 : i32
          %dma_wait3A_162 = tpu.memref_slice %arg10[%dma_wait3A_160, %dma_wait3A_161] : memref<10240x128xf32, #tpu.memory_space<vmem_shared>> -> memref<10240x128xf32, #tpu.memory_space<vmem_shared>>
          tpu.wait_indirect_dma semaphore(%run_scoped3A_150 : memref<!tpu.dma_semaphore, #tpu.memory_space<semaphore_mem>>) src(%arg8 : memref<128x128xf32, #tpu.memory_space<vmem>>) dst(%dma_wait3A_162 : memref<10240x128xf32, #tpu.memory_space<vmem_shared>>)
          tpu.yield
        }) : () -> ()
        %add3A_133 = arith.constant 2 : i32
        %add3A_134 = arith.addi %mul3A_118, %add3A_133 : i32
        %dma_start3A_135 = arith.constant 0 : i32
        %dma_start3A_136 = tpu.memref_slice %arg6[%add3A_134, %dma_start3A_135] : memref<40x128xi32, #tpu.memory_space<vmem>> -> memref<1x128xi32, #tpu.memory_space<vmem>>
        %dma_start3A_137 = tpu.memref_squeeze %dma_start3A_136 : memref<1x128xi32, #tpu.memory_space<vmem>> -> memref<128xi32, #tpu.memory_space<vmem>>
        %dma_start3A_138 = arith.constant 0 : i32
        %dma_start3A_139 = arith.constant 0 : i32
        %dma_start3A_140 = tpu.memref_slice %arg2[%dma_start3A_138, %dma_start3A_139] : memref<10016x128xf32, #tpu.memory_space<hbm>> -> memref<10016x128xf32, #tpu.memory_space<hbm>>
        tpu.enqueue_indirect_dma source(%dma_start3A_140 : memref<10016x128xf32, #tpu.memory_space<hbm>>) target(%arg8 : memref<128x128xf32, #tpu.memory_space<vmem>>) offsets(%dma_start3A_137 : memref<128xi32, #tpu.memory_space<vmem>>) semaphore(%arg11 : memref<!tpu.dma_semaphore, #tpu.memory_space<semaphore_mem>>)
        %dma_wait3A_141 = arith.constant 0 : i32
        %dma_wait3A_142 = arith.constant 0 : i32
        %dma_wait3A_143 = tpu.memref_slice %arg2[%dma_wait3A_141, %dma_wait3A_142] : memref<10016x128xf32, #tpu.memory_space<hbm>> -> memref<128x128xf32, #tpu.memory_space<hbm>>
        %dma_wait3A_144 = arith.constant 0 : i32
        %dma_wait3A_145 = arith.constant 0 : i32
        %dma_wait3A_146 = tpu.memref_slice %arg2[%dma_wait3A_144, %dma_wait3A_145] : memref<10016x128xf32, #tpu.memory_space<hbm>> -> memref<128x128xf32, #tpu.memory_space<hbm>>
        tpu.wait_dma2 semaphore(%arg12 : memref<!tpu.dma_semaphore, #tpu.memory_space<semaphore_mem>>) src(%dma_wait3A_146 : memref<128x128xf32, #tpu.memory_space<hbm>>) dst(%arg9 : memref<128x128xf32, #tpu.memory_space<vmem>>)
        %add3A_147 = arith.constant 1 : i32
        %add3A_148 = arith.addi %mul3A_118, %add3A_147 : i32
        "tpu.region"() ({
          %run_scoped3A_150 = tpu.sem_alloc : memref<!tpu.dma_semaphore, #tpu.memory_space<semaphore_mem>>
          %dma_start3A_151 = arith.constant 0 : i32
          %dma_start3A_152 = tpu.memref_slice %arg7[%add3A_148, %dma_start3A_151] : memref<40x128xi32, #tpu.memory_space<vmem>> -> memref<1x128xi32, #tpu.memory_space<vmem>>
          %dma_start3A_153 = tpu.memref_squeeze %dma_start3A_152 : memref<1x128xi32, #tpu.memory_space<vmem>> -> memref<128xi32, #tpu.memory_space<vmem>>
          %dma_start3A_154 = arith.constant 0 : i32
          %dma_start3A_155 = arith.constant 0 : i32
          %dma_start3A_156 = tpu.memref_slice %arg10[%dma_start3A_154, %dma_start3A_155] : memref<10240x128xf32, #tpu.memory_space<vmem_shared>> -> memref<10240x128xf32, #tpu.memory_space<vmem_shared>>
          tpu.enqueue_indirect_dma source(%arg9 : memref<128x128xf32, #tpu.memory_space<vmem>>) target(%dma_start3A_156 : memref<10240x128xf32, #tpu.memory_space<vmem_shared>>) offsets(%dma_start3A_153 : memref<128xi32, #tpu.memory_space<vmem>>) semaphore(%run_scoped3A_150 : memref<!tpu.dma_semaphore, #tpu.memory_space<semaphore_mem>>) {add = true}
          %dma_wait3A_157 = arith.constant 0 : i32
          %dma_wait3A_158 = tpu.memref_slice %arg7[%add3A_148, %dma_wait3A_157] : memref<40x128xi32, #tpu.memory_space<vmem>> -> memref<1x128xi32, #tpu.memory_space<vmem>>
          %dma_wait3A_159 = tpu.memref_squeeze %dma_wait3A_158 : memref<1x128xi32, #tpu.memory_space<vmem>> -> memref<128xi32, #tpu.memory_space<vmem>>
          %dma_wait3A_160 = arith.constant 0 : i32
          %dma_wait3A_161 = arith.constant 0 : i32
          %dma_wait3A_162 = tpu.memref_slice %arg10[%dma_wait3A_160, %dma_wait3A_161] : memref<10240x128xf32, #tpu.memory_space<vmem_shared>> -> memref<10240x128xf32, #tpu.memory_space<vmem_shared>>
          tpu.wait_indirect_dma semaphore(%run_scoped3A_150 : memref<!tpu.dma_semaphore, #tpu.memory_space<semaphore_mem>>) src(%arg9 : memref<128x128xf32, #tpu.memory_space<vmem>>) dst(%dma_wait3A_162 : memref<10240x128xf32, #tpu.memory_space<vmem_shared>>)
          tpu.yield
        }) : () -> ()
        %scan3A_149 = arith.constant 0 : i32
        scf.yield %scan3A_149 : i32
      }
      %scan3A_93 = arith.constant 3 : i32
      %dma_start3A_94 = arith.constant 7 : i32
      %dma_start3A_95 = arith.constant 0 : i32
      %dma_start3A_96 = tpu.memref_slice %arg6[%dma_start3A_94, %dma_start3A_95] : memref<40x128xi32, #tpu.memory_space<vmem>> -> memref<1x128xi32, #tpu.memory_space<vmem>>
      %dma_start3A_97 = tpu.memref_squeeze %dma_start3A_96 : memref<1x128xi32, #tpu.memory_space<vmem>> -> memref<128xi32, #tpu.memory_space<vmem>>
      %dma_start3A_98 = arith.constant 0 : i32
      %dma_start3A_99 = arith.constant 0 : i32
      %dma_start3A_100 = tpu.memref_slice %arg2[%dma_start3A_98, %dma_start3A_99] : memref<10016x128xf32, #tpu.memory_space<hbm>> -> memref<10016x128xf32, #tpu.memory_space<hbm>>
      tpu.enqueue_indirect_dma source(%dma_start3A_100 : memref<10016x128xf32, #tpu.memory_space<hbm>>) target(%arg9 : memref<128x128xf32, #tpu.memory_space<vmem>>) offsets(%dma_start3A_97 : memref<128xi32, #tpu.memory_space<vmem>>) semaphore(%arg12 : memref<!tpu.dma_semaphore, #tpu.memory_space<semaphore_mem>>)
      %dma_wait3A_101 = arith.constant 0 : i32
      %dma_wait3A_102 = arith.constant 0 : i32
      %dma_wait3A_103 = tpu.memref_slice %arg2[%dma_wait3A_101, %dma_wait3A_102] : memref<10016x128xf32, #tpu.memory_space<hbm>> -> memref<128x128xf32, #tpu.memory_space<hbm>>
      %dma_wait3A_104 = arith.constant 0 : i32
      %dma_wait3A_105 = arith.constant 0 : i32
      %dma_wait3A_106 = tpu.memref_slice %arg2[%dma_wait3A_104, %dma_wait3A_105] : memref<10016x128xf32, #tpu.memory_space<hbm>> -> memref<128x128xf32, #tpu.memory_space<hbm>>
      tpu.wait_dma2 semaphore(%arg11 : memref<!tpu.dma_semaphore, #tpu.memory_space<semaphore_mem>>) src(%dma_wait3A_106 : memref<128x128xf32, #tpu.memory_space<hbm>>) dst(%arg8 : memref<128x128xf32, #tpu.memory_space<vmem>>)
      %run_scoped3A_107 = arith.constant 6 : i32
      "tpu.region"() ({
        %run_scoped3A_115 = tpu.sem_alloc : memref<!tpu.dma_semaphore, #tpu.memory_space<semaphore_mem>>
        %dma_start3A_116 = arith.constant 0 : i32
        %dma_start3A_117 = tpu.memref_slice %arg7[%run_scoped3A_107, %dma_start3A_116] : memref<40x128xi32, #tpu.memory_space<vmem>> -> memref<1x128xi32, #tpu.memory_space<vmem>>
        %dma_start3A_118 = tpu.memref_squeeze %dma_start3A_117 : memref<1x128xi32, #tpu.memory_space<vmem>> -> memref<128xi32, #tpu.memory_space<vmem>>
        %dma_start3A_119 = arith.constant 0 : i32
        %dma_start3A_120 = arith.constant 0 : i32
        %dma_start3A_121 = tpu.memref_slice %arg10[%dma_start3A_119, %dma_start3A_120] : memref<10240x128xf32, #tpu.memory_space<vmem_shared>> -> memref<10240x128xf32, #tpu.memory_space<vmem_shared>>
        tpu.enqueue_indirect_dma source(%arg8 : memref<128x128xf32, #tpu.memory_space<vmem>>) target(%dma_start3A_121 : memref<10240x128xf32, #tpu.memory_space<vmem_shared>>) offsets(%dma_start3A_118 : memref<128xi32, #tpu.memory_space<vmem>>) semaphore(%run_scoped3A_115 : memref<!tpu.dma_semaphore, #tpu.memory_space<semaphore_mem>>) {add = true}
        %dma_wait3A_122 = arith.constant 0 : i32
        %dma_wait3A_123 = tpu.memref_slice %arg7[%run_scoped3A_107, %dma_wait3A_122] : memref<40x128xi32, #tpu.memory_space<vmem>> -> memref<1x128xi32, #tpu.memory_space<vmem>>
        %dma_wait3A_124 = tpu.memref_squeeze %dma_wait3A_123 : memref<1x128xi32, #tpu.memory_space<vmem>> -> memref<128xi32, #tpu.memory_space<vmem>>
        %dma_wait3A_125 = arith.constant 0 : i32
        %dma_wait3A_126 = arith.constant 0 : i32
        %dma_wait3A_127 = tpu.memref_slice %arg10[%dma_wait3A_125, %dma_wait3A_126] : memref<10240x128xf32, #tpu.memory_space<vmem_shared>> -> memref<10240x128xf32, #tpu.memory_space<vmem_shared>>
        tpu.wait_indirect_dma semaphore(%run_scoped3A_115 : memref<!tpu.dma_semaphore, #tpu.memory_space<semaphore_mem>>) src(%arg8 : memref<128x128xf32, #tpu.memory_space<vmem>>) dst(%dma_wait3A_127 : memref<10240x128xf32, #tpu.memory_space<vmem_shared>>)
        tpu.yield
      }) : () -> ()
      %dma_wait3A_108 = arith.constant 0 : i32
      %dma_wait3A_109 = arith.constant 0 : i32
      %dma_wait3A_110 = tpu.memref_slice %arg2[%dma_wait3A_108, %dma_wait3A_109] : memref<10016x128xf32, #tpu.memory_space<hbm>> -> memref<128x128xf32, #tpu.memory_space<hbm>>
      %dma_wait3A_111 = arith.constant 0 : i32
      %dma_wait3A_112 = arith.constant 0 : i32
      %dma_wait3A_113 = tpu.memref_slice %arg2[%dma_wait3A_111, %dma_wait3A_112] : memref<10016x128xf32, #tpu.memory_space<hbm>> -> memref<128x128xf32, #tpu.memory_space<hbm>>
      tpu.wait_dma2 semaphore(%arg12 : memref<!tpu.dma_semaphore, #tpu.memory_space<semaphore_mem>>) src(%dma_wait3A_113 : memref<128x128xf32, #tpu.memory_space<hbm>>) dst(%arg9 : memref<128x128xf32, #tpu.memory_space<vmem>>)
      %run_scoped3A_114 = arith.constant 7 : i32
      "tpu.region"() ({
        %run_scoped3A_115 = tpu.sem_alloc : memref<!tpu.dma_semaphore, #tpu.memory_space<semaphore_mem>>
        %dma_start3A_116 = arith.constant 0 : i32
        %dma_start3A_117 = tpu.memref_slice %arg7[%run_scoped3A_114, %dma_start3A_116] : memref<40x128xi32, #tpu.memory_space<vmem>> -> memref<1x128xi32, #tpu.memory_space<vmem>>
        %dma_start3A_118 = tpu.memref_squeeze %dma_start3A_117 : memref<1x128xi32, #tpu.memory_space<vmem>> -> memref<128xi32, #tpu.memory_space<vmem>>
        %dma_start3A_119 = arith.constant 0 : i32
        %dma_start3A_120 = arith.constant 0 : i32
        %dma_start3A_121 = tpu.memref_slice %arg10[%dma_start3A_119, %dma_start3A_120] : memref<10240x128xf32, #tpu.memory_space<vmem_shared>> -> memref<10240x128xf32, #tpu.memory_space<vmem_shared>>
        tpu.enqueue_indirect_dma source(%arg9 : memref<128x128xf32, #tpu.memory_space<vmem>>) target(%dma_start3A_121 : memref<10240x128xf32, #tpu.memory_space<vmem_shared>>) offsets(%dma_start3A_118 : memref<128xi32, #tpu.memory_space<vmem>>) semaphore(%run_scoped3A_115 : memref<!tpu.dma_semaphore, #tpu.memory_space<semaphore_mem>>) {add = true}
        %dma_wait3A_122 = arith.constant 0 : i32
        %dma_wait3A_123 = tpu.memref_slice %arg7[%run_scoped3A_114, %dma_wait3A_122] : memref<40x128xi32, #tpu.memory_space<vmem>> -> memref<1x128xi32, #tpu.memory_space<vmem>>
        %dma_wait3A_124 = tpu.memref_squeeze %dma_wait3A_123 : memref<1x128xi32, #tpu.memory_space<vmem>> -> memref<128xi32, #tpu.memory_space<vmem>>
        %dma_wait3A_125 = arith.constant 0 : i32
        %dma_wait3A_126 = arith.constant 0 : i32
        %dma_wait3A_127 = tpu.memref_slice %arg10[%dma_wait3A_125, %dma_wait3A_126] : memref<10240x128xf32, #tpu.memory_space<vmem_shared>> -> memref<10240x128xf32, #tpu.memory_space<vmem_shared>>
        tpu.wait_indirect_dma semaphore(%run_scoped3A_115 : memref<!tpu.dma_semaphore, #tpu.memory_space<semaphore_mem>>) src(%arg9 : memref<128x128xf32, #tpu.memory_space<vmem>>) dst(%dma_wait3A_127 : memref<10240x128xf32, #tpu.memory_space<vmem_shared>>)
        tpu.yield
      }) : () -> ()
    } else {
    }
    %barrier3A_35 = arith.constant 0 : index
    tpu.barrier barrier_id(%barrier3A_35)
    %mul3A_36 = arith.constant 640 : i32
    %mul3A_37 = arith.muli %arg1, %mul3A_36 : i32
    %mul3A_38 = arith.constant 640 : i32
    %mul3A_39 = arith.muli %arg1, %mul3A_38 : i32
    "tpu.region"() ({
      %run_scoped3A = tpu.sem_alloc : memref<!tpu.dma_semaphore, #tpu.memory_space<semaphore_mem>>
      %dma_start3A = arith.constant 0 : i32
      %dma_start3A_40 = arith.constant 0 : i32
      %dma_start3A_41 = tpu.memref_slice %arg5[%arg0, %dma_start3A, %dma_start3A_40] : memref<2x10240x128xf32, #tpu.memory_space<hbm>> -> memref<1x10240x128xf32, #tpu.memory_space<hbm>>
      %dma_start3A_42 = tpu.memref_squeeze %dma_start3A_41 : memref<1x10240x128xf32, #tpu.memory_space<hbm>> -> memref<10240x128xf32, #tpu.memory_space<hbm>>
      %dma_start3A_43 = arith.constant 0 : i32
      %dma_start3A_44 = tpu.memref_slice %dma_start3A_42[%mul3A_39, %dma_start3A_43] : memref<10240x128xf32, #tpu.memory_space<hbm>> -> memref<640x128xf32, #tpu.memory_space<hbm>>
      %dma_start3A_45 = arith.constant 0 : i32
      %dma_start3A_46 = tpu.memref_slice %arg10[%mul3A_37, %dma_start3A_45] : memref<10240x128xf32, #tpu.memory_space<vmem_shared>> -> memref<640x128xf32, #tpu.memory_space<vmem_shared>>
      tpu.enqueue_dma source(%dma_start3A_46 : memref<640x128xf32, #tpu.memory_space<vmem_shared>>) target(%dma_start3A_44 : memref<640x128xf32, #tpu.memory_space<hbm>>) target_semaphore(%run_scoped3A : memref<!tpu.dma_semaphore, #tpu.memory_space<semaphore_mem>>)
      %dma_wait3A = arith.constant 0 : i32
      %dma_wait3A_47 = arith.constant 0 : i32
      %dma_wait3A_48 = tpu.memref_slice %arg5[%arg0, %dma_wait3A, %dma_wait3A_47] : memref<2x10240x128xf32, #tpu.memory_space<hbm>> -> memref<1x10240x128xf32, #tpu.memory_space<hbm>>
      %dma_wait3A_49 = tpu.memref_squeeze %dma_wait3A_48 : memref<1x10240x128xf32, #tpu.memory_space<hbm>> -> memref<10240x128xf32, #tpu.memory_space<hbm>>
      %dma_wait3A_50 = arith.constant 0 : i32
      %dma_wait3A_51 = tpu.memref_slice %dma_wait3A_49[%mul3A_39, %dma_wait3A_50] : memref<10240x128xf32, #tpu.memory_space<hbm>> -> memref<640x128xf32, #tpu.memory_space<hbm>>
      %dma_wait3A_52 = arith.constant 0 : i32
      %dma_wait3A_53 = tpu.memref_slice %arg10[%mul3A_37, %dma_wait3A_52] : memref<10240x128xf32, #tpu.memory_space<vmem_shared>> -> memref<640x128xf32, #tpu.memory_space<vmem_shared>>
      tpu.wait_dma2 semaphore(%run_scoped3A : memref<!tpu.dma_semaphore, #tpu.memory_space<semaphore_mem>>) src(%dma_wait3A_53 : memref<640x128xf32, #tpu.memory_space<vmem_shared>>) dst(%dma_wait3A_51 : memref<640x128xf32, #tpu.memory_space<hbm>>)
      tpu.yield
    }) : () -> ()
    return
  }
}

module attributes {stable_mosaic.version = 14 : i64} {
  func.func @_enc1_body(%arg0: i32, %arg1: memref<1000x128xf32, #tpu.memory_space<vmem>>, %arg2: memref<128x64xf32, #tpu.memory_space<vmem>>, %arg3: memref<128x64xf32, #tpu.memory_space<vmem>>, %arg4: memref<1x64xf32, #tpu.memory_space<vmem>>, %arg5: memref<1000x128xf32, #tpu.memory_space<vmem>>, %arg6: memref<1000x64xf32, #tpu.memory_space<vmem>>) attributes {dimension_semantics = [#tpu.dimension_semantics<arbitrary>], iteration_bounds = array<i64: 10>, scalar_prefetch = 0 : i64, scratch_operands = 0 : i64, tpu.core_type = #tpu.core_type<tc>, window_params = [{transform_indices = @transform_0, window_bounds = array<i64: 1000, 128>}, {pipeline_mode = #tpu.pipeline_mode<synchronous>, transform_indices = @transform_1, window_bounds = array<i64: 128, 64>}, {pipeline_mode = #tpu.pipeline_mode<synchronous>, transform_indices = @transform_2, window_bounds = array<i64: 128, 64>}, {pipeline_mode = #tpu.pipeline_mode<synchronous>, transform_indices = @transform_3, window_bounds = array<i64: 1, 64>}, {transform_indices = @transform_4, window_bounds = array<i64: 1000, 128>}, {transform_indices = @transform_5, window_bounds = array<i64: 1000, 64>}]} {
    %get3A = arith.constant 0 : index
    %get3A_0 = arith.constant 0 : index
    %get3A_1 = vector.load %arg1[%get3A, %get3A_0] : memref<1000x128xf32, #tpu.memory_space<vmem>>, vector<1000x128xf32>
    %get3A_2 = arith.constant 0 : index
    %get3A_3 = arith.constant 0 : index
    %get3A_4 = vector.load %arg2[%get3A_2, %get3A_3] : memref<128x64xf32, #tpu.memory_space<vmem>>, vector<128x64xf32>
    %dot_general3A = arith.constant dense<0.000000e+00> : vector<1000x64xf32>
    %dot_general3A_5 = tpu.matmul %get3A_1, %get3A_4, %dot_general3A {dimension_numbers = #tpu.dot_dimension_numbers<[1], [0], [0], [1], [0, 0, 1, 1], [], []>, transpose_lhs_hint = false} : vector<1000x128xf32>, vector<128x64xf32>, vector<1000x64xf32> -> vector<1000x64xf32>
    %broadcast_in_dim3A = arith.constant 1.000000e+00 : f32
    %broadcast_in_dim3A_6 = vector.broadcast %broadcast_in_dim3A : f32 to vector<1000x16xf32>
    %broadcast_in_dim3A_7 = arith.constant 0.000000e+00 : f32
    %broadcast_in_dim3A_8 = vector.broadcast %broadcast_in_dim3A_7 : f32 to vector<1000x48xf32>
    %concatenate3A = tpu.concatenate %dot_general3A_5, %broadcast_in_dim3A_6, %broadcast_in_dim3A_8 in 1 : vector<1000x64xf32>, vector<1000x16xf32>, vector<1000x48xf32> -> vector<1000x128xf32>
    %swap3A = arith.constant 0 : index
    %swap3A_9 = arith.constant 0 : index
    %swap3A_10 = vector.load %arg5[%swap3A, %swap3A_9] : memref<1000x128xf32, #tpu.memory_space<vmem>>, vector<1000x128xf32>
    tpu.vector_store %arg5[%swap3A, %swap3A_9], %concatenate3A {strides = array<i32>} : memref<1000x128xf32, #tpu.memory_space<vmem>>, vector<1000x128xf32>,
    %get3A_11 = arith.constant 0 : index
    %get3A_12 = arith.constant 0 : index
    %get3A_13 = vector.load %arg3[%get3A_11, %get3A_12] : memref<128x64xf32, #tpu.memory_space<vmem>>, vector<128x64xf32>
    %dot_general3A_14 = arith.constant dense<0.000000e+00> : vector<1000x64xf32>
    %dot_general3A_15 = tpu.matmul %get3A_1, %get3A_13, %dot_general3A_14 {dimension_numbers = #tpu.dot_dimension_numbers<[1], [0], [0], [1], [0, 0, 1, 1], [], []>, transpose_lhs_hint = false} : vector<1000x128xf32>, vector<128x64xf32>, vector<1000x64xf32> -> vector<1000x64xf32>
    %get3A_16 = arith.constant 0 : index
    %get3A_17 = arith.constant 0 : index
    %get3A_18 = vector.load %arg4[%get3A_16, %get3A_17] : memref<1x64xf32, #tpu.memory_space<vmem>>, vector<1x64xf32>
    %add3A = vector.broadcast %get3A_18 : vector<1x64xf32> to vector<1000x64xf32>
    %add3A_19 = arith.addf %dot_general3A_15, %add3A : vector<1000x64xf32>
    %swap3A_20 = arith.constant 0 : index
    %swap3A_21 = arith.constant 0 : index
    %swap3A_22 = vector.load %arg6[%swap3A_20, %swap3A_21] : memref<1000x64xf32, #tpu.memory_space<vmem>>, vector<1000x64xf32>
    tpu.vector_store %arg6[%swap3A_20, %swap3A_21], %add3A_19 {strides = array<i32>} : memref<1000x64xf32, #tpu.memory_space<vmem>>, vector<1000x64xf32>,
    return
  }
  func.func @transform_0(%arg0: i32) -> (i32, i32) {
    %c0_i32 = arith.constant 0 : i32
    %c0_i32_0 = arith.constant 0 : i32
    return %arg0, %c0_i32 : i32, i32
  }
  func.func @transform_1(%arg0: i32) -> (i32, i32) {
    %c0_i32 = arith.constant 0 : i32
    %c0_i32_0 = arith.constant 0 : i32
    %c0_i32_1 = arith.constant 0 : i32
    return %c0_i32, %c0_i32_0 : i32, i32
  }
  func.func @transform_2(%arg0: i32) -> (i32, i32) {
    %c0_i32 = arith.constant 0 : i32
    %c0_i32_0 = arith.constant 0 : i32
    %c0_i32_1 = arith.constant 0 : i32
    return %c0_i32, %c0_i32_0 : i32, i32
  }
  func.func @transform_3(%arg0: i32) -> (i32, i32) {
    %c0_i32 = arith.constant 0 : i32
    %c0_i32_0 = arith.constant 0 : i32
    %c0_i32_1 = arith.constant 0 : i32
    return %c0_i32, %c0_i32_0 : i32, i32
  }
  func.func @transform_4(%arg0: i32) -> (i32, i32) {
    %c0_i32 = arith.constant 0 : i32
    %c0_i32_0 = arith.constant 0 : i32
    return %arg0, %c0_i32 : i32, i32
  }
  func.func @transform_5(%arg0: i32) -> (i32, i32) {
    %c0_i32 = arith.constant 0 : i32
    %c0_i32_0 = arith.constant 0 : i32
    return %arg0, %c0_i32 : i32, i32
  }
}

module attributes {stable_mosaic.version = 14 : i64} {
  func.func @_mid_body(%arg0: i32, %arg1: memref<1000x128xf32, #tpu.memory_space<vmem>>, %arg2: memref<1000x128xf32, #tpu.memory_space<vmem>>, %arg3: memref<1000x64xf32, #tpu.memory_space<vmem>>, %arg4: memref<64x64xf32, #tpu.memory_space<vmem>>, %arg5: memref<64x64xf32, #tpu.memory_space<vmem>>, %arg6: memref<1x64xf32, #tpu.memory_space<vmem>>, %arg7: memref<1000x128xf32, #tpu.memory_space<vmem>>, %arg8: memref<1000x64xf32, #tpu.memory_space<vmem>>, %arg9: memref<1000x16xf32, #tpu.memory_space<vmem>>) attributes {dimension_semantics = [#tpu.dimension_semantics<arbitrary>], iteration_bounds = array<i64: 10>, scalar_prefetch = 0 : i64, scratch_operands = 0 : i64, tpu.core_type = #tpu.core_type<tc>, window_params = [{transform_indices = @transform_0, window_bounds = array<i64: 1000, 128>}, {transform_indices = @transform_1, window_bounds = array<i64: 1000, 128>}, {transform_indices = @transform_2, window_bounds = array<i64: 1000, 64>}, {pipeline_mode = #tpu.pipeline_mode<synchronous>, transform_indices = @transform_3, window_bounds = array<i64: 64, 64>}, {pipeline_mode = #tpu.pipeline_mode<synchronous>, transform_indices = @transform_4, window_bounds = array<i64: 64, 64>}, {pipeline_mode = #tpu.pipeline_mode<synchronous>, transform_indices = @transform_5, window_bounds = array<i64: 1, 64>}, {transform_indices = @transform_6, window_bounds = array<i64: 1000, 128>}, {transform_indices = @transform_7, window_bounds = array<i64: 1000, 64>}, {transform_indices = @transform_8, window_bounds = array<i64: 1000, 16>}]} {
    %get3A = arith.constant 0 : index
    %get3A_0 = arith.constant 0 : index
    %get3A_1 = vector.load %arg1[%get3A, %get3A_0] : memref<1000x128xf32, #tpu.memory_space<vmem>>, vector<1000x128xf32>
    %get3A_2 = arith.constant 0 : index
    %get3A_3 = arith.constant 0 : index
    %get3A_4 = vector.load %arg2[%get3A_2, %get3A_3] : memref<1000x128xf32, #tpu.memory_space<vmem>>, vector<1000x128xf32>
    %add3A = arith.addf %get3A_1, %get3A_4 : vector<1000x128xf32>
    %slice3A = vector.extract_strided_slice %add3A {offsets = [0, 64], sizes = [1000, 1], strides = [1, 1]} : vector<1000x128xf32> to vector<1000x1xf32>
    %max3A = arith.constant 1.000000e+00 : f32
    %max3A_5 = vector.broadcast %max3A : f32 to vector<1000x1xf32>
    %max3A_6 = arith.maximumf %slice3A, %max3A_5 : vector<1000x1xf32>
    %div3A = arith.constant 1.000000e+00 : f32
    %div3A_7 = vector.broadcast %div3A : f32 to vector<1000x1xf32>
    %div3A_8 = arith.divf %div3A_7, %max3A_6 : vector<1000x1xf32>
    %slice3A_9 = vector.extract_strided_slice %add3A {offsets = [0, 0], sizes = [1000, 64], strides = [1, 1]} : vector<1000x128xf32> to vector<1000x64xf32>
    %mul3A = vector.broadcast %div3A_8 : vector<1000x1xf32> to vector<1000x64xf32>
    %mul3A_10 = arith.mulf %slice3A_9, %mul3A : vector<1000x64xf32>
    %get3A_11 = arith.constant 0 : index
    %get3A_12 = arith.constant 0 : index
    %get3A_13 = vector.load %arg3[%get3A_11, %get3A_12] : memref<1000x64xf32, #tpu.memory_space<vmem>>, vector<1000x64xf32>
    %add3A_14 = arith.addf %mul3A_10, %get3A_13 : vector<1000x64xf32>
    %max3A_15 = arith.constant 0.000000e+00 : f32
    %max3A_16 = vector.broadcast %max3A_15 : f32 to vector<1000x64xf32>
    %max3A_17 = arith.maximumf %add3A_14, %max3A_16 : vector<1000x64xf32>
    %get3A_18 = arith.constant 0 : index
    %get3A_19 = arith.constant 0 : index
    %get3A_20 = vector.load %arg4[%get3A_18, %get3A_19] : memref<64x64xf32, #tpu.memory_space<vmem>>, vector<64x64xf32>
    %dot_general3A = arith.constant dense<0.000000e+00> : vector<1000x64xf32>
    %dot_general3A_21 = tpu.matmul %max3A_17, %get3A_20, %dot_general3A {dimension_numbers = #tpu.dot_dimension_numbers<[1], [0], [0], [1], [0, 0, 1, 1], [], []>, transpose_lhs_hint = false} : vector<1000x64xf32>, vector<64x64xf32>, vector<1000x64xf32> -> vector<1000x64xf32>
    %broadcast_in_dim3A = arith.constant 0.000000e+00 : f32
    %broadcast_in_dim3A_22 = vector.broadcast %broadcast_in_dim3A : f32 to vector<1000x64xf32>
    %concatenate3A = tpu.concatenate %dot_general3A_21, %broadcast_in_dim3A_22 in 1 : vector<1000x64xf32>, vector<1000x64xf32> -> vector<1000x128xf32>
    %swap3A = arith.constant 0 : index
    %swap3A_23 = arith.constant 0 : index
    %swap3A_24 = vector.load %arg7[%swap3A, %swap3A_23] : memref<1000x128xf32, #tpu.memory_space<vmem>>, vector<1000x128xf32>
    tpu.vector_store %arg7[%swap3A, %swap3A_23], %concatenate3A {strides = array<i32>} : memref<1000x128xf32, #tpu.memory_space<vmem>>, vector<1000x128xf32>,
    %get3A_25 = arith.constant 0 : index
    %get3A_26 = arith.constant 0 : index
    %get3A_27 = vector.load %arg5[%get3A_25, %get3A_26] : memref<64x64xf32, #tpu.memory_space<vmem>>, vector<64x64xf32>
    %dot_general3A_28 = arith.constant dense<0.000000e+00> : vector<1000x64xf32>
    %dot_general3A_29 = tpu.matmul %max3A_17, %get3A_27, %dot_general3A_28 {dimension_numbers = #tpu.dot_dimension_numbers<[1], [0], [0], [1], [0, 0, 1, 1], [], []>, transpose_lhs_hint = false} : vector<1000x64xf32>, vector<64x64xf32>, vector<1000x64xf32> -> vector<1000x64xf32>
    %get3A_30 = arith.constant 0 : index
    %get3A_31 = arith.constant 0 : index
    %get3A_32 = vector.load %arg6[%get3A_30, %get3A_31] : memref<1x64xf32, #tpu.memory_space<vmem>>, vector<1x64xf32>
    %add3A_33 = vector.broadcast %get3A_32 : vector<1x64xf32> to vector<1000x64xf32>
    %add3A_34 = arith.addf %dot_general3A_29, %add3A_33 : vector<1000x64xf32>
    %swap3A_35 = arith.constant 0 : index
    %swap3A_36 = arith.constant 0 : index
    %swap3A_37 = vector.load %arg8[%swap3A_35, %swap3A_36] : memref<1000x64xf32, #tpu.memory_space<vmem>>, vector<1000x64xf32>
    tpu.vector_store %arg8[%swap3A_35, %swap3A_36], %add3A_34 {strides = array<i32>} : memref<1000x64xf32, #tpu.memory_space<vmem>>, vector<1000x64xf32>,
    %broadcast_in_dim3A_38 = vector.shape_cast %div3A_8 : vector<1000x1xf32> to vector<1000x1xf32>
    %broadcast_in_dim3A_39 = vector.broadcast %broadcast_in_dim3A_38 : vector<1000x1xf32> to vector<1000x16xf32>
    %swap3A_40 = arith.constant 0 : index
    %swap3A_41 = arith.constant 0 : index
    %swap3A_42 = vector.load %arg9[%swap3A_40, %swap3A_41] : memref<1000x16xf32, #tpu.memory_space<vmem>>, vector<1000x16xf32>
    tpu.vector_store %arg9[%swap3A_40, %swap3A_41], %broadcast_in_dim3A_39 {strides = array<i32>} : memref<1000x16xf32, #tpu.memory_space<vmem>>, vector<1000x16xf32>,
    return
  }
  func.func @transform_0(%arg0: i32) -> (i32, i32) {
    %c0_i32 = arith.constant 0 : i32
    %c0_i32_0 = arith.constant 0 : i32
    return %arg0, %c0_i32 : i32, i32
  }
  func.func @transform_1(%arg0: i32) -> (i32, i32) {
    %c0_i32 = arith.constant 0 : i32
    %c0_i32_0 = arith.constant 0 : i32
    return %arg0, %c0_i32 : i32, i32
  }
  func.func @transform_2(%arg0: i32) -> (i32, i32) {
    %c0_i32 = arith.constant 0 : i32
    %c0_i32_0 = arith.constant 0 : i32
    return %arg0, %c0_i32 : i32, i32
  }
  func.func @transform_3(%arg0: i32) -> (i32, i32) {
    %c0_i32 = arith.constant 0 : i32
    %c0_i32_0 = arith.constant 0 : i32
    %c0_i32_1 = arith.constant 0 : i32
    return %c0_i32, %c0_i32_0 : i32, i32
  }
  func.func @transform_4(%arg0: i32) -> (i32, i32) {
    %c0_i32 = arith.constant 0 : i32
    %c0_i32_0 = arith.constant 0 : i32
    %c0_i32_1 = arith.constant 0 : i32
    return %c0_i32, %c0_i32_0 : i32, i32
  }
  func.func @transform_5(%arg0: i32) -> (i32, i32) {
    %c0_i32 = arith.constant 0 : i32
    %c0_i32_0 = arith.constant 0 : i32
    %c0_i32_1 = arith.constant 0 : i32
    return %c0_i32, %c0_i32_0 : i32, i32
  }
  func.func @transform_6(%arg0: i32) -> (i32, i32) {
    %c0_i32 = arith.constant 0 : i32
    %c0_i32_0 = arith.constant 0 : i32
    return %arg0, %c0_i32 : i32, i32
  }
  func.func @transform_7(%arg0: i32) -> (i32, i32) {
    %c0_i32 = arith.constant 0 : i32
    %c0_i32_0 = arith.constant 0 : i32
    return %arg0, %c0_i32 : i32, i32
  }
  func.func @transform_8(%arg0: i32) -> (i32, i32) {
    %c0_i32 = arith.constant 0 : i32
    %c0_i32_0 = arith.constant 0 : i32
    return %arg0, %c0_i32 : i32, i32
  }
}

module attributes {stable_mosaic.version = 14 : i64} {
  func.func @_dec_body(%arg0: i32, %arg1: memref<1000x128xf32, #tpu.memory_space<vmem>>, %arg2: memref<1000x128xf32, #tpu.memory_space<vmem>>, %arg3: memref<1000x64xf32, #tpu.memory_space<vmem>>, %arg4: memref<1000x16xf32, #tpu.memory_space<vmem>>, %arg5: memref<64x128xf32, #tpu.memory_space<vmem>>, %arg6: memref<1x128xf32, #tpu.memory_space<vmem>>, %arg7: memref<1000x64xf32, #tpu.memory_space<vmem>>, %arg8: memref<1000x128xf32, #tpu.memory_space<vmem>>) attributes {dimension_semantics = [#tpu.dimension_semantics<arbitrary>], iteration_bounds = array<i64: 10>, scalar_prefetch = 0 : i64, scratch_operands = 0 : i64, tpu.core_type = #tpu.core_type<tc>, window_params = [{transform_indices = @transform_0, window_bounds = array<i64: 1000, 128>}, {transform_indices = @transform_1, window_bounds = array<i64: 1000, 128>}, {transform_indices = @transform_2, window_bounds = array<i64: 1000, 64>}, {transform_indices = @transform_3, window_bounds = array<i64: 1000, 16>}, {pipeline_mode = #tpu.pipeline_mode<synchronous>, transform_indices = @transform_4, window_bounds = array<i64: 64, 128>}, {pipeline_mode = #tpu.pipeline_mode<synchronous>, transform_indices = @transform_5, window_bounds = array<i64: 1, 128>}, {transform_indices = @transform_6, window_bounds = array<i64: 1000, 64>}, {transform_indices = @transform_7, window_bounds = array<i64: 1000, 128>}]} {
    %get3A = arith.constant 0 : index
    %get3A_0 = arith.constant 0 : index
    %get3A_1 = vector.load %arg1[%get3A, %get3A_0] : memref<1000x128xf32, #tpu.memory_space<vmem>>, vector<1000x128xf32>
    %get3A_2 = arith.constant 0 : index
    %get3A_3 = arith.constant 0 : index
    %get3A_4 = vector.load %arg2[%get3A_2, %get3A_3] : memref<1000x128xf32, #tpu.memory_space<vmem>>, vector<1000x128xf32>
    %add3A = arith.addf %get3A_1, %get3A_4 : vector<1000x128xf32>
    %get3A_5 = arith.constant 0 : index
    %get3A_6 = arith.constant 0 : index
    %get3A_7 = vector.load %arg4[%get3A_5, %get3A_6] : memref<1000x16xf32, #tpu.memory_space<vmem>>, vector<1000x1xf32>
    %slice3A = vector.extract_strided_slice %add3A {offsets = [0, 0], sizes = [1000, 64], strides = [1, 1]} : vector<1000x128xf32> to vector<1000x64xf32>
    %mul3A = vector.broadcast %get3A_7 : vector<1000x1xf32> to vector<1000x64xf32>
    %mul3A_8 = arith.mulf %slice3A, %mul3A : vector<1000x64xf32>
    %get3A_9 = arith.constant 0 : index
    %get3A_10 = arith.constant 0 : index
    %get3A_11 = vector.load %arg3[%get3A_9, %get3A_10] : memref<1000x64xf32, #tpu.memory_space<vmem>>, vector<1000x64xf32>
    %add3A_12 = arith.addf %mul3A_8, %get3A_11 : vector<1000x64xf32>
    %swap3A = arith.constant 0 : index
    %swap3A_13 = arith.constant 0 : index
    %swap3A_14 = vector.load %arg7[%swap3A, %swap3A_13] : memref<1000x64xf32, #tpu.memory_space<vmem>>, vector<1000x64xf32>
    tpu.vector_store %arg7[%swap3A, %swap3A_13], %add3A_12 {strides = array<i32>} : memref<1000x64xf32, #tpu.memory_space<vmem>>, vector<1000x64xf32>,
    %get3A_15 = arith.constant 0 : index
    %get3A_16 = arith.constant 0 : index
    %get3A_17 = vector.load %arg5[%get3A_15, %get3A_16] : memref<64x128xf32, #tpu.memory_space<vmem>>, vector<64x128xf32>
    %dot_general3A = arith.constant dense<0.000000e+00> : vector<1000x128xf32>
    %dot_general3A_18 = tpu.matmul %add3A_12, %get3A_17, %dot_general3A {dimension_numbers = #tpu.dot_dimension_numbers<[1], [0], [0], [1], [0, 0, 1, 1], [], []>, transpose_lhs_hint = false} : vector<1000x64xf32>, vector<64x128xf32>, vector<1000x128xf32> -> vector<1000x128xf32>
    %get3A_19 = arith.constant 0 : index
    %get3A_20 = arith.constant 0 : index
    %get3A_21 = vector.load %arg6[%get3A_19, %get3A_20] : memref<1x128xf32, #tpu.memory_space<vmem>>, vector<1x128xf32>
    %add3A_22 = vector.broadcast %get3A_21 : vector<1x128xf32> to vector<1000x128xf32>
    %add3A_23 = arith.addf %dot_general3A_18, %add3A_22 : vector<1000x128xf32>
    %swap3A_24 = arith.constant 0 : index
    %swap3A_25 = arith.constant 0 : index
    %swap3A_26 = vector.load %arg8[%swap3A_24, %swap3A_25] : memref<1000x128xf32, #tpu.memory_space<vmem>>, vector<1000x128xf32>
    tpu.vector_store %arg8[%swap3A_24, %swap3A_25], %add3A_23 {strides = array<i32>} : memref<1000x128xf32, #tpu.memory_space<vmem>>, vector<1000x128xf32>,
    return
  }
  func.func @transform_0(%arg0: i32) -> (i32, i32) {
    %c0_i32 = arith.constant 0 : i32
    %c0_i32_0 = arith.constant 0 : i32
    return %arg0, %c0_i32 : i32, i32
  }
  func.func @transform_1(%arg0: i32) -> (i32, i32) {
    %c0_i32 = arith.constant 0 : i32
    %c0_i32_0 = arith.constant 0 : i32
    return %arg0, %c0_i32 : i32, i32
  }
  func.func @transform_2(%arg0: i32) -> (i32, i32) {
    %c0_i32 = arith.constant 0 : i32
    %c0_i32_0 = arith.constant 0 : i32
    return %arg0, %c0_i32 : i32, i32
  }
  func.func @transform_3(%arg0: i32) -> (i32, i32) {
    %c0_i32 = arith.constant 0 : i32
    %c0_i32_0 = arith.constant 0 : i32
    return %arg0, %c0_i32 : i32, i32
  }
  func.func @transform_4(%arg0: i32) -> (i32, i32) {
    %c0_i32 = arith.constant 0 : i32
    %c0_i32_0 = arith.constant 0 : i32
    %c0_i32_1 = arith.constant 0 : i32
    return %c0_i32, %c0_i32_0 : i32, i32
  }
  func.func @transform_5(%arg0: i32) -> (i32, i32) {
    %c0_i32 = arith.constant 0 : i32
    %c0_i32_0 = arith.constant 0 : i32
    %c0_i32_1 = arith.constant 0 : i32
    return %c0_i32, %c0_i32_0 : i32, i32
  }
  func.func @transform_6(%arg0: i32) -> (i32, i32) {
    %c0_i32 = arith.constant 0 : i32
    %c0_i32_0 = arith.constant 0 : i32
    return %arg0, %c0_i32 : i32, i32
  }
  func.func @transform_7(%arg0: i32) -> (i32, i32) {
    %c0_i32 = arith.constant 0 : i32
    %c0_i32_0 = arith.constant 0 : i32
    return %arg0, %c0_i32 : i32, i32
  }
}

</mosaic_0001>

<sc_bundles>
// kernel: kernel.10.cloned.1.call-start
scs
__scs_entry_jumppad:
0x0: {  	(pc) =	sbr.rel $0x88, $3  }
0x1: {  	(tag) =	ssettag $0x0;
	lr =	simm.s32 $0x1  }
0x2: {  	[smem:$0x3F97] =	sst lr;
	_ =	strace $0xD0000000  }
0x3: {  	_ = 	snop  }
0x4: {  	_ = 	snop  }
0x5: {  	_ = 	snop  }
0x6: {  	_ = 	snop  }
0x7: {  	_ = 	snop  }
__scs_overlays_trampoline_lowered:
0x8: {  	[smem:$0x3FA6] =	sst s0  }
0x9: {  	[smem:$0x3FA7] =	sst s1  }
0xa: {  	[smem:$0x3FA8] =	sst s2  }
0xb: {  	[smem:$0x3FA9] =	sst s3  }
0xc: {  	[smem:$0x3FAA] =	sst s4  }
0xd: {  	[smem:$0x3FAB] =	sst s5  }
0xe: {  	[smem:$0x3FAC] =	sst s6  }
0xf: {  	[smem:$0x3FAD] =	sst s7  }
0x10: {  	[smem:$0x3FAE] =	sst s8  }
0x11: {  	[smem:$0x3FAF] =	sst s9;
	s0 =	simm.s32 @!p0 $0x0  }
0x12: {  	s1 =	sld [smem:$0x3F95];
	s0 =	simm.s32 @p0 $0x1  }
0x13: {  	[smem:$0x3FB0] =	sst s0;
	s0 =	simm.s32 @!p1 $0x0  }
0x14: {  	s2 =	sld [smem:$0x3F94];
	s0 =	simm.s32 @p1 $0x1  }
0x15: {  	[smem:$0x3FB1] =	sst s0;
	s0 =	simm.s32 @!p2 $0x0  }
0x16: {  	s3 =	sld [smem:$0x3FDB];
	s0 =	simm.s32 @p2 $0x1  }
0x17: {  	s4 =	simm.s32 $0x1BF5;
	[smem:$0x3FB3] =	sst s0  }
0x18: {  	s0 =	sld [smem:$0x3F96];
	_ =	swait.ge [sflag:s4], $0x0  }
0x19: {  	s7 =	sld [smem:$0x3F97]  }
0x1a: {  	s8 =	sadd.s32 $0xFFFFE003, lr  }
0x1b: {  	s9 =	sadd.s32 $0xFFFFFEF7, lr;
	s5 =	simm.s32 $0xFFFFFFFF;
	p2 =	slt.u32 s8, $0xFFFFF086  }
0x1c: {  	p1 =	slt.u32 s9, $0xF7A;
	s5 =	simm.s32 @!p2 $0x0  }
0x1d: {  	s5 =	simm.s32 @p1 $0x1;
	p0 =	seq.s32 s7, s2  }
0x1e: {  	s7 =	smul.u32 @!p0 $0xF7A, s2;
	p2 =	seq.s32 @!p0 s5, $0x0  }
0x1f: {  	s9 =	smul.u32 $0xF7A, s1;
	s8 =	simm.s32 @!p0 $0x1BF5;
	p2 =	por !p2, p0  }
0x20: {  	[sflag:s8] =	ssyncset.s32 @!p0 $0xFFFFF086;
	s6 =	sadd.s32 @!p0 s3, s7;
	s7 =	simm.s32 @!p0 $0x108  }
0x21: {  	s3 =	sadd.s32 s3, s9;
	s6 =	sadd.s32 @!p0 $0x88, s6;
	s7 =	simm.s32 @p2 $0x1082  }
0x22: {  	[simem:s7], [sflag:s8] =	dma.local @!p0 [hbm:s6], $0xF7A  }
0x23: {  	s9 =	sor.u32 $0xD0000000, s2;
	s6 =	simm.s32 $0x108;
	_ =	swait.ge @!p0 [sflag:s8], $0x0  }
0x24: {  	s3 =	sadd.s32 $0x88, s3;
	s6 =	simm.s32 @!p1 $0x1082;
	[sflag:s4] =	ssyncset.s32 $0xFFFFF086  }
0x25: {  	[simem:s6], [sflag:s4] =	dma.local [hbm:s3], $0xF7A  }
0x26: {  	[smem:$0x3F97] =	sst s1;
	(tag) =	ssettag s2;
	_ =	strace s9  }
0x27: {  	s1 =	sld [smem:$0x3FA7]  }
0x28: {  	s2 =	sld [smem:$0x3FA8]  }
0x29: {  	s4 =	sld [smem:$0x3FAA]  }
0x2a: {  	p0 =	seq.s32 s5, $0x0;
	s5 =	sld [smem:$0x3FAB]  }
0x2b: {  	s6 =	sld [smem:$0x3FAC]  }
0x2c: {  	s7 =	sld [smem:$0x3FAD]  }
0x2d: {  	s3 =	simm.s32 $0x108;
	s8 =	sld [smem:$0x3FAE]  }
0x2e: {  	s3 =	simm.s32 @!p0 $0x1082;
	s9 =	sld [smem:$0x3FAF]  }
0x2f: {  	lr =	sadd.s32 s0, s3;
	s0 =	sld [smem:$0x3FA6]  }
0x30: {  	s3 =	sld [smem:$0x3FA9]  }
0x31: {  	[smem:$0x3FB2] =	sst s10  }
0x32: {  	s10 =	sld [smem:$0x3FB0];
	_ =	sdelay $0x3  }
0x33: {  	p0 =	seq.s32 s10, $0x1;
	s10 =	sld [smem:$0x3FB2];
	_ =	sdelay $0x3  }
0x34: {  	[smem:$0x3FB2] =	sst s10  }
0x35: {  	s10 =	sld [smem:$0x3FB1];
	_ =	sdelay $0x3  }
0x36: {  	p1 =	seq.s32 s10, $0x1;
	s10 =	sld [smem:$0x3FB2];
	_ =	sdelay $0x3  }
0x37: {  	[smem:$0x3FB2] =	sst s10  }
0x38: {  	s10 =	sld [smem:$0x3FB3]  }
0x39: {  	_ = 	snop;
	(pc) =	sbr.ind lr, $3  }
0x3a: {  	_ = 	snop  }
0x3b: {  	_ = 	snop  }
0x3c: {  	p2 =	seq.s32 s10, $0x1;
	s10 =	sld [smem:$0x3FB2]  }
0x3d: {  	_ =	shalt  }
0x3e: {  	_ =	shalt  }
0x3f: {  	_ =	shalt  }
0x40: {  	_ =	shalt  }
0x41: {  	_ =	shalt  }
0x42: {  	_ =	shalt  }
0x43: {  	_ =	shalt  }
0x44: {  	_ =	shalt  }
0x45: {  	_ =	shalt  }
0x46: {  	_ =	shalt  }
0x47: {  	_ =	shalt  }
0x48: {  	_ =	shalt  }
0x49: {  	_ =	shalt  }
0x4a: {  	_ =	shalt  }
0x4b: {  	_ =	shalt  }
0x4c: {  	_ =	shalt  }
0x4d: {  	_ =	shalt  }
0x4e: {  	_ =	shalt  }
0x4f: {  	_ =	shalt  }
0x50: {  	_ =	shalt  }
0x51: {  	_ =	shalt  }
0x52: {  	_ =	shalt  }
0x53: {  	_ =	shalt  }
0x54: {  	_ =	shalt  }
0x55: {  	_ =	shalt  }
0x56: {  	_ =	shalt  }
0x57: {  	_ =	shalt  }
0x58: {  	_ =	shalt  }
0x59: {  	_ =	shalt  }
0x5a: {  	_ =	shalt  }
0x5b: {  	_ =	shalt  }
0x5c: {  	_ =	shalt  }
0x5d: {  	_ =	shalt  }
0x5e: {  	_ =	shalt  }
0x5f: {  	_ =	shalt  }
0x60: {  	_ =	shalt  }
0x61: {  	_ =	shalt  }
0x62: {  	_ =	shalt  }
0x63: {  	_ =	shalt  }
0x64: {  	_ =	shalt  }
0x65: {  	_ =	shalt  }
0x66: {  	_ =	shalt  }
0x67: {  	_ =	shalt  }
0x68: {  	_ =	shalt  }
0x69: {  	_ =	shalt  }
0x6a: {  	_ =	shalt  }
0x6b: {  	_ =	shalt  }
0x6c: {  	_ =	shalt  }
0x6d: {  	_ =	shalt  }
0x6e: {  	_ =	shalt  }
0x6f: {  	_ =	shalt  }
0x70: {  	_ =	shalt  }
0x71: {  	_ =	shalt  }
0x72: {  	_ =	shalt  }
0x73: {  	_ =	shalt  }
0x74: {  	_ =	shalt  }
0x75: {  	_ =	shalt  }
0x76: {  	_ =	shalt  }
0x77: {  	_ =	shalt  }
0x78: {  	_ =	shalt  }
0x79: {  	_ =	shalt  }
0x7a: {  	_ =	shalt  }
0x7b: {  	_ =	shalt  }
0x7c: {  	_ =	shalt  }
0x7d: {  	_ =	shalt  }
0x7e: {  	_ =	shalt  }
0x7f: {  	_ =	shalt  }
0x80: {  	_ =	shalt  }
0x81: {  	_ =	shalt  }
0x82: {  	_ =	shalt  }
0x83: {  	_ =	shalt  }
0x84: {  	_ =	shalt  }
0x85: {  	_ =	shalt  }
0x86: {  	_ =	shalt  }
0x87: {  	_ =	shalt  }
.Lfunc_end0:
.L_simem_size_0:
called_computation.1_lowered:
.L_overlay_start_0:
0x88: {  	s2 =	sld [smem:$0x3FD9]  }
0x89: {  	s3 =	sld [smem:$0x3FFE];
	_ =	sdelay $0x1  }
0x8a: {  	s1 =	srdreg.scid  }
0x8b: {  	s0 =	sand.u32 $0x1, s1  }
0x8c: {  	s14 =	sshll.u32 s0, $0xA;
	s2 =	sadd.s32 s3, s2  }
0x8d: {  	s2 =	sadd.s32 s2, s14  }
0x8e: {  	[smem:$0x3FBE] =	sst s2  }
0x8f: {  	_ = 	snop  }
0x90: {  	s2 =	sld [smem:$0x3FD0];
	_ =	sdelay $0x2  }
0x91: {  	s15 =	simm.s32 $0xA;
	s4 =	simm.s32 $0x10  }
0x92: {  	[smem:s4], [sflag:s15] =	dma.local [hbm:s2], $0x1  }
0x93: {  	_ =	swait.eq [sflag:s15], $0x1  }
0x94: {  	[sflag:s15] =	ssyncset.done $0x0  }
0x95: {  	[sflag:s15] =	ssyncadd.s32 $0xFFFFFFFF  }
0x96: {  	s16 =	sld [smem:$0x10];
	(tm) =	ssettm $0x1  }
0x97: {  	s17 =	sld [smem:$0x3FFB];
	_ =	sdelay $0x3  }
0x98: {  	_ =	strace s17  }
0x99: {  	s3 =	sld [smem:$0x3FFC];
	_ =	sdelay $0x3  }
0x9a: {  	_ =	strace s3  }
0x9b: {  	s3 =	sld [smem:$0x3FFD];
	_ =	sdelay $0x3  }
0x9c: {  	_ =	strace s3  }
0x9d: {  	_ =	strace $0x8FFFFFFF  }
0x9e: {  	s18 =	sld [smem:$0x3FDB];
	_ =	sdelay $0x1  }
0x9f: {  	s19 =	simm.s32 $_scs_section_size  }
0xa0: {  	s5 =	simm.s32 $_size__tile_overlayer_lowered;
	s6 =	simm.s32 $_tile_overlayer_lowered  }
0xa1: {  	s22 =	simm.s32 $0x1BFF;
	s21 =	sshll.u32 s6, $0x1;
	s3 =	sadd.s32 s19, s18  }
0xa2: {  	s7 =	simm.s32 $0x0;
	s20 =	sshll.u32 s5, $0x1;
	s5 =	sadd.s32 s21, s3  }
0xa3: {  	[timem:s7], [sflag:s22] =	dma.local [hbm:s5], s20  }
0xa4: {  	_ =	swait.ge [sflag:s22], s20  }
0xa5: {  	s4 =	ssub.s32 $0x0, s20;
	[sflag:s22] =	ssyncset.done $0x0  }
0xa6: {  	[sflag:s22] =	ssyncadd.s32 s4;
	_ =	sdelay $0x1  }
0xa7: {  	s23 =	simm.s32 $0x1B8B  }
0xa8: {  	_ =	swait.ge [sflag:s23], $0x1  }
0xa9: {  	[sflag:s23] =	ssyncset.done $0x0  }
0xaa: {  	s25 =	simm.s32 $0x1B8E;
	s24 =	sld [smem:$0x3FFE];
	[sflag:s23] =	ssyncadd.s32 $0xFFFFFFFF  }
0xab: {  	s26 =	simm.s32 $execute0_lowered;
	[smem:$0x3FD2] =	sst s25  }
0xac: {  	s5 =	sshll.u32 s26, $0x1;
	_ =	strace $0x80000049;
	[dreg:$0x1] =	wrdreg $0xFFFFFFFF  }
0xad: {  	s28 =	simm.s32 $_size_execute0_lowered;
	s3 =	sadd.s32 s3, s5;
	[dreg:$0x0] =	wrdreg $0x0  }
0xae: {  	s5 =	sshll.u32 s28, $0x1;
	[dreg:$0x2] =	wrdreg s3  }
0xaf: {  	[dreg:$0x3] =	wrdreg s5  }
0xb0: {  	[dreg:$0x4] =	wrdreg $0xC0  }
0xb1: {  	_ =	task [dreg:s7], $0x5FFFF  }
0xb2: {  	[dreg:$0x1] =	wrdreg $0xFFFFFFFF  }
0xb3: {  	[dreg:$0x0] =	wrdreg $0x60  }
0xb4: {  	[dreg:$0x2] =	wrdreg s24  }
0xb5: {  	[dreg:$0x3] =	wrdreg s16  }
0xb6: {  	[dreg:$0x4] =	wrdreg $0xA8000  }
0xb7: {  	[dreg:$0x5] =	wrdreg $0x9  }
0xb8: {  	_ =	task.clear_ibuf [dreg:s7], $0x6FFFF;
	_ =	strace $0x90000049  }
0xb9: {  	s29 =	simm.s32 $0x9;
	_ =	strace $0x8000004B  }
0xba: {  	_ =	swait.ge [sflag:s29], $0x1  }
0xbb: {  	[sflag:s29] =	ssyncadd.s32 $0xFFFFFFFF  }
0xbc: {  	_ =	strace $0x9000004B  }
0xbd: {  	_ =	sfence  }
0xbe: {  	s30 =	sld [smem:$0x0];
	_ =	sdelay $0x2  }
0xbf: {  	s31 =	sshll.u32 s1, $0xD;
	s1 =	sshrl.u32 s1, $0x2  }
0xc0: {  	s3 =	sand.u32 $0x4000, s31;
	s1 =	sadd.s32 s1, s30  }
0xc1: {  	s0 =	sor.u32 s3, s0;
	s1 =	sshll.u32 s1, $0x11  }
0xc2: {  	s0 =	sor.u32 s1, s0  }
0xc3: {  	s0 =	sadd.s32 $0x8F2B, s0  }
0xc4: {  	[sflag:s0] =	ssyncadd.remote.s32 $0x1  }
0xc5: {  	_ =	sfence.sel $0xFFFF  }
0xc6: {  	[dreg:$0x0] =	wrdreg $0xFFFFFFFF;
	(pc) =	sbr.abs _section_cstart, $3  }
0xc7: {  	[dreg:$0x1] =	wrdreg $0xFFFFFFFF  }
0xc8: {  	_ =	task.clear_ibuf [dreg:s7], $0x2FFFF;
	_ =	strace $0x9FFFFFFF  }
0xc9: {  	(tm) =	ssettm $0x7FFFFFFF  }
tec
execute0_lowered:
.L_overlay_start_1:
0x0: {  	(tag) =	ssettag $0x1  }
0x1: {  	s0 =	rddreg [dreg:$0x0]  }
0x2: {  	s10 =	rddreg [dreg:$0x1];
	s3 =	srdreg.scid  }
0x3: {  	s1 =	rddreg [dreg:$0x2];
	s11 =	sand.u32 $0x1, s3  }
0x4: {  	s2 =	simm.s32 $0x0;
	s3 =	stileid.u32;
	s5 =	smul.u32 $0x28000, s11  }
0x5: {  	s28 =	simm.s32 $0x1;
	s29 =	simm.s32 $0x2;
	s6 =	smul.u32 $0x50000, s3  }
0x6: {  	s30 =	simm.s32 $0x1380;
	s31 =	simm.s32 $0x2700;
	s14 =	smul.u32 $0x3800, s3  }
0x7: {  	[smem:$0x7FF] =	sst s2;
	s4 =	sadd.s32 $0x33600, s0;
	s15 =	smul.u32 $0x700, s3  }
0x8: {  	s12 =	sadd.s32 $0x2400, s0;
	_ =	strace $0x8000004A;
	s16 =	smul.u32 $0x1800, s3  }
0x9: {  	s7 =	ssub.s32 $0x2, s11;
	p0 =	seq.s32 s11, $0x1;
	s26 =	smul.u32 $0x2800, s3  }
0xa: {  	s20 =	sshrl.u32 s7, $0x1;
	s0 =	sadd.s32 s5, s0;
	s6 =	sshrl.u32 s6, $0x2  }
0xb: {  	s13 =	ssub.s32 s7, s20;
	s14 =	sshrl.u32 s14, $0x3;
	s17 =	sadd.s32 s12, s15  }
0xc: {  	s15 =	sadd.s32 s10, s15;
	s18 =	sshrl.u32 s16, $0x3;
	[dreg:$0x4] =	wrdreg s17  }
0xd: {  	s5 =	sadd.s32 s6, s1;
	s21 =	sadd.s32 $0x280, s14;
	[dreg:$0x5] =	wrdreg s15  }
0xe: {  	s23 =	sadd.s32 $0x500, s14;
	s24 =	sadd.s32 $0x7000, s18;
	s25 =	sadd.s32 $0x7280, s18  }
0xf: {  	s0 =	sadd.s32 $0x5A800, s0;
	s20 =	smax.u32 s13, $0x1;
	s6 =	sadd.s32 $0x4000, s5  }
0x10: {  	s7 =	sadd.s32 $0x8000, s5;
	s8 =	sadd.s32 $0xC000, s5;
	s9 =	sadd.s32 $0x10000, s5  }
0x11: {  	s22 =	sadd.s32 s12, s21;
	s11 =	sadd.s32 s10, s21;
	s14 =	sadd.s32 s12, s23  }
0x12: {  	s16 =	sadd.s32 s12, s24;
	s17 =	sadd.s32 s10, s24;
	s18 =	sadd.s32 s12, s25  }
.Ltmp0:
0x13: {  	s19 =	sadd.s32 s10, s25;
	s21 =	simm.s32 $0x2800;
	(pc) =	sbr.rel .LBB2_1-.Ltmp0, $4  }
0x14: {  	s24 =	sadd.s32 s26, s0;
	s25 =	simm.s32 $0x80;
	[dreg:$0x6] =	wrdreg s22  }
0x15: {  	s26 =	simm.s32 $0x6800;
	s0 =	simm.s32 $0x2780;
	[dreg:$0x7] =	wrdreg s11  }
0x16: {  	[dreg:$0x8] =	wrdreg s14;
	s11 =	sadd.s32 s10, s23;
	s22 =	simm.s32 $0x3  }
0x17: {  	v0 =	vimm.f32 $0.0e+00;
	s23 =	simm.s32 $0x1400;
	s10 =	simm.s32 $0x0;
	[dreg:$0x9] =	wrdreg s11  }
.LBB2_11:
0x18: {  	s12 =	sadd.s32 $0x80, s11;
	[sflag:s22] =	ssyncadd.s32 @p1 $0xFFFFC000  }
0x19: {  	[tilespmem:s26], [sflag:$0x2] =	stream.indirect.gather [hbm4b:s4+s25], $0x80, s12, s25, $0xb8;
	[tilespmem:$0x1E800] =	vst v63  }
0x1a: {  	_ =	swait.ge [sflag:s28], $0x4000  }
0x1b: {  	[sflag:s28] =	ssyncset.done $0x0  }
0x1c: {  	s13 =	sadd.s32 $0x1400, s11;
	[sflag:s28] =	ssyncadd.s32 $0xFFFFC000  }
0x1d: {  	[spmem:s1] =	stream.indirect.scatter.add.f32 [tilespmem:s21], [sflag:$0x3], $0x80, s13, s25, $0xb8;
	[tilespmem:$0x1E800] =	vst v63  }
0x1e: {  	_ =	swait.ge [sflag:s22], $0x4000  }
0x1f: {  	[sflag:s22] =	ssyncset.done $0x0  }
0x20: {  	s14 =	sadd.s32 $0x100, s11;
	[sflag:s22] =	ssyncadd.s32 $0xFFFFC000  }
0x21: {  	[tilespmem:s21], [sflag:$0x1] =	stream.indirect.gather [hbm4b:s4+s25], $0x80, s14, s25, $0xb8;
	[tilespmem:$0x1E800] =	vst v63  }
0x22: {  	_ =	swait.ge [sflag:s29], $0x4000  }
0x23: {  	[sflag:s29] =	ssyncset.done $0x0  }
0x24: {  	s15 =	sadd.s32 $0x1480, s11;
	[sflag:s29] =	ssyncadd.s32 $0xFFFFC000  }
0x25: {  	[spmem:s1] =	stream.indirect.scatter.add.f32 [tilespmem:s26], [sflag:$0x3], $0x80, s15, s25, $0xb8;
	[tilespmem:$0x1E800] =	vst v63  }
0x26: {  	_ =	swait.ge [sflag:s22], $0x4000  }
0x27: {  	s11 =	simm.s32 $0x2380;
	[sflag:s22] =	ssyncset.done $0x0  }
0x28: {  	s12 =	simm.s32 $0x2300;
	s13 =	simm.s32 $0xF80;
	[sflag:s22] =	ssyncadd.s32 $0xFFFFC000  }
.LBB2_15:
0x29: {  	[tilespmem:s26], [sflag:$0x2] =	stream.indirect.gather [hbm4b:s4+s25], $0x80, s13, s25, $0xb8;
	[tilespmem:$0x1E800] =	vst v63  }
0x2a: {  	_ =	swait.ge [sflag:s28], $0x4000  }
0x2b: {  	[sflag:s28] =	ssyncset.done $0x0  }
0x2c: {  	[sflag:s28] =	ssyncadd.s32 $0xFFFFC000  }
0x2d: {  	[spmem:s1] =	stream.indirect.scatter.add.f32 [tilespmem:s21], [sflag:$0x3], $0x80, s12, s25, $0xb8;
	[tilespmem:$0x1E800] =	vst v63  }
0x2e: {  	_ =	swait.ge [sflag:s22], $0x4000  }
0x2f: {  	[sflag:s22] =	ssyncset.done $0x0  }
0x30: {  	[sflag:s22] =	ssyncadd.s32 $0xFFFFC000  }
0x31: {  	_ =	swait.ge [sflag:s29], $0x4000  }
0x32: {  	[sflag:s29] =	ssyncset.done $0x0  }
0x33: {  	[sflag:s29] =	ssyncadd.s32 $0xFFFFC000  }
0x34: {  	[spmem:s1] =	stream.indirect.scatter.add.f32 [tilespmem:s26], [sflag:$0x3], $0x80, s11, s25, $0xb8;
	[tilespmem:$0x1E800] =	vst v63  }
0x35: {  	_ =	swait.ge [sflag:s22], $0x4000  }
0x36: {  	s14 =	sshll.u32 s3, $0x6;
	s10 =	sadd.s32 $0x1, s10;
	[sflag:s22] =	ssyncset.done $0x0  }
0x37: {  	s15 =	sshrl.u32 s5, $0x3;
	p1 =	sne.s32 s10, s20;
	[sflag:s22] =	ssyncadd.s32 $0xFFFFC000  }
.Ltmp1:
0x38: {  	s11 =	sor.u32 $0x1C03, s14;
	[bflag:$0x0] =	sbarrier.arrive $0xFFFF;
	(pc) =	sbr.rel @!p1 .LBB2_16-.Ltmp1, $4  }
0x39: {  	[hbm:s24], [sflag:s11] =	dma.local [spmem:s15], $0x2800  }
0x3a: {  	_ =	swait.ge [sflag:s22], $0x2800  }
0x3b: {  	[sflag:s22] =	ssyncset.done $0x0  }
0x3c: {  	[sflag:s22] =	ssyncadd.s32 $0xFFFFD800  }
.LBB2_1:
0x3d: {  	s11 =	simm.s32 $0x0;
	s12 =	simm.s32 $0x200  }
.LBB2_2:
0x3e: {  	p1 =	sne.s32 s12, $0xFE00;
	[tilespmem:s11+$0x2870] =	vst v0  }
0x3f: {  	[tilespmem:s11+$0x2800] =	vst v0  }
0x40: {  	[tilespmem:s11+$0x2810] =	vst v0  }
.Ltmp2:
0x41: {  	[tilespmem:s11+$0x2820] =	vst v0;
	(pc) =	sbr.rel @p1 .LBB2_2-.Ltmp2, $4  }
0x42: {  	[tilespmem:s11+$0x2830] =	vst v0  }
0x43: {  	[tilespmem:s11+$0x2840] =	vst v0  }
0x44: {  	[tilespmem:s11+$0x2850] =	vst v0  }
0x45: {  	[tilespmem:s11+$0x2860] =	vst v0;
	s11 =	sshra.s32 s12, $0x2;
	s12 =	sadd.s32 $0x200, s12  }
0x46: {  	[tilespmem:s11+$0x2870] =	vst v0  }
0x47: {  	[tilespmem:s11+$0x2800] =	vst v0  }
0x48: {  	[tilespmem:s11+$0x2810] =	vst v0  }
0x49: {  	[tilespmem:s11+$0x2820] =	vst v0  }
0x4a: {  	[tilespmem:s11+$0x2830] =	vst v0  }
0x4b: {  	[tilespmem:s11+$0x2840] =	vst v0  }
0x4c: {  	[tilespmem:s11+$0x2850] =	vst v0  }
0x4d: {  	[tilespmem:s11+$0x2860] =	vst v0  }
0x4e: {  	[spmem:s5] =	stream.linear.scatter [tilespmem:s21], [sflag:$0x3], $0x4000, $0x38;
	[tilespmem:$0x1E800] =	vst v63  }
0x4f: {  	_ =	swait.ge [sflag:s22], $0x4000  }
0x50: {  	[sflag:s22] =	ssyncset.done $0x0  }
0x51: {  	[sflag:s22] =	ssyncadd.s32 $0xFFFFC000  }
0x52: {  	[spmem:s6] =	stream.linear.scatter [tilespmem:s21], [sflag:$0x3], $0x4000, $0x38;
	[tilespmem:$0x1E800] =	vst v63  }
0x53: {  	_ =	swait.ge [sflag:s22], $0x4000  }
0x54: {  	[sflag:s22] =	ssyncset.done $0x0  }
0x55: {  	[sflag:s22] =	ssyncadd.s32 $0xFFFFC000  }
0x56: {  	[spmem:s7] =	stream.linear.scatter [tilespmem:s21], [sflag:$0x3], $0x4000, $0x38;
	[tilespmem:$0x1E800] =	vst v63  }
0x57: {  	_ =	swait.ge [sflag:s22], $0x4000  }
0x58: {  	[sflag:s22] =	ssyncset.done $0x0  }
0x59: {  	[sflag:s22] =	ssyncadd.s32 $0xFFFFC000  }
0x5a: {  	[spmem:s8] =	stream.linear.scatter [tilespmem:s21], [sflag:$0x3], $0x4000, $0x38;
	[tilespmem:$0x1E800] =	vst v63  }
0x5b: {  	_ =	swait.ge [sflag:s22], $0x4000  }
0x5c: {  	[sflag:s22] =	ssyncset.done $0x0  }
0x5d: {  	[sflag:s22] =	ssyncadd.s32 $0xFFFFC000  }
0x5e: {  	[spmem:s9] =	stream.linear.scatter [tilespmem:s21], [sflag:$0x3], $0x4000, $0x38;
	[tilespmem:$0x1E800] =	vst v63  }
.Ltmp3:
0x5f: {  	_ =	swait.ge [sflag:s22], $0x4000;
	(pc) =	sbr.rel @!p0 .LBB2_4-.Ltmp3, $4  }
0x60: {  	[sflag:s22] =	ssyncset.done $0x0  }
0x61: {  	[sflag:s22] =	ssyncadd.s32 $0xFFFFC000  }
0x62: {  	[bflag:$0x0] =	sbarrier.arrive $0xFFFF  }
0x63: {  	s11 =	simm.s32 $0x0  }
0x64: {  	[tilespmem:s11], [sflag:$0x3] =	stream.linear.gather [hbm4b:s16+s11], $0x1400, $0x38;
	[tilespmem:$0x1E800] =	vst v63  }
0x65: {  	_ =	swait.ge [sflag:s22], $0x1400  }
0x66: {  	[sflag:s22] =	ssyncset.done $0x0  }
0x67: {  	[sflag:s22] =	ssyncadd.s32 $0xFFFFEC00  }
0x68: {  	[tilespmem:s23], [sflag:$0x3] =	stream.linear.gather [hbm4b:s17+s11], $0x1400, $0x38;
	[tilespmem:$0x1E800] =	vst v63  }
0x69: {  	_ =	swait.ge [sflag:s22], $0x1400  }
0x6a: {  	[sflag:s22] =	ssyncset.done $0x0  }
0x6b: {  	[sflag:s22] =	ssyncadd.s32 $0xFFFFEC00  }
0x6c: {  	[tilespmem:s21], [sflag:$0x1] =	stream.indirect.gather [hbm4b:s4+s25], $0x80, s11, s25, $0xb8;
	[tilespmem:$0x1E800] =	vst v63  }
0x6d: {  	s12 =	simm.s32 $0x80  }
0x6e: {  	[tilespmem:s26], [sflag:$0x2] =	stream.indirect.gather [hbm4b:s4+s25], $0x80, s12, s25, $0xb8;
	[tilespmem:$0x1E800] =	vst v63  }
0x6f: {  	_ =	swait.ge [sflag:s28], $0x4000  }
0x70: {  	[sflag:s28] =	ssyncset.done $0x0  }
0x71: {  	s13 =	simm.s32 $0x1400;
	[sflag:s28] =	ssyncadd.s32 $0xFFFFC000  }
0x72: {  	[spmem:s1] =	stream.indirect.scatter.add.f32 [tilespmem:s21], [sflag:$0x3], $0x80, s13, s25, $0xb8;
	[tilespmem:$0x1E800] =	vst v63  }
0x73: {  	_ =	swait.ge [sflag:s22], $0x4000  }
0x74: {  	[sflag:s22] =	ssyncset.done $0x0  }
0x75: {  	s14 =	simm.s32 $0x100;
	[sflag:s22] =	ssyncadd.s32 $0xFFFFC000  }
0x76: {  	[tilespmem:s21], [sflag:$0x1] =	stream.indirect.gather [hbm4b:s4+s25], $0x80, s14, s25, $0xb8;
	[tilespmem:$0x1E800] =	vst v63  }
0x77: {  	_ =	swait.ge [sflag:s29], $0x4000  }
0x78: {  	[sflag:s29] =	ssyncset.done $0x0  }
0x79: {  	s15 =	simm.s32 $0x1480;
	[sflag:s29] =	ssyncadd.s32 $0xFFFFC000  }
0x7a: {  	[spmem:s1] =	stream.indirect.scatter.add.f32 [tilespmem:s26], [sflag:$0x3], $0x80, s15, s25, $0xb8;
	[tilespmem:$0x1E800] =	vst v63  }
0x7b: {  	_ =	swait.ge [sflag:s22], $0x4000  }
0x7c: {  	s11 =	simm.s32 $0x100;
	s12 =	simm.s32 $0x800;
	[sflag:s22] =	ssyncset.done $0x0  }
.LBB2_13:
0x7d: {  	s13 =	sadd.s32 $0x80, s11  }
0x7e: {  	[sflag:s22] =	ssyncadd.s32 $0xFFFFC000;
	s14 =	smov.u32 s12;
	s15 =	sadd.s32 $0x400, s12  }
0x7f: {  	[tilespmem:s26], [sflag:$0x2] =	stream.indirect.gather [hbm4b:s4+s25], $0x80, s13, s25, $0xb8;
	[tilespmem:$0x1E800] =	vst v63  }
0x80: {  	p1 =	sne.s32 s12, $0x4800;
	_ =	swait.ge [sflag:s28], $0x4000  }
0x81: {  	[sflag:s28] =	ssyncset.done $0x0  }
0x82: {  	s12 =	sadd.s32 $0x1400, s11;
	[sflag:s28] =	ssyncadd.s32 $0xFFFFC000  }
0x83: {  	[spmem:s1] =	stream.indirect.scatter.add.f32 [tilespmem:s21], [sflag:$0x3], $0x80, s12, s25, $0xb8;
	[tilespmem:$0x1E800] =	vst v63  }
0x84: {  	_ =	swait.ge [sflag:s22], $0x4000  }
0x85: {  	[sflag:s22] =	ssyncset.done $0x0  }
0x86: {  	s12 =	sadd.s32 $0x100, s11;
	[sflag:s22] =	ssyncadd.s32 $0xFFFFC000  }
0x87: {  	[tilespmem:s21], [sflag:$0x1] =	stream.indirect.gather [hbm4b:s4+s25], $0x80, s12, s25, $0xb8;
	[tilespmem:$0x1E800] =	vst v63  }
0x88: {  	_ =	swait.ge [sflag:s29], $0x4000  }
.Ltmp4:
0x89: {  	[sflag:s29] =	ssyncset.done $0x0;
	(pc) =	sbr.rel @p1 .LBB2_13-.Ltmp4, $4  }
0x8a: {  	s11 =	sadd.s32 $0x1480, s11;
	[sflag:s29] =	ssyncadd.s32 $0xFFFFC000  }
0x8b: {  	[spmem:s1] =	stream.indirect.scatter.add.f32 [tilespmem:s26], [sflag:$0x3], $0x80, s11, s25, $0xb8;
	[tilespmem:$0x1E800] =	vst v63  }
0x8c: {  	_ =	swait.ge [sflag:s22], $0x4000  }
0x8d: {  	s12 =	smov.u32 s15;
	s11 =	sshra.s32 s14, $0x2;
	[sflag:s22] =	ssyncset.done $0x0  }
0x8e: {  	s12 =	sadd.s32 $0x80, s11;
	[sflag:s22] =	ssyncadd.s32 $0xFFFFC000  }
0x8f: {  	[tilespmem:s26], [sflag:$0x2] =	stream.indirect.gather [hbm4b:s4+s25], $0x80, s12, s25, $0xb8;
	[tilespmem:$0x1E800] =	vst v63  }
0x90: {  	_ =	swait.ge [sflag:s28], $0x4000  }
0x91: {  	[sflag:s28] =	ssyncset.done $0x0  }
0x92: {  	s14 =	sadd.s32 $0x1400, s11;
	[sflag:s28] =	ssyncadd.s32 $0xFFFFC000  }
0x93: {  	[spmem:s1] =	stream.indirect.scatter.add.f32 [tilespmem:s21], [sflag:$0x3], $0x80, s14, s25, $0xb8;
	[tilespmem:$0x1E800] =	vst v63  }
0x94: {  	_ =	swait.ge [sflag:s22], $0x4000  }
0x95: {  	[sflag:s22] =	ssyncset.done $0x0  }
0x96: {  	s15 =	sadd.s32 $0x100, s11;
	[sflag:s22] =	ssyncadd.s32 $0xFFFFC000  }
0x97: {  	[tilespmem:s21], [sflag:$0x1] =	stream.indirect.gather [hbm4b:s4+s25], $0x80, s15, s25, $0xb8;
	[tilespmem:$0x1E800] =	vst v63  }
0x98: {  	_ =	swait.ge [sflag:s29], $0x4000  }
0x99: {  	[sflag:s29] =	ssyncset.done $0x0  }
0x9a: {  	s13 =	sadd.s32 $0x1480, s11;
	[sflag:s29] =	ssyncadd.s32 $0xFFFFC000  }
0x9b: {  	[spmem:s1] =	stream.indirect.scatter.add.f32 [tilespmem:s26], [sflag:$0x3], $0x80, s13, s25, $0xb8;
	[tilespmem:$0x1E800] =	vst v63  }
0x9c: {  	_ =	swait.ge [sflag:s22], $0x4000  }
0x9d: {  	[sflag:s22] =	ssyncset.done $0x0  }
0x9e: {  	[sflag:s22] =	ssyncadd.s32 $0xFFFFC000  }
0x9f: {  	[tilespmem:s26], [sflag:$0x2] =	stream.indirect.gather [hbm4b:s4+s25], $0x80, s30, s25, $0xb8;
	[tilespmem:$0x1E800] =	vst v63  }
0xa0: {  	_ =	swait.ge [sflag:s28], $0x4000  }
0xa1: {  	[sflag:s28] =	ssyncset.done $0x0  }
0xa2: {  	[sflag:s28] =	ssyncadd.s32 $0xFFFFC000  }
0xa3: {  	[spmem:s1] =	stream.indirect.scatter.add.f32 [tilespmem:s21], [sflag:$0x3], $0x80, s31, s25, $0xb8;
	[tilespmem:$0x1E800] =	vst v63  }
0xa4: {  	_ =	swait.ge [sflag:s22], $0x4000  }
0xa5: {  	[sflag:s22] =	ssyncset.done $0x0  }
0xa6: {  	[sflag:s22] =	ssyncadd.s32 $0xFFFFC000  }
0xa7: {  	_ =	swait.ge [sflag:s29], $0x4000  }
0xa8: {  	[sflag:s29] =	ssyncset.done $0x0  }
0xa9: {  	[sflag:s29] =	ssyncadd.s32 $0xFFFFC000  }
0xaa: {  	[spmem:s1] =	stream.indirect.scatter.add.f32 [tilespmem:s26], [sflag:$0x3], $0x80, s0, s25, $0xb8;
	[tilespmem:$0x1E800] =	vst v63  }
0xab: {  	_ =	swait.ge [sflag:s22], $0x4000  }
0xac: {  	[sflag:s22] =	ssyncset.done $0x0  }
0xad: {  	[sflag:s22] =	ssyncadd.s32 $0xFFFFC000  }
0xae: {  	[tilespmem:s2], [sflag:$0x3] =	stream.linear.gather [hbm4b:s18+s2], $0x400, $0x38;
	[tilespmem:$0x1E800] =	vst v63  }
0xaf: {  	_ =	swait.ge [sflag:s22], $0x400  }
0xb0: {  	[sflag:s22] =	ssyncset.done $0x0  }
0xb1: {  	[sflag:s22] =	ssyncadd.s32 $0xFFFFFC00  }
0xb2: {  	[tilespmem:s23], [sflag:$0x3] =	stream.linear.gather [hbm4b:s19+s2], $0x400, $0x38;
	[tilespmem:$0x1E800] =	vst v63  }
0xb3: {  	_ =	swait.ge [sflag:s22], $0x400  }
0xb4: {  	[sflag:s22] =	ssyncset.done $0x0  }
0xb5: {  	[sflag:s22] =	ssyncadd.s32 $0xFFFFFC00  }
0xb6: {  	[tilespmem:s21], [sflag:$0x1] =	stream.indirect.gather [hbm4b:s4+s25], $0x80, s2, s25, $0xb8;
	[tilespmem:$0x1E800] =	vst v63  }
0xb7: {  	_ = 	snop  }
0xb8: {  	[tilespmem:s26], [sflag:$0x2] =	stream.indirect.gather [hbm4b:s4+s25], $0x80, s25, s25, $0xb8;
	[tilespmem:$0x1E800] =	vst v63  }
0xb9: {  	_ =	swait.ge [sflag:s28], $0x4000  }
0xba: {  	[sflag:s28] =	ssyncset.done $0x0  }
0xbb: {  	[sflag:s28] =	ssyncadd.s32 $0xFFFFC000  }
0xbc: {  	[spmem:s1] =	stream.indirect.scatter.add.f32 [tilespmem:s21], [sflag:$0x3], $0x80, s23, s25, $0xb8;
	[tilespmem:$0x1E800] =	vst v63  }
0xbd: {  	_ =	swait.ge [sflag:s22], $0x4000  }
0xbe: {  	[sflag:s22] =	ssyncset.done $0x0  }
0xbf: {  	s14 =	simm.s32 $0x100;
	[sflag:s22] =	ssyncadd.s32 $0xFFFFC000  }
0xc0: {  	[tilespmem:s21], [sflag:$0x1] =	stream.indirect.gather [hbm4b:s4+s25], $0x80, s14, s25, $0xb8;
	[tilespmem:$0x1E800] =	vst v63  }
0xc1: {  	_ =	swait.ge [sflag:s29], $0x4000  }
0xc2: {  	[sflag:s29] =	ssyncset.done $0x0  }
0xc3: {  	s15 =	simm.s32 $0x1480;
	[sflag:s29] =	ssyncadd.s32 $0xFFFFC000  }
0xc4: {  	[spmem:s1] =	stream.indirect.scatter.add.f32 [tilespmem:s26], [sflag:$0x3], $0x80, s15, s25, $0xb8;
	[tilespmem:$0x1E800] =	vst v63  }
0xc5: {  	_ =	swait.ge [sflag:s22], $0x4000  }
0xc6: {  	[sflag:s22] =	ssyncset.done $0x0  }
0xc7: {  	s12 =	simm.s32 $0x180;
	[sflag:s22] =	ssyncadd.s32 $0xFFFFC000  }
0xc8: {  	[tilespmem:s26], [sflag:$0x2] =	stream.indirect.gather [hbm4b:s4+s25], $0x80, s12, s25, $0xb8;
	[tilespmem:$0x1E800] =	vst v63  }
0xc9: {  	_ =	swait.ge [sflag:s28], $0x4000  }
0xca: {  	[sflag:s28] =	ssyncset.done $0x0  }
0xcb: {  	s13 =	simm.s32 $0x1500;
	[sflag:s28] =	ssyncadd.s32 $0xFFFFC000  }
0xcc: {  	[spmem:s1] =	stream.indirect.scatter.add.f32 [tilespmem:s21], [sflag:$0x3], $0x80, s13, s25, $0xb8;
	[tilespmem:$0x1E800] =	vst v63  }
0xcd: {  	_ =	swait.ge [sflag:s22], $0x4000  }
0xce: {  	[sflag:s22] =	ssyncset.done $0x0  }
0xcf: {  	s14 =	simm.s32 $0x200;
	[sflag:s22] =	ssyncadd.s32 $0xFFFFC000  }
0xd0: {  	[tilespmem:s21], [sflag:$0x1] =	stream.indirect.gather [hbm4b:s4+s25], $0x80, s14, s25, $0xb8;
	[tilespmem:$0x1E800] =	vst v63  }
0xd1: {  	_ =	swait.ge [sflag:s29], $0x4000  }
0xd2: {  	[sflag:s29] =	ssyncset.done $0x0  }
0xd3: {  	s15 =	simm.s32 $0x1580;
	[sflag:s29] =	ssyncadd.s32 $0xFFFFC000  }
0xd4: {  	[spmem:s1] =	stream.indirect.scatter.add.f32 [tilespmem:s26], [sflag:$0x3], $0x80, s15, s25, $0xb8;
	[tilespmem:$0x1E800] =	vst v63  }
0xd5: {  	_ =	swait.ge [sflag:s22], $0x4000  }
0xd6: {  	[sflag:s22] =	ssyncset.done $0x0  }
0xd7: {  	s12 =	simm.s32 $0x280;
	[sflag:s22] =	ssyncadd.s32 $0xFFFFC000  }
0xd8: {  	[tilespmem:s26], [sflag:$0x2] =	stream.indirect.gather [hbm4b:s4+s25], $0x80, s12, s25, $0xb8;
	[tilespmem:$0x1E800] =	vst v63  }
0xd9: {  	_ =	swait.ge [sflag:s28], $0x4000  }
0xda: {  	[sflag:s28] =	ssyncset.done $0x0  }
0xdb: {  	s13 =	simm.s32 $0x1600;
	[sflag:s28] =	ssyncadd.s32 $0xFFFFC000  }
0xdc: {  	[spmem:s1] =	stream.indirect.scatter.add.f32 [tilespmem:s21], [sflag:$0x3], $0x80, s13, s25, $0xb8;
	[tilespmem:$0x1E800] =	vst v63  }
0xdd: {  	_ =	swait.ge [sflag:s22], $0x4000  }
0xde: {  	[sflag:s22] =	ssyncset.done $0x0  }
0xdf: {  	s14 =	simm.s32 $0x300;
	[sflag:s22] =	ssyncadd.s32 $0xFFFFC000  }
0xe0: {  	[tilespmem:s21], [sflag:$0x1] =	stream.indirect.gather [hbm4b:s4+s25], $0x80, s14, s25, $0xb8;
	[tilespmem:$0x1E800] =	vst v63  }
0xe1: {  	_ =	swait.ge [sflag:s29], $0x4000  }
0xe2: {  	[sflag:s29] =	ssyncset.done $0x0  }
.Ltmp5:
0xe3: {  	s15 =	simm.s32 $0x1680;
	[sflag:s29] =	ssyncadd.s32 $0xFFFFC000;
	(pc) =	sbr.rel .LBB2_15-.Ltmp5, $4  }
0xe4: {  	[spmem:s1] =	stream.indirect.scatter.add.f32 [tilespmem:s26], [sflag:$0x3], $0x80, s15, s25, $0xb8;
	[tilespmem:$0x1E800] =	vst v63  }
0xe5: {  	_ =	swait.ge [sflag:s22], $0x4000  }
0xe6: {  	s11 =	simm.s32 $0x1780;
	[sflag:s22] =	ssyncset.done $0x0  }
0xe7: {  	s12 =	simm.s32 $0x1700;
	s13 =	simm.s32 $0x380;
	[sflag:s22] =	ssyncadd.s32 $0xFFFFC000  }
.LBB2_4:
0xe8: {  	s12 =	rddreg [dreg:$0x4]  }
0xe9: {  	[tilespmem:s11], [sflag:$0x3] =	stream.linear.gather [hbm4b:s12+s11], $0x1400, $0x38;
	[tilespmem:$0x1E800] =	vst v63  }
0xea: {  	_ =	swait.ge [sflag:s22], $0x1400  }
0xeb: {  	[sflag:s22] =	ssyncset.done $0x0  }
0xec: {  	s15 =	rddreg [dreg:$0x5];
	[sflag:s22] =	ssyncadd.s32 $0xFFFFEC00  }
0xed: {  	[tilespmem:s23], [sflag:$0x3] =	stream.linear.gather [hbm4b:s15+s11], $0x1400, $0x38;
	[tilespmem:$0x1E800] =	vst v63  }
0xee: {  	_ =	swait.ge [sflag:s22], $0x1400  }
0xef: {  	[sflag:s22] =	ssyncset.done $0x0  }
0xf0: {  	[sflag:s22] =	ssyncadd.s32 $0xFFFFEC00  }
0xf1: {  	[tilespmem:s21], [sflag:$0x1] =	stream.indirect.gather [hbm4b:s4+s25], $0x80, s11, s25, $0xb8;
	[tilespmem:$0x1E800] =	vst v63  }
0xf2: {  	s12 =	simm.s32 $0x80  }
0xf3: {  	[tilespmem:s26], [sflag:$0x2] =	stream.indirect.gather [hbm4b:s4+s25], $0x80, s12, s25, $0xb8;
	[tilespmem:$0x1E800] =	vst v63  }
0xf4: {  	_ =	swait.ge [sflag:s28], $0x4000  }
0xf5: {  	[sflag:s28] =	ssyncset.done $0x0  }
0xf6: {  	s13 =	simm.s32 $0x1400;
	[sflag:s28] =	ssyncadd.s32 $0xFFFFC000  }
0xf7: {  	[spmem:s1] =	stream.indirect.scatter.add.f32 [tilespmem:s21], [sflag:$0x3], $0x80, s13, s25, $0xb8;
	[tilespmem:$0x1E800] =	vst v63  }
0xf8: {  	_ =	swait.ge [sflag:s22], $0x4000  }
0xf9: {  	[sflag:s22] =	ssyncset.done $0x0  }
0xfa: {  	s14 =	simm.s32 $0x100;
	[sflag:s22] =	ssyncadd.s32 $0xFFFFC000  }
0xfb: {  	[tilespmem:s21], [sflag:$0x1] =	stream.indirect.gather [hbm4b:s4+s25], $0x80, s14, s25, $0xb8;
	[tilespmem:$0x1E800] =	vst v63  }
0xfc: {  	_ =	swait.ge [sflag:s29], $0x4000  }
0xfd: {  	[sflag:s29] =	ssyncset.done $0x0  }
0xfe: {  	s15 =	simm.s32 $0x1480;
	[sflag:s29] =	ssyncadd.s32 $0xFFFFC000  }
0xff: {  	[spmem:s1] =	stream.indirect.scatter.add.f32 [tilespmem:s26], [sflag:$0x3], $0x80, s15, s25, $0xb8;
	[tilespmem:$0x1E800] =	vst v63  }
0x100: {  	_ =	swait.ge [sflag:s22], $0x4000  }
0x101: {  	s11 =	simm.s32 $0x100;
	s12 =	simm.s32 $0x800;
	[sflag:s22] =	ssyncset.done $0x0  }
.LBB2_5:
0x102: {  	s13 =	sadd.s32 $0x80, s11  }
0x103: {  	[sflag:s22] =	ssyncadd.s32 $0xFFFFC000;
	s14 =	smov.u32 s12;
	s15 =	sadd.s32 $0x400, s12  }
0x104: {  	[tilespmem:s26], [sflag:$0x2] =	stream.indirect.gather [hbm4b:s4+s25], $0x80, s13, s25, $0xb8;
	[tilespmem:$0x1E800] =	vst v63  }
0x105: {  	p1 =	sne.s32 s12, $0x4800;
	_ =	swait.ge [sflag:s28], $0x4000  }
0x106: {  	[sflag:s28] =	ssyncset.done $0x0  }
0x107: {  	s12 =	sadd.s32 $0x1400, s11;
	[sflag:s28] =	ssyncadd.s32 $0xFFFFC000  }
0x108: {  	[spmem:s1] =	stream.indirect.scatter.add.f32 [tilespmem:s21], [sflag:$0x3], $0x80, s12, s25, $0xb8;
	[tilespmem:$0x1E800] =	vst v63  }
0x109: {  	_ =	swait.ge [sflag:s22], $0x4000  }
0x10a: {  	[sflag:s22] =	ssyncset.done $0x0  }
0x10b: {  	s12 =	sadd.s32 $0x100, s11;
	[sflag:s22] =	ssyncadd.s32 $0xFFFFC000  }
0x10c: {  	[tilespmem:s21], [sflag:$0x1] =	stream.indirect.gather [hbm4b:s4+s25], $0x80, s12, s25, $0xb8;
	[tilespmem:$0x1E800] =	vst v63  }
0x10d: {  	_ =	swait.ge [sflag:s29], $0x4000  }
.Ltmp6:
0x10e: {  	[sflag:s29] =	ssyncset.done $0x0;
	(pc) =	sbr.rel @p1 .LBB2_5-.Ltmp6, $4  }
0x10f: {  	s11 =	sadd.s32 $0x1480, s11;
	[sflag:s29] =	ssyncadd.s32 $0xFFFFC000  }
0x110: {  	[spmem:s1] =	stream.indirect.scatter.add.f32 [tilespmem:s26], [sflag:$0x3], $0x80, s11, s25, $0xb8;
	[tilespmem:$0x1E800] =	vst v63  }
0x111: {  	_ =	swait.ge [sflag:s22], $0x4000  }
0x112: {  	s12 =	smov.u32 s15;
	s11 =	sshra.s32 s14, $0x2;
	[sflag:s22] =	ssyncset.done $0x0  }
0x113: {  	s12 =	sadd.s32 $0x80, s11;
	[sflag:s22] =	ssyncadd.s32 $0xFFFFC000  }
0x114: {  	[tilespmem:s26], [sflag:$0x2] =	stream.indirect.gather [hbm4b:s4+s25], $0x80, s12, s25, $0xb8;
	[tilespmem:$0x1E800] =	vst v63  }
0x115: {  	_ =	swait.ge [sflag:s28], $0x4000  }
0x116: {  	[sflag:s28] =	ssyncset.done $0x0  }
0x117: {  	s14 =	sadd.s32 $0x1400, s11;
	[sflag:s28] =	ssyncadd.s32 $0xFFFFC000  }
0x118: {  	[spmem:s1] =	stream.indirect.scatter.add.f32 [tilespmem:s21], [sflag:$0x3], $0x80, s14, s25, $0xb8;
	[tilespmem:$0x1E800] =	vst v63  }
0x119: {  	_ =	swait.ge [sflag:s22], $0x4000  }
0x11a: {  	[sflag:s22] =	ssyncset.done $0x0  }
0x11b: {  	s15 =	sadd.s32 $0x100, s11;
	[sflag:s22] =	ssyncadd.s32 $0xFFFFC000  }
0x11c: {  	[tilespmem:s21], [sflag:$0x1] =	stream.indirect.gather [hbm4b:s4+s25], $0x80, s15, s25, $0xb8;
	[tilespmem:$0x1E800] =	vst v63  }
0x11d: {  	_ =	swait.ge [sflag:s29], $0x4000  }
0x11e: {  	[sflag:s29] =	ssyncset.done $0x0  }
0x11f: {  	s12 =	sadd.s32 $0x1480, s11;
	[sflag:s29] =	ssyncadd.s32 $0xFFFFC000  }
0x120: {  	[spmem:s1] =	stream.indirect.scatter.add.f32 [tilespmem:s26], [sflag:$0x3], $0x80, s12, s25, $0xb8;
	[tilespmem:$0x1E800] =	vst v63  }
0x121: {  	_ =	swait.ge [sflag:s22], $0x4000  }
0x122: {  	[sflag:s22] =	ssyncset.done $0x0  }
0x123: {  	[sflag:s22] =	ssyncadd.s32 $0xFFFFC000  }
0x124: {  	[tilespmem:s26], [sflag:$0x2] =	stream.indirect.gather [hbm4b:s4+s25], $0x80, s30, s25, $0xb8;
	[tilespmem:$0x1E800] =	vst v63  }
0x125: {  	_ =	swait.ge [sflag:s28], $0x4000  }
0x126: {  	[sflag:s28] =	ssyncset.done $0x0  }
0x127: {  	[sflag:s28] =	ssyncadd.s32 $0xFFFFC000  }
0x128: {  	[spmem:s1] =	stream.indirect.scatter.add.f32 [tilespmem:s21], [sflag:$0x3], $0x80, s31, s25, $0xb8;
	[tilespmem:$0x1E800] =	vst v63  }
0x129: {  	_ =	swait.ge [sflag:s22], $0x4000  }
0x12a: {  	[sflag:s22] =	ssyncset.done $0x0  }
0x12b: {  	[sflag:s22] =	ssyncadd.s32 $0xFFFFC000  }
0x12c: {  	_ =	swait.ge [sflag:s29], $0x4000  }
0x12d: {  	[sflag:s29] =	ssyncset.done $0x0  }
0x12e: {  	[sflag:s29] =	ssyncadd.s32 $0xFFFFC000  }
0x12f: {  	[spmem:s1] =	stream.indirect.scatter.add.f32 [tilespmem:s26], [sflag:$0x3], $0x80, s0, s25, $0xb8;
	[tilespmem:$0x1E800] =	vst v63  }
0x130: {  	_ =	swait.ge [sflag:s22], $0x4000  }
0x131: {  	[sflag:s22] =	ssyncset.done $0x0  }
0x132: {  	s13 =	simm.s32 $0x0;
	s14 =	rddreg [dreg:$0x6];
	[sflag:s22] =	ssyncadd.s32 $0xFFFFC000  }
0x133: {  	[tilespmem:s13], [sflag:$0x3] =	stream.linear.gather [hbm4b:s14+s13], $0x1400, $0x38;
	[tilespmem:$0x1E800] =	vst v63  }
0x134: {  	_ =	swait.ge [sflag:s22], $0x1400  }
0x135: {  	[sflag:s22] =	ssyncset.done $0x0  }
0x136: {  	s15 =	rddreg [dreg:$0x7];
	[sflag:s22] =	ssyncadd.s32 $0xFFFFEC00  }
0x137: {  	[tilespmem:s23], [sflag:$0x3] =	stream.linear.gather [hbm4b:s15+s13], $0x1400, $0x38;
	[tilespmem:$0x1E800] =	vst v63  }
0x138: {  	_ =	swait.ge [sflag:s22], $0x1400  }
0x139: {  	[sflag:s22] =	ssyncset.done $0x0  }
0x13a: {  	[sflag:s22] =	ssyncadd.s32 $0xFFFFEC00  }
0x13b: {  	[tilespmem:s21], [sflag:$0x1] =	stream.indirect.gather [hbm4b:s4+s25], $0x80, s13, s25, $0xb8;
	[tilespmem:$0x1E800] =	vst v63  }
0x13c: {  	s12 =	simm.s32 $0x80  }
0x13d: {  	[tilespmem:s26], [sflag:$0x2] =	stream.indirect.gather [hbm4b:s4+s25], $0x80, s12, s25, $0xb8;
	[tilespmem:$0x1E800] =	vst v63  }
0x13e: {  	_ =	swait.ge [sflag:s28], $0x4000  }
0x13f: {  	[sflag:s28] =	ssyncset.done $0x0  }
0x140: {  	s13 =	simm.s32 $0x1400;
	[sflag:s28] =	ssyncadd.s32 $0xFFFFC000  }
0x141: {  	[spmem:s1] =	stream.indirect.scatter.add.f32 [tilespmem:s21], [sflag:$0x3], $0x80, s13, s25, $0xb8;
	[tilespmem:$0x1E800] =	vst v63  }
0x142: {  	_ =	swait.ge [sflag:s22], $0x4000  }
0x143: {  	[sflag:s22] =	ssyncset.done $0x0  }
0x144: {  	s14 =	simm.s32 $0x100;
	[sflag:s22] =	ssyncadd.s32 $0xFFFFC000  }
0x145: {  	[tilespmem:s21], [sflag:$0x1] =	stream.indirect.gather [hbm4b:s4+s25], $0x80, s14, s25, $0xb8;
	[tilespmem:$0x1E800] =	vst v63  }
0x146: {  	_ =	swait.ge [sflag:s29], $0x4000  }
0x147: {  	[sflag:s29] =	ssyncset.done $0x0  }
0x148: {  	s15 =	simm.s32 $0x1480;
	[sflag:s29] =	ssyncadd.s32 $0xFFFFC000  }
0x149: {  	[spmem:s1] =	stream.indirect.scatter.add.f32 [tilespmem:s26], [sflag:$0x3], $0x80, s15, s25, $0xb8;
	[tilespmem:$0x1E800] =	vst v63  }
0x14a: {  	_ =	swait.ge [sflag:s22], $0x4000  }
0x14b: {  	s11 =	simm.s32 $0x100;
	s12 =	simm.s32 $0x800;
	[sflag:s22] =	ssyncset.done $0x0  }
.LBB2_7:
0x14c: {  	s13 =	sadd.s32 $0x80, s11  }
0x14d: {  	[sflag:s22] =	ssyncadd.s32 $0xFFFFC000;
	s14 =	smov.u32 s12;
	s15 =	sadd.s32 $0x400, s12  }
0x14e: {  	[tilespmem:s26], [sflag:$0x2] =	stream.indirect.gather [hbm4b:s4+s25], $0x80, s13, s25, $0xb8;
	[tilespmem:$0x1E800] =	vst v63  }
0x14f: {  	p1 =	sne.s32 s12, $0x4800;
	_ =	swait.ge [sflag:s28], $0x4000  }
0x150: {  	[sflag:s28] =	ssyncset.done $0x0  }
0x151: {  	s12 =	sadd.s32 $0x1400, s11;
	[sflag:s28] =	ssyncadd.s32 $0xFFFFC000  }
0x152: {  	[spmem:s1] =	stream.indirect.scatter.add.f32 [tilespmem:s21], [sflag:$0x3], $0x80, s12, s25, $0xb8;
	[tilespmem:$0x1E800] =	vst v63  }
0x153: {  	_ =	swait.ge [sflag:s22], $0x4000  }
0x154: {  	[sflag:s22] =	ssyncset.done $0x0  }
0x155: {  	s12 =	sadd.s32 $0x100, s11;
	[sflag:s22] =	ssyncadd.s32 $0xFFFFC000  }
0x156: {  	[tilespmem:s21], [sflag:$0x1] =	stream.indirect.gather [hbm4b:s4+s25], $0x80, s12, s25, $0xb8;
	[tilespmem:$0x1E800] =	vst v63  }
0x157: {  	_ =	swait.ge [sflag:s29], $0x4000  }
.Ltmp7:
0x158: {  	[sflag:s29] =	ssyncset.done $0x0;
	(pc) =	sbr.rel @p1 .LBB2_7-.Ltmp7, $4  }
0x159: {  	s11 =	sadd.s32 $0x1480, s11;
	[sflag:s29] =	ssyncadd.s32 $0xFFFFC000  }
0x15a: {  	[spmem:s1] =	stream.indirect.scatter.add.f32 [tilespmem:s26], [sflag:$0x3], $0x80, s11, s25, $0xb8;
	[tilespmem:$0x1E800] =	vst v63  }
0x15b: {  	_ =	swait.ge [sflag:s22], $0x4000  }
0x15c: {  	s12 =	smov.u32 s15;
	s11 =	sshra.s32 s14, $0x2;
	[sflag:s22] =	ssyncset.done $0x0  }
0x15d: {  	s12 =	sadd.s32 $0x80, s11;
	[sflag:s22] =	ssyncadd.s32 $0xFFFFC000  }
0x15e: {  	[tilespmem:s26], [sflag:$0x2] =	stream.indirect.gather [hbm4b:s4+s25], $0x80, s12, s25, $0xb8;
	[tilespmem:$0x1E800] =	vst v63  }
0x15f: {  	_ =	swait.ge [sflag:s28], $0x4000  }
0x160: {  	[sflag:s28] =	ssyncset.done $0x0  }
0x161: {  	s14 =	sadd.s32 $0x1400, s11;
	[sflag:s28] =	ssyncadd.s32 $0xFFFFC000  }
0x162: {  	[spmem:s1] =	stream.indirect.scatter.add.f32 [tilespmem:s21], [sflag:$0x3], $0x80, s14, s25, $0xb8;
	[tilespmem:$0x1E800] =	vst v63  }
0x163: {  	_ =	swait.ge [sflag:s22], $0x4000  }
0x164: {  	[sflag:s22] =	ssyncset.done $0x0  }
0x165: {  	s15 =	sadd.s32 $0x100, s11;
	[sflag:s22] =	ssyncadd.s32 $0xFFFFC000  }
0x166: {  	[tilespmem:s21], [sflag:$0x1] =	stream.indirect.gather [hbm4b:s4+s25], $0x80, s15, s25, $0xb8;
	[tilespmem:$0x1E800] =	vst v63  }
0x167: {  	_ =	swait.ge [sflag:s29], $0x4000  }
0x168: {  	[sflag:s29] =	ssyncset.done $0x0  }
0x169: {  	s12 =	sadd.s32 $0x1480, s11;
	[sflag:s29] =	ssyncadd.s32 $0xFFFFC000  }
0x16a: {  	[spmem:s1] =	stream.indirect.scatter.add.f32 [tilespmem:s26], [sflag:$0x3], $0x80, s12, s25, $0xb8;
	[tilespmem:$0x1E800] =	vst v63  }
0x16b: {  	_ =	swait.ge [sflag:s22], $0x4000  }
0x16c: {  	[sflag:s22] =	ssyncset.done $0x0  }
0x16d: {  	[sflag:s22] =	ssyncadd.s32 $0xFFFFC000  }
0x16e: {  	[tilespmem:s26], [sflag:$0x2] =	stream.indirect.gather [hbm4b:s4+s25], $0x80, s30, s25, $0xb8;
	[tilespmem:$0x1E800] =	vst v63  }
0x16f: {  	_ =	swait.ge [sflag:s28], $0x4000  }
0x170: {  	[sflag:s28] =	ssyncset.done $0x0  }
0x171: {  	[sflag:s28] =	ssyncadd.s32 $0xFFFFC000  }
0x172: {  	[spmem:s1] =	stream.indirect.scatter.add.f32 [tilespmem:s21], [sflag:$0x3], $0x80, s31, s25, $0xb8;
	[tilespmem:$0x1E800] =	vst v63  }
0x173: {  	_ =	swait.ge [sflag:s22], $0x4000  }
0x174: {  	[sflag:s22] =	ssyncset.done $0x0  }
0x175: {  	[sflag:s22] =	ssyncadd.s32 $0xFFFFC000  }
0x176: {  	_ =	swait.ge [sflag:s29], $0x4000  }
0x177: {  	[sflag:s29] =	ssyncset.done $0x0  }
0x178: {  	[sflag:s29] =	ssyncadd.s32 $0xFFFFC000  }
0x179: {  	[spmem:s1] =	stream.indirect.scatter.add.f32 [tilespmem:s26], [sflag:$0x3], $0x80, s0, s25, $0xb8;
	[tilespmem:$0x1E800] =	vst v63  }
0x17a: {  	_ =	swait.ge [sflag:s22], $0x4000  }
0x17b: {  	[sflag:s22] =	ssyncset.done $0x0  }
0x17c: {  	s13 =	simm.s32 $0x0;
	s14 =	rddreg [dreg:$0x8];
	[sflag:s22] =	ssyncadd.s32 $0xFFFFC000  }
0x17d: {  	[tilespmem:s13], [sflag:$0x3] =	stream.linear.gather [hbm4b:s14+s13], $0x1000, $0x38;
	[tilespmem:$0x1E800] =	vst v63  }
0x17e: {  	_ =	swait.ge [sflag:s22], $0x1000  }
0x17f: {  	[sflag:s22] =	ssyncset.done $0x0  }
0x180: {  	p2 =	por $0x0, $0x0;
	s15 =	rddreg [dreg:$0x9];
	[sflag:s22] =	ssyncadd.s32 $0xFFFFF000  }
0x181: {  	[tilespmem:s23], [sflag:$0x3] =	stream.linear.gather [hbm4b:s15+s13], $0x1000, $0x38;
	[tilespmem:$0x1E800] =	vst v63  }
.Ltmp8:
0x182: {  	_ = 	snop;
	(pc) =	sbr.rel @p2 .LBB2_11-.Ltmp8, $4  }
0x183: {  	_ =	swait.ge [sflag:s22], $0x1000  }
0x184: {  	[sflag:s22] =	ssyncset.done $0x0  }
0x185: {  	p1 =	por $0x0, $0x0;
	s11 =	simm.s32 $0x0;
	[sflag:s22] =	ssyncadd.s32 $0xFFFFF000  }
0x186: {  	[tilespmem:s21], [sflag:$0x1] =	stream.indirect.gather [hbm4b:s4+s25], $0x80, s13, s25, $0xb8;
	[tilespmem:$0x1E800] =	vst v63  }
0x187: {  	s11 =	simm.s32 $0x80  }
0x188: {  	[tilespmem:s26], [sflag:$0x2] =	stream.indirect.gather [hbm4b:s4+s25], $0x80, s11, s25, $0xb8;
	[tilespmem:$0x1E800] =	vst v63  }
0x189: {  	_ =	swait.ge [sflag:s28], $0x4000  }
0x18a: {  	[sflag:s28] =	ssyncset.done $0x0  }
0x18b: {  	s13 =	simm.s32 $0x1400;
	[sflag:s28] =	ssyncadd.s32 $0xFFFFC000  }
0x18c: {  	[spmem:s1] =	stream.indirect.scatter.add.f32 [tilespmem:s21], [sflag:$0x3], $0x80, s13, s25, $0xb8;
	[tilespmem:$0x1E800] =	vst v63  }
0x18d: {  	_ =	swait.ge [sflag:s22], $0x4000  }
0x18e: {  	[sflag:s22] =	ssyncset.done $0x0  }
0x18f: {  	s14 =	simm.s32 $0x100;
	[sflag:s22] =	ssyncadd.s32 $0xFFFFC000  }
0x190: {  	[tilespmem:s21], [sflag:$0x1] =	stream.indirect.gather [hbm4b:s4+s25], $0x80, s14, s25, $0xb8;
	[tilespmem:$0x1E800] =	vst v63  }
0x191: {  	p2 =	por $0x0, $0x0;
	_ =	swait.ge [sflag:s29], $0x4000  }
.Ltmp9:
0x192: {  	[sflag:s29] =	ssyncset.done $0x0;
	(pc) =	sbr.rel @p2 .LBB2_11-.Ltmp9, $4  }
0x193: {  	s15 =	simm.s32 $0x1480;
	[sflag:s29] =	ssyncadd.s32 $0xFFFFC000  }
0x194: {  	[spmem:s1] =	stream.indirect.scatter.add.f32 [tilespmem:s26], [sflag:$0x3], $0x80, s15, s25, $0xb8;
	[tilespmem:$0x1E800] =	vst v63  }
0x195: {  	s12 =	simm.s32 $0x800;
	_ =	swait.ge [sflag:s22], $0x4000  }
0x196: {  	p1 =	por $0x1, $0x1;
	s11 =	simm.s32 $0x100;
	[sflag:s22] =	ssyncset.done $0x0  }
.LBB2_10:
0x197: {  	s13 =	sadd.s32 $0x80, s11  }
0x198: {  	[sflag:s22] =	ssyncadd.s32 $0xFFFFC000;
	s14 =	smov.u32 s12;
	s15 =	sadd.s32 $0x400, s12  }
0x199: {  	[tilespmem:s26], [sflag:$0x2] =	stream.indirect.gather [hbm4b:s4+s25], $0x80, s13, s25, $0xb8;
	[tilespmem:$0x1E800] =	vst v63  }
0x19a: {  	p2 =	seq.s32 s12, $0x3800;
	_ =	swait.ge [sflag:s28], $0x4000  }
0x19b: {  	[sflag:s28] =	ssyncset.done $0x0  }
0x19c: {  	s12 =	sadd.s32 $0x1400, s11;
	[sflag:s28] =	ssyncadd.s32 $0xFFFFC000  }
0x19d: {  	[spmem:s1] =	stream.indirect.scatter.add.f32 [tilespmem:s21], [sflag:$0x3], $0x80, s12, s25, $0xb8;
	[tilespmem:$0x1E800] =	vst v63  }
0x19e: {  	_ =	swait.ge [sflag:s22], $0x4000  }
0x19f: {  	[sflag:s22] =	ssyncset.done $0x0  }
0x1a0: {  	s12 =	sadd.s32 $0x100, s11;
	[sflag:s22] =	ssyncadd.s32 $0xFFFFC000  }
0x1a1: {  	[tilespmem:s21], [sflag:$0x1] =	stream.indirect.gather [hbm4b:s4+s25], $0x80, s12, s25, $0xb8;
	[tilespmem:$0x1E800] =	vst v63  }
0x1a2: {  	_ =	swait.ge [sflag:s29], $0x4000  }
.Ltmp10:
0x1a3: {  	[sflag:s29] =	ssyncset.done $0x0;
	(pc) =	sbr.rel @!p2 .LBB2_10-.Ltmp10, $4  }
0x1a4: {  	s11 =	sadd.s32 $0x1480, s11;
	[sflag:s29] =	ssyncadd.s32 $0xFFFFC000  }
0x1a5: {  	[spmem:s1] =	stream.indirect.scatter.add.f32 [tilespmem:s26], [sflag:$0x3], $0x80, s11, s25, $0xb8;
	[tilespmem:$0x1E800] =	vst v63  }
0x1a6: {  	_ =	swait.ge [sflag:s22], $0x4000  }
0x1a7: {  	s12 =	smov.u32 s15;
	s11 =	sshra.s32 s14, $0x2;
	[sflag:s22] =	ssyncset.done $0x0  }
.Ltmp11:
0x1a8: {  	_ = 	snop;
	(pc) =	sbr.rel .LBB2_11-.Ltmp11, $1  }
0x1a9: {  	_ =	sdelay $0x3  }
.LBB2_16:
0x1aa: {  	_ =	sfence.sel $0x180000  }
0x1ab: {  	[bflag:$0x0] =	sbarrier.arrive $0xFFFF  }
0x1ac: {  	_ =	strace $0x9000004A  }
0x1ad: {  	[bflag:$0x2] =	sbarrier.arrive $0xFFFF  }
0x1ae: {  	p0 =	sne.s32 s3, $0x0;
	s0 =	rddreg [dreg:$0x3]  }
0x1af: {  	s0 =	sadd.s32 @!p0 $0x100000, s0  }
0x1b0: {  	[sflag:s0] =	ssyncadd.tile.s32 @!p0 $0x1;
	_ =	shalt  }
.Lfunc_end2:
_tile_overlayer_lowered:
.L_overlay_start_2:
0x1b1: {  	(tag) =	ssettag $0x2  }
0x1b2: {  	s0 =	rddreg [dreg:$0x0];
	s2 =	stileid.u32  }
0x1b3: {  	s1 =	rddreg [dreg:$0x1];
	p0 =	sne.s32 s2, $0x0  }
0x1b4: {  	s3 =	rddreg [dreg:$0x2];
	[bflag:$0x3] =	sbarrier.arrive $0xFFFF;
	s2 =	simm.s32 @!p0 $0x1C03  }
0x1b5: {  	[timem:s3], [sflag:s2] =	dma.local @!p0 [hbm:s0], s1  }
0x1b6: {  	s0 =	simm.s32 @!p0 $0x3  }
0x1b7: {  	_ =	swait.ge @!p0 [sflag:s0], s1  }
0x1b8: {  	s1 =	ssub.s32 @!p0 $0x0, s1;
	[sflag:s0] =	ssyncset.done @!p0 $0x0  }
0x1b9: {  	[sflag:s0] =	ssyncadd.s32 @!p0 s1  }
0x1ba: {  	[bflag:$0x3] =	sbarrier.arrive $0xFFFF  }
0x1bb: {  	_ =	shalt  }

// kernel: kernel.7.cloned.1.call-start
scs
__scs_entry_jumppad:
0x0: {  	(pc) =	sbr.rel $0x88, $3  }
0x1: {  	(tag) =	ssettag $0x0;
	lr =	simm.s32 $0x1  }
0x2: {  	[smem:$0x3F97] =	sst lr;
	_ =	strace $0xD0000000  }
0x3: {  	_ = 	snop  }
0x4: {  	_ = 	snop  }
0x5: {  	_ = 	snop  }
0x6: {  	_ = 	snop  }
0x7: {  	_ = 	snop  }
__scs_overlays_trampoline_lowered:
0x8: {  	[smem:$0x3FA6] =	sst s0  }
0x9: {  	[smem:$0x3FA7] =	sst s1  }
0xa: {  	[smem:$0x3FA8] =	sst s2  }
0xb: {  	[smem:$0x3FA9] =	sst s3  }
0xc: {  	[smem:$0x3FAA] =	sst s4  }
0xd: {  	[smem:$0x3FAB] =	sst s5  }
0xe: {  	[smem:$0x3FAC] =	sst s6  }
0xf: {  	[smem:$0x3FAD] =	sst s7  }
0x10: {  	[smem:$0x3FAE] =	sst s8  }
0x11: {  	[smem:$0x3FAF] =	sst s9;
	s0 =	simm.s32 @!p0 $0x0  }
0x12: {  	s1 =	sld [smem:$0x3F95];
	s0 =	simm.s32 @p0 $0x1  }
0x13: {  	[smem:$0x3FB0] =	sst s0;
	s0 =	simm.s32 @!p1 $0x0  }
0x14: {  	s2 =	sld [smem:$0x3F94];
	s0 =	simm.s32 @p1 $0x1  }
0x15: {  	[smem:$0x3FB1] =	sst s0;
	s0 =	simm.s32 @!p2 $0x0  }
0x16: {  	s3 =	sld [smem:$0x3FDB];
	s0 =	simm.s32 @p2 $0x1  }
0x17: {  	s4 =	simm.s32 $0x1BF5;
	[smem:$0x3FB3] =	sst s0  }
0x18: {  	s0 =	sld [smem:$0x3F96];
	_ =	swait.ge [sflag:s4], $0x0  }
0x19: {  	s7 =	sld [smem:$0x3F97]  }
0x1a: {  	s8 =	sadd.s32 $0xFFFFE003, lr  }
0x1b: {  	s9 =	sadd.s32 $0xFFFFFEF7, lr;
	s5 =	simm.s32 $0xFFFFFFFF;
	p2 =	slt.u32 s8, $0xFFFFF086  }
0x1c: {  	p1 =	slt.u32 s9, $0xF7A;
	s5 =	simm.s32 @!p2 $0x0  }
0x1d: {  	s5 =	simm.s32 @p1 $0x1;
	p0 =	seq.s32 s7, s2  }
0x1e: {  	s7 =	smul.u32 @!p0 $0xF7A, s2;
	p2 =	seq.s32 @!p0 s5, $0x0  }
0x1f: {  	s9 =	smul.u32 $0xF7A, s1;
	s8 =	simm.s32 @!p0 $0x1BF5;
	p2 =	por !p2, p0  }
0x20: {  	[sflag:s8] =	ssyncset.s32 @!p0 $0xFFFFF086;
	s6 =	sadd.s32 @!p0 s3, s7;
	s7 =	simm.s32 @!p0 $0x108  }
0x21: {  	s3 =	sadd.s32 s3, s9;
	s6 =	sadd.s32 @!p0 $0x88, s6;
	s7 =	simm.s32 @p2 $0x1082  }
0x22: {  	[simem:s7], [sflag:s8] =	dma.local @!p0 [hbm:s6], $0xF7A  }
0x23: {  	s9 =	sor.u32 $0xD0000000, s2;
	s6 =	simm.s32 $0x108;
	_ =	swait.ge @!p0 [sflag:s8], $0x0  }
0x24: {  	s3 =	sadd.s32 $0x88, s3;
	s6 =	simm.s32 @!p1 $0x1082;
	[sflag:s4] =	ssyncset.s32 $0xFFFFF086  }
0x25: {  	[simem:s6], [sflag:s4] =	dma.local [hbm:s3], $0xF7A  }
0x26: {  	[smem:$0x3F97] =	sst s1;
	(tag) =	ssettag s2;
	_ =	strace s9  }
0x27: {  	s1 =	sld [smem:$0x3FA7]  }
0x28: {  	s2 =	sld [smem:$0x3FA8]  }
0x29: {  	s4 =	sld [smem:$0x3FAA]  }
0x2a: {  	p0 =	seq.s32 s5, $0x0;
	s5 =	sld [smem:$0x3FAB]  }
0x2b: {  	s6 =	sld [smem:$0x3FAC]  }
0x2c: {  	s7 =	sld [smem:$0x3FAD]  }
0x2d: {  	s3 =	simm.s32 $0x108;
	s8 =	sld [smem:$0x3FAE]  }
0x2e: {  	s3 =	simm.s32 @!p0 $0x1082;
	s9 =	sld [smem:$0x3FAF]  }
0x2f: {  	lr =	sadd.s32 s0, s3;
	s0 =	sld [smem:$0x3FA6]  }
0x30: {  	s3 =	sld [smem:$0x3FA9]  }
0x31: {  	[smem:$0x3FB2] =	sst s10  }
0x32: {  	s10 =	sld [smem:$0x3FB0];
	_ =	sdelay $0x3  }
0x33: {  	p0 =	seq.s32 s10, $0x1;
	s10 =	sld [smem:$0x3FB2];
	_ =	sdelay $0x3  }
0x34: {  	[smem:$0x3FB2] =	sst s10  }
0x35: {  	s10 =	sld [smem:$0x3FB1];
	_ =	sdelay $0x3  }
0x36: {  	p1 =	seq.s32 s10, $0x1;
	s10 =	sld [smem:$0x3FB2];
	_ =	sdelay $0x3  }
0x37: {  	[smem:$0x3FB2] =	sst s10  }
0x38: {  	s10 =	sld [smem:$0x3FB3]  }
0x39: {  	_ = 	snop;
	(pc) =	sbr.ind lr, $3  }
0x3a: {  	_ = 	snop  }
0x3b: {  	_ = 	snop  }
0x3c: {  	p2 =	seq.s32 s10, $0x1;
	s10 =	sld [smem:$0x3FB2]  }
0x3d: {  	_ =	shalt  }
0x3e: {  	_ =	shalt  }
0x3f: {  	_ =	shalt  }
0x40: {  	_ =	shalt  }
0x41: {  	_ =	shalt  }
0x42: {  	_ =	shalt  }
0x43: {  	_ =	shalt  }
0x44: {  	_ =	shalt  }
0x45: {  	_ =	shalt  }
0x46: {  	_ =	shalt  }
0x47: {  	_ =	shalt  }
0x48: {  	_ =	shalt  }
0x49: {  	_ =	shalt  }
0x4a: {  	_ =	shalt  }
0x4b: {  	_ =	shalt  }
0x4c: {  	_ =	shalt  }
0x4d: {  	_ =	shalt  }
0x4e: {  	_ =	shalt  }
0x4f: {  	_ =	shalt  }
0x50: {  	_ =	shalt  }
0x51: {  	_ =	shalt  }
0x52: {  	_ =	shalt  }
0x53: {  	_ =	shalt  }
0x54: {  	_ =	shalt  }
0x55: {  	_ =	shalt  }
0x56: {  	_ =	shalt  }
0x57: {  	_ =	shalt  }
0x58: {  	_ =	shalt  }
0x59: {  	_ =	shalt  }
0x5a: {  	_ =	shalt  }
0x5b: {  	_ =	shalt  }
0x5c: {  	_ =	shalt  }
0x5d: {  	_ =	shalt  }
0x5e: {  	_ =	shalt  }
0x5f: {  	_ =	shalt  }
0x60: {  	_ =	shalt  }
0x61: {  	_ =	shalt  }
0x62: {  	_ =	shalt  }
0x63: {  	_ =	shalt  }
0x64: {  	_ =	shalt  }
0x65: {  	_ =	shalt  }
0x66: {  	_ =	shalt  }
0x67: {  	_ =	shalt  }
0x68: {  	_ =	shalt  }
0x69: {  	_ =	shalt  }
0x6a: {  	_ =	shalt  }
0x6b: {  	_ =	shalt  }
0x6c: {  	_ =	shalt  }
0x6d: {  	_ =	shalt  }
0x6e: {  	_ =	shalt  }
0x6f: {  	_ =	shalt  }
0x70: {  	_ =	shalt  }
0x71: {  	_ =	shalt  }
0x72: {  	_ =	shalt  }
0x73: {  	_ =	shalt  }
0x74: {  	_ =	shalt  }
0x75: {  	_ =	shalt  }
0x76: {  	_ =	shalt  }
0x77: {  	_ =	shalt  }
0x78: {  	_ =	shalt  }
0x79: {  	_ =	shalt  }
0x7a: {  	_ =	shalt  }
0x7b: {  	_ =	shalt  }
0x7c: {  	_ =	shalt  }
0x7d: {  	_ =	shalt  }
0x7e: {  	_ =	shalt  }
0x7f: {  	_ =	shalt  }
0x80: {  	_ =	shalt  }
0x81: {  	_ =	shalt  }
0x82: {  	_ =	shalt  }
0x83: {  	_ =	shalt  }
0x84: {  	_ =	shalt  }
0x85: {  	_ =	shalt  }
0x86: {  	_ =	shalt  }
0x87: {  	_ =	shalt  }
.Lfunc_end0:
.L_simem_size_0:
called_computation_lowered:
.L_overlay_start_0:
0x88: {  	s2 =	sld [smem:$0x3FD9]  }
0x89: {  	s3 =	sld [smem:$0x3FFE];
	_ =	sdelay $0x1  }
0x8a: {  	s1 =	srdreg.scid  }
0x8b: {  	s0 =	sand.u32 $0x1, s1  }
0x8c: {  	s14 =	sshll.u32 s0, $0xA;
	s2 =	sadd.s32 s3, s2  }
0x8d: {  	s2 =	sadd.s32 s2, s14  }
0x8e: {  	[smem:$0x3FBE] =	sst s2  }
0x8f: {  	_ = 	snop  }
0x90: {  	s2 =	sld [smem:$0x3FD0];
	_ =	sdelay $0x2  }
0x91: {  	s15 =	simm.s32 $0xA;
	s4 =	simm.s32 $0x10  }
0x92: {  	[smem:s4], [sflag:s15] =	dma.local [hbm:s2], $0x1  }
0x93: {  	_ =	swait.eq [sflag:s15], $0x1  }
0x94: {  	[sflag:s15] =	ssyncset.done $0x0  }
0x95: {  	[sflag:s15] =	ssyncadd.s32 $0xFFFFFFFF  }
0x96: {  	s16 =	sld [smem:$0x10];
	(tm) =	ssettm $0x1  }
0x97: {  	s17 =	sld [smem:$0x3FFB];
	_ =	sdelay $0x3  }
0x98: {  	_ =	strace s17  }
0x99: {  	s3 =	sld [smem:$0x3FFC];
	_ =	sdelay $0x3  }
0x9a: {  	_ =	strace s3  }
0x9b: {  	s3 =	sld [smem:$0x3FFD];
	_ =	sdelay $0x3  }
0x9c: {  	_ =	strace s3  }
0x9d: {  	_ =	strace $0x8FFFFFFF  }
0x9e: {  	s18 =	sld [smem:$0x3FDB];
	_ =	sdelay $0x1  }
0x9f: {  	s19 =	simm.s32 $_scs_section_size  }
0xa0: {  	s5 =	simm.s32 $_size__tile_overlayer_lowered;
	s6 =	simm.s32 $_tile_overlayer_lowered  }
0xa1: {  	s22 =	simm.s32 $0x1BFF;
	s21 =	sshll.u32 s6, $0x1;
	s3 =	sadd.s32 s19, s18  }
0xa2: {  	s7 =	simm.s32 $0x0;
	s20 =	sshll.u32 s5, $0x1;
	s5 =	sadd.s32 s21, s3  }
0xa3: {  	[timem:s7], [sflag:s22] =	dma.local [hbm:s5], s20  }
0xa4: {  	_ =	swait.ge [sflag:s22], s20  }
0xa5: {  	s4 =	ssub.s32 $0x0, s20;
	[sflag:s22] =	ssyncset.done $0x0  }
0xa6: {  	[sflag:s22] =	ssyncadd.s32 s4;
	_ =	sdelay $0x1  }
0xa7: {  	s23 =	simm.s32 $0x1B8B  }
0xa8: {  	_ =	swait.ge [sflag:s23], $0x1  }
0xa9: {  	[sflag:s23] =	ssyncset.done $0x0  }
0xaa: {  	s25 =	simm.s32 $0x1B8E;
	s24 =	sld [smem:$0x3FFE];
	[sflag:s23] =	ssyncadd.s32 $0xFFFFFFFF  }
0xab: {  	s26 =	simm.s32 $execute0_lowered;
	[smem:$0x3FD2] =	sst s25  }
0xac: {  	s5 =	sshll.u32 s26, $0x1;
	_ =	strace $0x80000046;
	[dreg:$0x1] =	wrdreg $0xFFFFFFFF  }
0xad: {  	s28 =	simm.s32 $_size_execute0_lowered;
	s3 =	sadd.s32 s3, s5;
	[dreg:$0x0] =	wrdreg $0x0  }
0xae: {  	s5 =	sshll.u32 s28, $0x1;
	[dreg:$0x2] =	wrdreg s3  }
0xaf: {  	[dreg:$0x3] =	wrdreg s5  }
0xb0: {  	[dreg:$0x4] =	wrdreg $0xC0  }
0xb1: {  	_ =	task [dreg:s7], $0x5FFFF  }
0xb2: {  	[dreg:$0x1] =	wrdreg $0xFFFFFFFF  }
0xb3: {  	[dreg:$0x0] =	wrdreg $0x60  }
0xb4: {  	[dreg:$0x2] =	wrdreg s24  }
0xb5: {  	[dreg:$0x3] =	wrdreg s16  }
0xb6: {  	[dreg:$0x4] =	wrdreg $0xA8000  }
0xb7: {  	[dreg:$0x5] =	wrdreg $0x9  }
0xb8: {  	_ =	task.clear_ibuf [dreg:s7], $0x6FFFF;
	_ =	strace $0x90000046  }
0xb9: {  	s29 =	simm.s32 $0x9;
	_ =	strace $0x80000048  }
0xba: {  	_ =	swait.ge [sflag:s29], $0x1  }
0xbb: {  	[sflag:s29] =	ssyncadd.s32 $0xFFFFFFFF  }
0xbc: {  	_ =	strace $0x90000048  }
0xbd: {  	_ =	sfence  }
0xbe: {  	s30 =	sld [smem:$0x0];
	_ =	sdelay $0x2  }
0xbf: {  	s31 =	sshll.u32 s1, $0xD;
	s1 =	sshrl.u32 s1, $0x2  }
0xc0: {  	s3 =	sand.u32 $0x4000, s31;
	s1 =	sadd.s32 s1, s30  }
0xc1: {  	s0 =	sor.u32 s3, s0;
	s1 =	sshll.u32 s1, $0x11  }
0xc2: {  	s0 =	sor.u32 s1, s0  }
0xc3: {  	s0 =	sadd.s32 $0x8F2B, s0  }
0xc4: {  	[sflag:s0] =	ssyncadd.remote.s32 $0x1  }
0xc5: {  	_ =	sfence.sel $0xFFFF  }
0xc6: {  	[dreg:$0x0] =	wrdreg $0xFFFFFFFF;
	(pc) =	sbr.abs _section_cstart, $3  }
0xc7: {  	[dreg:$0x1] =	wrdreg $0xFFFFFFFF  }
0xc8: {  	_ =	task.clear_ibuf [dreg:s7], $0x2FFFF;
	_ =	strace $0x9FFFFFFF  }
0xc9: {  	(tm) =	ssettm $0x7FFFFFFF  }
tec
execute0_lowered:
.L_overlay_start_1:
0x0: {  	(tag) =	ssettag $0x1  }
0x1: {  	s0 =	rddreg [dreg:$0x0]  }
0x2: {  	s10 =	rddreg [dreg:$0x1];
	s3 =	srdreg.scid  }
0x3: {  	s1 =	rddreg [dreg:$0x2];
	s11 =	sand.u32 $0x1, s3  }
0x4: {  	s2 =	simm.s32 $0x0;
	s3 =	stileid.u32;
	s5 =	smul.u32 $0x28000, s11  }
0x5: {  	s28 =	simm.s32 $0x1;
	s29 =	simm.s32 $0x2;
	s6 =	smul.u32 $0x50000, s3  }
0x6: {  	s30 =	simm.s32 $0x1380;
	s31 =	simm.s32 $0x2700;
	s14 =	smul.u32 $0x3800, s3  }
0x7: {  	[smem:$0x7FF] =	sst s2;
	s4 =	sadd.s32 $0x33600, s0;
	s15 =	smul.u32 $0x700, s3  }
0x8: {  	s12 =	sadd.s32 $0x2400, s0;
	_ =	strace $0x80000047;
	s16 =	smul.u32 $0x1800, s3  }
0x9: {  	s7 =	ssub.s32 $0x2, s11;
	p0 =	seq.s32 s11, $0x1;
	s26 =	smul.u32 $0x2800, s3  }
0xa: {  	s20 =	sshrl.u32 s7, $0x1;
	s0 =	sadd.s32 s5, s0;
	s6 =	sshrl.u32 s6, $0x2  }
0xb: {  	s13 =	ssub.s32 s7, s20;
	s14 =	sshrl.u32 s14, $0x3;
	s17 =	sadd.s32 s12, s15  }
0xc: {  	s15 =	sadd.s32 s10, s15;
	s18 =	sshrl.u32 s16, $0x3;
	[dreg:$0x4] =	wrdreg s17  }
0xd: {  	s5 =	sadd.s32 s6, s1;
	s21 =	sadd.s32 $0x280, s14;
	[dreg:$0x5] =	wrdreg s15  }
0xe: {  	s23 =	sadd.s32 $0x500, s14;
	s24 =	sadd.s32 $0x7000, s18;
	s25 =	sadd.s32 $0x7280, s18  }
0xf: {  	s0 =	sadd.s32 $0x5A800, s0;
	s20 =	smax.u32 s13, $0x1;
	s6 =	sadd.s32 $0x4000, s5  }
0x10: {  	s7 =	sadd.s32 $0x8000, s5;
	s8 =	sadd.s32 $0xC000, s5;
	s9 =	sadd.s32 $0x10000, s5  }
0x11: {  	s22 =	sadd.s32 s12, s21;
	s11 =	sadd.s32 s10, s21;
	s14 =	sadd.s32 s12, s23  }
0x12: {  	s16 =	sadd.s32 s12, s24;
	s17 =	sadd.s32 s10, s24;
	s18 =	sadd.s32 s12, s25  }
.Ltmp0:
0x13: {  	s19 =	sadd.s32 s10, s25;
	s21 =	simm.s32 $0x2800;
	(pc) =	sbr.rel .LBB2_1-.Ltmp0, $4  }
0x14: {  	s24 =	sadd.s32 s26, s0;
	s25 =	simm.s32 $0x80;
	[dreg:$0x6] =	wrdreg s22  }
0x15: {  	s26 =	simm.s32 $0x6800;
	s0 =	simm.s32 $0x2780;
	[dreg:$0x7] =	wrdreg s11  }
0x16: {  	[dreg:$0x8] =	wrdreg s14;
	s11 =	sadd.s32 s10, s23;
	s22 =	simm.s32 $0x3  }
0x17: {  	v0 =	vimm.f32 $0.0e+00;
	s23 =	simm.s32 $0x1400;
	s10 =	simm.s32 $0x0;
	[dreg:$0x9] =	wrdreg s11  }
.LBB2_11:
0x18: {  	s12 =	sadd.s32 $0x80, s11;
	[sflag:s22] =	ssyncadd.s32 @p1 $0xFFFFC000  }
0x19: {  	[tilespmem:s26], [sflag:$0x2] =	stream.indirect.gather [hbm4b:s4+s25], $0x80, s12, s25, $0xb8;
	[tilespmem:$0x1E800] =	vst v63  }
0x1a: {  	_ =	swait.ge [sflag:s28], $0x4000  }
0x1b: {  	[sflag:s28] =	ssyncset.done $0x0  }
0x1c: {  	s13 =	sadd.s32 $0x1400, s11;
	[sflag:s28] =	ssyncadd.s32 $0xFFFFC000  }
0x1d: {  	[spmem:s1] =	stream.indirect.scatter.add.f32 [tilespmem:s21], [sflag:$0x3], $0x80, s13, s25, $0xb8;
	[tilespmem:$0x1E800] =	vst v63  }
0x1e: {  	_ =	swait.ge [sflag:s22], $0x4000  }
0x1f: {  	[sflag:s22] =	ssyncset.done $0x0  }
0x20: {  	s14 =	sadd.s32 $0x100, s11;
	[sflag:s22] =	ssyncadd.s32 $0xFFFFC000  }
0x21: {  	[tilespmem:s21], [sflag:$0x1] =	stream.indirect.gather [hbm4b:s4+s25], $0x80, s14, s25, $0xb8;
	[tilespmem:$0x1E800] =	vst v63  }
0x22: {  	_ =	swait.ge [sflag:s29], $0x4000  }
0x23: {  	[sflag:s29] =	ssyncset.done $0x0  }
0x24: {  	s15 =	sadd.s32 $0x1480, s11;
	[sflag:s29] =	ssyncadd.s32 $0xFFFFC000  }
0x25: {  	[spmem:s1] =	stream.indirect.scatter.add.f32 [tilespmem:s26], [sflag:$0x3], $0x80, s15, s25, $0xb8;
	[tilespmem:$0x1E800] =	vst v63  }
0x26: {  	_ =	swait.ge [sflag:s22], $0x4000  }
0x27: {  	s11 =	simm.s32 $0x2380;
	[sflag:s22] =	ssyncset.done $0x0  }
0x28: {  	s12 =	simm.s32 $0x2300;
	s13 =	simm.s32 $0xF80;
	[sflag:s22] =	ssyncadd.s32 $0xFFFFC000  }
.LBB2_15:
0x29: {  	[tilespmem:s26], [sflag:$0x2] =	stream.indirect.gather [hbm4b:s4+s25], $0x80, s13, s25, $0xb8;
	[tilespmem:$0x1E800] =	vst v63  }
0x2a: {  	_ =	swait.ge [sflag:s28], $0x4000  }
0x2b: {  	[sflag:s28] =	ssyncset.done $0x0  }
0x2c: {  	[sflag:s28] =	ssyncadd.s32 $0xFFFFC000  }
0x2d: {  	[spmem:s1] =	stream.indirect.scatter.add.f32 [tilespmem:s21], [sflag:$0x3], $0x80, s12, s25, $0xb8;
	[tilespmem:$0x1E800] =	vst v63  }
0x2e: {  	_ =	swait.ge [sflag:s22], $0x4000  }
0x2f: {  	[sflag:s22] =	ssyncset.done $0x0  }
0x30: {  	[sflag:s22] =	ssyncadd.s32 $0xFFFFC000  }
0x31: {  	_ =	swait.ge [sflag:s29], $0x4000  }
0x32: {  	[sflag:s29] =	ssyncset.done $0x0  }
0x33: {  	[sflag:s29] =	ssyncadd.s32 $0xFFFFC000  }
0x34: {  	[spmem:s1] =	stream.indirect.scatter.add.f32 [tilespmem:s26], [sflag:$0x3], $0x80, s11, s25, $0xb8;
	[tilespmem:$0x1E800] =	vst v63  }
0x35: {  	_ =	swait.ge [sflag:s22], $0x4000  }
0x36: {  	s14 =	sshll.u32 s3, $0x6;
	s10 =	sadd.s32 $0x1, s10;
	[sflag:s22] =	ssyncset.done $0x0  }
0x37: {  	s15 =	sshrl.u32 s5, $0x3;
	p1 =	sne.s32 s10, s20;
	[sflag:s22] =	ssyncadd.s32 $0xFFFFC000  }
.Ltmp1:
0x38: {  	s11 =	sor.u32 $0x1C03, s14;
	[bflag:$0x0] =	sbarrier.arrive $0xFFFF;
	(pc) =	sbr.rel @!p1 .LBB2_16-.Ltmp1, $4  }
0x39: {  	[hbm:s24], [sflag:s11] =	dma.local [spmem:s15], $0x2800  }
0x3a: {  	_ =	swait.ge [sflag:s22], $0x2800  }
0x3b: {  	[sflag:s22] =	ssyncset.done $0x0  }
0x3c: {  	[sflag:s22] =	ssyncadd.s32 $0xFFFFD800  }
.LBB2_1:
0x3d: {  	s11 =	simm.s32 $0x0;
	s12 =	simm.s32 $0x200  }
.LBB2_2:
0x3e: {  	p1 =	sne.s32 s12, $0xFE00;
	[tilespmem:s11+$0x2870] =	vst v0  }
0x3f: {  	[tilespmem:s11+$0x2800] =	vst v0  }
0x40: {  	[tilespmem:s11+$0x2810] =	vst v0  }
.Ltmp2:
0x41: {  	[tilespmem:s11+$0x2820] =	vst v0;
	(pc) =	sbr.rel @p1 .LBB2_2-.Ltmp2, $4  }
0x42: {  	[tilespmem:s11+$0x2830] =	vst v0  }
0x43: {  	[tilespmem:s11+$0x2840] =	vst v0  }
0x44: {  	[tilespmem:s11+$0x2850] =	vst v0  }
0x45: {  	[tilespmem:s11+$0x2860] =	vst v0;
	s11 =	sshra.s32 s12, $0x2;
	s12 =	sadd.s32 $0x200, s12  }
0x46: {  	[tilespmem:s11+$0x2870] =	vst v0  }
0x47: {  	[tilespmem:s11+$0x2800] =	vst v0  }
0x48: {  	[tilespmem:s11+$0x2810] =	vst v0  }
0x49: {  	[tilespmem:s11+$0x2820] =	vst v0  }
0x4a: {  	[tilespmem:s11+$0x2830] =	vst v0  }
0x4b: {  	[tilespmem:s11+$0x2840] =	vst v0  }
0x4c: {  	[tilespmem:s11+$0x2850] =	vst v0  }
0x4d: {  	[tilespmem:s11+$0x2860] =	vst v0  }
0x4e: {  	[spmem:s5] =	stream.linear.scatter [tilespmem:s21], [sflag:$0x3], $0x4000, $0x38;
	[tilespmem:$0x1E800] =	vst v63  }
0x4f: {  	_ =	swait.ge [sflag:s22], $0x4000  }
0x50: {  	[sflag:s22] =	ssyncset.done $0x0  }
0x51: {  	[sflag:s22] =	ssyncadd.s32 $0xFFFFC000  }
0x52: {  	[spmem:s6] =	stream.linear.scatter [tilespmem:s21], [sflag:$0x3], $0x4000, $0x38;
	[tilespmem:$0x1E800] =	vst v63  }
0x53: {  	_ =	swait.ge [sflag:s22], $0x4000  }
0x54: {  	[sflag:s22] =	ssyncset.done $0x0  }
0x55: {  	[sflag:s22] =	ssyncadd.s32 $0xFFFFC000  }
0x56: {  	[spmem:s7] =	stream.linear.scatter [tilespmem:s21], [sflag:$0x3], $0x4000, $0x38;
	[tilespmem:$0x1E800] =	vst v63  }
0x57: {  	_ =	swait.ge [sflag:s22], $0x4000  }
0x58: {  	[sflag:s22] =	ssyncset.done $0x0  }
0x59: {  	[sflag:s22] =	ssyncadd.s32 $0xFFFFC000  }
0x5a: {  	[spmem:s8] =	stream.linear.scatter [tilespmem:s21], [sflag:$0x3], $0x4000, $0x38;
	[tilespmem:$0x1E800] =	vst v63  }
0x5b: {  	_ =	swait.ge [sflag:s22], $0x4000  }
0x5c: {  	[sflag:s22] =	ssyncset.done $0x0  }
0x5d: {  	[sflag:s22] =	ssyncadd.s32 $0xFFFFC000  }
0x5e: {  	[spmem:s9] =	stream.linear.scatter [tilespmem:s21], [sflag:$0x3], $0x4000, $0x38;
	[tilespmem:$0x1E800] =	vst v63  }
.Ltmp3:
0x5f: {  	_ =	swait.ge [sflag:s22], $0x4000;
	(pc) =	sbr.rel @!p0 .LBB2_4-.Ltmp3, $4  }
0x60: {  	[sflag:s22] =	ssyncset.done $0x0  }
0x61: {  	[sflag:s22] =	ssyncadd.s32 $0xFFFFC000  }
0x62: {  	[bflag:$0x0] =	sbarrier.arrive $0xFFFF  }
0x63: {  	s11 =	simm.s32 $0x0  }
0x64: {  	[tilespmem:s11], [sflag:$0x3] =	stream.linear.gather [hbm4b:s16+s11], $0x1400, $0x38;
	[tilespmem:$0x1E800] =	vst v63  }
0x65: {  	_ =	swait.ge [sflag:s22], $0x1400  }
0x66: {  	[sflag:s22] =	ssyncset.done $0x0  }
0x67: {  	[sflag:s22] =	ssyncadd.s32 $0xFFFFEC00  }
0x68: {  	[tilespmem:s23], [sflag:$0x3] =	stream.linear.gather [hbm4b:s17+s11], $0x1400, $0x38;
	[tilespmem:$0x1E800] =	vst v63  }
0x69: {  	_ =	swait.ge [sflag:s22], $0x1400  }
0x6a: {  	[sflag:s22] =	ssyncset.done $0x0  }
0x6b: {  	[sflag:s22] =	ssyncadd.s32 $0xFFFFEC00  }
0x6c: {  	[tilespmem:s21], [sflag:$0x1] =	stream.indirect.gather [hbm4b:s4+s25], $0x80, s11, s25, $0xb8;
	[tilespmem:$0x1E800] =	vst v63  }
0x6d: {  	s12 =	simm.s32 $0x80  }
0x6e: {  	[tilespmem:s26], [sflag:$0x2] =	stream.indirect.gather [hbm4b:s4+s25], $0x80, s12, s25, $0xb8;
	[tilespmem:$0x1E800] =	vst v63  }
0x6f: {  	_ =	swait.ge [sflag:s28], $0x4000  }
0x70: {  	[sflag:s28] =	ssyncset.done $0x0  }
0x71: {  	s13 =	simm.s32 $0x1400;
	[sflag:s28] =	ssyncadd.s32 $0xFFFFC000  }
0x72: {  	[spmem:s1] =	stream.indirect.scatter.add.f32 [tilespmem:s21], [sflag:$0x3], $0x80, s13, s25, $0xb8;
	[tilespmem:$0x1E800] =	vst v63  }
0x73: {  	_ =	swait.ge [sflag:s22], $0x4000  }
0x74: {  	[sflag:s22] =	ssyncset.done $0x0  }
0x75: {  	s14 =	simm.s32 $0x100;
	[sflag:s22] =	ssyncadd.s32 $0xFFFFC000  }
0x76: {  	[tilespmem:s21], [sflag:$0x1] =	stream.indirect.gather [hbm4b:s4+s25], $0x80, s14, s25, $0xb8;
	[tilespmem:$0x1E800] =	vst v63  }
0x77: {  	_ =	swait.ge [sflag:s29], $0x4000  }
0x78: {  	[sflag:s29] =	ssyncset.done $0x0  }
0x79: {  	s15 =	simm.s32 $0x1480;
	[sflag:s29] =	ssyncadd.s32 $0xFFFFC000  }
0x7a: {  	[spmem:s1] =	stream.indirect.scatter.add.f32 [tilespmem:s26], [sflag:$0x3], $0x80, s15, s25, $0xb8;
	[tilespmem:$0x1E800] =	vst v63  }
0x7b: {  	_ =	swait.ge [sflag:s22], $0x4000  }
0x7c: {  	s11 =	simm.s32 $0x100;
	s12 =	simm.s32 $0x800;
	[sflag:s22] =	ssyncset.done $0x0  }
.LBB2_13:
0x7d: {  	s13 =	sadd.s32 $0x80, s11  }
0x7e: {  	[sflag:s22] =	ssyncadd.s32 $0xFFFFC000;
	s14 =	smov.u32 s12;
	s15 =	sadd.s32 $0x400, s12  }
0x7f: {  	[tilespmem:s26], [sflag:$0x2] =	stream.indirect.gather [hbm4b:s4+s25], $0x80, s13, s25, $0xb8;
	[tilespmem:$0x1E800] =	vst v63  }
0x80: {  	p1 =	sne.s32 s12, $0x4800;
	_ =	swait.ge [sflag:s28], $0x4000  }
0x81: {  	[sflag:s28] =	ssyncset.done $0x0  }
0x82: {  	s12 =	sadd.s32 $0x1400, s11;
	[sflag:s28] =	ssyncadd.s32 $0xFFFFC000  }
0x83: {  	[spmem:s1] =	stream.indirect.scatter.add.f32 [tilespmem:s21], [sflag:$0x3], $0x80, s12, s25, $0xb8;
	[tilespmem:$0x1E800] =	vst v63  }
0x84: {  	_ =	swait.ge [sflag:s22], $0x4000  }
0x85: {  	[sflag:s22] =	ssyncset.done $0x0  }
0x86: {  	s12 =	sadd.s32 $0x100, s11;
	[sflag:s22] =	ssyncadd.s32 $0xFFFFC000  }
0x87: {  	[tilespmem:s21], [sflag:$0x1] =	stream.indirect.gather [hbm4b:s4+s25], $0x80, s12, s25, $0xb8;
	[tilespmem:$0x1E800] =	vst v63  }
0x88: {  	_ =	swait.ge [sflag:s29], $0x4000  }
.Ltmp4:
0x89: {  	[sflag:s29] =	ssyncset.done $0x0;
	(pc) =	sbr.rel @p1 .LBB2_13-.Ltmp4, $4  }
0x8a: {  	s11 =	sadd.s32 $0x1480, s11;
	[sflag:s29] =	ssyncadd.s32 $0xFFFFC000  }
0x8b: {  	[spmem:s1] =	stream.indirect.scatter.add.f32 [tilespmem:s26], [sflag:$0x3], $0x80, s11, s25, $0xb8;
	[tilespmem:$0x1E800] =	vst v63  }
0x8c: {  	_ =	swait.ge [sflag:s22], $0x4000  }
0x8d: {  	s12 =	smov.u32 s15;
	s11 =	sshra.s32 s14, $0x2;
	[sflag:s22] =	ssyncset.done $0x0  }
0x8e: {  	s12 =	sadd.s32 $0x80, s11;
	[sflag:s22] =	ssyncadd.s32 $0xFFFFC000  }
0x8f: {  	[tilespmem:s26], [sflag:$0x2] =	stream.indirect.gather [hbm4b:s4+s25], $0x80, s12, s25, $0xb8;
	[tilespmem:$0x1E800] =	vst v63  }
0x90: {  	_ =	swait.ge [sflag:s28], $0x4000  }
0x91: {  	[sflag:s28] =	ssyncset.done $0x0  }
0x92: {  	s14 =	sadd.s32 $0x1400, s11;
	[sflag:s28] =	ssyncadd.s32 $0xFFFFC000  }
0x93: {  	[spmem:s1] =	stream.indirect.scatter.add.f32 [tilespmem:s21], [sflag:$0x3], $0x80, s14, s25, $0xb8;
	[tilespmem:$0x1E800] =	vst v63  }
0x94: {  	_ =	swait.ge [sflag:s22], $0x4000  }
0x95: {  	[sflag:s22] =	ssyncset.done $0x0  }
0x96: {  	s15 =	sadd.s32 $0x100, s11;
	[sflag:s22] =	ssyncadd.s32 $0xFFFFC000  }
0x97: {  	[tilespmem:s21], [sflag:$0x1] =	stream.indirect.gather [hbm4b:s4+s25], $0x80, s15, s25, $0xb8;
	[tilespmem:$0x1E800] =	vst v63  }
0x98: {  	_ =	swait.ge [sflag:s29], $0x4000  }
0x99: {  	[sflag:s29] =	ssyncset.done $0x0  }
0x9a: {  	s13 =	sadd.s32 $0x1480, s11;
	[sflag:s29] =	ssyncadd.s32 $0xFFFFC000  }
0x9b: {  	[spmem:s1] =	stream.indirect.scatter.add.f32 [tilespmem:s26], [sflag:$0x3], $0x80, s13, s25, $0xb8;
	[tilespmem:$0x1E800] =	vst v63  }
0x9c: {  	_ =	swait.ge [sflag:s22], $0x4000  }
0x9d: {  	[sflag:s22] =	ssyncset.done $0x0  }
0x9e: {  	[sflag:s22] =	ssyncadd.s32 $0xFFFFC000  }
0x9f: {  	[tilespmem:s26], [sflag:$0x2] =	stream.indirect.gather [hbm4b:s4+s25], $0x80, s30, s25, $0xb8;
	[tilespmem:$0x1E800] =	vst v63  }
0xa0: {  	_ =	swait.ge [sflag:s28], $0x4000  }
0xa1: {  	[sflag:s28] =	ssyncset.done $0x0  }
0xa2: {  	[sflag:s28] =	ssyncadd.s32 $0xFFFFC000  }
0xa3: {  	[spmem:s1] =	stream.indirect.scatter.add.f32 [tilespmem:s21], [sflag:$0x3], $0x80, s31, s25, $0xb8;
	[tilespmem:$0x1E800] =	vst v63  }
0xa4: {  	_ =	swait.ge [sflag:s22], $0x4000  }
0xa5: {  	[sflag:s22] =	ssyncset.done $0x0  }
0xa6: {  	[sflag:s22] =	ssyncadd.s32 $0xFFFFC000  }
0xa7: {  	_ =	swait.ge [sflag:s29], $0x4000  }
0xa8: {  	[sflag:s29] =	ssyncset.done $0x0  }
0xa9: {  	[sflag:s29] =	ssyncadd.s32 $0xFFFFC000  }
0xaa: {  	[spmem:s1] =	stream.indirect.scatter.add.f32 [tilespmem:s26], [sflag:$0x3], $0x80, s0, s25, $0xb8;
	[tilespmem:$0x1E800] =	vst v63  }
0xab: {  	_ =	swait.ge [sflag:s22], $0x4000  }
0xac: {  	[sflag:s22] =	ssyncset.done $0x0  }
0xad: {  	[sflag:s22] =	ssyncadd.s32 $0xFFFFC000  }
0xae: {  	[tilespmem:s2], [sflag:$0x3] =	stream.linear.gather [hbm4b:s18+s2], $0x400, $0x38;
	[tilespmem:$0x1E800] =	vst v63  }
0xaf: {  	_ =	swait.ge [sflag:s22], $0x400  }
0xb0: {  	[sflag:s22] =	ssyncset.done $0x0  }
0xb1: {  	[sflag:s22] =	ssyncadd.s32 $0xFFFFFC00  }
0xb2: {  	[tilespmem:s23], [sflag:$0x3] =	stream.linear.gather [hbm4b:s19+s2], $0x400, $0x38;
	[tilespmem:$0x1E800] =	vst v63  }
0xb3: {  	_ =	swait.ge [sflag:s22], $0x400  }
0xb4: {  	[sflag:s22] =	ssyncset.done $0x0  }
0xb5: {  	[sflag:s22] =	ssyncadd.s32 $0xFFFFFC00  }
0xb6: {  	[tilespmem:s21], [sflag:$0x1] =	stream.indirect.gather [hbm4b:s4+s25], $0x80, s2, s25, $0xb8;
	[tilespmem:$0x1E800] =	vst v63  }
0xb7: {  	_ = 	snop  }
0xb8: {  	[tilespmem:s26], [sflag:$0x2] =	stream.indirect.gather [hbm4b:s4+s25], $0x80, s25, s25, $0xb8;
	[tilespmem:$0x1E800] =	vst v63  }
0xb9: {  	_ =	swait.ge [sflag:s28], $0x4000  }
0xba: {  	[sflag:s28] =	ssyncset.done $0x0  }
0xbb: {  	[sflag:s28] =	ssyncadd.s32 $0xFFFFC000  }
0xbc: {  	[spmem:s1] =	stream.indirect.scatter.add.f32 [tilespmem:s21], [sflag:$0x3], $0x80, s23, s25, $0xb8;
	[tilespmem:$0x1E800] =	vst v63  }
0xbd: {  	_ =	swait.ge [sflag:s22], $0x4000  }
0xbe: {  	[sflag:s22] =	ssyncset.done $0x0  }
0xbf: {  	s14 =	simm.s32 $0x100;
	[sflag:s22] =	ssyncadd.s32 $0xFFFFC000  }
0xc0: {  	[tilespmem:s21], [sflag:$0x1] =	stream.indirect.gather [hbm4b:s4+s25], $0x80, s14, s25, $0xb8;
	[tilespmem:$0x1E800] =	vst v63  }
0xc1: {  	_ =	swait.ge [sflag:s29], $0x4000  }
0xc2: {  	[sflag:s29] =	ssyncset.done $0x0  }
0xc3: {  	s15 =	simm.s32 $0x1480;
	[sflag:s29] =	ssyncadd.s32 $0xFFFFC000  }
0xc4: {  	[spmem:s1] =	stream.indirect.scatter.add.f32 [tilespmem:s26], [sflag:$0x3], $0x80, s15, s25, $0xb8;
	[tilespmem:$0x1E800] =	vst v63  }
0xc5: {  	_ =	swait.ge [sflag:s22], $0x4000  }
0xc6: {  	[sflag:s22] =	ssyncset.done $0x0  }
0xc7: {  	s12 =	simm.s32 $0x180;
	[sflag:s22] =	ssyncadd.s32 $0xFFFFC000  }
0xc8: {  	[tilespmem:s26], [sflag:$0x2] =	stream.indirect.gather [hbm4b:s4+s25], $0x80, s12, s25, $0xb8;
	[tilespmem:$0x1E800] =	vst v63  }
0xc9: {  	_ =	swait.ge [sflag:s28], $0x4000  }
0xca: {  	[sflag:s28] =	ssyncset.done $0x0  }
0xcb: {  	s13 =	simm.s32 $0x1500;
	[sflag:s28] =	ssyncadd.s32 $0xFFFFC000  }
0xcc: {  	[spmem:s1] =	stream.indirect.scatter.add.f32 [tilespmem:s21], [sflag:$0x3], $0x80, s13, s25, $0xb8;
	[tilespmem:$0x1E800] =	vst v63  }
0xcd: {  	_ =	swait.ge [sflag:s22], $0x4000  }
0xce: {  	[sflag:s22] =	ssyncset.done $0x0  }
0xcf: {  	s14 =	simm.s32 $0x200;
	[sflag:s22] =	ssyncadd.s32 $0xFFFFC000  }
0xd0: {  	[tilespmem:s21], [sflag:$0x1] =	stream.indirect.gather [hbm4b:s4+s25], $0x80, s14, s25, $0xb8;
	[tilespmem:$0x1E800] =	vst v63  }
0xd1: {  	_ =	swait.ge [sflag:s29], $0x4000  }
0xd2: {  	[sflag:s29] =	ssyncset.done $0x0  }
0xd3: {  	s15 =	simm.s32 $0x1580;
	[sflag:s29] =	ssyncadd.s32 $0xFFFFC000  }
0xd4: {  	[spmem:s1] =	stream.indirect.scatter.add.f32 [tilespmem:s26], [sflag:$0x3], $0x80, s15, s25, $0xb8;
	[tilespmem:$0x1E800] =	vst v63  }
0xd5: {  	_ =	swait.ge [sflag:s22], $0x4000  }
0xd6: {  	[sflag:s22] =	ssyncset.done $0x0  }
0xd7: {  	s12 =	simm.s32 $0x280;
	[sflag:s22] =	ssyncadd.s32 $0xFFFFC000  }
0xd8: {  	[tilespmem:s26], [sflag:$0x2] =	stream.indirect.gather [hbm4b:s4+s25], $0x80, s12, s25, $0xb8;
	[tilespmem:$0x1E800] =	vst v63  }
0xd9: {  	_ =	swait.ge [sflag:s28], $0x4000  }
0xda: {  	[sflag:s28] =	ssyncset.done $0x0  }
0xdb: {  	s13 =	simm.s32 $0x1600;
	[sflag:s28] =	ssyncadd.s32 $0xFFFFC000  }
0xdc: {  	[spmem:s1] =	stream.indirect.scatter.add.f32 [tilespmem:s21], [sflag:$0x3], $0x80, s13, s25, $0xb8;
	[tilespmem:$0x1E800] =	vst v63  }
0xdd: {  	_ =	swait.ge [sflag:s22], $0x4000  }
0xde: {  	[sflag:s22] =	ssyncset.done $0x0  }
0xdf: {  	s14 =	simm.s32 $0x300;
	[sflag:s22] =	ssyncadd.s32 $0xFFFFC000  }
0xe0: {  	[tilespmem:s21], [sflag:$0x1] =	stream.indirect.gather [hbm4b:s4+s25], $0x80, s14, s25, $0xb8;
	[tilespmem:$0x1E800] =	vst v63  }
0xe1: {  	_ =	swait.ge [sflag:s29], $0x4000  }
0xe2: {  	[sflag:s29] =	ssyncset.done $0x0  }
.Ltmp5:
0xe3: {  	s15 =	simm.s32 $0x1680;
	[sflag:s29] =	ssyncadd.s32 $0xFFFFC000;
	(pc) =	sbr.rel .LBB2_15-.Ltmp5, $4  }
0xe4: {  	[spmem:s1] =	stream.indirect.scatter.add.f32 [tilespmem:s26], [sflag:$0x3], $0x80, s15, s25, $0xb8;
	[tilespmem:$0x1E800] =	vst v63  }
0xe5: {  	_ =	swait.ge [sflag:s22], $0x4000  }
0xe6: {  	s11 =	simm.s32 $0x1780;
	[sflag:s22] =	ssyncset.done $0x0  }
0xe7: {  	s12 =	simm.s32 $0x1700;
	s13 =	simm.s32 $0x380;
	[sflag:s22] =	ssyncadd.s32 $0xFFFFC000  }
.LBB2_4:
0xe8: {  	s12 =	rddreg [dreg:$0x4]  }
0xe9: {  	[tilespmem:s11], [sflag:$0x3] =	stream.linear.gather [hbm4b:s12+s11], $0x1400, $0x38;
	[tilespmem:$0x1E800] =	vst v63  }
0xea: {  	_ =	swait.ge [sflag:s22], $0x1400  }
0xeb: {  	[sflag:s22] =	ssyncset.done $0x0  }
0xec: {  	s15 =	rddreg [dreg:$0x5];
	[sflag:s22] =	ssyncadd.s32 $0xFFFFEC00  }
0xed: {  	[tilespmem:s23], [sflag:$0x3] =	stream.linear.gather [hbm4b:s15+s11], $0x1400, $0x38;
	[tilespmem:$0x1E800] =	vst v63  }
0xee: {  	_ =	swait.ge [sflag:s22], $0x1400  }
0xef: {  	[sflag:s22] =	ssyncset.done $0x0  }
0xf0: {  	[sflag:s22] =	ssyncadd.s32 $0xFFFFEC00  }
0xf1: {  	[tilespmem:s21], [sflag:$0x1] =	stream.indirect.gather [hbm4b:s4+s25], $0x80, s11, s25, $0xb8;
	[tilespmem:$0x1E800] =	vst v63  }
0xf2: {  	s12 =	simm.s32 $0x80  }
0xf3: {  	[tilespmem:s26], [sflag:$0x2] =	stream.indirect.gather [hbm4b:s4+s25], $0x80, s12, s25, $0xb8;
	[tilespmem:$0x1E800] =	vst v63  }
0xf4: {  	_ =	swait.ge [sflag:s28], $0x4000  }
0xf5: {  	[sflag:s28] =	ssyncset.done $0x0  }
0xf6: {  	s13 =	simm.s32 $0x1400;
	[sflag:s28] =	ssyncadd.s32 $0xFFFFC000  }
0xf7: {  	[spmem:s1] =	stream.indirect.scatter.add.f32 [tilespmem:s21], [sflag:$0x3], $0x80, s13, s25, $0xb8;
	[tilespmem:$0x1E800] =	vst v63  }
0xf8: {  	_ =	swait.ge [sflag:s22], $0x4000  }
0xf9: {  	[sflag:s22] =	ssyncset.done $0x0  }
0xfa: {  	s14 =	simm.s32 $0x100;
	[sflag:s22] =	ssyncadd.s32 $0xFFFFC000  }
0xfb: {  	[tilespmem:s21], [sflag:$0x1] =	stream.indirect.gather [hbm4b:s4+s25], $0x80, s14, s25, $0xb8;
	[tilespmem:$0x1E800] =	vst v63  }
0xfc: {  	_ =	swait.ge [sflag:s29], $0x4000  }
0xfd: {  	[sflag:s29] =	ssyncset.done $0x0  }
0xfe: {  	s15 =	simm.s32 $0x1480;
	[sflag:s29] =	ssyncadd.s32 $0xFFFFC000  }
0xff: {  	[spmem:s1] =	stream.indirect.scatter.add.f32 [tilespmem:s26], [sflag:$0x3], $0x80, s15, s25, $0xb8;
	[tilespmem:$0x1E800] =	vst v63  }
0x100: {  	_ =	swait.ge [sflag:s22], $0x4000  }
0x101: {  	s11 =	simm.s32 $0x100;
	s12 =	simm.s32 $0x800;
	[sflag:s22] =	ssyncset.done $0x0  }
.LBB2_5:
0x102: {  	s13 =	sadd.s32 $0x80, s11  }
0x103: {  	[sflag:s22] =	ssyncadd.s32 $0xFFFFC000;
	s14 =	smov.u32 s12;
	s15 =	sadd.s32 $0x400, s12  }
0x104: {  	[tilespmem:s26], [sflag:$0x2] =	stream.indirect.gather [hbm4b:s4+s25], $0x80, s13, s25, $0xb8;
	[tilespmem:$0x1E800] =	vst v63  }
0x105: {  	p1 =	sne.s32 s12, $0x4800;
	_ =	swait.ge [sflag:s28], $0x4000  }
0x106: {  	[sflag:s28] =	ssyncset.done $0x0  }
0x107: {  	s12 =	sadd.s32 $0x1400, s11;
	[sflag:s28] =	ssyncadd.s32 $0xFFFFC000  }
0x108: {  	[spmem:s1] =	stream.indirect.scatter.add.f32 [tilespmem:s21], [sflag:$0x3], $0x80, s12, s25, $0xb8;
	[tilespmem:$0x1E800] =	vst v63  }
0x109: {  	_ =	swait.ge [sflag:s22], $0x4000  }
0x10a: {  	[sflag:s22] =	ssyncset.done $0x0  }
0x10b: {  	s12 =	sadd.s32 $0x100, s11;
	[sflag:s22] =	ssyncadd.s32 $0xFFFFC000  }
0x10c: {  	[tilespmem:s21], [sflag:$0x1] =	stream.indirect.gather [hbm4b:s4+s25], $0x80, s12, s25, $0xb8;
	[tilespmem:$0x1E800] =	vst v63  }
0x10d: {  	_ =	swait.ge [sflag:s29], $0x4000  }
.Ltmp6:
0x10e: {  	[sflag:s29] =	ssyncset.done $0x0;
	(pc) =	sbr.rel @p1 .LBB2_5-.Ltmp6, $4  }
0x10f: {  	s11 =	sadd.s32 $0x1480, s11;
	[sflag:s29] =	ssyncadd.s32 $0xFFFFC000  }
0x110: {  	[spmem:s1] =	stream.indirect.scatter.add.f32 [tilespmem:s26], [sflag:$0x3], $0x80, s11, s25, $0xb8;
	[tilespmem:$0x1E800] =	vst v63  }
0x111: {  	_ =	swait.ge [sflag:s22], $0x4000  }
0x112: {  	s12 =	smov.u32 s15;
	s11 =	sshra.s32 s14, $0x2;
	[sflag:s22] =	ssyncset.done $0x0  }
0x113: {  	s12 =	sadd.s32 $0x80, s11;
	[sflag:s22] =	ssyncadd.s32 $0xFFFFC000  }
0x114: {  	[tilespmem:s26], [sflag:$0x2] =	stream.indirect.gather [hbm4b:s4+s25], $0x80, s12, s25, $0xb8;
	[tilespmem:$0x1E800] =	vst v63  }
0x115: {  	_ =	swait.ge [sflag:s28], $0x4000  }
0x116: {  	[sflag:s28] =	ssyncset.done $0x0  }
0x117: {  	s14 =	sadd.s32 $0x1400, s11;
	[sflag:s28] =	ssyncadd.s32 $0xFFFFC000  }
0x118: {  	[spmem:s1] =	stream.indirect.scatter.add.f32 [tilespmem:s21], [sflag:$0x3], $0x80, s14, s25, $0xb8;
	[tilespmem:$0x1E800] =	vst v63  }
0x119: {  	_ =	swait.ge [sflag:s22], $0x4000  }
0x11a: {  	[sflag:s22] =	ssyncset.done $0x0  }
0x11b: {  	s15 =	sadd.s32 $0x100, s11;
	[sflag:s22] =	ssyncadd.s32 $0xFFFFC000  }
0x11c: {  	[tilespmem:s21], [sflag:$0x1] =	stream.indirect.gather [hbm4b:s4+s25], $0x80, s15, s25, $0xb8;
	[tilespmem:$0x1E800] =	vst v63  }
0x11d: {  	_ =	swait.ge [sflag:s29], $0x4000  }
0x11e: {  	[sflag:s29] =	ssyncset.done $0x0  }
0x11f: {  	s12 =	sadd.s32 $0x1480, s11;
	[sflag:s29] =	ssyncadd.s32 $0xFFFFC000  }
0x120: {  	[spmem:s1] =	stream.indirect.scatter.add.f32 [tilespmem:s26], [sflag:$0x3], $0x80, s12, s25, $0xb8;
	[tilespmem:$0x1E800] =	vst v63  }
0x121: {  	_ =	swait.ge [sflag:s22], $0x4000  }
0x122: {  	[sflag:s22] =	ssyncset.done $0x0  }
0x123: {  	[sflag:s22] =	ssyncadd.s32 $0xFFFFC000  }
0x124: {  	[tilespmem:s26], [sflag:$0x2] =	stream.indirect.gather [hbm4b:s4+s25], $0x80, s30, s25, $0xb8;
	[tilespmem:$0x1E800] =	vst v63  }
0x125: {  	_ =	swait.ge [sflag:s28], $0x4000  }
0x126: {  	[sflag:s28] =	ssyncset.done $0x0  }
0x127: {  	[sflag:s28] =	ssyncadd.s32 $0xFFFFC000  }
0x128: {  	[spmem:s1] =	stream.indirect.scatter.add.f32 [tilespmem:s21], [sflag:$0x3], $0x80, s31, s25, $0xb8;
	[tilespmem:$0x1E800] =	vst v63  }
0x129: {  	_ =	swait.ge [sflag:s22], $0x4000  }
0x12a: {  	[sflag:s22] =	ssyncset.done $0x0  }
0x12b: {  	[sflag:s22] =	ssyncadd.s32 $0xFFFFC000  }
0x12c: {  	_ =	swait.ge [sflag:s29], $0x4000  }
0x12d: {  	[sflag:s29] =	ssyncset.done $0x0  }
0x12e: {  	[sflag:s29] =	ssyncadd.s32 $0xFFFFC000  }
0x12f: {  	[spmem:s1] =	stream.indirect.scatter.add.f32 [tilespmem:s26], [sflag:$0x3], $0x80, s0, s25, $0xb8;
	[tilespmem:$0x1E800] =	vst v63  }
0x130: {  	_ =	swait.ge [sflag:s22], $0x4000  }
0x131: {  	[sflag:s22] =	ssyncset.done $0x0  }
0x132: {  	s13 =	simm.s32 $0x0;
	s14 =	rddreg [dreg:$0x6];
	[sflag:s22] =	ssyncadd.s32 $0xFFFFC000  }
0x133: {  	[tilespmem:s13], [sflag:$0x3] =	stream.linear.gather [hbm4b:s14+s13], $0x1400, $0x38;
	[tilespmem:$0x1E800] =	vst v63  }
0x134: {  	_ =	swait.ge [sflag:s22], $0x1400  }
0x135: {  	[sflag:s22] =	ssyncset.done $0x0  }
0x136: {  	s15 =	rddreg [dreg:$0x7];
	[sflag:s22] =	ssyncadd.s32 $0xFFFFEC00  }
0x137: {  	[tilespmem:s23], [sflag:$0x3] =	stream.linear.gather [hbm4b:s15+s13], $0x1400, $0x38;
	[tilespmem:$0x1E800] =	vst v63  }
0x138: {  	_ =	swait.ge [sflag:s22], $0x1400  }
0x139: {  	[sflag:s22] =	ssyncset.done $0x0  }
0x13a: {  	[sflag:s22] =	ssyncadd.s32 $0xFFFFEC00  }
0x13b: {  	[tilespmem:s21], [sflag:$0x1] =	stream.indirect.gather [hbm4b:s4+s25], $0x80, s13, s25, $0xb8;
	[tilespmem:$0x1E800] =	vst v63  }
0x13c: {  	s12 =	simm.s32 $0x80  }
0x13d: {  	[tilespmem:s26], [sflag:$0x2] =	stream.indirect.gather [hbm4b:s4+s25], $0x80, s12, s25, $0xb8;
	[tilespmem:$0x1E800] =	vst v63  }
0x13e: {  	_ =	swait.ge [sflag:s28], $0x4000  }
0x13f: {  	[sflag:s28] =	ssyncset.done $0x0  }
0x140: {  	s13 =	simm.s32 $0x1400;
	[sflag:s28] =	ssyncadd.s32 $0xFFFFC000  }
0x141: {  	[spmem:s1] =	stream.indirect.scatter.add.f32 [tilespmem:s21], [sflag:$0x3], $0x80, s13, s25, $0xb8;
	[tilespmem:$0x1E800] =	vst v63  }
0x142: {  	_ =	swait.ge [sflag:s22], $0x4000  }
0x143: {  	[sflag:s22] =	ssyncset.done $0x0  }
0x144: {  	s14 =	simm.s32 $0x100;
	[sflag:s22] =	ssyncadd.s32 $0xFFFFC000  }
0x145: {  	[tilespmem:s21], [sflag:$0x1] =	stream.indirect.gather [hbm4b:s4+s25], $0x80, s14, s25, $0xb8;
	[tilespmem:$0x1E800] =	vst v63  }
0x146: {  	_ =	swait.ge [sflag:s29], $0x4000  }
0x147: {  	[sflag:s29] =	ssyncset.done $0x0  }
0x148: {  	s15 =	simm.s32 $0x1480;
	[sflag:s29] =	ssyncadd.s32 $0xFFFFC000  }
0x149: {  	[spmem:s1] =	stream.indirect.scatter.add.f32 [tilespmem:s26], [sflag:$0x3], $0x80, s15, s25, $0xb8;
	[tilespmem:$0x1E800] =	vst v63  }
0x14a: {  	_ =	swait.ge [sflag:s22], $0x4000  }
0x14b: {  	s11 =	simm.s32 $0x100;
	s12 =	simm.s32 $0x800;
	[sflag:s22] =	ssyncset.done $0x0  }
.LBB2_7:
0x14c: {  	s13 =	sadd.s32 $0x80, s11  }
0x14d: {  	[sflag:s22] =	ssyncadd.s32 $0xFFFFC000;
	s14 =	smov.u32 s12;
	s15 =	sadd.s32 $0x400, s12  }
0x14e: {  	[tilespmem:s26], [sflag:$0x2] =	stream.indirect.gather [hbm4b:s4+s25], $0x80, s13, s25, $0xb8;
	[tilespmem:$0x1E800] =	vst v63  }
0x14f: {  	p1 =	sne.s32 s12, $0x4800;
	_ =	swait.ge [sflag:s28], $0x4000  }
0x150: {  	[sflag:s28] =	ssyncset.done $0x0  }
0x151: {  	s12 =	sadd.s32 $0x1400, s11;
	[sflag:s28] =	ssyncadd.s32 $0xFFFFC000  }
0x152: {  	[spmem:s1] =	stream.indirect.scatter.add.f32 [tilespmem:s21], [sflag:$0x3], $0x80, s12, s25, $0xb8;
	[tilespmem:$0x1E800] =	vst v63  }
0x153: {  	_ =	swait.ge [sflag:s22], $0x4000  }
0x154: {  	[sflag:s22] =	ssyncset.done $0x0  }
0x155: {  	s12 =	sadd.s32 $0x100, s11;
	[sflag:s22] =	ssyncadd.s32 $0xFFFFC000  }
0x156: {  	[tilespmem:s21], [sflag:$0x1] =	stream.indirect.gather [hbm4b:s4+s25], $0x80, s12, s25, $0xb8;
	[tilespmem:$0x1E800] =	vst v63  }
0x157: {  	_ =	swait.ge [sflag:s29], $0x4000  }
.Ltmp7:
0x158: {  	[sflag:s29] =	ssyncset.done $0x0;
	(pc) =	sbr.rel @p1 .LBB2_7-.Ltmp7, $4  }
0x159: {  	s11 =	sadd.s32 $0x1480, s11;
	[sflag:s29] =	ssyncadd.s32 $0xFFFFC000  }
0x15a: {  	[spmem:s1] =	stream.indirect.scatter.add.f32 [tilespmem:s26], [sflag:$0x3], $0x80, s11, s25, $0xb8;
	[tilespmem:$0x1E800] =	vst v63  }
0x15b: {  	_ =	swait.ge [sflag:s22], $0x4000  }
0x15c: {  	s12 =	smov.u32 s15;
	s11 =	sshra.s32 s14, $0x2;
	[sflag:s22] =	ssyncset.done $0x0  }
0x15d: {  	s12 =	sadd.s32 $0x80, s11;
	[sflag:s22] =	ssyncadd.s32 $0xFFFFC000  }
0x15e: {  	[tilespmem:s26], [sflag:$0x2] =	stream.indirect.gather [hbm4b:s4+s25], $0x80, s12, s25, $0xb8;
	[tilespmem:$0x1E800] =	vst v63  }
0x15f: {  	_ =	swait.ge [sflag:s28], $0x4000  }
0x160: {  	[sflag:s28] =	ssyncset.done $0x0  }
0x161: {  	s14 =	sadd.s32 $0x1400, s11;
	[sflag:s28] =	ssyncadd.s32 $0xFFFFC000  }
0x162: {  	[spmem:s1] =	stream.indirect.scatter.add.f32 [tilespmem:s21], [sflag:$0x3], $0x80, s14, s25, $0xb8;
	[tilespmem:$0x1E800] =	vst v63  }
0x163: {  	_ =	swait.ge [sflag:s22], $0x4000  }
0x164: {  	[sflag:s22] =	ssyncset.done $0x0  }
0x165: {  	s15 =	sadd.s32 $0x100, s11;
	[sflag:s22] =	ssyncadd.s32 $0xFFFFC000  }
0x166: {  	[tilespmem:s21], [sflag:$0x1] =	stream.indirect.gather [hbm4b:s4+s25], $0x80, s15, s25, $0xb8;
	[tilespmem:$0x1E800] =	vst v63  }
0x167: {  	_ =	swait.ge [sflag:s29], $0x4000  }
0x168: {  	[sflag:s29] =	ssyncset.done $0x0  }
0x169: {  	s12 =	sadd.s32 $0x1480, s11;
	[sflag:s29] =	ssyncadd.s32 $0xFFFFC000  }
0x16a: {  	[spmem:s1] =	stream.indirect.scatter.add.f32 [tilespmem:s26], [sflag:$0x3], $0x80, s12, s25, $0xb8;
	[tilespmem:$0x1E800] =	vst v63  }
0x16b: {  	_ =	swait.ge [sflag:s22], $0x4000  }
0x16c: {  	[sflag:s22] =	ssyncset.done $0x0  }
0x16d: {  	[sflag:s22] =	ssyncadd.s32 $0xFFFFC000  }
0x16e: {  	[tilespmem:s26], [sflag:$0x2] =	stream.indirect.gather [hbm4b:s4+s25], $0x80, s30, s25, $0xb8;
	[tilespmem:$0x1E800] =	vst v63  }
0x16f: {  	_ =	swait.ge [sflag:s28], $0x4000  }
0x170: {  	[sflag:s28] =	ssyncset.done $0x0  }
0x171: {  	[sflag:s28] =	ssyncadd.s32 $0xFFFFC000  }
0x172: {  	[spmem:s1] =	stream.indirect.scatter.add.f32 [tilespmem:s21], [sflag:$0x3], $0x80, s31, s25, $0xb8;
	[tilespmem:$0x1E800] =	vst v63  }
0x173: {  	_ =	swait.ge [sflag:s22], $0x4000  }
0x174: {  	[sflag:s22] =	ssyncset.done $0x0  }
0x175: {  	[sflag:s22] =	ssyncadd.s32 $0xFFFFC000  }
0x176: {  	_ =	swait.ge [sflag:s29], $0x4000  }
0x177: {  	[sflag:s29] =	ssyncset.done $0x0  }
0x178: {  	[sflag:s29] =	ssyncadd.s32 $0xFFFFC000  }
0x179: {  	[spmem:s1] =	stream.indirect.scatter.add.f32 [tilespmem:s26], [sflag:$0x3], $0x80, s0, s25, $0xb8;
	[tilespmem:$0x1E800] =	vst v63  }
0x17a: {  	_ =	swait.ge [sflag:s22], $0x4000  }
0x17b: {  	[sflag:s22] =	ssyncset.done $0x0  }
0x17c: {  	s13 =	simm.s32 $0x0;
	s14 =	rddreg [dreg:$0x8];
	[sflag:s22] =	ssyncadd.s32 $0xFFFFC000  }
0x17d: {  	[tilespmem:s13], [sflag:$0x3] =	stream.linear.gather [hbm4b:s14+s13], $0x1000, $0x38;
	[tilespmem:$0x1E800] =	vst v63  }
0x17e: {  	_ =	swait.ge [sflag:s22], $0x1000  }
0x17f: {  	[sflag:s22] =	ssyncset.done $0x0  }
0x180: {  	p2 =	por $0x0, $0x0;
	s15 =	rddreg [dreg:$0x9];
	[sflag:s22] =	ssyncadd.s32 $0xFFFFF000  }
0x181: {  	[tilespmem:s23], [sflag:$0x3] =	stream.linear.gather [hbm4b:s15+s13], $0x1000, $0x38;
	[tilespmem:$0x1E800] =	vst v63  }
.Ltmp8:
0x182: {  	_ = 	snop;
	(pc) =	sbr.rel @p2 .LBB2_11-.Ltmp8, $4  }
0x183: {  	_ =	swait.ge [sflag:s22], $0x1000  }
0x184: {  	[sflag:s22] =	ssyncset.done $0x0  }
0x185: {  	p1 =	por $0x0, $0x0;
	s11 =	simm.s32 $0x0;
	[sflag:s22] =	ssyncadd.s32 $0xFFFFF000  }
0x186: {  	[tilespmem:s21], [sflag:$0x1] =	stream.indirect.gather [hbm4b:s4+s25], $0x80, s13, s25, $0xb8;
	[tilespmem:$0x1E800] =	vst v63  }
0x187: {  	s11 =	simm.s32 $0x80  }
0x188: {  	[tilespmem:s26], [sflag:$0x2] =	stream.indirect.gather [hbm4b:s4+s25], $0x80, s11, s25, $0xb8;
	[tilespmem:$0x1E800] =	vst v63  }
0x189: {  	_ =	swait.ge [sflag:s28], $0x4000  }
0x18a: {  	[sflag:s28] =	ssyncset.done $0x0  }
0x18b: {  	s13 =	simm.s32 $0x1400;
	[sflag:s28] =	ssyncadd.s32 $0xFFFFC000  }
0x18c: {  	[spmem:s1] =	stream.indirect.scatter.add.f32 [tilespmem:s21], [sflag:$0x3], $0x80, s13, s25, $0xb8;
	[tilespmem:$0x1E800] =	vst v63  }
0x18d: {  	_ =	swait.ge [sflag:s22], $0x4000  }
0x18e: {  	[sflag:s22] =	ssyncset.done $0x0  }
0x18f: {  	s14 =	simm.s32 $0x100;
	[sflag:s22] =	ssyncadd.s32 $0xFFFFC000  }
0x190: {  	[tilespmem:s21], [sflag:$0x1] =	stream.indirect.gather [hbm4b:s4+s25], $0x80, s14, s25, $0xb8;
	[tilespmem:$0x1E800] =	vst v63  }
0x191: {  	p2 =	por $0x0, $0x0;
	_ =	swait.ge [sflag:s29], $0x4000  }
.Ltmp9:
0x192: {  	[sflag:s29] =	ssyncset.done $0x0;
	(pc) =	sbr.rel @p2 .LBB2_11-.Ltmp9, $4  }
0x193: {  	s15 =	simm.s32 $0x1480;
	[sflag:s29] =	ssyncadd.s32 $0xFFFFC000  }
0x194: {  	[spmem:s1] =	stream.indirect.scatter.add.f32 [tilespmem:s26], [sflag:$0x3], $0x80, s15, s25, $0xb8;
	[tilespmem:$0x1E800] =	vst v63  }
0x195: {  	s12 =	simm.s32 $0x800;
	_ =	swait.ge [sflag:s22], $0x4000  }
0x196: {  	p1 =	por $0x1, $0x1;
	s11 =	simm.s32 $0x100;
	[sflag:s22] =	ssyncset.done $0x0  }
.LBB2_10:
0x197: {  	s13 =	sadd.s32 $0x80, s11  }
0x198: {  	[sflag:s22] =	ssyncadd.s32 $0xFFFFC000;
	s14 =	smov.u32 s12;
	s15 =	sadd.s32 $0x400, s12  }
0x199: {  	[tilespmem:s26], [sflag:$0x2] =	stream.indirect.gather [hbm4b:s4+s25], $0x80, s13, s25, $0xb8;
	[tilespmem:$0x1E800] =	vst v63  }
0x19a: {  	p2 =	seq.s32 s12, $0x3800;
	_ =	swait.ge [sflag:s28], $0x4000  }
0x19b: {  	[sflag:s28] =	ssyncset.done $0x0  }
0x19c: {  	s12 =	sadd.s32 $0x1400, s11;
	[sflag:s28] =	ssyncadd.s32 $0xFFFFC000  }
0x19d: {  	[spmem:s1] =	stream.indirect.scatter.add.f32 [tilespmem:s21], [sflag:$0x3], $0x80, s12, s25, $0xb8;
	[tilespmem:$0x1E800] =	vst v63  }
0x19e: {  	_ =	swait.ge [sflag:s22], $0x4000  }
0x19f: {  	[sflag:s22] =	ssyncset.done $0x0  }
0x1a0: {  	s12 =	sadd.s32 $0x100, s11;
	[sflag:s22] =	ssyncadd.s32 $0xFFFFC000  }
0x1a1: {  	[tilespmem:s21], [sflag:$0x1] =	stream.indirect.gather [hbm4b:s4+s25], $0x80, s12, s25, $0xb8;
	[tilespmem:$0x1E800] =	vst v63  }
0x1a2: {  	_ =	swait.ge [sflag:s29], $0x4000  }
.Ltmp10:
0x1a3: {  	[sflag:s29] =	ssyncset.done $0x0;
	(pc) =	sbr.rel @!p2 .LBB2_10-.Ltmp10, $4  }
0x1a4: {  	s11 =	sadd.s32 $0x1480, s11;
	[sflag:s29] =	ssyncadd.s32 $0xFFFFC000  }
0x1a5: {  	[spmem:s1] =	stream.indirect.scatter.add.f32 [tilespmem:s26], [sflag:$0x3], $0x80, s11, s25, $0xb8;
	[tilespmem:$0x1E800] =	vst v63  }
0x1a6: {  	_ =	swait.ge [sflag:s22], $0x4000  }
0x1a7: {  	s12 =	smov.u32 s15;
	s11 =	sshra.s32 s14, $0x2;
	[sflag:s22] =	ssyncset.done $0x0  }
.Ltmp11:
0x1a8: {  	_ = 	snop;
	(pc) =	sbr.rel .LBB2_11-.Ltmp11, $1  }
0x1a9: {  	_ =	sdelay $0x3  }
.LBB2_16:
0x1aa: {  	_ =	sfence.sel $0x180000  }
0x1ab: {  	[bflag:$0x0] =	sbarrier.arrive $0xFFFF  }
0x1ac: {  	_ =	strace $0x90000047  }
0x1ad: {  	[bflag:$0x2] =	sbarrier.arrive $0xFFFF  }
0x1ae: {  	p0 =	sne.s32 s3, $0x0;
	s0 =	rddreg [dreg:$0x3]  }
0x1af: {  	s0 =	sadd.s32 @!p0 $0x100000, s0  }
0x1b0: {  	[sflag:s0] =	ssyncadd.tile.s32 @!p0 $0x1;
	_ =	shalt  }
.Lfunc_end2:
_tile_overlayer_lowered:
.L_overlay_start_2:
0x1b1: {  	(tag) =	ssettag $0x2  }
0x1b2: {  	s0 =	rddreg [dreg:$0x0];
	s2 =	stileid.u32  }
0x1b3: {  	s1 =	rddreg [dreg:$0x1];
	p0 =	sne.s32 s2, $0x0  }
0x1b4: {  	s3 =	rddreg [dreg:$0x2];
	[bflag:$0x3] =	sbarrier.arrive $0xFFFF;
	s2 =	simm.s32 @!p0 $0x1C03  }
0x1b5: {  	[timem:s3], [sflag:s2] =	dma.local @!p0 [hbm:s0], s1  }
0x1b6: {  	s0 =	simm.s32 @!p0 $0x3  }
0x1b7: {  	_ =	swait.ge @!p0 [sflag:s0], s1  }
0x1b8: {  	s1 =	ssub.s32 @!p0 $0x0, s1;
	[sflag:s0] =	ssyncset.done @!p0 $0x0  }
0x1b9: {  	[sflag:s0] =	ssyncadd.s32 @!p0 s1  }
0x1ba: {  	[bflag:$0x3] =	sbarrier.arrive $0xFFFF  }
0x1bb: {  	_ =	shalt  }

</sc_bundles>
